<compile_context>
chip_gen: v7x
topology: tpu7x:2x2x1
jax: 0.10.2.dev20260603
libtpu: 0.0.44.dev20260713+nightly
codegen_flags: <defaults>
</compile_context>

<pallas_src>
import functools

import jax
import jax.numpy as jnp
from jax import lax
from jax.experimental import pallas as pl
from jax.experimental.pallas import tpu as pltpu
from jax.experimental.pallas import tpu_sc as plsc

N_NODES = 10000
EMB = 128
N_REL = 4
N_EDGES = 320000
SEG = N_REL * N_NODES

CW = 32
NCHUNK = EMB // CW
GS = 80
NGS = 25
SBS = GS * NGS
RING = 14
SLAG = 6
TILE_EDGES_P = N_EDGES // 16
NSUPER_S = TILE_EDGES_P // SBS
SEG_P = SEG
ROWS_PER_TILE = SEG // 16
ZR = 100

G = 80
NG = 25
SB = G * NG
CNT_TILE_EDGES = N_EDGES // 32
NSUPER_CNT = CNT_TILE_EDGES // SB
BN = 2000



def _sc_body(src_hbm, dst_hbm, et_hbm, x2d_hbm, acc_out,
             acc_s, srcv, dstv, etv, gidx, segb, rows, zbuf, gsem, ssem):
    c = lax.axis_index("c")
    s = lax.axis_index("s")
    tile_base = s * TILE_EDGES_P
    acc_base = s * ROWS_PER_TILE

    def zfill(i, carry):
        zbuf[i, pl.ds(0, CW)] = jnp.zeros((CW,), jnp.bfloat16)
        return carry
    lax.fori_loop(0, ZR, zfill, 0)

    for p in range(2):
        chunk = c * 2 + p

        def zero_body(i, carry):
            pltpu.make_async_copy(
                zbuf, acc_s.at[pl.ds(acc_base + i * ZR, ZR)], ssem).start()
            return carry
        lax.fori_loop(0, ROWS_PER_TILE // ZR, zero_body, 0)

        def zero_wait(i, carry):
            pltpu.make_async_copy(
                zbuf, acc_s.at[pl.ds(acc_base + i * ZR, ZR)], ssem).wait()
            return carry
        lax.fori_loop(0, ROWS_PER_TILE // ZR, zero_wait, 0)
        plsc.subcore_barrier()

        def super_body(sb, carry):
            base = tile_base + sb * SBS
            pltpu.make_async_copy(
                src_hbm.at[pl.ds(base, SBS)], srcv, gsem).start()
            pltpu.make_async_copy(
                dst_hbm.at[pl.ds(base, SBS)], dstv, gsem).start()
            pltpu.make_async_copy(
                et_hbm.at[pl.ds(base, SBS)], etv, gsem).start()
            pltpu.make_async_copy(
                src_hbm.at[pl.ds(base, SBS)], srcv, gsem).wait()
            pltpu.make_async_copy(
                dst_hbm.at[pl.ds(base, SBS)], dstv, gsem).wait()
            pltpu.make_async_copy(
                et_hbm.at[pl.ds(base, SBS)], etv, gsem).wait()

            def idx_body(g, carry2):
                o = g * GS
                for k in range(GS // 16):
                    sv = srcv[pl.ds(o + 16 * k, 16)]
                    dv = dstv[pl.ds(o + 16 * k, 16)]
                    ev = etv[pl.ds(o + 16 * k, 16)]
                    gidx[g, pl.ds(16 * k, 16)] = sv * NCHUNK + chunk
                    segb[g, pl.ds(16 * k, 16)] = dv * N_REL + ev
                return carry2
            lax.fori_loop(0, NGS, idx_body, 0)

            def fire(g, carry2):
                pltpu.make_async_copy(
                    x2d_hbm.at[gidx.at[g]], rows.at[g], gsem).start()
                return carry2
            lax.fori_loop(0, min(RING, NGS), fire, 0)

            def pipe_body(g, carry2):
                slot = lax.rem(g, RING)
                pltpu.make_async_copy(
                    x2d_hbm.at[gidx.at[g]], rows.at[slot], gsem).wait()
                pltpu.async_copy(rows.at[slot], acc_s.at[segb.at[g]],
                                 ssem, add=True)

                @pl.when(g >= SLAG)
                def _():
                    h = g - SLAG
                    hslot = lax.rem(h, RING)
                    pltpu.make_async_copy(
                        rows.at[hslot], acc_s.at[segb.at[h]], ssem).wait()

                    @pl.when(h + RING < NGS)
                    def _():
                        nxt = h + RING
                        pltpu.make_async_copy(
                            x2d_hbm.at[gidx.at[nxt]],
                            rows.at[lax.rem(nxt, RING)], gsem).start()
                return carry2
            lax.fori_loop(0, NGS, pipe_body, 0)

            def retire(t, carry2):
                h = NGS - SLAG + t
                pltpu.make_async_copy(
                    rows.at[lax.rem(h, RING)], acc_s.at[segb.at[h]],
                    ssem).wait()
                return carry2
            lax.fori_loop(0, SLAG, retire, 0)
            return carry
        lax.fori_loop(0, NSUPER_S, super_body, 0)

        plsc.subcore_barrier()
        pltpu.sync_copy(
            acc_s.at[pl.ds(acc_base, ROWS_PER_TILE)],
            acc_out.at[chunk, pl.ds(acc_base, ROWS_PER_TILE)])
        plsc.subcore_barrier()


def _make_sc_segsum():
    mesh = plsc.VectorSubcoreMesh(core_axis_name="c", subcore_axis_name="s")
    scratch = (
        pltpu.VMEM_SHARED((SEG_P, CW), jnp.bfloat16),
        pltpu.VMEM((SBS,), jnp.int32),
        pltpu.VMEM((SBS,), jnp.int32),
        pltpu.VMEM((SBS,), jnp.int32),
        pltpu.VMEM((NGS, GS), jnp.int32),
        pltpu.VMEM((NGS, GS), jnp.int32),
        pltpu.VMEM((RING, GS, CW), jnp.bfloat16),
        pltpu.VMEM((ZR, CW), jnp.bfloat16),
        pltpu.SemaphoreType.DMA,
        pltpu.SemaphoreType.DMA,
    )
    return pl.kernel(
        _sc_body, mesh=mesh,
        out_type=(jax.ShapeDtypeStruct((NCHUNK, SEG, CW), jnp.bfloat16),),
        scratch_types=scratch,
        compiler_params=pltpu.CompilerParams(use_tc_tiling_on_sc=False))



def _cnt_body(dst_hbm, et_hbm, cnt_out,
              cnt_s, dstv, etv, segb, ones, zbuf16):
    c = lax.axis_index("c")
    s = lax.axis_index("s")
    tile_base = (c * 16 + s) * CNT_TILE_EDGES
    acc_base = s * ROWS_PER_TILE

    def zfill(i, carry):
        zbuf16[i, pl.ds(0, 16)] = jnp.zeros((16,), jnp.float32)
        return carry
    lax.fori_loop(0, ZR, zfill, 0)

    def ofill(i, carry):
        ones[i, pl.ds(0, 16)] = jnp.ones((16,), jnp.float32)
        return carry
    lax.fori_loop(0, G, ofill, 0)

    def zero_body(i, carry):
        pltpu.sync_copy(zbuf16, cnt_s.at[pl.ds(acc_base + i * ZR, ZR)])
        return carry
    lax.fori_loop(0, ROWS_PER_TILE // ZR, zero_body, 0)
    plsc.subcore_barrier()

    def super_body(sb, carry):
        base = tile_base + sb * SB
        pltpu.sync_copy(dst_hbm.at[pl.ds(base, SB)], dstv)
        pltpu.sync_copy(et_hbm.at[pl.ds(base, SB)], etv)

        def idx_body(g, carry2):
            o = g * G
            for k in range(G // 16):
                dv = dstv[pl.ds(o + 16 * k, 16)]
                ev = etv[pl.ds(o + 16 * k, 16)]
                segb[g, pl.ds(16 * k, 16)] = dv * N_REL + ev
            return carry2
        lax.fori_loop(0, NG, idx_body, 0)

        def scat_body(g, carry2):
            pltpu.sync_copy(ones, cnt_s.at[segb.at[g]], add=True)
            return carry2
        lax.fori_loop(0, NG, scat_body, 0)
        return carry
    lax.fori_loop(0, NSUPER_CNT, super_body, 0)
    plsc.subcore_barrier()

    pltpu.sync_copy(cnt_s.at[pl.ds(acc_base, ROWS_PER_TILE)],
                    cnt_out.at[c, pl.ds(acc_base, ROWS_PER_TILE)])


def _make_sc_counts():
    mesh = plsc.VectorSubcoreMesh(core_axis_name="c", subcore_axis_name="s")
    scratch = (
        pltpu.VMEM_SHARED((SEG, 16), jnp.float32),
        pltpu.VMEM((SB,), jnp.int32),
        pltpu.VMEM((SB,), jnp.int32),
        pltpu.VMEM((NG, G), jnp.int32),
        pltpu.VMEM((G, 16), jnp.float32),
        pltpu.VMEM((ZR, 16), jnp.float32),
    )
    return pl.kernel(
        _cnt_body, mesh=mesh,
        out_type=(jax.ShapeDtypeStruct((2, SEG, 16), jnp.float32),),
        scratch_types=scratch,
        compiler_params=pltpu.CompilerParams(use_tc_tiling_on_sc=False))



def _dense_body(final_avg, x_ref, acc_ref, inv_ref, root_ref, w_ref, b_ref,
                x0_ref, out_ref):
    x = x_ref[...]
    out = jnp.dot(x, root_ref[...], preferred_element_type=jnp.float32)
    out += b_ref[...]
    inv = inv_ref[...]
    scaled = [acc_ref[ch].astype(jnp.float32) * inv
              for ch in range(NCHUNK)]
    pieces = [scaled[ch][:, r * CW:(r + 1) * CW]
              for r in range(N_REL) for ch in range(NCHUNK)]
    bcat = jnp.concatenate(pieces, axis=1)
    out += jnp.dot(bcat, w_ref[...], preferred_element_type=jnp.float32)
    if final_avg:
        out_ref[...] = (x0_ref[...] + x + out) * (1.0 / 3.0)
    else:
        out_ref[...] = out


def _dense_layer(x, acc_t, inv_t, root, wstack, b, x0, final_avg):
    grid = (N_NODES // BN,)
    return pl.pallas_call(
        functools.partial(_dense_body, final_avg),
        grid=grid,
        in_specs=[
            pl.BlockSpec((BN, EMB), lambda i: (i, 0)),
            pl.BlockSpec((NCHUNK, BN, EMB), lambda i: (0, i, 0)),
            pl.BlockSpec((BN, EMB), lambda i: (i, 0)),
            pl.BlockSpec((EMB, EMB), lambda i: (0, 0)),
            pl.BlockSpec((N_REL * EMB, EMB), lambda i: (0, 0)),
            pl.BlockSpec((1, EMB), lambda i: (0, 0)),
            pl.BlockSpec((BN, EMB), lambda i: (i, 0)),
        ],
        out_specs=pl.BlockSpec((BN, EMB), lambda i: (i, 0)),
        out_shape=jax.ShapeDtypeStruct((N_NODES, EMB), jnp.float32),
    )(x, acc_t, inv_t, root, wstack, b, x0)



_sc_segsum = _make_sc_segsum()
_sc_counts = _make_sc_counts()


def kernel(edge_index_mp, edge_type, emb, w0, root0, b0, w1, root1, b1):
    src = edge_index_mp[0]
    dst = edge_index_mp[1]

    (cnt16,) = _sc_counts(dst, edge_type)
    cnts = cnt16[0, :, 0] + cnt16[1, :, 0]
    inv = 1.0 / jnp.clip(cnts.reshape(N_NODES, N_REL), 1.0, None)
    inv_t = jnp.repeat(inv, CW, axis=1)

    (acc0,) = _sc_segsum(src, dst, edge_type,
                         emb.astype(jnp.bfloat16).reshape(SEG, CW))
    x1 = _dense_layer(emb, acc0.reshape(NCHUNK, N_NODES, EMB), inv_t,
                      root0, w0.reshape(N_REL * EMB, EMB),
                      b0.reshape(1, EMB), emb, False)
    (acc1,) = _sc_segsum(src, dst, edge_type,
                         x1.astype(jnp.bfloat16).reshape(SEG, CW))
    x2f = _dense_layer(x1, acc1.reshape(NCHUNK, N_NODES, EMB), inv_t,
                       root1, w1.reshape(N_REL * EMB, EMB),
                       b1.reshape(1, EMB), emb, True)
    return x2f

# --- scband reference (transcript-rebuilt; emitter-appended) ---
"""Pipeline reference for scband-rgcn-28922309771418 (READ-ONLY COPY).

The authoritative reference and input builder live on the scoring server;
editing this copy changes nothing except your own understanding.
"""

import jax, jax.numpy as jnp
import numpy as np

NUM_NODES = 10000
EMB = 128
NUM_REL = 4
NUM_EDGES = 320000


def setup_inputs(seed: int = 0) -> dict:
    key = jax.random.key(seed)
    ks = jax.random.split(key, 9)
    edge_index_mp = jax.random.randint(ks[0], (2, NUM_EDGES), 0, NUM_NODES, dtype=jnp.int32)
    edge_type = jax.random.randint(ks[1], (NUM_EDGES,), 0, NUM_REL, dtype=jnp.int32)
    # learned node embeddings (torch.nn.Embedding init normal std=0.1)
    emb = jax.random.normal(ks[2], (NUM_NODES, EMB), dtype=jnp.float32) * 0.1
    s = 1.0 / np.sqrt(EMB)
    # layer 0 RGCNConv params
    w0 = jax.random.normal(ks[3], (NUM_REL, EMB, EMB), dtype=jnp.float32) * s
    root0 = jax.random.normal(ks[4], (EMB, EMB), dtype=jnp.float32) * s
    b0 = jnp.zeros((EMB,), dtype=jnp.float32)
    # layer 1 RGCNConv params
    w1 = jax.random.normal(ks[5], (NUM_REL, EMB, EMB), dtype=jnp.float32) * s
    root1 = jax.random.normal(ks[6], (EMB, EMB), dtype=jnp.float32) * s
    b1 = jnp.zeros((EMB,), dtype=jnp.float32)
    return {"edge_index_mp": edge_index_mp, "edge_type": edge_type, "emb": emb,
            "w0": w0, "root0": root0, "b0": b0, "w1": w1, "root1": root1, "b1": b1}


def _rgcn_conv(x, edge_index, edge_type, w, root, b):
    # Faithful PyG RGCNConv: per-relation linear transform of source features,
    # mean aggregation over incoming edges of that relation, plus root weight + bias.
    src = edge_index[0]
    dst = edge_index[1]
    out = x @ root + b
    xs = jnp.take(x, src, axis=0)
    for r in range(NUM_REL):
        m = (edge_type == r).astype(x.dtype)
        msg = (xs @ w[r]) * m[:, None]
        summed = jax.ops.segment_sum(msg, dst, num_segments=NUM_NODES)
        cnt = jax.ops.segment_sum(m, dst, num_segments=NUM_NODES)
        out = out + summed / jnp.clip(cnt, 1.0, None)[:, None]
    return out


def reference(edge_index_mp, edge_type, emb, w0, root0, b0, w1, root1, b1):
    # RGCN.gnn_propagation: multi-scale embeddings averaged across layers
    x0 = emb
    x1 = _rgcn_conv(x0, edge_index_mp, edge_type, w0, root0, b0)
    x2 = _rgcn_conv(x1, edge_index_mp, edge_type, w1, root1, b1)
    final_embs = jnp.stack([x0, x1, x2], axis=0).mean(axis=0)
    return final_embs

if __name__ == "__main__":
    import jax
    _d = setup_inputs()
    print(jax.jit(kernel)(*tuple(_d.values())))

</pallas_src>

<mosaic_0001>
#map = affine_map<(d0, d1) -> (0)>
#map1 = affine_map<(d0, d1) -> (0, 0, 0)>
module attributes {stable_mosaic.version = 14 : i64} {
  func.func @_cnt_body(%arg0: i32, %arg1: i32, %arg2: memref<320000xi32, #tpu.memory_space<hbm>>, %arg3: memref<320000xi32, #tpu.memory_space<hbm>>, %arg4: memref<2x40000x16xf32, #tpu.memory_space<hbm>>, %arg5: memref<40000x16xf32, #tpu.memory_space<vmem_shared>>, %arg6: memref<2000xi32, #tpu.memory_space<vmem>>, %arg7: memref<2000xi32, #tpu.memory_space<vmem>>, %arg8: memref<25x80xi32, #tpu.memory_space<vmem>>, %arg9: memref<80x16xf32, #tpu.memory_space<vmem>>, %arg10: memref<100x16xf32, #tpu.memory_space<vmem>>) attributes {dimension_semantics = [#tpu.dimension_semantics<core_parallel>, #tpu.dimension_semantics<subcore_parallel>], iteration_bounds = array<i64: 2, 16>, scalar_prefetch = 0 : i64, scratch_operands = 6 : i64, tpu.core_type = #tpu.core_type<sc_vector_subcore>, window_params = [{transform_indices = #map}, {transform_indices = #map}, {transform_indices = #map1}]} {
    %mul3A = arith.constant 16 : i32
    %mul3A_0 = arith.muli %arg0, %mul3A : i32
    %add3A = arith.addi %mul3A_0, %arg1 : i32
    %mul3A_1 = arith.constant 10000 : i32
    %mul3A_2 = arith.muli %add3A, %mul3A_1 : i32
    %mul3A_3 = arith.constant 2500 : i32
    %mul3A_4 = arith.muli %arg1, %mul3A_3 : i32
    %scan3A = arith.constant 0 : i32
    %scan3A_5 = arith.constant 0 : i32
    %scan3A_6 = arith.constant 100 : i32
    %scan3A_7 = arith.addi %scan3A_5, %scan3A_6 : i32
    %scan3A_8 = arith.constant 1 : i32
    scf.for %scan3A_29 = %scan3A_5 to %scan3A_7 step %scan3A_8  : i32 {
      %broadcast_in_dim3A = arith.constant 0.000000e+00 : f32
      %broadcast_in_dim3A_30 = vector.broadcast %broadcast_in_dim3A : f32 to vector<16xf32>
      %swap3A = arith.index_cast %scan3A_29 : i32 to index
      %swap3A_31 = arith.constant 0 : index
      %swap3A_32 = tpu.vector_load %arg10[%swap3A, %swap3A_31] {strides = array<i32>} : memref<100x16xf32, #tpu.memory_space<vmem>>, vector<1x16xf32>,
      %swap3A_33 = vector.shape_cast %swap3A_32 : vector<1x16xf32> to vector<16xf32>
      %swap3A_34 = vector.shape_cast %broadcast_in_dim3A_30 : vector<16xf32> to vector<1x16xf32>
      tpu.vector_store %arg10[%swap3A, %swap3A_31], %swap3A_34 {strides = array<i32>} : memref<100x16xf32, #tpu.memory_space<vmem>>, vector<1x16xf32>,
    }
    %scan3A_9 = arith.constant 100 : i32
    %scan3A_10 = arith.constant 0 : i32
    %scan3A_11 = arith.constant 0 : i32
    %scan3A_12 = arith.constant 80 : i32
    %scan3A_13 = arith.addi %scan3A_11, %scan3A_12 : i32
    %scan3A_14 = arith.constant 1 : i32
    scf.for %scan3A_29 = %scan3A_11 to %scan3A_13 step %scan3A_14  : i32 {
      %broadcast_in_dim3A = arith.constant 1.000000e+00 : f32
      %broadcast_in_dim3A_30 = vector.broadcast %broadcast_in_dim3A : f32 to vector<16xf32>
      %swap3A = arith.index_cast %scan3A_29 : i32 to index
      %swap3A_31 = arith.constant 0 : index
      %swap3A_32 = tpu.vector_load %arg9[%swap3A, %swap3A_31] {strides = array<i32>} : memref<80x16xf32, #tpu.memory_space<vmem>>, vector<1x16xf32>,
      %swap3A_33 = vector.shape_cast %swap3A_32 : vector<1x16xf32> to vector<16xf32>
      %swap3A_34 = vector.shape_cast %broadcast_in_dim3A_30 : vector<16xf32> to vector<1x16xf32>
      tpu.vector_store %arg9[%swap3A, %swap3A_31], %swap3A_34 {strides = array<i32>} : memref<80x16xf32, #tpu.memory_space<vmem>>, vector<1x16xf32>,
    }
    %scan3A_15 = arith.constant 80 : i32
    %scan3A_16 = arith.constant 0 : i32
    %scan3A_17 = arith.constant 0 : i32
    %scan3A_18 = arith.constant 25 : i32
    %scan3A_19 = arith.addi %scan3A_17, %scan3A_18 : i32
    %scan3A_20 = arith.constant 1 : i32
    scf.for %scan3A_29 = %scan3A_17 to %scan3A_19 step %scan3A_20  : i32 {
      %mul3A_30 = arith.constant 100 : i32
      %mul3A_31 = arith.muli %scan3A_29, %mul3A_30 : i32
      %add3A_32 = arith.addi %mul3A_4, %mul3A_31 : i32
      "tpu.region"() ({
        %run_scoped3A = tpu.sem_alloc : memref<!tpu.dma_semaphore, #tpu.memory_space<semaphore_mem>>
        %dma_start3A = arith.constant 0 : i32
        %dma_start3A_33 = tpu.memref_slice %arg5[%add3A_32, %dma_start3A] : memref<40000x16xf32, #tpu.memory_space<vmem_shared>> -> memref<100x16xf32, #tpu.memory_space<vmem_shared>>
        %dma_start3A_34 = arith.constant 0 : i32
        %dma_start3A_35 = tpu.memref_slice %arg5[%add3A_32, %dma_start3A_34] : memref<40000x16xf32, #tpu.memory_space<vmem_shared>> -> memref<100x16xf32, #tpu.memory_space<vmem_shared>>
        tpu.enqueue_dma source(%arg10 : memref<100x16xf32, #tpu.memory_space<vmem>>) target(%dma_start3A_35 : memref<100x16xf32, #tpu.memory_space<vmem_shared>>) target_semaphore(%run_scoped3A : memref<!tpu.dma_semaphore, #tpu.memory_space<semaphore_mem>>)
        %dma_wait3A = arith.constant 0 : i32
        %dma_wait3A_36 = tpu.memref_slice %arg5[%add3A_32, %dma_wait3A] : memref<40000x16xf32, #tpu.memory_space<vmem_shared>> -> memref<100x16xf32, #tpu.memory_space<vmem_shared>>
        %dma_wait3A_37 = arith.constant 0 : i32
        %dma_wait3A_38 = tpu.memref_slice %arg5[%add3A_32, %dma_wait3A_37] : memref<40000x16xf32, #tpu.memory_space<vmem_shared>> -> memref<100x16xf32, #tpu.memory_space<vmem_shared>>
        tpu.wait_dma2 semaphore(%run_scoped3A : memref<!tpu.dma_semaphore, #tpu.memory_space<semaphore_mem>>) src(%arg10 : memref<100x16xf32, #tpu.memory_space<vmem>>) dst(%dma_wait3A_38 : memref<100x16xf32, #tpu.memory_space<vmem_shared>>)
        tpu.yield
      }) : () -> ()
    }
    %scan3A_21 = arith.constant 25 : i32
    %barrier3A = arith.constant 0 : index
    tpu.barrier barrier_id(%barrier3A)
    %scan3A_22 = arith.constant 0 : i32
    %scan3A_23 = arith.constant 0 : i32
    %scan3A_24 = arith.constant 5 : i32
    %scan3A_25 = arith.addi %scan3A_23, %scan3A_24 : i32
    %scan3A_26 = arith.constant 1 : i32
    scf.for %scan3A_29 = %scan3A_23 to %scan3A_25 step %scan3A_26  : i32 {
      %mul3A_30 = arith.constant 2000 : i32
      %mul3A_31 = arith.muli %scan3A_29, %mul3A_30 : i32
      %add3A_32 = arith.addi %mul3A_2, %mul3A_31 : i32
      "tpu.region"() ({
        %run_scoped3A = tpu.sem_alloc : memref<!tpu.dma_semaphore, #tpu.memory_space<semaphore_mem>>
        %dma_start3A = tpu.memref_slice %arg2[%add3A_32] : memref<320000xi32, #tpu.memory_space<hbm>> -> memref<2000xi32, #tpu.memory_space<hbm>>
        %dma_start3A_45 = tpu.memref_slice %arg2[%add3A_32] : memref<320000xi32, #tpu.memory_space<hbm>> -> memref<2000xi32, #tpu.memory_space<hbm>>
        tpu.enqueue_dma source(%dma_start3A_45 : memref<2000xi32, #tpu.memory_space<hbm>>) target(%arg6 : memref<2000xi32, #tpu.memory_space<vmem>>) target_semaphore(%run_scoped3A : memref<!tpu.dma_semaphore, #tpu.memory_space<semaphore_mem>>)
        %dma_wait3A = tpu.memref_slice %arg2[%add3A_32] : memref<320000xi32, #tpu.memory_space<hbm>> -> memref<2000xi32, #tpu.memory_space<hbm>>
        %dma_wait3A_46 = tpu.memref_slice %arg2[%add3A_32] : memref<320000xi32, #tpu.memory_space<hbm>> -> memref<2000xi32, #tpu.memory_space<hbm>>
        tpu.wait_dma2 semaphore(%run_scoped3A : memref<!tpu.dma_semaphore, #tpu.memory_space<semaphore_mem>>) src(%dma_wait3A_46 : memref<2000xi32, #tpu.memory_space<hbm>>) dst(%arg6 : memref<2000xi32, #tpu.memory_space<vmem>>)
        tpu.yield
      }) : () -> ()
      "tpu.region"() ({
        %run_scoped3A = tpu.sem_alloc : memref<!tpu.dma_semaphore, #tpu.memory_space<semaphore_mem>>
        %dma_start3A = tpu.memref_slice %arg3[%add3A_32] : memref<320000xi32, #tpu.memory_space<hbm>> -> memref<2000xi32, #tpu.memory_space<hbm>>
        %dma_start3A_45 = tpu.memref_slice %arg3[%add3A_32] : memref<320000xi32, #tpu.memory_space<hbm>> -> memref<2000xi32, #tpu.memory_space<hbm>>
        tpu.enqueue_dma source(%dma_start3A_45 : memref<2000xi32, #tpu.memory_space<hbm>>) target(%arg7 : memref<2000xi32, #tpu.memory_space<vmem>>) target_semaphore(%run_scoped3A : memref<!tpu.dma_semaphore, #tpu.memory_space<semaphore_mem>>)
        %dma_wait3A = tpu.memref_slice %arg3[%add3A_32] : memref<320000xi32, #tpu.memory_space<hbm>> -> memref<2000xi32, #tpu.memory_space<hbm>>
        %dma_wait3A_46 = tpu.memref_slice %arg3[%add3A_32] : memref<320000xi32, #tpu.memory_space<hbm>> -> memref<2000xi32, #tpu.memory_space<hbm>>
        tpu.wait_dma2 semaphore(%run_scoped3A : memref<!tpu.dma_semaphore, #tpu.memory_space<semaphore_mem>>) src(%dma_wait3A_46 : memref<2000xi32, #tpu.memory_space<hbm>>) dst(%arg7 : memref<2000xi32, #tpu.memory_space<vmem>>)
        tpu.yield
      }) : () -> ()
      %scan3A_33 = arith.constant 0 : i32
      %scan3A_34 = arith.constant 0 : i32
      %scan3A_35 = arith.constant 25 : i32
      %scan3A_36 = arith.addi %scan3A_34, %scan3A_35 : i32
      %scan3A_37 = arith.constant 1 : i32
      scf.for %scan3A_45 = %scan3A_34 to %scan3A_36 step %scan3A_37  : i32 {
        %mul3A_46 = arith.constant 80 : i32
        %mul3A_47 = arith.muli %scan3A_45, %mul3A_46 : i32
        %add3A_48 = arith.constant 0 : i32
        %add3A_49 = arith.addi %mul3A_47, %add3A_48 : i32
        %get3A = arith.index_cast %add3A_49 : i32 to index
        %get3A_50 = tpu.vector_load %arg6[%get3A] {strides = array<i32>} : memref<2000xi32, #tpu.memory_space<vmem>>, vector<16xi32>,
        %get3A_51 = vector.shape_cast %get3A_50 : vector<16xi32> to vector<16xi32>
        %add3A_52 = arith.constant 0 : i32
        %add3A_53 = arith.addi %mul3A_47, %add3A_52 : i32
        %get3A_54 = arith.index_cast %add3A_53 : i32 to index
        %get3A_55 = tpu.vector_load %arg7[%get3A_54] {strides = array<i32>} : memref<2000xi32, #tpu.memory_space<vmem>>, vector<16xi32>,
        %get3A_56 = vector.shape_cast %get3A_55 : vector<16xi32> to vector<16xi32>
        %mul3A_57 = arith.constant 4 : i32
        %mul3A_58 = vector.broadcast %mul3A_57 : i32 to vector<16xi32>
        %mul3A_59 = arith.muli %get3A_51, %mul3A_58 : vector<16xi32>
        %add3A_60 = arith.addi %mul3A_59, %get3A_56 : vector<16xi32>
        %swap3A = arith.index_cast %scan3A_45 : i32 to index
        %swap3A_61 = arith.constant 0 : index
        %swap3A_62 = tpu.vector_load %arg8[%swap3A, %swap3A_61] {strides = array<i32>} : memref<25x80xi32, #tpu.memory_space<vmem>>, vector<1x16xi32>,
        %swap3A_63 = vector.shape_cast %swap3A_62 : vector<1x16xi32> to vector<16xi32>
        %swap3A_64 = vector.shape_cast %add3A_60 : vector<16xi32> to vector<1x16xi32>
        tpu.vector_store %arg8[%swap3A, %swap3A_61], %swap3A_64 {strides = array<i32>} : memref<25x80xi32, #tpu.memory_space<vmem>>, vector<1x16xi32>,
        %add3A_65 = arith.constant 16 : i32
        %add3A_66 = arith.addi %mul3A_47, %add3A_65 : i32
        %get3A_67 = arith.index_cast %add3A_66 : i32 to index
        %get3A_68 = tpu.vector_load %arg6[%get3A_67] {strides = array<i32>} : memref<2000xi32, #tpu.memory_space<vmem>>, vector<16xi32>,
        %get3A_69 = vector.shape_cast %get3A_68 : vector<16xi32> to vector<16xi32>
        %add3A_70 = arith.constant 16 : i32
        %add3A_71 = arith.addi %mul3A_47, %add3A_70 : i32
        %get3A_72 = arith.index_cast %add3A_71 : i32 to index
        %get3A_73 = tpu.vector_load %arg7[%get3A_72] {strides = array<i32>} : memref<2000xi32, #tpu.memory_space<vmem>>, vector<16xi32>,
        %get3A_74 = vector.shape_cast %get3A_73 : vector<16xi32> to vector<16xi32>
        %mul3A_75 = arith.constant 4 : i32
        %mul3A_76 = vector.broadcast %mul3A_75 : i32 to vector<16xi32>
        %mul3A_77 = arith.muli %get3A_69, %mul3A_76 : vector<16xi32>
        %add3A_78 = arith.addi %mul3A_77, %get3A_74 : vector<16xi32>
        %swap3A_79 = arith.index_cast %scan3A_45 : i32 to index
        %swap3A_80 = arith.constant 16 : index
        %swap3A_81 = tpu.vector_load %arg8[%swap3A_79, %swap3A_80] {strides = array<i32>} : memref<25x80xi32, #tpu.memory_space<vmem>>, vector<1x16xi32>,
        %swap3A_82 = vector.shape_cast %swap3A_81 : vector<1x16xi32> to vector<16xi32>
        %swap3A_83 = vector.shape_cast %add3A_78 : vector<16xi32> to vector<1x16xi32>
        tpu.vector_store %arg8[%swap3A_79, %swap3A_80], %swap3A_83 {strides = array<i32>} : memref<25x80xi32, #tpu.memory_space<vmem>>, vector<1x16xi32>,
        %add3A_84 = arith.constant 32 : i32
        %add3A_85 = arith.addi %mul3A_47, %add3A_84 : i32
        %get3A_86 = arith.index_cast %add3A_85 : i32 to index
        %get3A_87 = tpu.vector_load %arg6[%get3A_86] {strides = array<i32>} : memref<2000xi32, #tpu.memory_space<vmem>>, vector<16xi32>,
        %get3A_88 = vector.shape_cast %get3A_87 : vector<16xi32> to vector<16xi32>
        %add3A_89 = arith.constant 32 : i32
        %add3A_90 = arith.addi %mul3A_47, %add3A_89 : i32
        %get3A_91 = arith.index_cast %add3A_90 : i32 to index
        %get3A_92 = tpu.vector_load %arg7[%get3A_91] {strides = array<i32>} : memref<2000xi32, #tpu.memory_space<vmem>>, vector<16xi32>,
        %get3A_93 = vector.shape_cast %get3A_92 : vector<16xi32> to vector<16xi32>
        %mul3A_94 = arith.constant 4 : i32
        %mul3A_95 = vector.broadcast %mul3A_94 : i32 to vector<16xi32>
        %mul3A_96 = arith.muli %get3A_88, %mul3A_95 : vector<16xi32>
        %add3A_97 = arith.addi %mul3A_96, %get3A_93 : vector<16xi32>
        %swap3A_98 = arith.index_cast %scan3A_45 : i32 to index
        %swap3A_99 = arith.constant 32 : index
        %swap3A_100 = tpu.vector_load %arg8[%swap3A_98, %swap3A_99] {strides = array<i32>} : memref<25x80xi32, #tpu.memory_space<vmem>>, vector<1x16xi32>,
        %swap3A_101 = vector.shape_cast %swap3A_100 : vector<1x16xi32> to vector<16xi32>
        %swap3A_102 = vector.shape_cast %add3A_97 : vector<16xi32> to vector<1x16xi32>
        tpu.vector_store %arg8[%swap3A_98, %swap3A_99], %swap3A_102 {strides = array<i32>} : memref<25x80xi32, #tpu.memory_space<vmem>>, vector<1x16xi32>,
        %add3A_103 = arith.constant 48 : i32
        %add3A_104 = arith.addi %mul3A_47, %add3A_103 : i32
        %get3A_105 = arith.index_cast %add3A_104 : i32 to index
        %get3A_106 = tpu.vector_load %arg6[%get3A_105] {strides = array<i32>} : memref<2000xi32, #tpu.memory_space<vmem>>, vector<16xi32>,
        %get3A_107 = vector.shape_cast %get3A_106 : vector<16xi32> to vector<16xi32>
        %add3A_108 = arith.constant 48 : i32
        %add3A_109 = arith.addi %mul3A_47, %add3A_108 : i32
        %get3A_110 = arith.index_cast %add3A_109 : i32 to index
        %get3A_111 = tpu.vector_load %arg7[%get3A_110] {strides = array<i32>} : memref<2000xi32, #tpu.memory_space<vmem>>, vector<16xi32>,
        %get3A_112 = vector.shape_cast %get3A_111 : vector<16xi32> to vector<16xi32>
        %mul3A_113 = arith.constant 4 : i32
        %mul3A_114 = vector.broadcast %mul3A_113 : i32 to vector<16xi32>
        %mul3A_115 = arith.muli %get3A_107, %mul3A_114 : vector<16xi32>
        %add3A_116 = arith.addi %mul3A_115, %get3A_112 : vector<16xi32>
        %swap3A_117 = arith.index_cast %scan3A_45 : i32 to index
        %swap3A_118 = arith.constant 48 : index
        %swap3A_119 = tpu.vector_load %arg8[%swap3A_117, %swap3A_118] {strides = array<i32>} : memref<25x80xi32, #tpu.memory_space<vmem>>, vector<1x16xi32>,
        %swap3A_120 = vector.shape_cast %swap3A_119 : vector<1x16xi32> to vector<16xi32>
        %swap3A_121 = vector.shape_cast %add3A_116 : vector<16xi32> to vector<1x16xi32>
        tpu.vector_store %arg8[%swap3A_117, %swap3A_118], %swap3A_121 {strides = array<i32>} : memref<25x80xi32, #tpu.memory_space<vmem>>, vector<1x16xi32>,
        %add3A_122 = arith.constant 64 : i32
        %add3A_123 = arith.addi %mul3A_47, %add3A_122 : i32
        %get3A_124 = arith.index_cast %add3A_123 : i32 to index
        %get3A_125 = tpu.vector_load %arg6[%get3A_124] {strides = array<i32>} : memref<2000xi32, #tpu.memory_space<vmem>>, vector<16xi32>,
        %get3A_126 = vector.shape_cast %get3A_125 : vector<16xi32> to vector<16xi32>
        %add3A_127 = arith.constant 64 : i32
        %add3A_128 = arith.addi %mul3A_47, %add3A_127 : i32
        %get3A_129 = arith.index_cast %add3A_128 : i32 to index
        %get3A_130 = tpu.vector_load %arg7[%get3A_129] {strides = array<i32>} : memref<2000xi32, #tpu.memory_space<vmem>>, vector<16xi32>,
        %get3A_131 = vector.shape_cast %get3A_130 : vector<16xi32> to vector<16xi32>
        %mul3A_132 = arith.constant 4 : i32
        %mul3A_133 = vector.broadcast %mul3A_132 : i32 to vector<16xi32>
        %mul3A_134 = arith.muli %get3A_126, %mul3A_133 : vector<16xi32>
        %add3A_135 = arith.addi %mul3A_134, %get3A_131 : vector<16xi32>
        %swap3A_136 = arith.index_cast %scan3A_45 : i32 to index
        %swap3A_137 = arith.constant 64 : index
        %swap3A_138 = tpu.vector_load %arg8[%swap3A_136, %swap3A_137] {strides = array<i32>} : memref<25x80xi32, #tpu.memory_space<vmem>>, vector<1x16xi32>,
        %swap3A_139 = vector.shape_cast %swap3A_138 : vector<1x16xi32> to vector<16xi32>
        %swap3A_140 = vector.shape_cast %add3A_135 : vector<16xi32> to vector<1x16xi32>
        tpu.vector_store %arg8[%swap3A_136, %swap3A_137], %swap3A_140 {strides = array<i32>} : memref<25x80xi32, #tpu.memory_space<vmem>>, vector<1x16xi32>,
      }
      %scan3A_38 = arith.constant 25 : i32
      %scan3A_39 = arith.constant 0 : i32
      %scan3A_40 = arith.constant 0 : i32
      %scan3A_41 = arith.constant 25 : i32
      %scan3A_42 = arith.addi %scan3A_40, %scan3A_41 : i32
      %scan3A_43 = arith.constant 1 : i32
      scf.for %scan3A_45 = %scan3A_40 to %scan3A_42 step %scan3A_43  : i32 {
        "tpu.region"() ({
          %run_scoped3A = tpu.sem_alloc : memref<!tpu.dma_semaphore, #tpu.memory_space<semaphore_mem>>
          %dma_start3A = arith.constant 0 : i32
          %dma_start3A_46 = tpu.memref_slice %arg8[%scan3A_45, %dma_start3A] : memref<25x80xi32, #tpu.memory_space<vmem>> -> memref<1x80xi32, #tpu.memory_space<vmem>>
          %dma_start3A_47 = tpu.memref_squeeze %dma_start3A_46 : memref<1x80xi32, #tpu.memory_space<vmem>> -> memref<80xi32, #tpu.memory_space<vmem>>
          %dma_start3A_48 = arith.constant 0 : i32
          %dma_start3A_49 = arith.constant 0 : i32
          %dma_start3A_50 = tpu.memref_slice %arg5[%dma_start3A_48, %dma_start3A_49] : memref<40000x16xf32, #tpu.memory_space<vmem_shared>> -> memref<40000x16xf32, #tpu.memory_space<vmem_shared>>
          tpu.enqueue_indirect_dma source(%arg9 : memref<80x16xf32, #tpu.memory_space<vmem>>) target(%dma_start3A_50 : memref<40000x16xf32, #tpu.memory_space<vmem_shared>>) offsets(%dma_start3A_47 : memref<80xi32, #tpu.memory_space<vmem>>) semaphore(%run_scoped3A : memref<!tpu.dma_semaphore, #tpu.memory_space<semaphore_mem>>) {add = true}
          %dma_wait3A = arith.constant 0 : i32
          %dma_wait3A_51 = tpu.memref_slice %arg8[%scan3A_45, %dma_wait3A] : memref<25x80xi32, #tpu.memory_space<vmem>> -> memref<1x80xi32, #tpu.memory_space<vmem>>
          %dma_wait3A_52 = tpu.memref_squeeze %dma_wait3A_51 : memref<1x80xi32, #tpu.memory_space<vmem>> -> memref<80xi32, #tpu.memory_space<vmem>>
          %dma_wait3A_53 = arith.constant 0 : i32
          %dma_wait3A_54 = arith.constant 0 : i32
          %dma_wait3A_55 = tpu.memref_slice %arg5[%dma_wait3A_53, %dma_wait3A_54] : memref<40000x16xf32, #tpu.memory_space<vmem_shared>> -> memref<40000x16xf32, #tpu.memory_space<vmem_shared>>
          tpu.wait_indirect_dma semaphore(%run_scoped3A : memref<!tpu.dma_semaphore, #tpu.memory_space<semaphore_mem>>) src(%arg9 : memref<80x16xf32, #tpu.memory_space<vmem>>) dst(%dma_wait3A_55 : memref<40000x16xf32, #tpu.memory_space<vmem_shared>>)
          tpu.yield
        }) : () -> ()
      }
      %scan3A_44 = arith.constant 25 : i32
    }
    %scan3A_27 = arith.constant 5 : i32
    %barrier3A_28 = arith.constant 0 : index
    tpu.barrier barrier_id(%barrier3A_28)
    "tpu.region"() ({
      %run_scoped3A = tpu.sem_alloc : memref<!tpu.dma_semaphore, #tpu.memory_space<semaphore_mem>>
      %dma_start3A = arith.constant 0 : i32
      %dma_start3A_29 = tpu.memref_slice %arg4[%arg0, %mul3A_4, %dma_start3A] : memref<2x40000x16xf32, #tpu.memory_space<hbm>> -> memref<1x2500x16xf32, #tpu.memory_space<hbm>>
      %dma_start3A_30 = tpu.memref_squeeze %dma_start3A_29 : memref<1x2500x16xf32, #tpu.memory_space<hbm>> -> memref<2500x16xf32, #tpu.memory_space<hbm>>
      %dma_start3A_31 = arith.constant 0 : i32
      %dma_start3A_32 = tpu.memref_slice %arg5[%mul3A_4, %dma_start3A_31] : memref<40000x16xf32, #tpu.memory_space<vmem_shared>> -> memref<2500x16xf32, #tpu.memory_space<vmem_shared>>
      tpu.enqueue_dma source(%dma_start3A_32 : memref<2500x16xf32, #tpu.memory_space<vmem_shared>>) target(%dma_start3A_30 : memref<2500x16xf32, #tpu.memory_space<hbm>>) target_semaphore(%run_scoped3A : memref<!tpu.dma_semaphore, #tpu.memory_space<semaphore_mem>>)
      %dma_wait3A = arith.constant 0 : i32
      %dma_wait3A_33 = tpu.memref_slice %arg4[%arg0, %mul3A_4, %dma_wait3A] : memref<2x40000x16xf32, #tpu.memory_space<hbm>> -> memref<1x2500x16xf32, #tpu.memory_space<hbm>>
      %dma_wait3A_34 = tpu.memref_squeeze %dma_wait3A_33 : memref<1x2500x16xf32, #tpu.memory_space<hbm>> -> memref<2500x16xf32, #tpu.memory_space<hbm>>
      %dma_wait3A_35 = arith.constant 0 : i32
      %dma_wait3A_36 = tpu.memref_slice %arg5[%mul3A_4, %dma_wait3A_35] : memref<40000x16xf32, #tpu.memory_space<vmem_shared>> -> memref<2500x16xf32, #tpu.memory_space<vmem_shared>>
      tpu.wait_dma2 semaphore(%run_scoped3A : memref<!tpu.dma_semaphore, #tpu.memory_space<semaphore_mem>>) src(%dma_wait3A_36 : memref<2500x16xf32, #tpu.memory_space<vmem_shared>>) dst(%dma_wait3A_34 : memref<2500x16xf32, #tpu.memory_space<hbm>>)
      tpu.yield
    }) : () -> ()
    return
  }
}

#map = affine_map<(d0, d1) -> (0)>
#map1 = affine_map<(d0, d1) -> (0, 0)>
#map2 = affine_map<(d0, d1) -> (0, 0, 0)>
module attributes {stable_mosaic.version = 14 : i64} {
  func.func @_sc_body(%arg0: i32, %arg1: i32, %arg2: memref<320000xi32, #tpu.memory_space<hbm>>, %arg3: memref<320000xi32, #tpu.memory_space<hbm>>, %arg4: memref<320000xi32, #tpu.memory_space<hbm>>, %arg5: memref<40000x32xbf16, #tpu.memory_space<hbm>>, %arg6: memref<4x40000x32xbf16, #tpu.memory_space<hbm>>, %arg7: memref<40000x32xbf16, #tpu.memory_space<vmem_shared>>, %arg8: memref<2000xi32, #tpu.memory_space<vmem>>, %arg9: memref<2000xi32, #tpu.memory_space<vmem>>, %arg10: memref<2000xi32, #tpu.memory_space<vmem>>, %arg11: memref<25x80xi32, #tpu.memory_space<vmem>>, %arg12: memref<25x80xi32, #tpu.memory_space<vmem>>, %arg13: memref<14x80x32xbf16, #tpu.memory_space<vmem>>, %arg14: memref<100x32xbf16, #tpu.memory_space<vmem>>, %arg15: memref<!tpu.dma_semaphore, #tpu.memory_space<semaphore_mem>>, %arg16: memref<!tpu.dma_semaphore, #tpu.memory_space<semaphore_mem>>) attributes {dimension_semantics = [#tpu.dimension_semantics<core_parallel>, #tpu.dimension_semantics<subcore_parallel>], iteration_bounds = array<i64: 2, 16>, scalar_prefetch = 0 : i64, scratch_operands = 10 : i64, tpu.core_type = #tpu.core_type<sc_vector_subcore>, window_params = [{transform_indices = #map}, {transform_indices = #map}, {transform_indices = #map}, {transform_indices = #map1}, {transform_indices = #map2}]} {
    %mul3A = arith.constant 20000 : i32
    %mul3A_0 = arith.muli %arg1, %mul3A : i32
    %mul3A_1 = arith.constant 2500 : i32
    %mul3A_2 = arith.muli %arg1, %mul3A_1 : i32
    %scan3A = arith.constant 0 : i32
    %scan3A_3 = arith.constant 0 : i32
    %scan3A_4 = arith.constant 100 : i32
    %scan3A_5 = arith.addi %scan3A_3, %scan3A_4 : i32
    %scan3A_6 = arith.constant 1 : i32
    scf.for %scan3A_56 = %scan3A_3 to %scan3A_5 step %scan3A_6  : i32 {
      %broadcast_in_dim3A = arith.constant 0.000000e+00 : bf16
      %broadcast_in_dim3A_57 = vector.broadcast %broadcast_in_dim3A : bf16 to vector<32xbf16>
      %swap3A = arith.index_cast %scan3A_56 : i32 to index
      %swap3A_58 = arith.constant 0 : index
      %swap3A_59 = tpu.vector_load %arg14[%swap3A, %swap3A_58] {strides = array<i32>} : memref<100x32xbf16, #tpu.memory_space<vmem>>, vector<1x32xbf16>,
      %swap3A_60 = vector.shape_cast %swap3A_59 : vector<1x32xbf16> to vector<32xbf16>
      %swap3A_61 = vector.shape_cast %broadcast_in_dim3A_57 : vector<32xbf16> to vector<1x32xbf16>
      tpu.vector_store %arg14[%swap3A, %swap3A_58], %swap3A_61 {strides = array<i32>} : memref<100x32xbf16, #tpu.memory_space<vmem>>, vector<1x32xbf16>,
    }
    %scan3A_7 = arith.constant 100 : i32
    %mul3A_8 = arith.constant 2 : i32
    %mul3A_9 = arith.muli %arg0, %mul3A_8 : i32
    %add3A = arith.constant 0 : i32
    %add3A_10 = arith.addi %mul3A_9, %add3A : i32
    %scan3A_11 = arith.constant 0 : i32
    %scan3A_12 = arith.constant 0 : i32
    %scan3A_13 = arith.constant 25 : i32
    %scan3A_14 = arith.addi %scan3A_12, %scan3A_13 : i32
    %scan3A_15 = arith.constant 1 : i32
    scf.for %scan3A_56 = %scan3A_12 to %scan3A_14 step %scan3A_15  : i32 {
      %mul3A_57 = arith.constant 100 : i32
      %mul3A_58 = arith.muli %scan3A_56, %mul3A_57 : i32
      %add3A_59 = arith.addi %mul3A_2, %mul3A_58 : i32
      %dma_start3A = arith.constant 0 : i32
      %dma_start3A_60 = tpu.memref_slice %arg7[%add3A_59, %dma_start3A] : memref<40000x32xbf16, #tpu.memory_space<vmem_shared>> -> memref<100x32xbf16, #tpu.memory_space<vmem_shared>>
      %dma_start3A_61 = arith.constant 0 : i32
      %dma_start3A_62 = tpu.memref_slice %arg7[%add3A_59, %dma_start3A_61] : memref<40000x32xbf16, #tpu.memory_space<vmem_shared>> -> memref<100x32xbf16, #tpu.memory_space<vmem_shared>>
      tpu.enqueue_dma source(%arg14 : memref<100x32xbf16, #tpu.memory_space<vmem>>) target(%dma_start3A_62 : memref<100x32xbf16, #tpu.memory_space<vmem_shared>>) target_semaphore(%arg16 : memref<!tpu.dma_semaphore, #tpu.memory_space<semaphore_mem>>)
    }
    %scan3A_16 = arith.constant 25 : i32
    %scan3A_17 = arith.constant 0 : i32
    %scan3A_18 = arith.constant 0 : i32
    %scan3A_19 = arith.constant 25 : i32
    %scan3A_20 = arith.addi %scan3A_18, %scan3A_19 : i32
    %scan3A_21 = arith.constant 1 : i32
    scf.for %scan3A_56 = %scan3A_18 to %scan3A_20 step %scan3A_21  : i32 {
      %mul3A_57 = arith.constant 100 : i32
      %mul3A_58 = arith.muli %scan3A_56, %mul3A_57 : i32
      %add3A_59 = arith.addi %mul3A_2, %mul3A_58 : i32
      %dma_wait3A = arith.constant 0 : i32
      %dma_wait3A_60 = tpu.memref_slice %arg7[%add3A_59, %dma_wait3A] : memref<40000x32xbf16, #tpu.memory_space<vmem_shared>> -> memref<100x32xbf16, #tpu.memory_space<vmem_shared>>
      %dma_wait3A_61 = arith.constant 0 : i32
      %dma_wait3A_62 = tpu.memref_slice %arg7[%add3A_59, %dma_wait3A_61] : memref<40000x32xbf16, #tpu.memory_space<vmem_shared>> -> memref<100x32xbf16, #tpu.memory_space<vmem_shared>>
      tpu.wait_dma2 semaphore(%arg16 : memref<!tpu.dma_semaphore, #tpu.memory_space<semaphore_mem>>) src(%arg14 : memref<100x32xbf16, #tpu.memory_space<vmem>>) dst(%dma_wait3A_62 : memref<100x32xbf16, #tpu.memory_space<vmem_shared>>)
    }
    %scan3A_22 = arith.constant 25 : i32
    %barrier3A = arith.constant 0 : index
    tpu.barrier barrier_id(%barrier3A)
    %scan3A_23 = arith.constant 0 : i32
    %scan3A_24 = arith.constant 0 : i32
    %scan3A_25 = arith.constant 10 : i32
    %scan3A_26 = arith.addi %scan3A_24, %scan3A_25 : i32
    %scan3A_27 = arith.constant 1 : i32
    scf.for %scan3A_56 = %scan3A_24 to %scan3A_26 step %scan3A_27  : i32 {
      %mul3A_57 = arith.constant 2000 : i32
      %mul3A_58 = arith.muli %scan3A_56, %mul3A_57 : i32
      %add3A_59 = arith.addi %mul3A_0, %mul3A_58 : i32
      %dma_start3A = tpu.memref_slice %arg2[%add3A_59] : memref<320000xi32, #tpu.memory_space<hbm>> -> memref<2000xi32, #tpu.memory_space<hbm>>
      %dma_start3A_60 = tpu.memref_slice %arg2[%add3A_59] : memref<320000xi32, #tpu.memory_space<hbm>> -> memref<2000xi32, #tpu.memory_space<hbm>>
      tpu.enqueue_dma source(%dma_start3A_60 : memref<2000xi32, #tpu.memory_space<hbm>>) target(%arg8 : memref<2000xi32, #tpu.memory_space<vmem>>) target_semaphore(%arg15 : memref<!tpu.dma_semaphore, #tpu.memory_space<semaphore_mem>>)
      %dma_start3A_61 = tpu.memref_slice %arg3[%add3A_59] : memref<320000xi32, #tpu.memory_space<hbm>> -> memref<2000xi32, #tpu.memory_space<hbm>>
      %dma_start3A_62 = tpu.memref_slice %arg3[%add3A_59] : memref<320000xi32, #tpu.memory_space<hbm>> -> memref<2000xi32, #tpu.memory_space<hbm>>
      tpu.enqueue_dma source(%dma_start3A_62 : memref<2000xi32, #tpu.memory_space<hbm>>) target(%arg9 : memref<2000xi32, #tpu.memory_space<vmem>>) target_semaphore(%arg15 : memref<!tpu.dma_semaphore, #tpu.memory_space<semaphore_mem>>)
      %dma_start3A_63 = tpu.memref_slice %arg4[%add3A_59] : memref<320000xi32, #tpu.memory_space<hbm>> -> memref<2000xi32, #tpu.memory_space<hbm>>
      %dma_start3A_64 = tpu.memref_slice %arg4[%add3A_59] : memref<320000xi32, #tpu.memory_space<hbm>> -> memref<2000xi32, #tpu.memory_space<hbm>>
      tpu.enqueue_dma source(%dma_start3A_64 : memref<2000xi32, #tpu.memory_space<hbm>>) target(%arg10 : memref<2000xi32, #tpu.memory_space<vmem>>) target_semaphore(%arg15 : memref<!tpu.dma_semaphore, #tpu.memory_space<semaphore_mem>>)
      %dma_wait3A = tpu.memref_slice %arg2[%add3A_59] : memref<320000xi32, #tpu.memory_space<hbm>> -> memref<2000xi32, #tpu.memory_space<hbm>>
      %dma_wait3A_65 = tpu.memref_slice %arg2[%add3A_59] : memref<320000xi32, #tpu.memory_space<hbm>> -> memref<2000xi32, #tpu.memory_space<hbm>>
      tpu.wait_dma2 semaphore(%arg15 : memref<!tpu.dma_semaphore, #tpu.memory_space<semaphore_mem>>) src(%dma_wait3A_65 : memref<2000xi32, #tpu.memory_space<hbm>>) dst(%arg8 : memref<2000xi32, #tpu.memory_space<vmem>>)
      %dma_wait3A_66 = tpu.memref_slice %arg3[%add3A_59] : memref<320000xi32, #tpu.memory_space<hbm>> -> memref<2000xi32, #tpu.memory_space<hbm>>
      %dma_wait3A_67 = tpu.memref_slice %arg3[%add3A_59] : memref<320000xi32, #tpu.memory_space<hbm>> -> memref<2000xi32, #tpu.memory_space<hbm>>
      tpu.wait_dma2 semaphore(%arg15 : memref<!tpu.dma_semaphore, #tpu.memory_space<semaphore_mem>>) src(%dma_wait3A_67 : memref<2000xi32, #tpu.memory_space<hbm>>) dst(%arg9 : memref<2000xi32, #tpu.memory_space<vmem>>)
      %dma_wait3A_68 = tpu.memref_slice %arg4[%add3A_59] : memref<320000xi32, #tpu.memory_space<hbm>> -> memref<2000xi32, #tpu.memory_space<hbm>>
      %dma_wait3A_69 = tpu.memref_slice %arg4[%add3A_59] : memref<320000xi32, #tpu.memory_space<hbm>> -> memref<2000xi32, #tpu.memory_space<hbm>>
      tpu.wait_dma2 semaphore(%arg15 : memref<!tpu.dma_semaphore, #tpu.memory_space<semaphore_mem>>) src(%dma_wait3A_69 : memref<2000xi32, #tpu.memory_space<hbm>>) dst(%arg10 : memref<2000xi32, #tpu.memory_space<vmem>>)
      %scan3A_70 = arith.constant 0 : i32
      %scan3A_71 = arith.constant 0 : i32
      %scan3A_72 = arith.constant 25 : i32
      %scan3A_73 = arith.addi %scan3A_71, %scan3A_72 : i32
      %scan3A_74 = arith.constant 1 : i32
      scf.for %scan3A_94 = %scan3A_71 to %scan3A_73 step %scan3A_74  : i32 {
        %mul3A_95 = arith.constant 80 : i32
        %mul3A_96 = arith.muli %scan3A_94, %mul3A_95 : i32
        %add3A_97 = arith.constant 0 : i32
        %add3A_98 = arith.addi %mul3A_96, %add3A_97 : i32
        %get3A = arith.index_cast %add3A_98 : i32 to index
        %get3A_99 = tpu.vector_load %arg8[%get3A] {strides = array<i32>} : memref<2000xi32, #tpu.memory_space<vmem>>, vector<16xi32>,
        %get3A_100 = vector.shape_cast %get3A_99 : vector<16xi32> to vector<16xi32>
        %add3A_101 = arith.constant 0 : i32
        %add3A_102 = arith.addi %mul3A_96, %add3A_101 : i32
        %get3A_103 = arith.index_cast %add3A_102 : i32 to index
        %get3A_104 = tpu.vector_load %arg9[%get3A_103] {strides = array<i32>} : memref<2000xi32, #tpu.memory_space<vmem>>, vector<16xi32>,
        %get3A_105 = vector.shape_cast %get3A_104 : vector<16xi32> to vector<16xi32>
        %add3A_106 = arith.constant 0 : i32
        %add3A_107 = arith.addi %mul3A_96, %add3A_106 : i32
        %get3A_108 = arith.index_cast %add3A_107 : i32 to index
        %get3A_109 = tpu.vector_load %arg10[%get3A_108] {strides = array<i32>} : memref<2000xi32, #tpu.memory_space<vmem>>, vector<16xi32>,
        %get3A_110 = vector.shape_cast %get3A_109 : vector<16xi32> to vector<16xi32>
        %mul3A_111 = arith.constant 4 : i32
        %mul3A_112 = vector.broadcast %mul3A_111 : i32 to vector<16xi32>
        %mul3A_113 = arith.muli %get3A_100, %mul3A_112 : vector<16xi32>
        %add3A_114 = vector.broadcast %add3A_10 : i32 to vector<16xi32>
        %add3A_115 = arith.addi %mul3A_113, %add3A_114 : vector<16xi32>
        %swap3A = arith.index_cast %scan3A_94 : i32 to index
        %swap3A_116 = arith.constant 0 : index
        %swap3A_117 = tpu.vector_load %arg11[%swap3A, %swap3A_116] {strides = array<i32>} : memref<25x80xi32, #tpu.memory_space<vmem>>, vector<1x16xi32>,
        %swap3A_118 = vector.shape_cast %swap3A_117 : vector<1x16xi32> to vector<16xi32>
        %swap3A_119 = vector.shape_cast %add3A_115 : vector<16xi32> to vector<1x16xi32>
        tpu.vector_store %arg11[%swap3A, %swap3A_116], %swap3A_119 {strides = array<i32>} : memref<25x80xi32, #tpu.memory_space<vmem>>, vector<1x16xi32>,
        %mul3A_120 = arith.constant 4 : i32
        %mul3A_121 = vector.broadcast %mul3A_120 : i32 to vector<16xi32>
        %mul3A_122 = arith.muli %get3A_105, %mul3A_121 : vector<16xi32>
        %add3A_123 = arith.addi %mul3A_122, %get3A_110 : vector<16xi32>
        %swap3A_124 = arith.index_cast %scan3A_94 : i32 to index
        %swap3A_125 = arith.constant 0 : index
        %swap3A_126 = tpu.vector_load %arg12[%swap3A_124, %swap3A_125] {strides = array<i32>} : memref<25x80xi32, #tpu.memory_space<vmem>>, vector<1x16xi32>,
        %swap3A_127 = vector.shape_cast %swap3A_126 : vector<1x16xi32> to vector<16xi32>
        %swap3A_128 = vector.shape_cast %add3A_123 : vector<16xi32> to vector<1x16xi32>
        tpu.vector_store %arg12[%swap3A_124, %swap3A_125], %swap3A_128 {strides = array<i32>} : memref<25x80xi32, #tpu.memory_space<vmem>>, vector<1x16xi32>,
        %add3A_129 = arith.constant 16 : i32
        %add3A_130 = arith.addi %mul3A_96, %add3A_129 : i32
        %get3A_131 = arith.index_cast %add3A_130 : i32 to index
        %get3A_132 = tpu.vector_load %arg8[%get3A_131] {strides = array<i32>} : memref<2000xi32, #tpu.memory_space<vmem>>, vector<16xi32>,
        %get3A_133 = vector.shape_cast %get3A_132 : vector<16xi32> to vector<16xi32>
        %add3A_134 = arith.constant 16 : i32
        %add3A_135 = arith.addi %mul3A_96, %add3A_134 : i32
        %get3A_136 = arith.index_cast %add3A_135 : i32 to index
        %get3A_137 = tpu.vector_load %arg9[%get3A_136] {strides = array<i32>} : memref<2000xi32, #tpu.memory_space<vmem>>, vector<16xi32>,
        %get3A_138 = vector.shape_cast %get3A_137 : vector<16xi32> to vector<16xi32>
        %add3A_139 = arith.constant 16 : i32
        %add3A_140 = arith.addi %mul3A_96, %add3A_139 : i32
        %get3A_141 = arith.index_cast %add3A_140 : i32 to index
        %get3A_142 = tpu.vector_load %arg10[%get3A_141] {strides = array<i32>} : memref<2000xi32, #tpu.memory_space<vmem>>, vector<16xi32>,
        %get3A_143 = vector.shape_cast %get3A_142 : vector<16xi32> to vector<16xi32>
        %mul3A_144 = arith.constant 4 : i32
        %mul3A_145 = vector.broadcast %mul3A_144 : i32 to vector<16xi32>
        %mul3A_146 = arith.muli %get3A_133, %mul3A_145 : vector<16xi32>
        %add3A_147 = vector.broadcast %add3A_10 : i32 to vector<16xi32>
        %add3A_148 = arith.addi %mul3A_146, %add3A_147 : vector<16xi32>
        %swap3A_149 = arith.index_cast %scan3A_94 : i32 to index
        %swap3A_150 = arith.constant 16 : index
        %swap3A_151 = tpu.vector_load %arg11[%swap3A_149, %swap3A_150] {strides = array<i32>} : memref<25x80xi32, #tpu.memory_space<vmem>>, vector<1x16xi32>,
        %swap3A_152 = vector.shape_cast %swap3A_151 : vector<1x16xi32> to vector<16xi32>
        %swap3A_153 = vector.shape_cast %add3A_148 : vector<16xi32> to vector<1x16xi32>
        tpu.vector_store %arg11[%swap3A_149, %swap3A_150], %swap3A_153 {strides = array<i32>} : memref<25x80xi32, #tpu.memory_space<vmem>>, vector<1x16xi32>,
        %mul3A_154 = arith.constant 4 : i32
        %mul3A_155 = vector.broadcast %mul3A_154 : i32 to vector<16xi32>
        %mul3A_156 = arith.muli %get3A_138, %mul3A_155 : vector<16xi32>
        %add3A_157 = arith.addi %mul3A_156, %get3A_143 : vector<16xi32>
        %swap3A_158 = arith.index_cast %scan3A_94 : i32 to index
        %swap3A_159 = arith.constant 16 : index
        %swap3A_160 = tpu.vector_load %arg12[%swap3A_158, %swap3A_159] {strides = array<i32>} : memref<25x80xi32, #tpu.memory_space<vmem>>, vector<1x16xi32>,
        %swap3A_161 = vector.shape_cast %swap3A_160 : vector<1x16xi32> to vector<16xi32>
        %swap3A_162 = vector.shape_cast %add3A_157 : vector<16xi32> to vector<1x16xi32>
        tpu.vector_store %arg12[%swap3A_158, %swap3A_159], %swap3A_162 {strides = array<i32>} : memref<25x80xi32, #tpu.memory_space<vmem>>, vector<1x16xi32>,
        %add3A_163 = arith.constant 32 : i32
        %add3A_164 = arith.addi %mul3A_96, %add3A_163 : i32
        %get3A_165 = arith.index_cast %add3A_164 : i32 to index
        %get3A_166 = tpu.vector_load %arg8[%get3A_165] {strides = array<i32>} : memref<2000xi32, #tpu.memory_space<vmem>>, vector<16xi32>,
        %get3A_167 = vector.shape_cast %get3A_166 : vector<16xi32> to vector<16xi32>
        %add3A_168 = arith.constant 32 : i32
        %add3A_169 = arith.addi %mul3A_96, %add3A_168 : i32
        %get3A_170 = arith.index_cast %add3A_169 : i32 to index
        %get3A_171 = tpu.vector_load %arg9[%get3A_170] {strides = array<i32>} : memref<2000xi32, #tpu.memory_space<vmem>>, vector<16xi32>,
        %get3A_172 = vector.shape_cast %get3A_171 : vector<16xi32> to vector<16xi32>
        %add3A_173 = arith.constant 32 : i32
        %add3A_174 = arith.addi %mul3A_96, %add3A_173 : i32
        %get3A_175 = arith.index_cast %add3A_174 : i32 to index
        %get3A_176 = tpu.vector_load %arg10[%get3A_175] {strides = array<i32>} : memref<2000xi32, #tpu.memory_space<vmem>>, vector<16xi32>,
        %get3A_177 = vector.shape_cast %get3A_176 : vector<16xi32> to vector<16xi32>
        %mul3A_178 = arith.constant 4 : i32
        %mul3A_179 = vector.broadcast %mul3A_178 : i32 to vector<16xi32>
        %mul3A_180 = arith.muli %get3A_167, %mul3A_179 : vector<16xi32>
        %add3A_181 = vector.broadcast %add3A_10 : i32 to vector<16xi32>
        %add3A_182 = arith.addi %mul3A_180, %add3A_181 : vector<16xi32>
        %swap3A_183 = arith.index_cast %scan3A_94 : i32 to index
        %swap3A_184 = arith.constant 32 : index
        %swap3A_185 = tpu.vector_load %arg11[%swap3A_183, %swap3A_184] {strides = array<i32>} : memref<25x80xi32, #tpu.memory_space<vmem>>, vector<1x16xi32>,
        %swap3A_186 = vector.shape_cast %swap3A_185 : vector<1x16xi32> to vector<16xi32>
        %swap3A_187 = vector.shape_cast %add3A_182 : vector<16xi32> to vector<1x16xi32>
        tpu.vector_store %arg11[%swap3A_183, %swap3A_184], %swap3A_187 {strides = array<i32>} : memref<25x80xi32, #tpu.memory_space<vmem>>, vector<1x16xi32>,
        %mul3A_188 = arith.constant 4 : i32
        %mul3A_189 = vector.broadcast %mul3A_188 : i32 to vector<16xi32>
        %mul3A_190 = arith.muli %get3A_172, %mul3A_189 : vector<16xi32>
        %add3A_191 = arith.addi %mul3A_190, %get3A_177 : vector<16xi32>
        %swap3A_192 = arith.index_cast %scan3A_94 : i32 to index
        %swap3A_193 = arith.constant 32 : index
        %swap3A_194 = tpu.vector_load %arg12[%swap3A_192, %swap3A_193] {strides = array<i32>} : memref<25x80xi32, #tpu.memory_space<vmem>>, vector<1x16xi32>,
        %swap3A_195 = vector.shape_cast %swap3A_194 : vector<1x16xi32> to vector<16xi32>
        %swap3A_196 = vector.shape_cast %add3A_191 : vector<16xi32> to vector<1x16xi32>
        tpu.vector_store %arg12[%swap3A_192, %swap3A_193], %swap3A_196 {strides = array<i32>} : memref<25x80xi32, #tpu.memory_space<vmem>>, vector<1x16xi32>,
        %add3A_197 = arith.constant 48 : i32
        %add3A_198 = arith.addi %mul3A_96, %add3A_197 : i32
        %get3A_199 = arith.index_cast %add3A_198 : i32 to index
        %get3A_200 = tpu.vector_load %arg8[%get3A_199] {strides = array<i32>} : memref<2000xi32, #tpu.memory_space<vmem>>, vector<16xi32>,
        %get3A_201 = vector.shape_cast %get3A_200 : vector<16xi32> to vector<16xi32>
        %add3A_202 = arith.constant 48 : i32
        %add3A_203 = arith.addi %mul3A_96, %add3A_202 : i32
        %get3A_204 = arith.index_cast %add3A_203 : i32 to index
        %get3A_205 = tpu.vector_load %arg9[%get3A_204] {strides = array<i32>} : memref<2000xi32, #tpu.memory_space<vmem>>, vector<16xi32>,
        %get3A_206 = vector.shape_cast %get3A_205 : vector<16xi32> to vector<16xi32>
        %add3A_207 = arith.constant 48 : i32
        %add3A_208 = arith.addi %mul3A_96, %add3A_207 : i32
        %get3A_209 = arith.index_cast %add3A_208 : i32 to index
        %get3A_210 = tpu.vector_load %arg10[%get3A_209] {strides = array<i32>} : memref<2000xi32, #tpu.memory_space<vmem>>, vector<16xi32>,
        %get3A_211 = vector.shape_cast %get3A_210 : vector<16xi32> to vector<16xi32>
        %mul3A_212 = arith.constant 4 : i32
        %mul3A_213 = vector.broadcast %mul3A_212 : i32 to vector<16xi32>
        %mul3A_214 = arith.muli %get3A_201, %mul3A_213 : vector<16xi32>
        %add3A_215 = vector.broadcast %add3A_10 : i32 to vector<16xi32>
        %add3A_216 = arith.addi %mul3A_214, %add3A_215 : vector<16xi32>
        %swap3A_217 = arith.index_cast %scan3A_94 : i32 to index
        %swap3A_218 = arith.constant 48 : index
        %swap3A_219 = tpu.vector_load %arg11[%swap3A_217, %swap3A_218] {strides = array<i32>} : memref<25x80xi32, #tpu.memory_space<vmem>>, vector<1x16xi32>,
        %swap3A_220 = vector.shape_cast %swap3A_219 : vector<1x16xi32> to vector<16xi32>
        %swap3A_221 = vector.shape_cast %add3A_216 : vector<16xi32> to vector<1x16xi32>
        tpu.vector_store %arg11[%swap3A_217, %swap3A_218], %swap3A_221 {strides = array<i32>} : memref<25x80xi32, #tpu.memory_space<vmem>>, vector<1x16xi32>,
        %mul3A_222 = arith.constant 4 : i32
        %mul3A_223 = vector.broadcast %mul3A_222 : i32 to vector<16xi32>
        %mul3A_224 = arith.muli %get3A_206, %mul3A_223 : vector<16xi32>
        %add3A_225 = arith.addi %mul3A_224, %get3A_211 : vector<16xi32>
        %swap3A_226 = arith.index_cast %scan3A_94 : i32 to index
        %swap3A_227 = arith.constant 48 : index
        %swap3A_228 = tpu.vector_load %arg12[%swap3A_226, %swap3A_227] {strides = array<i32>} : memref<25x80xi32, #tpu.memory_space<vmem>>, vector<1x16xi32>,
        %swap3A_229 = vector.shape_cast %swap3A_228 : vector<1x16xi32> to vector<16xi32>
        %swap3A_230 = vector.shape_cast %add3A_225 : vector<16xi32> to vector<1x16xi32>
        tpu.vector_store %arg12[%swap3A_226, %swap3A_227], %swap3A_230 {strides = array<i32>} : memref<25x80xi32, #tpu.memory_space<vmem>>, vector<1x16xi32>,
        %add3A_231 = arith.constant 64 : i32
        %add3A_232 = arith.addi %mul3A_96, %add3A_231 : i32
        %get3A_233 = arith.index_cast %add3A_232 : i32 to index
        %get3A_234 = tpu.vector_load %arg8[%get3A_233] {strides = array<i32>} : memref<2000xi32, #tpu.memory_space<vmem>>, vector<16xi32>,
        %get3A_235 = vector.shape_cast %get3A_234 : vector<16xi32> to vector<16xi32>
        %add3A_236 = arith.constant 64 : i32
        %add3A_237 = arith.addi %mul3A_96, %add3A_236 : i32
        %get3A_238 = arith.index_cast %add3A_237 : i32 to index
        %get3A_239 = tpu.vector_load %arg9[%get3A_238] {strides = array<i32>} : memref<2000xi32, #tpu.memory_space<vmem>>, vector<16xi32>,
        %get3A_240 = vector.shape_cast %get3A_239 : vector<16xi32> to vector<16xi32>
        %add3A_241 = arith.constant 64 : i32
        %add3A_242 = arith.addi %mul3A_96, %add3A_241 : i32
        %get3A_243 = arith.index_cast %add3A_242 : i32 to index
        %get3A_244 = tpu.vector_load %arg10[%get3A_243] {strides = array<i32>} : memref<2000xi32, #tpu.memory_space<vmem>>, vector<16xi32>,
        %get3A_245 = vector.shape_cast %get3A_244 : vector<16xi32> to vector<16xi32>
        %mul3A_246 = arith.constant 4 : i32
        %mul3A_247 = vector.broadcast %mul3A_246 : i32 to vector<16xi32>
        %mul3A_248 = arith.muli %get3A_235, %mul3A_247 : vector<16xi32>
        %add3A_249 = vector.broadcast %add3A_10 : i32 to vector<16xi32>
        %add3A_250 = arith.addi %mul3A_248, %add3A_249 : vector<16xi32>
        %swap3A_251 = arith.index_cast %scan3A_94 : i32 to index
        %swap3A_252 = arith.constant 64 : index
        %swap3A_253 = tpu.vector_load %arg11[%swap3A_251, %swap3A_252] {strides = array<i32>} : memref<25x80xi32, #tpu.memory_space<vmem>>, vector<1x16xi32>,
        %swap3A_254 = vector.shape_cast %swap3A_253 : vector<1x16xi32> to vector<16xi32>
        %swap3A_255 = vector.shape_cast %add3A_250 : vector<16xi32> to vector<1x16xi32>
        tpu.vector_store %arg11[%swap3A_251, %swap3A_252], %swap3A_255 {strides = array<i32>} : memref<25x80xi32, #tpu.memory_space<vmem>>, vector<1x16xi32>,
        %mul3A_256 = arith.constant 4 : i32
        %mul3A_257 = vector.broadcast %mul3A_256 : i32 to vector<16xi32>
        %mul3A_258 = arith.muli %get3A_240, %mul3A_257 : vector<16xi32>
        %add3A_259 = arith.addi %mul3A_258, %get3A_245 : vector<16xi32>
        %swap3A_260 = arith.index_cast %scan3A_94 : i32 to index
        %swap3A_261 = arith.constant 64 : index
        %swap3A_262 = tpu.vector_load %arg12[%swap3A_260, %swap3A_261] {strides = array<i32>} : memref<25x80xi32, #tpu.memory_space<vmem>>, vector<1x16xi32>,
        %swap3A_263 = vector.shape_cast %swap3A_262 : vector<1x16xi32> to vector<16xi32>
        %swap3A_264 = vector.shape_cast %add3A_259 : vector<16xi32> to vector<1x16xi32>
        tpu.vector_store %arg12[%swap3A_260, %swap3A_261], %swap3A_264 {strides = array<i32>} : memref<25x80xi32, #tpu.memory_space<vmem>>, vector<1x16xi32>,
      }
      %scan3A_75 = arith.constant 25 : i32
      %scan3A_76 = arith.constant 0 : i32
      %scan3A_77 = arith.constant 0 : i32
      %scan3A_78 = arith.constant 14 : i32
      %scan3A_79 = arith.addi %scan3A_77, %scan3A_78 : i32
      %scan3A_80 = arith.constant 1 : i32
      scf.for %scan3A_94 = %scan3A_77 to %scan3A_79 step %scan3A_80  : i32 {
        %dma_start3A_95 = arith.constant 0 : i32
        %dma_start3A_96 = arith.constant 0 : i32
        %dma_start3A_97 = tpu.memref_slice %arg13[%scan3A_94, %dma_start3A_95, %dma_start3A_96] : memref<14x80x32xbf16, #tpu.memory_space<vmem>> -> memref<1x80x32xbf16, #tpu.memory_space<vmem>>
        %dma_start3A_98 = tpu.memref_squeeze %dma_start3A_97 : memref<1x80x32xbf16, #tpu.memory_space<vmem>> -> memref<80x32xbf16, #tpu.memory_space<vmem>>
        %dma_start3A_99 = arith.constant 0 : i32
        %dma_start3A_100 = tpu.memref_slice %arg11[%scan3A_94, %dma_start3A_99] : memref<25x80xi32, #tpu.memory_space<vmem>> -> memref<1x80xi32, #tpu.memory_space<vmem>>
        %dma_start3A_101 = tpu.memref_squeeze %dma_start3A_100 : memref<1x80xi32, #tpu.memory_space<vmem>> -> memref<80xi32, #tpu.memory_space<vmem>>
        %dma_start3A_102 = arith.constant 0 : i32
        %dma_start3A_103 = arith.constant 0 : i32
        %dma_start3A_104 = tpu.memref_slice %arg5[%dma_start3A_102, %dma_start3A_103] : memref<40000x32xbf16, #tpu.memory_space<hbm>> -> memref<40000x32xbf16, #tpu.memory_space<hbm>>
        tpu.enqueue_indirect_dma source(%dma_start3A_104 : memref<40000x32xbf16, #tpu.memory_space<hbm>>) target(%dma_start3A_98 : memref<80x32xbf16, #tpu.memory_space<vmem>>) offsets(%dma_start3A_101 : memref<80xi32, #tpu.memory_space<vmem>>) semaphore(%arg15 : memref<!tpu.dma_semaphore, #tpu.memory_space<semaphore_mem>>)
      }
      %scan3A_81 = arith.constant 14 : i32
      %scan3A_82 = arith.constant 0 : i32
      %scan3A_83 = arith.constant 0 : i32
      %scan3A_84 = arith.constant 25 : i32
      %scan3A_85 = arith.addi %scan3A_83, %scan3A_84 : i32
      %scan3A_86 = arith.constant 1 : i32
      scf.for %scan3A_94 = %scan3A_83 to %scan3A_85 step %scan3A_86  : i32 {
        %rem3A = arith.constant 14 : i32
        %rem3A_95 = arith.remsi %scan3A_94, %rem3A : i32
        %dma_wait3A_96 = arith.constant 0 : i32
        %dma_wait3A_97 = arith.constant 0 : i32
        %dma_wait3A_98 = tpu.memref_slice %arg13[%rem3A_95, %dma_wait3A_96, %dma_wait3A_97] : memref<14x80x32xbf16, #tpu.memory_space<vmem>> -> memref<1x80x32xbf16, #tpu.memory_space<vmem>>
        %dma_wait3A_99 = tpu.memref_squeeze %dma_wait3A_98 : memref<1x80x32xbf16, #tpu.memory_space<vmem>> -> memref<80x32xbf16, #tpu.memory_space<vmem>>
        %dma_wait3A_100 = arith.constant 0 : i32
        %dma_wait3A_101 = tpu.memref_slice %arg11[%scan3A_94, %dma_wait3A_100] : memref<25x80xi32, #tpu.memory_space<vmem>> -> memref<1x80xi32, #tpu.memory_space<vmem>>
        %dma_wait3A_102 = tpu.memref_squeeze %dma_wait3A_101 : memref<1x80xi32, #tpu.memory_space<vmem>> -> memref<80xi32, #tpu.memory_space<vmem>>
        %dma_wait3A_103 = arith.constant 0 : i32
        %dma_wait3A_104 = arith.constant 0 : i32
        %dma_wait3A_105 = tpu.memref_slice %arg5[%dma_wait3A_103, %dma_wait3A_104] : memref<40000x32xbf16, #tpu.memory_space<hbm>> -> memref<40000x32xbf16, #tpu.memory_space<hbm>>
        tpu.wait_indirect_dma semaphore(%arg15 : memref<!tpu.dma_semaphore, #tpu.memory_space<semaphore_mem>>) src(%dma_wait3A_105 : memref<40000x32xbf16, #tpu.memory_space<hbm>>) dst(%dma_wait3A_99 : memref<80x32xbf16, #tpu.memory_space<vmem>>)
        %dma_start3A_106 = arith.constant 0 : i32
        %dma_start3A_107 = arith.constant 0 : i32
        %dma_start3A_108 = tpu.memref_slice %arg13[%rem3A_95, %dma_start3A_106, %dma_start3A_107] : memref<14x80x32xbf16, #tpu.memory_space<vmem>> -> memref<1x80x32xbf16, #tpu.memory_space<vmem>>
        %dma_start3A_109 = tpu.memref_squeeze %dma_start3A_108 : memref<1x80x32xbf16, #tpu.memory_space<vmem>> -> memref<80x32xbf16, #tpu.memory_space<vmem>>
        %dma_start3A_110 = arith.constant 0 : i32
        %dma_start3A_111 = tpu.memref_slice %arg12[%scan3A_94, %dma_start3A_110] : memref<25x80xi32, #tpu.memory_space<vmem>> -> memref<1x80xi32, #tpu.memory_space<vmem>>
        %dma_start3A_112 = tpu.memref_squeeze %dma_start3A_111 : memref<1x80xi32, #tpu.memory_space<vmem>> -> memref<80xi32, #tpu.memory_space<vmem>>
        %dma_start3A_113 = arith.constant 0 : i32
        %dma_start3A_114 = arith.constant 0 : i32
        %dma_start3A_115 = tpu.memref_slice %arg7[%dma_start3A_113, %dma_start3A_114] : memref<40000x32xbf16, #tpu.memory_space<vmem_shared>> -> memref<40000x32xbf16, #tpu.memory_space<vmem_shared>>
        tpu.enqueue_indirect_dma source(%dma_start3A_109 : memref<80x32xbf16, #tpu.memory_space<vmem>>) target(%dma_start3A_115 : memref<40000x32xbf16, #tpu.memory_space<vmem_shared>>) offsets(%dma_start3A_112 : memref<80xi32, #tpu.memory_space<vmem>>) semaphore(%arg16 : memref<!tpu.dma_semaphore, #tpu.memory_space<semaphore_mem>>) {add = true}
        %ge3A = arith.constant 6 : i32
        %ge3A_116 = arith.cmpi sge, %scan3A_94, %ge3A : i32
        %convert_element_type3A = arith.extui %ge3A_116 : i1 to i32
        %cond3A = arith.constant 0 : i32
        %cond3A_117 = arith.cmpi ne, %convert_element_type3A, %cond3A : i32
        scf.if %cond3A_117 {
          %sub3A = arith.constant 6 : i32
          %sub3A_118 = arith.subi %scan3A_94, %sub3A : i32
          %rem3A_119 = arith.constant 14 : i32
          %rem3A_120 = arith.remsi %sub3A_118, %rem3A_119 : i32
          %dma_wait3A_121 = arith.constant 0 : i32
          %dma_wait3A_122 = arith.constant 0 : i32
          %dma_wait3A_123 = tpu.memref_slice %arg13[%rem3A_120, %dma_wait3A_121, %dma_wait3A_122] : memref<14x80x32xbf16, #tpu.memory_space<vmem>> -> memref<1x80x32xbf16, #tpu.memory_space<vmem>>
          %dma_wait3A_124 = tpu.memref_squeeze %dma_wait3A_123 : memref<1x80x32xbf16, #tpu.memory_space<vmem>> -> memref<80x32xbf16, #tpu.memory_space<vmem>>
          %dma_wait3A_125 = arith.constant 0 : i32
          %dma_wait3A_126 = tpu.memref_slice %arg12[%sub3A_118, %dma_wait3A_125] : memref<25x80xi32, #tpu.memory_space<vmem>> -> memref<1x80xi32, #tpu.memory_space<vmem>>
          %dma_wait3A_127 = tpu.memref_squeeze %dma_wait3A_126 : memref<1x80xi32, #tpu.memory_space<vmem>> -> memref<80xi32, #tpu.memory_space<vmem>>
          %dma_wait3A_128 = arith.constant 0 : i32
          %dma_wait3A_129 = arith.constant 0 : i32
          %dma_wait3A_130 = tpu.memref_slice %arg7[%dma_wait3A_128, %dma_wait3A_129] : memref<40000x32xbf16, #tpu.memory_space<vmem_shared>> -> memref<40000x32xbf16, #tpu.memory_space<vmem_shared>>
          tpu.wait_indirect_dma semaphore(%arg16 : memref<!tpu.dma_semaphore, #tpu.memory_space<semaphore_mem>>) src(%dma_wait3A_124 : memref<80x32xbf16, #tpu.memory_space<vmem>>) dst(%dma_wait3A_130 : memref<40000x32xbf16, #tpu.memory_space<vmem_shared>>)
          %add3A_131 = arith.constant 14 : i32
          %add3A_132 = arith.addi %sub3A_118, %add3A_131 : i32
          %lt3A = arith.constant 25 : i32
          %lt3A_133 = arith.cmpi slt, %add3A_132, %lt3A : i32
          %convert_element_type3A_134 = arith.extui %lt3A_133 : i1 to i32
          %cond3A_135 = arith.constant 0 : i32
          %cond3A_136 = arith.cmpi ne, %convert_element_type3A_134, %cond3A_135 : i32
          scf.if %cond3A_136 {
            %add3A_137 = arith.constant 14 : i32
            %add3A_138 = arith.addi %sub3A_118, %add3A_137 : i32
            %rem3A_139 = arith.constant 14 : i32
            %rem3A_140 = arith.remsi %add3A_138, %rem3A_139 : i32
            %dma_start3A_141 = arith.constant 0 : i32
            %dma_start3A_142 = arith.constant 0 : i32
            %dma_start3A_143 = tpu.memref_slice %arg13[%rem3A_140, %dma_start3A_141, %dma_start3A_142] : memref<14x80x32xbf16, #tpu.memory_space<vmem>> -> memref<1x80x32xbf16, #tpu.memory_space<vmem>>
            %dma_start3A_144 = tpu.memref_squeeze %dma_start3A_143 : memref<1x80x32xbf16, #tpu.memory_space<vmem>> -> memref<80x32xbf16, #tpu.memory_space<vmem>>
            %dma_start3A_145 = arith.constant 0 : i32
            %dma_start3A_146 = tpu.memref_slice %arg11[%add3A_138, %dma_start3A_145] : memref<25x80xi32, #tpu.memory_space<vmem>> -> memref<1x80xi32, #tpu.memory_space<vmem>>
            %dma_start3A_147 = tpu.memref_squeeze %dma_start3A_146 : memref<1x80xi32, #tpu.memory_space<vmem>> -> memref<80xi32, #tpu.memory_space<vmem>>
            %dma_start3A_148 = arith.constant 0 : i32
            %dma_start3A_149 = arith.constant 0 : i32
            %dma_start3A_150 = tpu.memref_slice %arg5[%dma_start3A_148, %dma_start3A_149] : memref<40000x32xbf16, #tpu.memory_space<hbm>> -> memref<40000x32xbf16, #tpu.memory_space<hbm>>
            tpu.enqueue_indirect_dma source(%dma_start3A_150 : memref<40000x32xbf16, #tpu.memory_space<hbm>>) target(%dma_start3A_144 : memref<80x32xbf16, #tpu.memory_space<vmem>>) offsets(%dma_start3A_147 : memref<80xi32, #tpu.memory_space<vmem>>) semaphore(%arg15 : memref<!tpu.dma_semaphore, #tpu.memory_space<semaphore_mem>>)
          } else {
          }
        } else {
        }
      }
      %scan3A_87 = arith.constant 25 : i32
      %scan3A_88 = arith.constant 0 : i32
      %scan3A_89 = arith.constant 0 : i32
      %scan3A_90 = arith.constant 6 : i32
      %scan3A_91 = arith.addi %scan3A_89, %scan3A_90 : i32
      %scan3A_92 = arith.constant 1 : i32
      scf.for %scan3A_94 = %scan3A_89 to %scan3A_91 step %scan3A_92  : i32 {
        %add3A_95 = arith.constant 19 : i32
        %add3A_96 = arith.addi %add3A_95, %scan3A_94 : i32
        %rem3A = arith.constant 14 : i32
        %rem3A_97 = arith.remsi %add3A_96, %rem3A : i32
        %dma_wait3A_98 = arith.constant 0 : i32
        %dma_wait3A_99 = arith.constant 0 : i32
        %dma_wait3A_100 = tpu.memref_slice %arg13[%rem3A_97, %dma_wait3A_98, %dma_wait3A_99] : memref<14x80x32xbf16, #tpu.memory_space<vmem>> -> memref<1x80x32xbf16, #tpu.memory_space<vmem>>
        %dma_wait3A_101 = tpu.memref_squeeze %dma_wait3A_100 : memref<1x80x32xbf16, #tpu.memory_space<vmem>> -> memref<80x32xbf16, #tpu.memory_space<vmem>>
        %dma_wait3A_102 = arith.constant 0 : i32
        %dma_wait3A_103 = tpu.memref_slice %arg12[%add3A_96, %dma_wait3A_102] : memref<25x80xi32, #tpu.memory_space<vmem>> -> memref<1x80xi32, #tpu.memory_space<vmem>>
        %dma_wait3A_104 = tpu.memref_squeeze %dma_wait3A_103 : memref<1x80xi32, #tpu.memory_space<vmem>> -> memref<80xi32, #tpu.memory_space<vmem>>
        %dma_wait3A_105 = arith.constant 0 : i32
        %dma_wait3A_106 = arith.constant 0 : i32
        %dma_wait3A_107 = tpu.memref_slice %arg7[%dma_wait3A_105, %dma_wait3A_106] : memref<40000x32xbf16, #tpu.memory_space<vmem_shared>> -> memref<40000x32xbf16, #tpu.memory_space<vmem_shared>>
        tpu.wait_indirect_dma semaphore(%arg16 : memref<!tpu.dma_semaphore, #tpu.memory_space<semaphore_mem>>) src(%dma_wait3A_101 : memref<80x32xbf16, #tpu.memory_space<vmem>>) dst(%dma_wait3A_107 : memref<40000x32xbf16, #tpu.memory_space<vmem_shared>>)
      }
      %scan3A_93 = arith.constant 6 : i32
    }
    %scan3A_28 = arith.constant 10 : i32
    %barrier3A_29 = arith.constant 0 : index
    tpu.barrier barrier_id(%barrier3A_29)
    "tpu.region"() ({
      %run_scoped3A = tpu.sem_alloc : memref<!tpu.dma_semaphore, #tpu.memory_space<semaphore_mem>>
      %dma_start3A = arith.constant 0 : i32
      %dma_start3A_56 = tpu.memref_slice %arg6[%add3A_10, %mul3A_2, %dma_start3A] : memref<4x40000x32xbf16, #tpu.memory_space<hbm>> -> memref<1x2500x32xbf16, #tpu.memory_space<hbm>>
      %dma_start3A_57 = tpu.memref_squeeze %dma_start3A_56 : memref<1x2500x32xbf16, #tpu.memory_space<hbm>> -> memref<2500x32xbf16, #tpu.memory_space<hbm>>
      %dma_start3A_58 = arith.constant 0 : i32
      %dma_start3A_59 = tpu.memref_slice %arg7[%mul3A_2, %dma_start3A_58] : memref<40000x32xbf16, #tpu.memory_space<vmem_shared>> -> memref<2500x32xbf16, #tpu.memory_space<vmem_shared>>
      tpu.enqueue_dma source(%dma_start3A_59 : memref<2500x32xbf16, #tpu.memory_space<vmem_shared>>) target(%dma_start3A_57 : memref<2500x32xbf16, #tpu.memory_space<hbm>>) target_semaphore(%run_scoped3A : memref<!tpu.dma_semaphore, #tpu.memory_space<semaphore_mem>>)
      %dma_wait3A = arith.constant 0 : i32
      %dma_wait3A_60 = tpu.memref_slice %arg6[%add3A_10, %mul3A_2, %dma_wait3A] : memref<4x40000x32xbf16, #tpu.memory_space<hbm>> -> memref<1x2500x32xbf16, #tpu.memory_space<hbm>>
      %dma_wait3A_61 = tpu.memref_squeeze %dma_wait3A_60 : memref<1x2500x32xbf16, #tpu.memory_space<hbm>> -> memref<2500x32xbf16, #tpu.memory_space<hbm>>
      %dma_wait3A_62 = arith.constant 0 : i32
      %dma_wait3A_63 = tpu.memref_slice %arg7[%mul3A_2, %dma_wait3A_62] : memref<40000x32xbf16, #tpu.memory_space<vmem_shared>> -> memref<2500x32xbf16, #tpu.memory_space<vmem_shared>>
      tpu.wait_dma2 semaphore(%run_scoped3A : memref<!tpu.dma_semaphore, #tpu.memory_space<semaphore_mem>>) src(%dma_wait3A_63 : memref<2500x32xbf16, #tpu.memory_space<vmem_shared>>) dst(%dma_wait3A_61 : memref<2500x32xbf16, #tpu.memory_space<hbm>>)
      tpu.yield
    }) : () -> ()
    %barrier3A_30 = arith.constant 0 : index
    tpu.barrier barrier_id(%barrier3A_30)
    %mul3A_31 = arith.constant 2 : i32
    %mul3A_32 = arith.muli %arg0, %mul3A_31 : i32
    %add3A_33 = arith.constant 1 : i32
    %add3A_34 = arith.addi %mul3A_32, %add3A_33 : i32
    %scan3A_35 = arith.constant 0 : i32
    %scan3A_36 = arith.constant 0 : i32
    %scan3A_37 = arith.constant 25 : i32
    %scan3A_38 = arith.addi %scan3A_36, %scan3A_37 : i32
    %scan3A_39 = arith.constant 1 : i32
    scf.for %scan3A_56 = %scan3A_36 to %scan3A_38 step %scan3A_39  : i32 {
      %mul3A_57 = arith.constant 100 : i32
      %mul3A_58 = arith.muli %scan3A_56, %mul3A_57 : i32
      %add3A_59 = arith.addi %mul3A_2, %mul3A_58 : i32
      %dma_start3A = arith.constant 0 : i32
      %dma_start3A_60 = tpu.memref_slice %arg7[%add3A_59, %dma_start3A] : memref<40000x32xbf16, #tpu.memory_space<vmem_shared>> -> memref<100x32xbf16, #tpu.memory_space<vmem_shared>>
      %dma_start3A_61 = arith.constant 0 : i32
      %dma_start3A_62 = tpu.memref_slice %arg7[%add3A_59, %dma_start3A_61] : memref<40000x32xbf16, #tpu.memory_space<vmem_shared>> -> memref<100x32xbf16, #tpu.memory_space<vmem_shared>>
      tpu.enqueue_dma source(%arg14 : memref<100x32xbf16, #tpu.memory_space<vmem>>) target(%dma_start3A_62 : memref<100x32xbf16, #tpu.memory_space<vmem_shared>>) target_semaphore(%arg16 : memref<!tpu.dma_semaphore, #tpu.memory_space<semaphore_mem>>)
    }
    %scan3A_40 = arith.constant 25 : i32
    %scan3A_41 = arith.constant 0 : i32
    %scan3A_42 = arith.constant 0 : i32
    %scan3A_43 = arith.constant 25 : i32
    %scan3A_44 = arith.addi %scan3A_42, %scan3A_43 : i32
    %scan3A_45 = arith.constant 1 : i32
    scf.for %scan3A_56 = %scan3A_42 to %scan3A_44 step %scan3A_45  : i32 {
      %mul3A_57 = arith.constant 100 : i32
      %mul3A_58 = arith.muli %scan3A_56, %mul3A_57 : i32
      %add3A_59 = arith.addi %mul3A_2, %mul3A_58 : i32
      %dma_wait3A = arith.constant 0 : i32
      %dma_wait3A_60 = tpu.memref_slice %arg7[%add3A_59, %dma_wait3A] : memref<40000x32xbf16, #tpu.memory_space<vmem_shared>> -> memref<100x32xbf16, #tpu.memory_space<vmem_shared>>
      %dma_wait3A_61 = arith.constant 0 : i32
      %dma_wait3A_62 = tpu.memref_slice %arg7[%add3A_59, %dma_wait3A_61] : memref<40000x32xbf16, #tpu.memory_space<vmem_shared>> -> memref<100x32xbf16, #tpu.memory_space<vmem_shared>>
      tpu.wait_dma2 semaphore(%arg16 : memref<!tpu.dma_semaphore, #tpu.memory_space<semaphore_mem>>) src(%arg14 : memref<100x32xbf16, #tpu.memory_space<vmem>>) dst(%dma_wait3A_62 : memref<100x32xbf16, #tpu.memory_space<vmem_shared>>)
    }
    %scan3A_46 = arith.constant 25 : i32
    %barrier3A_47 = arith.constant 0 : index
    tpu.barrier barrier_id(%barrier3A_47)
    %scan3A_48 = arith.constant 0 : i32
    %scan3A_49 = arith.constant 0 : i32
    %scan3A_50 = arith.constant 10 : i32
    %scan3A_51 = arith.addi %scan3A_49, %scan3A_50 : i32
    %scan3A_52 = arith.constant 1 : i32
    scf.for %scan3A_56 = %scan3A_49 to %scan3A_51 step %scan3A_52  : i32 {
      %mul3A_57 = arith.constant 2000 : i32
      %mul3A_58 = arith.muli %scan3A_56, %mul3A_57 : i32
      %add3A_59 = arith.addi %mul3A_0, %mul3A_58 : i32
      %dma_start3A = tpu.memref_slice %arg2[%add3A_59] : memref<320000xi32, #tpu.memory_space<hbm>> -> memref<2000xi32, #tpu.memory_space<hbm>>
      %dma_start3A_60 = tpu.memref_slice %arg2[%add3A_59] : memref<320000xi32, #tpu.memory_space<hbm>> -> memref<2000xi32, #tpu.memory_space<hbm>>
      tpu.enqueue_dma source(%dma_start3A_60 : memref<2000xi32, #tpu.memory_space<hbm>>) target(%arg8 : memref<2000xi32, #tpu.memory_space<vmem>>) target_semaphore(%arg15 : memref<!tpu.dma_semaphore, #tpu.memory_space<semaphore_mem>>)
      %dma_start3A_61 = tpu.memref_slice %arg3[%add3A_59] : memref<320000xi32, #tpu.memory_space<hbm>> -> memref<2000xi32, #tpu.memory_space<hbm>>
      %dma_start3A_62 = tpu.memref_slice %arg3[%add3A_59] : memref<320000xi32, #tpu.memory_space<hbm>> -> memref<2000xi32, #tpu.memory_space<hbm>>
      tpu.enqueue_dma source(%dma_start3A_62 : memref<2000xi32, #tpu.memory_space<hbm>>) target(%arg9 : memref<2000xi32, #tpu.memory_space<vmem>>) target_semaphore(%arg15 : memref<!tpu.dma_semaphore, #tpu.memory_space<semaphore_mem>>)
      %dma_start3A_63 = tpu.memref_slice %arg4[%add3A_59] : memref<320000xi32, #tpu.memory_space<hbm>> -> memref<2000xi32, #tpu.memory_space<hbm>>
      %dma_start3A_64 = tpu.memref_slice %arg4[%add3A_59] : memref<320000xi32, #tpu.memory_space<hbm>> -> memref<2000xi32, #tpu.memory_space<hbm>>
      tpu.enqueue_dma source(%dma_start3A_64 : memref<2000xi32, #tpu.memory_space<hbm>>) target(%arg10 : memref<2000xi32, #tpu.memory_space<vmem>>) target_semaphore(%arg15 : memref<!tpu.dma_semaphore, #tpu.memory_space<semaphore_mem>>)
      %dma_wait3A = tpu.memref_slice %arg2[%add3A_59] : memref<320000xi32, #tpu.memory_space<hbm>> -> memref<2000xi32, #tpu.memory_space<hbm>>
      %dma_wait3A_65 = tpu.memref_slice %arg2[%add3A_59] : memref<320000xi32, #tpu.memory_space<hbm>> -> memref<2000xi32, #tpu.memory_space<hbm>>
      tpu.wait_dma2 semaphore(%arg15 : memref<!tpu.dma_semaphore, #tpu.memory_space<semaphore_mem>>) src(%dma_wait3A_65 : memref<2000xi32, #tpu.memory_space<hbm>>) dst(%arg8 : memref<2000xi32, #tpu.memory_space<vmem>>)
      %dma_wait3A_66 = tpu.memref_slice %arg3[%add3A_59] : memref<320000xi32, #tpu.memory_space<hbm>> -> memref<2000xi32, #tpu.memory_space<hbm>>
      %dma_wait3A_67 = tpu.memref_slice %arg3[%add3A_59] : memref<320000xi32, #tpu.memory_space<hbm>> -> memref<2000xi32, #tpu.memory_space<hbm>>
      tpu.wait_dma2 semaphore(%arg15 : memref<!tpu.dma_semaphore, #tpu.memory_space<semaphore_mem>>) src(%dma_wait3A_67 : memref<2000xi32, #tpu.memory_space<hbm>>) dst(%arg9 : memref<2000xi32, #tpu.memory_space<vmem>>)
      %dma_wait3A_68 = tpu.memref_slice %arg4[%add3A_59] : memref<320000xi32, #tpu.memory_space<hbm>> -> memref<2000xi32, #tpu.memory_space<hbm>>
      %dma_wait3A_69 = tpu.memref_slice %arg4[%add3A_59] : memref<320000xi32, #tpu.memory_space<hbm>> -> memref<2000xi32, #tpu.memory_space<hbm>>
      tpu.wait_dma2 semaphore(%arg15 : memref<!tpu.dma_semaphore, #tpu.memory_space<semaphore_mem>>) src(%dma_wait3A_69 : memref<2000xi32, #tpu.memory_space<hbm>>) dst(%arg10 : memref<2000xi32, #tpu.memory_space<vmem>>)
      %scan3A_70 = arith.constant 0 : i32
      %scan3A_71 = arith.constant 0 : i32
      %scan3A_72 = arith.constant 25 : i32
      %scan3A_73 = arith.addi %scan3A_71, %scan3A_72 : i32
      %scan3A_74 = arith.constant 1 : i32
      scf.for %scan3A_94 = %scan3A_71 to %scan3A_73 step %scan3A_74  : i32 {
        %mul3A_95 = arith.constant 80 : i32
        %mul3A_96 = arith.muli %scan3A_94, %mul3A_95 : i32
        %add3A_97 = arith.constant 0 : i32
        %add3A_98 = arith.addi %mul3A_96, %add3A_97 : i32
        %get3A = arith.index_cast %add3A_98 : i32 to index
        %get3A_99 = tpu.vector_load %arg8[%get3A] {strides = array<i32>} : memref<2000xi32, #tpu.memory_space<vmem>>, vector<16xi32>,
        %get3A_100 = vector.shape_cast %get3A_99 : vector<16xi32> to vector<16xi32>
        %add3A_101 = arith.constant 0 : i32
        %add3A_102 = arith.addi %mul3A_96, %add3A_101 : i32
        %get3A_103 = arith.index_cast %add3A_102 : i32 to index
        %get3A_104 = tpu.vector_load %arg9[%get3A_103] {strides = array<i32>} : memref<2000xi32, #tpu.memory_space<vmem>>, vector<16xi32>,
        %get3A_105 = vector.shape_cast %get3A_104 : vector<16xi32> to vector<16xi32>
        %add3A_106 = arith.constant 0 : i32
        %add3A_107 = arith.addi %mul3A_96, %add3A_106 : i32
        %get3A_108 = arith.index_cast %add3A_107 : i32 to index
        %get3A_109 = tpu.vector_load %arg10[%get3A_108] {strides = array<i32>} : memref<2000xi32, #tpu.memory_space<vmem>>, vector<16xi32>,
        %get3A_110 = vector.shape_cast %get3A_109 : vector<16xi32> to vector<16xi32>
        %mul3A_111 = arith.constant 4 : i32
        %mul3A_112 = vector.broadcast %mul3A_111 : i32 to vector<16xi32>
        %mul3A_113 = arith.muli %get3A_100, %mul3A_112 : vector<16xi32>
        %add3A_114 = vector.broadcast %add3A_34 : i32 to vector<16xi32>
        %add3A_115 = arith.addi %mul3A_113, %add3A_114 : vector<16xi32>
        %swap3A = arith.index_cast %scan3A_94 : i32 to index
        %swap3A_116 = arith.constant 0 : index
        %swap3A_117 = tpu.vector_load %arg11[%swap3A, %swap3A_116] {strides = array<i32>} : memref<25x80xi32, #tpu.memory_space<vmem>>, vector<1x16xi32>,
        %swap3A_118 = vector.shape_cast %swap3A_117 : vector<1x16xi32> to vector<16xi32>
        %swap3A_119 = vector.shape_cast %add3A_115 : vector<16xi32> to vector<1x16xi32>
        tpu.vector_store %arg11[%swap3A, %swap3A_116], %swap3A_119 {strides = array<i32>} : memref<25x80xi32, #tpu.memory_space<vmem>>, vector<1x16xi32>,
        %mul3A_120 = arith.constant 4 : i32
        %mul3A_121 = vector.broadcast %mul3A_120 : i32 to vector<16xi32>
        %mul3A_122 = arith.muli %get3A_105, %mul3A_121 : vector<16xi32>
        %add3A_123 = arith.addi %mul3A_122, %get3A_110 : vector<16xi32>
        %swap3A_124 = arith.index_cast %scan3A_94 : i32 to index
        %swap3A_125 = arith.constant 0 : index
        %swap3A_126 = tpu.vector_load %arg12[%swap3A_124, %swap3A_125] {strides = array<i32>} : memref<25x80xi32, #tpu.memory_space<vmem>>, vector<1x16xi32>,
        %swap3A_127 = vector.shape_cast %swap3A_126 : vector<1x16xi32> to vector<16xi32>
        %swap3A_128 = vector.shape_cast %add3A_123 : vector<16xi32> to vector<1x16xi32>
        tpu.vector_store %arg12[%swap3A_124, %swap3A_125], %swap3A_128 {strides = array<i32>} : memref<25x80xi32, #tpu.memory_space<vmem>>, vector<1x16xi32>,
        %add3A_129 = arith.constant 16 : i32
        %add3A_130 = arith.addi %mul3A_96, %add3A_129 : i32
        %get3A_131 = arith.index_cast %add3A_130 : i32 to index
        %get3A_132 = tpu.vector_load %arg8[%get3A_131] {strides = array<i32>} : memref<2000xi32, #tpu.memory_space<vmem>>, vector<16xi32>,
        %get3A_133 = vector.shape_cast %get3A_132 : vector<16xi32> to vector<16xi32>
        %add3A_134 = arith.constant 16 : i32
        %add3A_135 = arith.addi %mul3A_96, %add3A_134 : i32
        %get3A_136 = arith.index_cast %add3A_135 : i32 to index
        %get3A_137 = tpu.vector_load %arg9[%get3A_136] {strides = array<i32>} : memref<2000xi32, #tpu.memory_space<vmem>>, vector<16xi32>,
        %get3A_138 = vector.shape_cast %get3A_137 : vector<16xi32> to vector<16xi32>
        %add3A_139 = arith.constant 16 : i32
        %add3A_140 = arith.addi %mul3A_96, %add3A_139 : i32
        %get3A_141 = arith.index_cast %add3A_140 : i32 to index
        %get3A_142 = tpu.vector_load %arg10[%get3A_141] {strides = array<i32>} : memref<2000xi32, #tpu.memory_space<vmem>>, vector<16xi32>,
        %get3A_143 = vector.shape_cast %get3A_142 : vector<16xi32> to vector<16xi32>
        %mul3A_144 = arith.constant 4 : i32
        %mul3A_145 = vector.broadcast %mul3A_144 : i32 to vector<16xi32>
        %mul3A_146 = arith.muli %get3A_133, %mul3A_145 : vector<16xi32>
        %add3A_147 = vector.broadcast %add3A_34 : i32 to vector<16xi32>
        %add3A_148 = arith.addi %mul3A_146, %add3A_147 : vector<16xi32>
        %swap3A_149 = arith.index_cast %scan3A_94 : i32 to index
        %swap3A_150 = arith.constant 16 : index
        %swap3A_151 = tpu.vector_load %arg11[%swap3A_149, %swap3A_150] {strides = array<i32>} : memref<25x80xi32, #tpu.memory_space<vmem>>, vector<1x16xi32>,
        %swap3A_152 = vector.shape_cast %swap3A_151 : vector<1x16xi32> to vector<16xi32>
        %swap3A_153 = vector.shape_cast %add3A_148 : vector<16xi32> to vector<1x16xi32>
        tpu.vector_store %arg11[%swap3A_149, %swap3A_150], %swap3A_153 {strides = array<i32>} : memref<25x80xi32, #tpu.memory_space<vmem>>, vector<1x16xi32>,
        %mul3A_154 = arith.constant 4 : i32
        %mul3A_155 = vector.broadcast %mul3A_154 : i32 to vector<16xi32>
        %mul3A_156 = arith.muli %get3A_138, %mul3A_155 : vector<16xi32>
        %add3A_157 = arith.addi %mul3A_156, %get3A_143 : vector<16xi32>
        %swap3A_158 = arith.index_cast %scan3A_94 : i32 to index
        %swap3A_159 = arith.constant 16 : index
        %swap3A_160 = tpu.vector_load %arg12[%swap3A_158, %swap3A_159] {strides = array<i32>} : memref<25x80xi32, #tpu.memory_space<vmem>>, vector<1x16xi32>,
        %swap3A_161 = vector.shape_cast %swap3A_160 : vector<1x16xi32> to vector<16xi32>
        %swap3A_162 = vector.shape_cast %add3A_157 : vector<16xi32> to vector<1x16xi32>
        tpu.vector_store %arg12[%swap3A_158, %swap3A_159], %swap3A_162 {strides = array<i32>} : memref<25x80xi32, #tpu.memory_space<vmem>>, vector<1x16xi32>,
        %add3A_163 = arith.constant 32 : i32
        %add3A_164 = arith.addi %mul3A_96, %add3A_163 : i32
        %get3A_165 = arith.index_cast %add3A_164 : i32 to index
        %get3A_166 = tpu.vector_load %arg8[%get3A_165] {strides = array<i32>} : memref<2000xi32, #tpu.memory_space<vmem>>, vector<16xi32>,
        %get3A_167 = vector.shape_cast %get3A_166 : vector<16xi32> to vector<16xi32>
        %add3A_168 = arith.constant 32 : i32
        %add3A_169 = arith.addi %mul3A_96, %add3A_168 : i32
        %get3A_170 = arith.index_cast %add3A_169 : i32 to index
        %get3A_171 = tpu.vector_load %arg9[%get3A_170] {strides = array<i32>} : memref<2000xi32, #tpu.memory_space<vmem>>, vector<16xi32>,
        %get3A_172 = vector.shape_cast %get3A_171 : vector<16xi32> to vector<16xi32>
        %add3A_173 = arith.constant 32 : i32
        %add3A_174 = arith.addi %mul3A_96, %add3A_173 : i32
        %get3A_175 = arith.index_cast %add3A_174 : i32 to index
        %get3A_176 = tpu.vector_load %arg10[%get3A_175] {strides = array<i32>} : memref<2000xi32, #tpu.memory_space<vmem>>, vector<16xi32>,
        %get3A_177 = vector.shape_cast %get3A_176 : vector<16xi32> to vector<16xi32>
        %mul3A_178 = arith.constant 4 : i32
        %mul3A_179 = vector.broadcast %mul3A_178 : i32 to vector<16xi32>
        %mul3A_180 = arith.muli %get3A_167, %mul3A_179 : vector<16xi32>
        %add3A_181 = vector.broadcast %add3A_34 : i32 to vector<16xi32>
        %add3A_182 = arith.addi %mul3A_180, %add3A_181 : vector<16xi32>
        %swap3A_183 = arith.index_cast %scan3A_94 : i32 to index
        %swap3A_184 = arith.constant 32 : index
        %swap3A_185 = tpu.vector_load %arg11[%swap3A_183, %swap3A_184] {strides = array<i32>} : memref<25x80xi32, #tpu.memory_space<vmem>>, vector<1x16xi32>,
        %swap3A_186 = vector.shape_cast %swap3A_185 : vector<1x16xi32> to vector<16xi32>
        %swap3A_187 = vector.shape_cast %add3A_182 : vector<16xi32> to vector<1x16xi32>
        tpu.vector_store %arg11[%swap3A_183, %swap3A_184], %swap3A_187 {strides = array<i32>} : memref<25x80xi32, #tpu.memory_space<vmem>>, vector<1x16xi32>,
        %mul3A_188 = arith.constant 4 : i32
        %mul3A_189 = vector.broadcast %mul3A_188 : i32 to vector<16xi32>
        %mul3A_190 = arith.muli %get3A_172, %mul3A_189 : vector<16xi32>
        %add3A_191 = arith.addi %mul3A_190, %get3A_177 : vector<16xi32>
        %swap3A_192 = arith.index_cast %scan3A_94 : i32 to index
        %swap3A_193 = arith.constant 32 : index
        %swap3A_194 = tpu.vector_load %arg12[%swap3A_192, %swap3A_193] {strides = array<i32>} : memref<25x80xi32, #tpu.memory_space<vmem>>, vector<1x16xi32>,
        %swap3A_195 = vector.shape_cast %swap3A_194 : vector<1x16xi32> to vector<16xi32>
        %swap3A_196 = vector.shape_cast %add3A_191 : vector<16xi32> to vector<1x16xi32>
        tpu.vector_store %arg12[%swap3A_192, %swap3A_193], %swap3A_196 {strides = array<i32>} : memref<25x80xi32, #tpu.memory_space<vmem>>, vector<1x16xi32>,
        %add3A_197 = arith.constant 48 : i32
        %add3A_198 = arith.addi %mul3A_96, %add3A_197 : i32
        %get3A_199 = arith.index_cast %add3A_198 : i32 to index
        %get3A_200 = tpu.vector_load %arg8[%get3A_199] {strides = array<i32>} : memref<2000xi32, #tpu.memory_space<vmem>>, vector<16xi32>,
        %get3A_201 = vector.shape_cast %get3A_200 : vector<16xi32> to vector<16xi32>
        %add3A_202 = arith.constant 48 : i32
        %add3A_203 = arith.addi %mul3A_96, %add3A_202 : i32
        %get3A_204 = arith.index_cast %add3A_203 : i32 to index
        %get3A_205 = tpu.vector_load %arg9[%get3A_204] {strides = array<i32>} : memref<2000xi32, #tpu.memory_space<vmem>>, vector<16xi32>,
        %get3A_206 = vector.shape_cast %get3A_205 : vector<16xi32> to vector<16xi32>
        %add3A_207 = arith.constant 48 : i32
        %add3A_208 = arith.addi %mul3A_96, %add3A_207 : i32
        %get3A_209 = arith.index_cast %add3A_208 : i32 to index
        %get3A_210 = tpu.vector_load %arg10[%get3A_209] {strides = array<i32>} : memref<2000xi32, #tpu.memory_space<vmem>>, vector<16xi32>,
        %get3A_211 = vector.shape_cast %get3A_210 : vector<16xi32> to vector<16xi32>
        %mul3A_212 = arith.constant 4 : i32
        %mul3A_213 = vector.broadcast %mul3A_212 : i32 to vector<16xi32>
        %mul3A_214 = arith.muli %get3A_201, %mul3A_213 : vector<16xi32>
        %add3A_215 = vector.broadcast %add3A_34 : i32 to vector<16xi32>
        %add3A_216 = arith.addi %mul3A_214, %add3A_215 : vector<16xi32>
        %swap3A_217 = arith.index_cast %scan3A_94 : i32 to index
        %swap3A_218 = arith.constant 48 : index
        %swap3A_219 = tpu.vector_load %arg11[%swap3A_217, %swap3A_218] {strides = array<i32>} : memref<25x80xi32, #tpu.memory_space<vmem>>, vector<1x16xi32>,
        %swap3A_220 = vector.shape_cast %swap3A_219 : vector<1x16xi32> to vector<16xi32>
        %swap3A_221 = vector.shape_cast %add3A_216 : vector<16xi32> to vector<1x16xi32>
        tpu.vector_store %arg11[%swap3A_217, %swap3A_218], %swap3A_221 {strides = array<i32>} : memref<25x80xi32, #tpu.memory_space<vmem>>, vector<1x16xi32>,
        %mul3A_222 = arith.constant 4 : i32
        %mul3A_223 = vector.broadcast %mul3A_222 : i32 to vector<16xi32>
        %mul3A_224 = arith.muli %get3A_206, %mul3A_223 : vector<16xi32>
        %add3A_225 = arith.addi %mul3A_224, %get3A_211 : vector<16xi32>
        %swap3A_226 = arith.index_cast %scan3A_94 : i32 to index
        %swap3A_227 = arith.constant 48 : index
        %swap3A_228 = tpu.vector_load %arg12[%swap3A_226, %swap3A_227] {strides = array<i32>} : memref<25x80xi32, #tpu.memory_space<vmem>>, vector<1x16xi32>,
        %swap3A_229 = vector.shape_cast %swap3A_228 : vector<1x16xi32> to vector<16xi32>
        %swap3A_230 = vector.shape_cast %add3A_225 : vector<16xi32> to vector<1x16xi32>
        tpu.vector_store %arg12[%swap3A_226, %swap3A_227], %swap3A_230 {strides = array<i32>} : memref<25x80xi32, #tpu.memory_space<vmem>>, vector<1x16xi32>,
        %add3A_231 = arith.constant 64 : i32
        %add3A_232 = arith.addi %mul3A_96, %add3A_231 : i32
        %get3A_233 = arith.index_cast %add3A_232 : i32 to index
        %get3A_234 = tpu.vector_load %arg8[%get3A_233] {strides = array<i32>} : memref<2000xi32, #tpu.memory_space<vmem>>, vector<16xi32>,
        %get3A_235 = vector.shape_cast %get3A_234 : vector<16xi32> to vector<16xi32>
        %add3A_236 = arith.constant 64 : i32
        %add3A_237 = arith.addi %mul3A_96, %add3A_236 : i32
        %get3A_238 = arith.index_cast %add3A_237 : i32 to index
        %get3A_239 = tpu.vector_load %arg9[%get3A_238] {strides = array<i32>} : memref<2000xi32, #tpu.memory_space<vmem>>, vector<16xi32>,
        %get3A_240 = vector.shape_cast %get3A_239 : vector<16xi32> to vector<16xi32>
        %add3A_241 = arith.constant 64 : i32
        %add3A_242 = arith.addi %mul3A_96, %add3A_241 : i32
        %get3A_243 = arith.index_cast %add3A_242 : i32 to index
        %get3A_244 = tpu.vector_load %arg10[%get3A_243] {strides = array<i32>} : memref<2000xi32, #tpu.memory_space<vmem>>, vector<16xi32>,
        %get3A_245 = vector.shape_cast %get3A_244 : vector<16xi32> to vector<16xi32>
        %mul3A_246 = arith.constant 4 : i32
        %mul3A_247 = vector.broadcast %mul3A_246 : i32 to vector<16xi32>
        %mul3A_248 = arith.muli %get3A_235, %mul3A_247 : vector<16xi32>
        %add3A_249 = vector.broadcast %add3A_34 : i32 to vector<16xi32>
        %add3A_250 = arith.addi %mul3A_248, %add3A_249 : vector<16xi32>
        %swap3A_251 = arith.index_cast %scan3A_94 : i32 to index
        %swap3A_252 = arith.constant 64 : index
        %swap3A_253 = tpu.vector_load %arg11[%swap3A_251, %swap3A_252] {strides = array<i32>} : memref<25x80xi32, #tpu.memory_space<vmem>>, vector<1x16xi32>,
        %swap3A_254 = vector.shape_cast %swap3A_253 : vector<1x16xi32> to vector<16xi32>
        %swap3A_255 = vector.shape_cast %add3A_250 : vector<16xi32> to vector<1x16xi32>
        tpu.vector_store %arg11[%swap3A_251, %swap3A_252], %swap3A_255 {strides = array<i32>} : memref<25x80xi32, #tpu.memory_space<vmem>>, vector<1x16xi32>,
        %mul3A_256 = arith.constant 4 : i32
        %mul3A_257 = vector.broadcast %mul3A_256 : i32 to vector<16xi32>
        %mul3A_258 = arith.muli %get3A_240, %mul3A_257 : vector<16xi32>
        %add3A_259 = arith.addi %mul3A_258, %get3A_245 : vector<16xi32>
        %swap3A_260 = arith.index_cast %scan3A_94 : i32 to index
        %swap3A_261 = arith.constant 64 : index
        %swap3A_262 = tpu.vector_load %arg12[%swap3A_260, %swap3A_261] {strides = array<i32>} : memref<25x80xi32, #tpu.memory_space<vmem>>, vector<1x16xi32>,
        %swap3A_263 = vector.shape_cast %swap3A_262 : vector<1x16xi32> to vector<16xi32>
        %swap3A_264 = vector.shape_cast %add3A_259 : vector<16xi32> to vector<1x16xi32>
        tpu.vector_store %arg12[%swap3A_260, %swap3A_261], %swap3A_264 {strides = array<i32>} : memref<25x80xi32, #tpu.memory_space<vmem>>, vector<1x16xi32>,
      }
      %scan3A_75 = arith.constant 25 : i32
      %scan3A_76 = arith.constant 0 : i32
      %scan3A_77 = arith.constant 0 : i32
      %scan3A_78 = arith.constant 14 : i32
      %scan3A_79 = arith.addi %scan3A_77, %scan3A_78 : i32
      %scan3A_80 = arith.constant 1 : i32
      scf.for %scan3A_94 = %scan3A_77 to %scan3A_79 step %scan3A_80  : i32 {
        %dma_start3A_95 = arith.constant 0 : i32
        %dma_start3A_96 = arith.constant 0 : i32
        %dma_start3A_97 = tpu.memref_slice %arg13[%scan3A_94, %dma_start3A_95, %dma_start3A_96] : memref<14x80x32xbf16, #tpu.memory_space<vmem>> -> memref<1x80x32xbf16, #tpu.memory_space<vmem>>
        %dma_start3A_98 = tpu.memref_squeeze %dma_start3A_97 : memref<1x80x32xbf16, #tpu.memory_space<vmem>> -> memref<80x32xbf16, #tpu.memory_space<vmem>>
        %dma_start3A_99 = arith.constant 0 : i32
        %dma_start3A_100 = tpu.memref_slice %arg11[%scan3A_94, %dma_start3A_99] : memref<25x80xi32, #tpu.memory_space<vmem>> -> memref<1x80xi32, #tpu.memory_space<vmem>>
        %dma_start3A_101 = tpu.memref_squeeze %dma_start3A_100 : memref<1x80xi32, #tpu.memory_space<vmem>> -> memref<80xi32, #tpu.memory_space<vmem>>
        %dma_start3A_102 = arith.constant 0 : i32
        %dma_start3A_103 = arith.constant 0 : i32
        %dma_start3A_104 = tpu.memref_slice %arg5[%dma_start3A_102, %dma_start3A_103] : memref<40000x32xbf16, #tpu.memory_space<hbm>> -> memref<40000x32xbf16, #tpu.memory_space<hbm>>
        tpu.enqueue_indirect_dma source(%dma_start3A_104 : memref<40000x32xbf16, #tpu.memory_space<hbm>>) target(%dma_start3A_98 : memref<80x32xbf16, #tpu.memory_space<vmem>>) offsets(%dma_start3A_101 : memref<80xi32, #tpu.memory_space<vmem>>) semaphore(%arg15 : memref<!tpu.dma_semaphore, #tpu.memory_space<semaphore_mem>>)
      }
      %scan3A_81 = arith.constant 14 : i32
      %scan3A_82 = arith.constant 0 : i32
      %scan3A_83 = arith.constant 0 : i32
      %scan3A_84 = arith.constant 25 : i32
      %scan3A_85 = arith.addi %scan3A_83, %scan3A_84 : i32
      %scan3A_86 = arith.constant 1 : i32
      scf.for %scan3A_94 = %scan3A_83 to %scan3A_85 step %scan3A_86  : i32 {
        %rem3A = arith.constant 14 : i32
        %rem3A_95 = arith.remsi %scan3A_94, %rem3A : i32
        %dma_wait3A_96 = arith.constant 0 : i32
        %dma_wait3A_97 = arith.constant 0 : i32
        %dma_wait3A_98 = tpu.memref_slice %arg13[%rem3A_95, %dma_wait3A_96, %dma_wait3A_97] : memref<14x80x32xbf16, #tpu.memory_space<vmem>> -> memref<1x80x32xbf16, #tpu.memory_space<vmem>>
        %dma_wait3A_99 = tpu.memref_squeeze %dma_wait3A_98 : memref<1x80x32xbf16, #tpu.memory_space<vmem>> -> memref<80x32xbf16, #tpu.memory_space<vmem>>
        %dma_wait3A_100 = arith.constant 0 : i32
        %dma_wait3A_101 = tpu.memref_slice %arg11[%scan3A_94, %dma_wait3A_100] : memref<25x80xi32, #tpu.memory_space<vmem>> -> memref<1x80xi32, #tpu.memory_space<vmem>>
        %dma_wait3A_102 = tpu.memref_squeeze %dma_wait3A_101 : memref<1x80xi32, #tpu.memory_space<vmem>> -> memref<80xi32, #tpu.memory_space<vmem>>
        %dma_wait3A_103 = arith.constant 0 : i32
        %dma_wait3A_104 = arith.constant 0 : i32
        %dma_wait3A_105 = tpu.memref_slice %arg5[%dma_wait3A_103, %dma_wait3A_104] : memref<40000x32xbf16, #tpu.memory_space<hbm>> -> memref<40000x32xbf16, #tpu.memory_space<hbm>>
        tpu.wait_indirect_dma semaphore(%arg15 : memref<!tpu.dma_semaphore, #tpu.memory_space<semaphore_mem>>) src(%dma_wait3A_105 : memref<40000x32xbf16, #tpu.memory_space<hbm>>) dst(%dma_wait3A_99 : memref<80x32xbf16, #tpu.memory_space<vmem>>)
        %dma_start3A_106 = arith.constant 0 : i32
        %dma_start3A_107 = arith.constant 0 : i32
        %dma_start3A_108 = tpu.memref_slice %arg13[%rem3A_95, %dma_start3A_106, %dma_start3A_107] : memref<14x80x32xbf16, #tpu.memory_space<vmem>> -> memref<1x80x32xbf16, #tpu.memory_space<vmem>>
        %dma_start3A_109 = tpu.memref_squeeze %dma_start3A_108 : memref<1x80x32xbf16, #tpu.memory_space<vmem>> -> memref<80x32xbf16, #tpu.memory_space<vmem>>
        %dma_start3A_110 = arith.constant 0 : i32
        %dma_start3A_111 = tpu.memref_slice %arg12[%scan3A_94, %dma_start3A_110] : memref<25x80xi32, #tpu.memory_space<vmem>> -> memref<1x80xi32, #tpu.memory_space<vmem>>
        %dma_start3A_112 = tpu.memref_squeeze %dma_start3A_111 : memref<1x80xi32, #tpu.memory_space<vmem>> -> memref<80xi32, #tpu.memory_space<vmem>>
        %dma_start3A_113 = arith.constant 0 : i32
        %dma_start3A_114 = arith.constant 0 : i32
        %dma_start3A_115 = tpu.memref_slice %arg7[%dma_start3A_113, %dma_start3A_114] : memref<40000x32xbf16, #tpu.memory_space<vmem_shared>> -> memref<40000x32xbf16, #tpu.memory_space<vmem_shared>>
        tpu.enqueue_indirect_dma source(%dma_start3A_109 : memref<80x32xbf16, #tpu.memory_space<vmem>>) target(%dma_start3A_115 : memref<40000x32xbf16, #tpu.memory_space<vmem_shared>>) offsets(%dma_start3A_112 : memref<80xi32, #tpu.memory_space<vmem>>) semaphore(%arg16 : memref<!tpu.dma_semaphore, #tpu.memory_space<semaphore_mem>>) {add = true}
        %ge3A = arith.constant 6 : i32
        %ge3A_116 = arith.cmpi sge, %scan3A_94, %ge3A : i32
        %convert_element_type3A = arith.extui %ge3A_116 : i1 to i32
        %cond3A = arith.constant 0 : i32
        %cond3A_117 = arith.cmpi ne, %convert_element_type3A, %cond3A : i32
        scf.if %cond3A_117 {
          %sub3A = arith.constant 6 : i32
          %sub3A_118 = arith.subi %scan3A_94, %sub3A : i32
          %rem3A_119 = arith.constant 14 : i32
          %rem3A_120 = arith.remsi %sub3A_118, %rem3A_119 : i32
          %dma_wait3A_121 = arith.constant 0 : i32
          %dma_wait3A_122 = arith.constant 0 : i32
          %dma_wait3A_123 = tpu.memref_slice %arg13[%rem3A_120, %dma_wait3A_121, %dma_wait3A_122] : memref<14x80x32xbf16, #tpu.memory_space<vmem>> -> memref<1x80x32xbf16, #tpu.memory_space<vmem>>
          %dma_wait3A_124 = tpu.memref_squeeze %dma_wait3A_123 : memref<1x80x32xbf16, #tpu.memory_space<vmem>> -> memref<80x32xbf16, #tpu.memory_space<vmem>>
          %dma_wait3A_125 = arith.constant 0 : i32
          %dma_wait3A_126 = tpu.memref_slice %arg12[%sub3A_118, %dma_wait3A_125] : memref<25x80xi32, #tpu.memory_space<vmem>> -> memref<1x80xi32, #tpu.memory_space<vmem>>
          %dma_wait3A_127 = tpu.memref_squeeze %dma_wait3A_126 : memref<1x80xi32, #tpu.memory_space<vmem>> -> memref<80xi32, #tpu.memory_space<vmem>>
          %dma_wait3A_128 = arith.constant 0 : i32
          %dma_wait3A_129 = arith.constant 0 : i32
          %dma_wait3A_130 = tpu.memref_slice %arg7[%dma_wait3A_128, %dma_wait3A_129] : memref<40000x32xbf16, #tpu.memory_space<vmem_shared>> -> memref<40000x32xbf16, #tpu.memory_space<vmem_shared>>
          tpu.wait_indirect_dma semaphore(%arg16 : memref<!tpu.dma_semaphore, #tpu.memory_space<semaphore_mem>>) src(%dma_wait3A_124 : memref<80x32xbf16, #tpu.memory_space<vmem>>) dst(%dma_wait3A_130 : memref<40000x32xbf16, #tpu.memory_space<vmem_shared>>)
          %add3A_131 = arith.constant 14 : i32
          %add3A_132 = arith.addi %sub3A_118, %add3A_131 : i32
          %lt3A = arith.constant 25 : i32
          %lt3A_133 = arith.cmpi slt, %add3A_132, %lt3A : i32
          %convert_element_type3A_134 = arith.extui %lt3A_133 : i1 to i32
          %cond3A_135 = arith.constant 0 : i32
          %cond3A_136 = arith.cmpi ne, %convert_element_type3A_134, %cond3A_135 : i32
          scf.if %cond3A_136 {
            %add3A_137 = arith.constant 14 : i32
            %add3A_138 = arith.addi %sub3A_118, %add3A_137 : i32
            %rem3A_139 = arith.constant 14 : i32
            %rem3A_140 = arith.remsi %add3A_138, %rem3A_139 : i32
            %dma_start3A_141 = arith.constant 0 : i32
            %dma_start3A_142 = arith.constant 0 : i32
            %dma_start3A_143 = tpu.memref_slice %arg13[%rem3A_140, %dma_start3A_141, %dma_start3A_142] : memref<14x80x32xbf16, #tpu.memory_space<vmem>> -> memref<1x80x32xbf16, #tpu.memory_space<vmem>>
            %dma_start3A_144 = tpu.memref_squeeze %dma_start3A_143 : memref<1x80x32xbf16, #tpu.memory_space<vmem>> -> memref<80x32xbf16, #tpu.memory_space<vmem>>
            %dma_start3A_145 = arith.constant 0 : i32
            %dma_start3A_146 = tpu.memref_slice %arg11[%add3A_138, %dma_start3A_145] : memref<25x80xi32, #tpu.memory_space<vmem>> -> memref<1x80xi32, #tpu.memory_space<vmem>>
            %dma_start3A_147 = tpu.memref_squeeze %dma_start3A_146 : memref<1x80xi32, #tpu.memory_space<vmem>> -> memref<80xi32, #tpu.memory_space<vmem>>
            %dma_start3A_148 = arith.constant 0 : i32
            %dma_start3A_149 = arith.constant 0 : i32
            %dma_start3A_150 = tpu.memref_slice %arg5[%dma_start3A_148, %dma_start3A_149] : memref<40000x32xbf16, #tpu.memory_space<hbm>> -> memref<40000x32xbf16, #tpu.memory_space<hbm>>
            tpu.enqueue_indirect_dma source(%dma_start3A_150 : memref<40000x32xbf16, #tpu.memory_space<hbm>>) target(%dma_start3A_144 : memref<80x32xbf16, #tpu.memory_space<vmem>>) offsets(%dma_start3A_147 : memref<80xi32, #tpu.memory_space<vmem>>) semaphore(%arg15 : memref<!tpu.dma_semaphore, #tpu.memory_space<semaphore_mem>>)
          } else {
          }
        } else {
        }
      }
      %scan3A_87 = arith.constant 25 : i32
      %scan3A_88 = arith.constant 0 : i32
      %scan3A_89 = arith.constant 0 : i32
      %scan3A_90 = arith.constant 6 : i32
      %scan3A_91 = arith.addi %scan3A_89, %scan3A_90 : i32
      %scan3A_92 = arith.constant 1 : i32
      scf.for %scan3A_94 = %scan3A_89 to %scan3A_91 step %scan3A_92  : i32 {
        %add3A_95 = arith.constant 19 : i32
        %add3A_96 = arith.addi %add3A_95, %scan3A_94 : i32
        %rem3A = arith.constant 14 : i32
        %rem3A_97 = arith.remsi %add3A_96, %rem3A : i32
        %dma_wait3A_98 = arith.constant 0 : i32
        %dma_wait3A_99 = arith.constant 0 : i32
        %dma_wait3A_100 = tpu.memref_slice %arg13[%rem3A_97, %dma_wait3A_98, %dma_wait3A_99] : memref<14x80x32xbf16, #tpu.memory_space<vmem>> -> memref<1x80x32xbf16, #tpu.memory_space<vmem>>
        %dma_wait3A_101 = tpu.memref_squeeze %dma_wait3A_100 : memref<1x80x32xbf16, #tpu.memory_space<vmem>> -> memref<80x32xbf16, #tpu.memory_space<vmem>>
        %dma_wait3A_102 = arith.constant 0 : i32
        %dma_wait3A_103 = tpu.memref_slice %arg12[%add3A_96, %dma_wait3A_102] : memref<25x80xi32, #tpu.memory_space<vmem>> -> memref<1x80xi32, #tpu.memory_space<vmem>>
        %dma_wait3A_104 = tpu.memref_squeeze %dma_wait3A_103 : memref<1x80xi32, #tpu.memory_space<vmem>> -> memref<80xi32, #tpu.memory_space<vmem>>
        %dma_wait3A_105 = arith.constant 0 : i32
        %dma_wait3A_106 = arith.constant 0 : i32
        %dma_wait3A_107 = tpu.memref_slice %arg7[%dma_wait3A_105, %dma_wait3A_106] : memref<40000x32xbf16, #tpu.memory_space<vmem_shared>> -> memref<40000x32xbf16, #tpu.memory_space<vmem_shared>>
        tpu.wait_indirect_dma semaphore(%arg16 : memref<!tpu.dma_semaphore, #tpu.memory_space<semaphore_mem>>) src(%dma_wait3A_101 : memref<80x32xbf16, #tpu.memory_space<vmem>>) dst(%dma_wait3A_107 : memref<40000x32xbf16, #tpu.memory_space<vmem_shared>>)
      }
      %scan3A_93 = arith.constant 6 : i32
    }
    %scan3A_53 = arith.constant 10 : i32
    %barrier3A_54 = arith.constant 0 : index
    tpu.barrier barrier_id(%barrier3A_54)
    "tpu.region"() ({
      %run_scoped3A = tpu.sem_alloc : memref<!tpu.dma_semaphore, #tpu.memory_space<semaphore_mem>>
      %dma_start3A = arith.constant 0 : i32
      %dma_start3A_56 = tpu.memref_slice %arg6[%add3A_34, %mul3A_2, %dma_start3A] : memref<4x40000x32xbf16, #tpu.memory_space<hbm>> -> memref<1x2500x32xbf16, #tpu.memory_space<hbm>>
      %dma_start3A_57 = tpu.memref_squeeze %dma_start3A_56 : memref<1x2500x32xbf16, #tpu.memory_space<hbm>> -> memref<2500x32xbf16, #tpu.memory_space<hbm>>
      %dma_start3A_58 = arith.constant 0 : i32
      %dma_start3A_59 = tpu.memref_slice %arg7[%mul3A_2, %dma_start3A_58] : memref<40000x32xbf16, #tpu.memory_space<vmem_shared>> -> memref<2500x32xbf16, #tpu.memory_space<vmem_shared>>
      tpu.enqueue_dma source(%dma_start3A_59 : memref<2500x32xbf16, #tpu.memory_space<vmem_shared>>) target(%dma_start3A_57 : memref<2500x32xbf16, #tpu.memory_space<hbm>>) target_semaphore(%run_scoped3A : memref<!tpu.dma_semaphore, #tpu.memory_space<semaphore_mem>>)
      %dma_wait3A = arith.constant 0 : i32
      %dma_wait3A_60 = tpu.memref_slice %arg6[%add3A_34, %mul3A_2, %dma_wait3A] : memref<4x40000x32xbf16, #tpu.memory_space<hbm>> -> memref<1x2500x32xbf16, #tpu.memory_space<hbm>>
      %dma_wait3A_61 = tpu.memref_squeeze %dma_wait3A_60 : memref<1x2500x32xbf16, #tpu.memory_space<hbm>> -> memref<2500x32xbf16, #tpu.memory_space<hbm>>
      %dma_wait3A_62 = arith.constant 0 : i32
      %dma_wait3A_63 = tpu.memref_slice %arg7[%mul3A_2, %dma_wait3A_62] : memref<40000x32xbf16, #tpu.memory_space<vmem_shared>> -> memref<2500x32xbf16, #tpu.memory_space<vmem_shared>>
      tpu.wait_dma2 semaphore(%run_scoped3A : memref<!tpu.dma_semaphore, #tpu.memory_space<semaphore_mem>>) src(%dma_wait3A_63 : memref<2500x32xbf16, #tpu.memory_space<vmem_shared>>) dst(%dma_wait3A_61 : memref<2500x32xbf16, #tpu.memory_space<hbm>>)
      tpu.yield
    }) : () -> ()
    %barrier3A_55 = arith.constant 0 : index
    tpu.barrier barrier_id(%barrier3A_55)
    return
  }
}

#map = affine_map<(d0, d1) -> (0)>
#map1 = affine_map<(d0, d1) -> (0, 0)>
#map2 = affine_map<(d0, d1) -> (0, 0, 0)>
module attributes {stable_mosaic.version = 14 : i64} {
  func.func @_sc_body(%arg0: i32, %arg1: i32, %arg2: memref<320000xi32, #tpu.memory_space<hbm>>, %arg3: memref<320000xi32, #tpu.memory_space<hbm>>, %arg4: memref<320000xi32, #tpu.memory_space<hbm>>, %arg5: memref<40000x32xbf16, #tpu.memory_space<hbm>>, %arg6: memref<4x40000x32xbf16, #tpu.memory_space<hbm>>, %arg7: memref<40000x32xbf16, #tpu.memory_space<vmem_shared>>, %arg8: memref<2000xi32, #tpu.memory_space<vmem>>, %arg9: memref<2000xi32, #tpu.memory_space<vmem>>, %arg10: memref<2000xi32, #tpu.memory_space<vmem>>, %arg11: memref<25x80xi32, #tpu.memory_space<vmem>>, %arg12: memref<25x80xi32, #tpu.memory_space<vmem>>, %arg13: memref<14x80x32xbf16, #tpu.memory_space<vmem>>, %arg14: memref<100x32xbf16, #tpu.memory_space<vmem>>, %arg15: memref<!tpu.dma_semaphore, #tpu.memory_space<semaphore_mem>>, %arg16: memref<!tpu.dma_semaphore, #tpu.memory_space<semaphore_mem>>) attributes {dimension_semantics = [#tpu.dimension_semantics<core_parallel>, #tpu.dimension_semantics<subcore_parallel>], iteration_bounds = array<i64: 2, 16>, scalar_prefetch = 0 : i64, scratch_operands = 10 : i64, tpu.core_type = #tpu.core_type<sc_vector_subcore>, window_params = [{transform_indices = #map}, {transform_indices = #map}, {transform_indices = #map}, {transform_indices = #map1}, {transform_indices = #map2}]} {
    %mul3A = arith.constant 20000 : i32
    %mul3A_0 = arith.muli %arg1, %mul3A : i32
    %mul3A_1 = arith.constant 2500 : i32
    %mul3A_2 = arith.muli %arg1, %mul3A_1 : i32
    %scan3A = arith.constant 0 : i32
    %scan3A_3 = arith.constant 0 : i32
    %scan3A_4 = arith.constant 100 : i32
    %scan3A_5 = arith.addi %scan3A_3, %scan3A_4 : i32
    %scan3A_6 = arith.constant 1 : i32
    scf.for %scan3A_56 = %scan3A_3 to %scan3A_5 step %scan3A_6  : i32 {
      %broadcast_in_dim3A = arith.constant 0.000000e+00 : bf16
      %broadcast_in_dim3A_57 = vector.broadcast %broadcast_in_dim3A : bf16 to vector<32xbf16>
      %swap3A = arith.index_cast %scan3A_56 : i32 to index
      %swap3A_58 = arith.constant 0 : index
      %swap3A_59 = tpu.vector_load %arg14[%swap3A, %swap3A_58] {strides = array<i32>} : memref<100x32xbf16, #tpu.memory_space<vmem>>, vector<1x32xbf16>,
      %swap3A_60 = vector.shape_cast %swap3A_59 : vector<1x32xbf16> to vector<32xbf16>
      %swap3A_61 = vector.shape_cast %broadcast_in_dim3A_57 : vector<32xbf16> to vector<1x32xbf16>
      tpu.vector_store %arg14[%swap3A, %swap3A_58], %swap3A_61 {strides = array<i32>} : memref<100x32xbf16, #tpu.memory_space<vmem>>, vector<1x32xbf16>,
    }
    %scan3A_7 = arith.constant 100 : i32
    %mul3A_8 = arith.constant 2 : i32
    %mul3A_9 = arith.muli %arg0, %mul3A_8 : i32
    %add3A = arith.constant 0 : i32
    %add3A_10 = arith.addi %mul3A_9, %add3A : i32
    %scan3A_11 = arith.constant 0 : i32
    %scan3A_12 = arith.constant 0 : i32
    %scan3A_13 = arith.constant 25 : i32
    %scan3A_14 = arith.addi %scan3A_12, %scan3A_13 : i32
    %scan3A_15 = arith.constant 1 : i32
    scf.for %scan3A_56 = %scan3A_12 to %scan3A_14 step %scan3A_15  : i32 {
      %mul3A_57 = arith.constant 100 : i32
      %mul3A_58 = arith.muli %scan3A_56, %mul3A_57 : i32
      %add3A_59 = arith.addi %mul3A_2, %mul3A_58 : i32
      %dma_start3A = arith.constant 0 : i32
      %dma_start3A_60 = tpu.memref_slice %arg7[%add3A_59, %dma_start3A] : memref<40000x32xbf16, #tpu.memory_space<vmem_shared>> -> memref<100x32xbf16, #tpu.memory_space<vmem_shared>>
      %dma_start3A_61 = arith.constant 0 : i32
      %dma_start3A_62 = tpu.memref_slice %arg7[%add3A_59, %dma_start3A_61] : memref<40000x32xbf16, #tpu.memory_space<vmem_shared>> -> memref<100x32xbf16, #tpu.memory_space<vmem_shared>>
      tpu.enqueue_dma source(%arg14 : memref<100x32xbf16, #tpu.memory_space<vmem>>) target(%dma_start3A_62 : memref<100x32xbf16, #tpu.memory_space<vmem_shared>>) target_semaphore(%arg16 : memref<!tpu.dma_semaphore, #tpu.memory_space<semaphore_mem>>)
    }
    %scan3A_16 = arith.constant 25 : i32
    %scan3A_17 = arith.constant 0 : i32
    %scan3A_18 = arith.constant 0 : i32
    %scan3A_19 = arith.constant 25 : i32
    %scan3A_20 = arith.addi %scan3A_18, %scan3A_19 : i32
    %scan3A_21 = arith.constant 1 : i32
    scf.for %scan3A_56 = %scan3A_18 to %scan3A_20 step %scan3A_21  : i32 {
      %mul3A_57 = arith.constant 100 : i32
      %mul3A_58 = arith.muli %scan3A_56, %mul3A_57 : i32
      %add3A_59 = arith.addi %mul3A_2, %mul3A_58 : i32
      %dma_wait3A = arith.constant 0 : i32
      %dma_wait3A_60 = tpu.memref_slice %arg7[%add3A_59, %dma_wait3A] : memref<40000x32xbf16, #tpu.memory_space<vmem_shared>> -> memref<100x32xbf16, #tpu.memory_space<vmem_shared>>
      %dma_wait3A_61 = arith.constant 0 : i32
      %dma_wait3A_62 = tpu.memref_slice %arg7[%add3A_59, %dma_wait3A_61] : memref<40000x32xbf16, #tpu.memory_space<vmem_shared>> -> memref<100x32xbf16, #tpu.memory_space<vmem_shared>>
      tpu.wait_dma2 semaphore(%arg16 : memref<!tpu.dma_semaphore, #tpu.memory_space<semaphore_mem>>) src(%arg14 : memref<100x32xbf16, #tpu.memory_space<vmem>>) dst(%dma_wait3A_62 : memref<100x32xbf16, #tpu.memory_space<vmem_shared>>)
    }
    %scan3A_22 = arith.constant 25 : i32
    %barrier3A = arith.constant 0 : index
    tpu.barrier barrier_id(%barrier3A)
    %scan3A_23 = arith.constant 0 : i32
    %scan3A_24 = arith.constant 0 : i32
    %scan3A_25 = arith.constant 10 : i32
    %scan3A_26 = arith.addi %scan3A_24, %scan3A_25 : i32
    %scan3A_27 = arith.constant 1 : i32
    scf.for %scan3A_56 = %scan3A_24 to %scan3A_26 step %scan3A_27  : i32 {
      %mul3A_57 = arith.constant 2000 : i32
      %mul3A_58 = arith.muli %scan3A_56, %mul3A_57 : i32
      %add3A_59 = arith.addi %mul3A_0, %mul3A_58 : i32
      %dma_start3A = tpu.memref_slice %arg2[%add3A_59] : memref<320000xi32, #tpu.memory_space<hbm>> -> memref<2000xi32, #tpu.memory_space<hbm>>
      %dma_start3A_60 = tpu.memref_slice %arg2[%add3A_59] : memref<320000xi32, #tpu.memory_space<hbm>> -> memref<2000xi32, #tpu.memory_space<hbm>>
      tpu.enqueue_dma source(%dma_start3A_60 : memref<2000xi32, #tpu.memory_space<hbm>>) target(%arg8 : memref<2000xi32, #tpu.memory_space<vmem>>) target_semaphore(%arg15 : memref<!tpu.dma_semaphore, #tpu.memory_space<semaphore_mem>>)
      %dma_start3A_61 = tpu.memref_slice %arg3[%add3A_59] : memref<320000xi32, #tpu.memory_space<hbm>> -> memref<2000xi32, #tpu.memory_space<hbm>>
      %dma_start3A_62 = tpu.memref_slice %arg3[%add3A_59] : memref<320000xi32, #tpu.memory_space<hbm>> -> memref<2000xi32, #tpu.memory_space<hbm>>
      tpu.enqueue_dma source(%dma_start3A_62 : memref<2000xi32, #tpu.memory_space<hbm>>) target(%arg9 : memref<2000xi32, #tpu.memory_space<vmem>>) target_semaphore(%arg15 : memref<!tpu.dma_semaphore, #tpu.memory_space<semaphore_mem>>)
      %dma_start3A_63 = tpu.memref_slice %arg4[%add3A_59] : memref<320000xi32, #tpu.memory_space<hbm>> -> memref<2000xi32, #tpu.memory_space<hbm>>
      %dma_start3A_64 = tpu.memref_slice %arg4[%add3A_59] : memref<320000xi32, #tpu.memory_space<hbm>> -> memref<2000xi32, #tpu.memory_space<hbm>>
      tpu.enqueue_dma source(%dma_start3A_64 : memref<2000xi32, #tpu.memory_space<hbm>>) target(%arg10 : memref<2000xi32, #tpu.memory_space<vmem>>) target_semaphore(%arg15 : memref<!tpu.dma_semaphore, #tpu.memory_space<semaphore_mem>>)
      %dma_wait3A = tpu.memref_slice %arg2[%add3A_59] : memref<320000xi32, #tpu.memory_space<hbm>> -> memref<2000xi32, #tpu.memory_space<hbm>>
      %dma_wait3A_65 = tpu.memref_slice %arg2[%add3A_59] : memref<320000xi32, #tpu.memory_space<hbm>> -> memref<2000xi32, #tpu.memory_space<hbm>>
      tpu.wait_dma2 semaphore(%arg15 : memref<!tpu.dma_semaphore, #tpu.memory_space<semaphore_mem>>) src(%dma_wait3A_65 : memref<2000xi32, #tpu.memory_space<hbm>>) dst(%arg8 : memref<2000xi32, #tpu.memory_space<vmem>>)
      %dma_wait3A_66 = tpu.memref_slice %arg3[%add3A_59] : memref<320000xi32, #tpu.memory_space<hbm>> -> memref<2000xi32, #tpu.memory_space<hbm>>
      %dma_wait3A_67 = tpu.memref_slice %arg3[%add3A_59] : memref<320000xi32, #tpu.memory_space<hbm>> -> memref<2000xi32, #tpu.memory_space<hbm>>
      tpu.wait_dma2 semaphore(%arg15 : memref<!tpu.dma_semaphore, #tpu.memory_space<semaphore_mem>>) src(%dma_wait3A_67 : memref<2000xi32, #tpu.memory_space<hbm>>) dst(%arg9 : memref<2000xi32, #tpu.memory_space<vmem>>)
      %dma_wait3A_68 = tpu.memref_slice %arg4[%add3A_59] : memref<320000xi32, #tpu.memory_space<hbm>> -> memref<2000xi32, #tpu.memory_space<hbm>>
      %dma_wait3A_69 = tpu.memref_slice %arg4[%add3A_59] : memref<320000xi32, #tpu.memory_space<hbm>> -> memref<2000xi32, #tpu.memory_space<hbm>>
      tpu.wait_dma2 semaphore(%arg15 : memref<!tpu.dma_semaphore, #tpu.memory_space<semaphore_mem>>) src(%dma_wait3A_69 : memref<2000xi32, #tpu.memory_space<hbm>>) dst(%arg10 : memref<2000xi32, #tpu.memory_space<vmem>>)
      %scan3A_70 = arith.constant 0 : i32
      %scan3A_71 = arith.constant 0 : i32
      %scan3A_72 = arith.constant 25 : i32
      %scan3A_73 = arith.addi %scan3A_71, %scan3A_72 : i32
      %scan3A_74 = arith.constant 1 : i32
      scf.for %scan3A_94 = %scan3A_71 to %scan3A_73 step %scan3A_74  : i32 {
        %mul3A_95 = arith.constant 80 : i32
        %mul3A_96 = arith.muli %scan3A_94, %mul3A_95 : i32
        %add3A_97 = arith.constant 0 : i32
        %add3A_98 = arith.addi %mul3A_96, %add3A_97 : i32
        %get3A = arith.index_cast %add3A_98 : i32 to index
        %get3A_99 = tpu.vector_load %arg8[%get3A] {strides = array<i32>} : memref<2000xi32, #tpu.memory_space<vmem>>, vector<16xi32>,
        %get3A_100 = vector.shape_cast %get3A_99 : vector<16xi32> to vector<16xi32>
        %add3A_101 = arith.constant 0 : i32
        %add3A_102 = arith.addi %mul3A_96, %add3A_101 : i32
        %get3A_103 = arith.index_cast %add3A_102 : i32 to index
        %get3A_104 = tpu.vector_load %arg9[%get3A_103] {strides = array<i32>} : memref<2000xi32, #tpu.memory_space<vmem>>, vector<16xi32>,
        %get3A_105 = vector.shape_cast %get3A_104 : vector<16xi32> to vector<16xi32>
        %add3A_106 = arith.constant 0 : i32
        %add3A_107 = arith.addi %mul3A_96, %add3A_106 : i32
        %get3A_108 = arith.index_cast %add3A_107 : i32 to index
        %get3A_109 = tpu.vector_load %arg10[%get3A_108] {strides = array<i32>} : memref<2000xi32, #tpu.memory_space<vmem>>, vector<16xi32>,
        %get3A_110 = vector.shape_cast %get3A_109 : vector<16xi32> to vector<16xi32>
        %mul3A_111 = arith.constant 4 : i32
        %mul3A_112 = vector.broadcast %mul3A_111 : i32 to vector<16xi32>
        %mul3A_113 = arith.muli %get3A_100, %mul3A_112 : vector<16xi32>
        %add3A_114 = vector.broadcast %add3A_10 : i32 to vector<16xi32>
        %add3A_115 = arith.addi %mul3A_113, %add3A_114 : vector<16xi32>
        %swap3A = arith.index_cast %scan3A_94 : i32 to index
        %swap3A_116 = arith.constant 0 : index
        %swap3A_117 = tpu.vector_load %arg11[%swap3A, %swap3A_116] {strides = array<i32>} : memref<25x80xi32, #tpu.memory_space<vmem>>, vector<1x16xi32>,
        %swap3A_118 = vector.shape_cast %swap3A_117 : vector<1x16xi32> to vector<16xi32>
        %swap3A_119 = vector.shape_cast %add3A_115 : vector<16xi32> to vector<1x16xi32>
        tpu.vector_store %arg11[%swap3A, %swap3A_116], %swap3A_119 {strides = array<i32>} : memref<25x80xi32, #tpu.memory_space<vmem>>, vector<1x16xi32>,
        %mul3A_120 = arith.constant 4 : i32
        %mul3A_121 = vector.broadcast %mul3A_120 : i32 to vector<16xi32>
        %mul3A_122 = arith.muli %get3A_105, %mul3A_121 : vector<16xi32>
        %add3A_123 = arith.addi %mul3A_122, %get3A_110 : vector<16xi32>
        %swap3A_124 = arith.index_cast %scan3A_94 : i32 to index
        %swap3A_125 = arith.constant 0 : index
        %swap3A_126 = tpu.vector_load %arg12[%swap3A_124, %swap3A_125] {strides = array<i32>} : memref<25x80xi32, #tpu.memory_space<vmem>>, vector<1x16xi32>,
        %swap3A_127 = vector.shape_cast %swap3A_126 : vector<1x16xi32> to vector<16xi32>
        %swap3A_128 = vector.shape_cast %add3A_123 : vector<16xi32> to vector<1x16xi32>
        tpu.vector_store %arg12[%swap3A_124, %swap3A_125], %swap3A_128 {strides = array<i32>} : memref<25x80xi32, #tpu.memory_space<vmem>>, vector<1x16xi32>,
        %add3A_129 = arith.constant 16 : i32
        %add3A_130 = arith.addi %mul3A_96, %add3A_129 : i32
        %get3A_131 = arith.index_cast %add3A_130 : i32 to index
        %get3A_132 = tpu.vector_load %arg8[%get3A_131] {strides = array<i32>} : memref<2000xi32, #tpu.memory_space<vmem>>, vector<16xi32>,
        %get3A_133 = vector.shape_cast %get3A_132 : vector<16xi32> to vector<16xi32>
        %add3A_134 = arith.constant 16 : i32
        %add3A_135 = arith.addi %mul3A_96, %add3A_134 : i32
        %get3A_136 = arith.index_cast %add3A_135 : i32 to index
        %get3A_137 = tpu.vector_load %arg9[%get3A_136] {strides = array<i32>} : memref<2000xi32, #tpu.memory_space<vmem>>, vector<16xi32>,
        %get3A_138 = vector.shape_cast %get3A_137 : vector<16xi32> to vector<16xi32>
        %add3A_139 = arith.constant 16 : i32
        %add3A_140 = arith.addi %mul3A_96, %add3A_139 : i32
        %get3A_141 = arith.index_cast %add3A_140 : i32 to index
        %get3A_142 = tpu.vector_load %arg10[%get3A_141] {strides = array<i32>} : memref<2000xi32, #tpu.memory_space<vmem>>, vector<16xi32>,
        %get3A_143 = vector.shape_cast %get3A_142 : vector<16xi32> to vector<16xi32>
        %mul3A_144 = arith.constant 4 : i32
        %mul3A_145 = vector.broadcast %mul3A_144 : i32 to vector<16xi32>
        %mul3A_146 = arith.muli %get3A_133, %mul3A_145 : vector<16xi32>
        %add3A_147 = vector.broadcast %add3A_10 : i32 to vector<16xi32>
        %add3A_148 = arith.addi %mul3A_146, %add3A_147 : vector<16xi32>
        %swap3A_149 = arith.index_cast %scan3A_94 : i32 to index
        %swap3A_150 = arith.constant 16 : index
        %swap3A_151 = tpu.vector_load %arg11[%swap3A_149, %swap3A_150] {strides = array<i32>} : memref<25x80xi32, #tpu.memory_space<vmem>>, vector<1x16xi32>,
        %swap3A_152 = vector.shape_cast %swap3A_151 : vector<1x16xi32> to vector<16xi32>
        %swap3A_153 = vector.shape_cast %add3A_148 : vector<16xi32> to vector<1x16xi32>
        tpu.vector_store %arg11[%swap3A_149, %swap3A_150], %swap3A_153 {strides = array<i32>} : memref<25x80xi32, #tpu.memory_space<vmem>>, vector<1x16xi32>,
        %mul3A_154 = arith.constant 4 : i32
        %mul3A_155 = vector.broadcast %mul3A_154 : i32 to vector<16xi32>
        %mul3A_156 = arith.muli %get3A_138, %mul3A_155 : vector<16xi32>
        %add3A_157 = arith.addi %mul3A_156, %get3A_143 : vector<16xi32>
        %swap3A_158 = arith.index_cast %scan3A_94 : i32 to index
        %swap3A_159 = arith.constant 16 : index
        %swap3A_160 = tpu.vector_load %arg12[%swap3A_158, %swap3A_159] {strides = array<i32>} : memref<25x80xi32, #tpu.memory_space<vmem>>, vector<1x16xi32>,
        %swap3A_161 = vector.shape_cast %swap3A_160 : vector<1x16xi32> to vector<16xi32>
        %swap3A_162 = vector.shape_cast %add3A_157 : vector<16xi32> to vector<1x16xi32>
        tpu.vector_store %arg12[%swap3A_158, %swap3A_159], %swap3A_162 {strides = array<i32>} : memref<25x80xi32, #tpu.memory_space<vmem>>, vector<1x16xi32>,
        %add3A_163 = arith.constant 32 : i32
        %add3A_164 = arith.addi %mul3A_96, %add3A_163 : i32
        %get3A_165 = arith.index_cast %add3A_164 : i32 to index
        %get3A_166 = tpu.vector_load %arg8[%get3A_165] {strides = array<i32>} : memref<2000xi32, #tpu.memory_space<vmem>>, vector<16xi32>,
        %get3A_167 = vector.shape_cast %get3A_166 : vector<16xi32> to vector<16xi32>
        %add3A_168 = arith.constant 32 : i32
        %add3A_169 = arith.addi %mul3A_96, %add3A_168 : i32
        %get3A_170 = arith.index_cast %add3A_169 : i32 to index
        %get3A_171 = tpu.vector_load %arg9[%get3A_170] {strides = array<i32>} : memref<2000xi32, #tpu.memory_space<vmem>>, vector<16xi32>,
        %get3A_172 = vector.shape_cast %get3A_171 : vector<16xi32> to vector<16xi32>
        %add3A_173 = arith.constant 32 : i32
        %add3A_174 = arith.addi %mul3A_96, %add3A_173 : i32
        %get3A_175 = arith.index_cast %add3A_174 : i32 to index
        %get3A_176 = tpu.vector_load %arg10[%get3A_175] {strides = array<i32>} : memref<2000xi32, #tpu.memory_space<vmem>>, vector<16xi32>,
        %get3A_177 = vector.shape_cast %get3A_176 : vector<16xi32> to vector<16xi32>
        %mul3A_178 = arith.constant 4 : i32
        %mul3A_179 = vector.broadcast %mul3A_178 : i32 to vector<16xi32>
        %mul3A_180 = arith.muli %get3A_167, %mul3A_179 : vector<16xi32>
        %add3A_181 = vector.broadcast %add3A_10 : i32 to vector<16xi32>
        %add3A_182 = arith.addi %mul3A_180, %add3A_181 : vector<16xi32>
        %swap3A_183 = arith.index_cast %scan3A_94 : i32 to index
        %swap3A_184 = arith.constant 32 : index
        %swap3A_185 = tpu.vector_load %arg11[%swap3A_183, %swap3A_184] {strides = array<i32>} : memref<25x80xi32, #tpu.memory_space<vmem>>, vector<1x16xi32>,
        %swap3A_186 = vector.shape_cast %swap3A_185 : vector<1x16xi32> to vector<16xi32>
        %swap3A_187 = vector.shape_cast %add3A_182 : vector<16xi32> to vector<1x16xi32>
        tpu.vector_store %arg11[%swap3A_183, %swap3A_184], %swap3A_187 {strides = array<i32>} : memref<25x80xi32, #tpu.memory_space<vmem>>, vector<1x16xi32>,
        %mul3A_188 = arith.constant 4 : i32
        %mul3A_189 = vector.broadcast %mul3A_188 : i32 to vector<16xi32>
        %mul3A_190 = arith.muli %get3A_172, %mul3A_189 : vector<16xi32>
        %add3A_191 = arith.addi %mul3A_190, %get3A_177 : vector<16xi32>
        %swap3A_192 = arith.index_cast %scan3A_94 : i32 to index
        %swap3A_193 = arith.constant 32 : index
        %swap3A_194 = tpu.vector_load %arg12[%swap3A_192, %swap3A_193] {strides = array<i32>} : memref<25x80xi32, #tpu.memory_space<vmem>>, vector<1x16xi32>,
        %swap3A_195 = vector.shape_cast %swap3A_194 : vector<1x16xi32> to vector<16xi32>
        %swap3A_196 = vector.shape_cast %add3A_191 : vector<16xi32> to vector<1x16xi32>
        tpu.vector_store %arg12[%swap3A_192, %swap3A_193], %swap3A_196 {strides = array<i32>} : memref<25x80xi32, #tpu.memory_space<vmem>>, vector<1x16xi32>,
        %add3A_197 = arith.constant 48 : i32
        %add3A_198 = arith.addi %mul3A_96, %add3A_197 : i32
        %get3A_199 = arith.index_cast %add3A_198 : i32 to index
        %get3A_200 = tpu.vector_load %arg8[%get3A_199] {strides = array<i32>} : memref<2000xi32, #tpu.memory_space<vmem>>, vector<16xi32>,
        %get3A_201 = vector.shape_cast %get3A_200 : vector<16xi32> to vector<16xi32>
        %add3A_202 = arith.constant 48 : i32
        %add3A_203 = arith.addi %mul3A_96, %add3A_202 : i32
        %get3A_204 = arith.index_cast %add3A_203 : i32 to index
        %get3A_205 = tpu.vector_load %arg9[%get3A_204] {strides = array<i32>} : memref<2000xi32, #tpu.memory_space<vmem>>, vector<16xi32>,
        %get3A_206 = vector.shape_cast %get3A_205 : vector<16xi32> to vector<16xi32>
        %add3A_207 = arith.constant 48 : i32
        %add3A_208 = arith.addi %mul3A_96, %add3A_207 : i32
        %get3A_209 = arith.index_cast %add3A_208 : i32 to index
        %get3A_210 = tpu.vector_load %arg10[%get3A_209] {strides = array<i32>} : memref<2000xi32, #tpu.memory_space<vmem>>, vector<16xi32>,
        %get3A_211 = vector.shape_cast %get3A_210 : vector<16xi32> to vector<16xi32>
        %mul3A_212 = arith.constant 4 : i32
        %mul3A_213 = vector.broadcast %mul3A_212 : i32 to vector<16xi32>
        %mul3A_214 = arith.muli %get3A_201, %mul3A_213 : vector<16xi32>
        %add3A_215 = vector.broadcast %add3A_10 : i32 to vector<16xi32>
        %add3A_216 = arith.addi %mul3A_214, %add3A_215 : vector<16xi32>
        %swap3A_217 = arith.index_cast %scan3A_94 : i32 to index
        %swap3A_218 = arith.constant 48 : index
        %swap3A_219 = tpu.vector_load %arg11[%swap3A_217, %swap3A_218] {strides = array<i32>} : memref<25x80xi32, #tpu.memory_space<vmem>>, vector<1x16xi32>,
        %swap3A_220 = vector.shape_cast %swap3A_219 : vector<1x16xi32> to vector<16xi32>
        %swap3A_221 = vector.shape_cast %add3A_216 : vector<16xi32> to vector<1x16xi32>
        tpu.vector_store %arg11[%swap3A_217, %swap3A_218], %swap3A_221 {strides = array<i32>} : memref<25x80xi32, #tpu.memory_space<vmem>>, vector<1x16xi32>,
        %mul3A_222 = arith.constant 4 : i32
        %mul3A_223 = vector.broadcast %mul3A_222 : i32 to vector<16xi32>
        %mul3A_224 = arith.muli %get3A_206, %mul3A_223 : vector<16xi32>
        %add3A_225 = arith.addi %mul3A_224, %get3A_211 : vector<16xi32>
        %swap3A_226 = arith.index_cast %scan3A_94 : i32 to index
        %swap3A_227 = arith.constant 48 : index
        %swap3A_228 = tpu.vector_load %arg12[%swap3A_226, %swap3A_227] {strides = array<i32>} : memref<25x80xi32, #tpu.memory_space<vmem>>, vector<1x16xi32>,
        %swap3A_229 = vector.shape_cast %swap3A_228 : vector<1x16xi32> to vector<16xi32>
        %swap3A_230 = vector.shape_cast %add3A_225 : vector<16xi32> to vector<1x16xi32>
        tpu.vector_store %arg12[%swap3A_226, %swap3A_227], %swap3A_230 {strides = array<i32>} : memref<25x80xi32, #tpu.memory_space<vmem>>, vector<1x16xi32>,
        %add3A_231 = arith.constant 64 : i32
        %add3A_232 = arith.addi %mul3A_96, %add3A_231 : i32
        %get3A_233 = arith.index_cast %add3A_232 : i32 to index
        %get3A_234 = tpu.vector_load %arg8[%get3A_233] {strides = array<i32>} : memref<2000xi32, #tpu.memory_space<vmem>>, vector<16xi32>,
        %get3A_235 = vector.shape_cast %get3A_234 : vector<16xi32> to vector<16xi32>
        %add3A_236 = arith.constant 64 : i32
        %add3A_237 = arith.addi %mul3A_96, %add3A_236 : i32
        %get3A_238 = arith.index_cast %add3A_237 : i32 to index
        %get3A_239 = tpu.vector_load %arg9[%get3A_238] {strides = array<i32>} : memref<2000xi32, #tpu.memory_space<vmem>>, vector<16xi32>,
        %get3A_240 = vector.shape_cast %get3A_239 : vector<16xi32> to vector<16xi32>
        %add3A_241 = arith.constant 64 : i32
        %add3A_242 = arith.addi %mul3A_96, %add3A_241 : i32
        %get3A_243 = arith.index_cast %add3A_242 : i32 to index
        %get3A_244 = tpu.vector_load %arg10[%get3A_243] {strides = array<i32>} : memref<2000xi32, #tpu.memory_space<vmem>>, vector<16xi32>,
        %get3A_245 = vector.shape_cast %get3A_244 : vector<16xi32> to vector<16xi32>
        %mul3A_246 = arith.constant 4 : i32
        %mul3A_247 = vector.broadcast %mul3A_246 : i32 to vector<16xi32>
        %mul3A_248 = arith.muli %get3A_235, %mul3A_247 : vector<16xi32>
        %add3A_249 = vector.broadcast %add3A_10 : i32 to vector<16xi32>
        %add3A_250 = arith.addi %mul3A_248, %add3A_249 : vector<16xi32>
        %swap3A_251 = arith.index_cast %scan3A_94 : i32 to index
        %swap3A_252 = arith.constant 64 : index
        %swap3A_253 = tpu.vector_load %arg11[%swap3A_251, %swap3A_252] {strides = array<i32>} : memref<25x80xi32, #tpu.memory_space<vmem>>, vector<1x16xi32>,
        %swap3A_254 = vector.shape_cast %swap3A_253 : vector<1x16xi32> to vector<16xi32>
        %swap3A_255 = vector.shape_cast %add3A_250 : vector<16xi32> to vector<1x16xi32>
        tpu.vector_store %arg11[%swap3A_251, %swap3A_252], %swap3A_255 {strides = array<i32>} : memref<25x80xi32, #tpu.memory_space<vmem>>, vector<1x16xi32>,
        %mul3A_256 = arith.constant 4 : i32
        %mul3A_257 = vector.broadcast %mul3A_256 : i32 to vector<16xi32>
        %mul3A_258 = arith.muli %get3A_240, %mul3A_257 : vector<16xi32>
        %add3A_259 = arith.addi %mul3A_258, %get3A_245 : vector<16xi32>
        %swap3A_260 = arith.index_cast %scan3A_94 : i32 to index
        %swap3A_261 = arith.constant 64 : index
        %swap3A_262 = tpu.vector_load %arg12[%swap3A_260, %swap3A_261] {strides = array<i32>} : memref<25x80xi32, #tpu.memory_space<vmem>>, vector<1x16xi32>,
        %swap3A_263 = vector.shape_cast %swap3A_262 : vector<1x16xi32> to vector<16xi32>
        %swap3A_264 = vector.shape_cast %add3A_259 : vector<16xi32> to vector<1x16xi32>
        tpu.vector_store %arg12[%swap3A_260, %swap3A_261], %swap3A_264 {strides = array<i32>} : memref<25x80xi32, #tpu.memory_space<vmem>>, vector<1x16xi32>,
      }
      %scan3A_75 = arith.constant 25 : i32
      %scan3A_76 = arith.constant 0 : i32
      %scan3A_77 = arith.constant 0 : i32
      %scan3A_78 = arith.constant 14 : i32
      %scan3A_79 = arith.addi %scan3A_77, %scan3A_78 : i32
      %scan3A_80 = arith.constant 1 : i32
      scf.for %scan3A_94 = %scan3A_77 to %scan3A_79 step %scan3A_80  : i32 {
        %dma_start3A_95 = arith.constant 0 : i32
        %dma_start3A_96 = arith.constant 0 : i32
        %dma_start3A_97 = tpu.memref_slice %arg13[%scan3A_94, %dma_start3A_95, %dma_start3A_96] : memref<14x80x32xbf16, #tpu.memory_space<vmem>> -> memref<1x80x32xbf16, #tpu.memory_space<vmem>>
        %dma_start3A_98 = tpu.memref_squeeze %dma_start3A_97 : memref<1x80x32xbf16, #tpu.memory_space<vmem>> -> memref<80x32xbf16, #tpu.memory_space<vmem>>
        %dma_start3A_99 = arith.constant 0 : i32
        %dma_start3A_100 = tpu.memref_slice %arg11[%scan3A_94, %dma_start3A_99] : memref<25x80xi32, #tpu.memory_space<vmem>> -> memref<1x80xi32, #tpu.memory_space<vmem>>
        %dma_start3A_101 = tpu.memref_squeeze %dma_start3A_100 : memref<1x80xi32, #tpu.memory_space<vmem>> -> memref<80xi32, #tpu.memory_space<vmem>>
        %dma_start3A_102 = arith.constant 0 : i32
        %dma_start3A_103 = arith.constant 0 : i32
        %dma_start3A_104 = tpu.memref_slice %arg5[%dma_start3A_102, %dma_start3A_103] : memref<40000x32xbf16, #tpu.memory_space<hbm>> -> memref<40000x32xbf16, #tpu.memory_space<hbm>>
        tpu.enqueue_indirect_dma source(%dma_start3A_104 : memref<40000x32xbf16, #tpu.memory_space<hbm>>) target(%dma_start3A_98 : memref<80x32xbf16, #tpu.memory_space<vmem>>) offsets(%dma_start3A_101 : memref<80xi32, #tpu.memory_space<vmem>>) semaphore(%arg15 : memref<!tpu.dma_semaphore, #tpu.memory_space<semaphore_mem>>)
      }
      %scan3A_81 = arith.constant 14 : i32
      %scan3A_82 = arith.constant 0 : i32
      %scan3A_83 = arith.constant 0 : i32
      %scan3A_84 = arith.constant 25 : i32
      %scan3A_85 = arith.addi %scan3A_83, %scan3A_84 : i32
      %scan3A_86 = arith.constant 1 : i32
      scf.for %scan3A_94 = %scan3A_83 to %scan3A_85 step %scan3A_86  : i32 {
        %rem3A = arith.constant 14 : i32
        %rem3A_95 = arith.remsi %scan3A_94, %rem3A : i32
        %dma_wait3A_96 = arith.constant 0 : i32
        %dma_wait3A_97 = arith.constant 0 : i32
        %dma_wait3A_98 = tpu.memref_slice %arg13[%rem3A_95, %dma_wait3A_96, %dma_wait3A_97] : memref<14x80x32xbf16, #tpu.memory_space<vmem>> -> memref<1x80x32xbf16, #tpu.memory_space<vmem>>
        %dma_wait3A_99 = tpu.memref_squeeze %dma_wait3A_98 : memref<1x80x32xbf16, #tpu.memory_space<vmem>> -> memref<80x32xbf16, #tpu.memory_space<vmem>>
        %dma_wait3A_100 = arith.constant 0 : i32
        %dma_wait3A_101 = tpu.memref_slice %arg11[%scan3A_94, %dma_wait3A_100] : memref<25x80xi32, #tpu.memory_space<vmem>> -> memref<1x80xi32, #tpu.memory_space<vmem>>
        %dma_wait3A_102 = tpu.memref_squeeze %dma_wait3A_101 : memref<1x80xi32, #tpu.memory_space<vmem>> -> memref<80xi32, #tpu.memory_space<vmem>>
        %dma_wait3A_103 = arith.constant 0 : i32
        %dma_wait3A_104 = arith.constant 0 : i32
        %dma_wait3A_105 = tpu.memref_slice %arg5[%dma_wait3A_103, %dma_wait3A_104] : memref<40000x32xbf16, #tpu.memory_space<hbm>> -> memref<40000x32xbf16, #tpu.memory_space<hbm>>
        tpu.wait_indirect_dma semaphore(%arg15 : memref<!tpu.dma_semaphore, #tpu.memory_space<semaphore_mem>>) src(%dma_wait3A_105 : memref<40000x32xbf16, #tpu.memory_space<hbm>>) dst(%dma_wait3A_99 : memref<80x32xbf16, #tpu.memory_space<vmem>>)
        %dma_start3A_106 = arith.constant 0 : i32
        %dma_start3A_107 = arith.constant 0 : i32
        %dma_start3A_108 = tpu.memref_slice %arg13[%rem3A_95, %dma_start3A_106, %dma_start3A_107] : memref<14x80x32xbf16, #tpu.memory_space<vmem>> -> memref<1x80x32xbf16, #tpu.memory_space<vmem>>
        %dma_start3A_109 = tpu.memref_squeeze %dma_start3A_108 : memref<1x80x32xbf16, #tpu.memory_space<vmem>> -> memref<80x32xbf16, #tpu.memory_space<vmem>>
        %dma_start3A_110 = arith.constant 0 : i32
        %dma_start3A_111 = tpu.memref_slice %arg12[%scan3A_94, %dma_start3A_110] : memref<25x80xi32, #tpu.memory_space<vmem>> -> memref<1x80xi32, #tpu.memory_space<vmem>>
        %dma_start3A_112 = tpu.memref_squeeze %dma_start3A_111 : memref<1x80xi32, #tpu.memory_space<vmem>> -> memref<80xi32, #tpu.memory_space<vmem>>
        %dma_start3A_113 = arith.constant 0 : i32
        %dma_start3A_114 = arith.constant 0 : i32
        %dma_start3A_115 = tpu.memref_slice %arg7[%dma_start3A_113, %dma_start3A_114] : memref<40000x32xbf16, #tpu.memory_space<vmem_shared>> -> memref<40000x32xbf16, #tpu.memory_space<vmem_shared>>
        tpu.enqueue_indirect_dma source(%dma_start3A_109 : memref<80x32xbf16, #tpu.memory_space<vmem>>) target(%dma_start3A_115 : memref<40000x32xbf16, #tpu.memory_space<vmem_shared>>) offsets(%dma_start3A_112 : memref<80xi32, #tpu.memory_space<vmem>>) semaphore(%arg16 : memref<!tpu.dma_semaphore, #tpu.memory_space<semaphore_mem>>) {add = true}
        %ge3A = arith.constant 6 : i32
        %ge3A_116 = arith.cmpi sge, %scan3A_94, %ge3A : i32
        %convert_element_type3A = arith.extui %ge3A_116 : i1 to i32
        %cond3A = arith.constant 0 : i32
        %cond3A_117 = arith.cmpi ne, %convert_element_type3A, %cond3A : i32
        scf.if %cond3A_117 {
          %sub3A = arith.constant 6 : i32
          %sub3A_118 = arith.subi %scan3A_94, %sub3A : i32
          %rem3A_119 = arith.constant 14 : i32
          %rem3A_120 = arith.remsi %sub3A_118, %rem3A_119 : i32
          %dma_wait3A_121 = arith.constant 0 : i32
          %dma_wait3A_122 = arith.constant 0 : i32
          %dma_wait3A_123 = tpu.memref_slice %arg13[%rem3A_120, %dma_wait3A_121, %dma_wait3A_122] : memref<14x80x32xbf16, #tpu.memory_space<vmem>> -> memref<1x80x32xbf16, #tpu.memory_space<vmem>>
          %dma_wait3A_124 = tpu.memref_squeeze %dma_wait3A_123 : memref<1x80x32xbf16, #tpu.memory_space<vmem>> -> memref<80x32xbf16, #tpu.memory_space<vmem>>
          %dma_wait3A_125 = arith.constant 0 : i32
          %dma_wait3A_126 = tpu.memref_slice %arg12[%sub3A_118, %dma_wait3A_125] : memref<25x80xi32, #tpu.memory_space<vmem>> -> memref<1x80xi32, #tpu.memory_space<vmem>>
          %dma_wait3A_127 = tpu.memref_squeeze %dma_wait3A_126 : memref<1x80xi32, #tpu.memory_space<vmem>> -> memref<80xi32, #tpu.memory_space<vmem>>
          %dma_wait3A_128 = arith.constant 0 : i32
          %dma_wait3A_129 = arith.constant 0 : i32
          %dma_wait3A_130 = tpu.memref_slice %arg7[%dma_wait3A_128, %dma_wait3A_129] : memref<40000x32xbf16, #tpu.memory_space<vmem_shared>> -> memref<40000x32xbf16, #tpu.memory_space<vmem_shared>>
          tpu.wait_indirect_dma semaphore(%arg16 : memref<!tpu.dma_semaphore, #tpu.memory_space<semaphore_mem>>) src(%dma_wait3A_124 : memref<80x32xbf16, #tpu.memory_space<vmem>>) dst(%dma_wait3A_130 : memref<40000x32xbf16, #tpu.memory_space<vmem_shared>>)
          %add3A_131 = arith.constant 14 : i32
          %add3A_132 = arith.addi %sub3A_118, %add3A_131 : i32
          %lt3A = arith.constant 25 : i32
          %lt3A_133 = arith.cmpi slt, %add3A_132, %lt3A : i32
          %convert_element_type3A_134 = arith.extui %lt3A_133 : i1 to i32
          %cond3A_135 = arith.constant 0 : i32
          %cond3A_136 = arith.cmpi ne, %convert_element_type3A_134, %cond3A_135 : i32
          scf.if %cond3A_136 {
            %add3A_137 = arith.constant 14 : i32
            %add3A_138 = arith.addi %sub3A_118, %add3A_137 : i32
            %rem3A_139 = arith.constant 14 : i32
            %rem3A_140 = arith.remsi %add3A_138, %rem3A_139 : i32
            %dma_start3A_141 = arith.constant 0 : i32
            %dma_start3A_142 = arith.constant 0 : i32
            %dma_start3A_143 = tpu.memref_slice %arg13[%rem3A_140, %dma_start3A_141, %dma_start3A_142] : memref<14x80x32xbf16, #tpu.memory_space<vmem>> -> memref<1x80x32xbf16, #tpu.memory_space<vmem>>
            %dma_start3A_144 = tpu.memref_squeeze %dma_start3A_143 : memref<1x80x32xbf16, #tpu.memory_space<vmem>> -> memref<80x32xbf16, #tpu.memory_space<vmem>>
            %dma_start3A_145 = arith.constant 0 : i32
            %dma_start3A_146 = tpu.memref_slice %arg11[%add3A_138, %dma_start3A_145] : memref<25x80xi32, #tpu.memory_space<vmem>> -> memref<1x80xi32, #tpu.memory_space<vmem>>
            %dma_start3A_147 = tpu.memref_squeeze %dma_start3A_146 : memref<1x80xi32, #tpu.memory_space<vmem>> -> memref<80xi32, #tpu.memory_space<vmem>>
            %dma_start3A_148 = arith.constant 0 : i32
            %dma_start3A_149 = arith.constant 0 : i32
            %dma_start3A_150 = tpu.memref_slice %arg5[%dma_start3A_148, %dma_start3A_149] : memref<40000x32xbf16, #tpu.memory_space<hbm>> -> memref<40000x32xbf16, #tpu.memory_space<hbm>>
            tpu.enqueue_indirect_dma source(%dma_start3A_150 : memref<40000x32xbf16, #tpu.memory_space<hbm>>) target(%dma_start3A_144 : memref<80x32xbf16, #tpu.memory_space<vmem>>) offsets(%dma_start3A_147 : memref<80xi32, #tpu.memory_space<vmem>>) semaphore(%arg15 : memref<!tpu.dma_semaphore, #tpu.memory_space<semaphore_mem>>)
          } else {
          }
        } else {
        }
      }
      %scan3A_87 = arith.constant 25 : i32
      %scan3A_88 = arith.constant 0 : i32
      %scan3A_89 = arith.constant 0 : i32
      %scan3A_90 = arith.constant 6 : i32
      %scan3A_91 = arith.addi %scan3A_89, %scan3A_90 : i32
      %scan3A_92 = arith.constant 1 : i32
      scf.for %scan3A_94 = %scan3A_89 to %scan3A_91 step %scan3A_92  : i32 {
        %add3A_95 = arith.constant 19 : i32
        %add3A_96 = arith.addi %add3A_95, %scan3A_94 : i32
        %rem3A = arith.constant 14 : i32
        %rem3A_97 = arith.remsi %add3A_96, %rem3A : i32
        %dma_wait3A_98 = arith.constant 0 : i32
        %dma_wait3A_99 = arith.constant 0 : i32
        %dma_wait3A_100 = tpu.memref_slice %arg13[%rem3A_97, %dma_wait3A_98, %dma_wait3A_99] : memref<14x80x32xbf16, #tpu.memory_space<vmem>> -> memref<1x80x32xbf16, #tpu.memory_space<vmem>>
        %dma_wait3A_101 = tpu.memref_squeeze %dma_wait3A_100 : memref<1x80x32xbf16, #tpu.memory_space<vmem>> -> memref<80x32xbf16, #tpu.memory_space<vmem>>
        %dma_wait3A_102 = arith.constant 0 : i32
        %dma_wait3A_103 = tpu.memref_slice %arg12[%add3A_96, %dma_wait3A_102] : memref<25x80xi32, #tpu.memory_space<vmem>> -> memref<1x80xi32, #tpu.memory_space<vmem>>
        %dma_wait3A_104 = tpu.memref_squeeze %dma_wait3A_103 : memref<1x80xi32, #tpu.memory_space<vmem>> -> memref<80xi32, #tpu.memory_space<vmem>>
        %dma_wait3A_105 = arith.constant 0 : i32
        %dma_wait3A_106 = arith.constant 0 : i32
        %dma_wait3A_107 = tpu.memref_slice %arg7[%dma_wait3A_105, %dma_wait3A_106] : memref<40000x32xbf16, #tpu.memory_space<vmem_shared>> -> memref<40000x32xbf16, #tpu.memory_space<vmem_shared>>
        tpu.wait_indirect_dma semaphore(%arg16 : memref<!tpu.dma_semaphore, #tpu.memory_space<semaphore_mem>>) src(%dma_wait3A_101 : memref<80x32xbf16, #tpu.memory_space<vmem>>) dst(%dma_wait3A_107 : memref<40000x32xbf16, #tpu.memory_space<vmem_shared>>)
      }
      %scan3A_93 = arith.constant 6 : i32
    }
    %scan3A_28 = arith.constant 10 : i32
    %barrier3A_29 = arith.constant 0 : index
    tpu.barrier barrier_id(%barrier3A_29)
    "tpu.region"() ({
      %run_scoped3A = tpu.sem_alloc : memref<!tpu.dma_semaphore, #tpu.memory_space<semaphore_mem>>
      %dma_start3A = arith.constant 0 : i32
      %dma_start3A_56 = tpu.memref_slice %arg6[%add3A_10, %mul3A_2, %dma_start3A] : memref<4x40000x32xbf16, #tpu.memory_space<hbm>> -> memref<1x2500x32xbf16, #tpu.memory_space<hbm>>
      %dma_start3A_57 = tpu.memref_squeeze %dma_start3A_56 : memref<1x2500x32xbf16, #tpu.memory_space<hbm>> -> memref<2500x32xbf16, #tpu.memory_space<hbm>>
      %dma_start3A_58 = arith.constant 0 : i32
      %dma_start3A_59 = tpu.memref_slice %arg7[%mul3A_2, %dma_start3A_58] : memref<40000x32xbf16, #tpu.memory_space<vmem_shared>> -> memref<2500x32xbf16, #tpu.memory_space<vmem_shared>>
      tpu.enqueue_dma source(%dma_start3A_59 : memref<2500x32xbf16, #tpu.memory_space<vmem_shared>>) target(%dma_start3A_57 : memref<2500x32xbf16, #tpu.memory_space<hbm>>) target_semaphore(%run_scoped3A : memref<!tpu.dma_semaphore, #tpu.memory_space<semaphore_mem>>)
      %dma_wait3A = arith.constant 0 : i32
      %dma_wait3A_60 = tpu.memref_slice %arg6[%add3A_10, %mul3A_2, %dma_wait3A] : memref<4x40000x32xbf16, #tpu.memory_space<hbm>> -> memref<1x2500x32xbf16, #tpu.memory_space<hbm>>
      %dma_wait3A_61 = tpu.memref_squeeze %dma_wait3A_60 : memref<1x2500x32xbf16, #tpu.memory_space<hbm>> -> memref<2500x32xbf16, #tpu.memory_space<hbm>>
      %dma_wait3A_62 = arith.constant 0 : i32
      %dma_wait3A_63 = tpu.memref_slice %arg7[%mul3A_2, %dma_wait3A_62] : memref<40000x32xbf16, #tpu.memory_space<vmem_shared>> -> memref<2500x32xbf16, #tpu.memory_space<vmem_shared>>
      tpu.wait_dma2 semaphore(%run_scoped3A : memref<!tpu.dma_semaphore, #tpu.memory_space<semaphore_mem>>) src(%dma_wait3A_63 : memref<2500x32xbf16, #tpu.memory_space<vmem_shared>>) dst(%dma_wait3A_61 : memref<2500x32xbf16, #tpu.memory_space<hbm>>)
      tpu.yield
    }) : () -> ()
    %barrier3A_30 = arith.constant 0 : index
    tpu.barrier barrier_id(%barrier3A_30)
    %mul3A_31 = arith.constant 2 : i32
    %mul3A_32 = arith.muli %arg0, %mul3A_31 : i32
    %add3A_33 = arith.constant 1 : i32
    %add3A_34 = arith.addi %mul3A_32, %add3A_33 : i32
    %scan3A_35 = arith.constant 0 : i32
    %scan3A_36 = arith.constant 0 : i32
    %scan3A_37 = arith.constant 25 : i32
    %scan3A_38 = arith.addi %scan3A_36, %scan3A_37 : i32
    %scan3A_39 = arith.constant 1 : i32
    scf.for %scan3A_56 = %scan3A_36 to %scan3A_38 step %scan3A_39  : i32 {
      %mul3A_57 = arith.constant 100 : i32
      %mul3A_58 = arith.muli %scan3A_56, %mul3A_57 : i32
      %add3A_59 = arith.addi %mul3A_2, %mul3A_58 : i32
      %dma_start3A = arith.constant 0 : i32
      %dma_start3A_60 = tpu.memref_slice %arg7[%add3A_59, %dma_start3A] : memref<40000x32xbf16, #tpu.memory_space<vmem_shared>> -> memref<100x32xbf16, #tpu.memory_space<vmem_shared>>
      %dma_start3A_61 = arith.constant 0 : i32
      %dma_start3A_62 = tpu.memref_slice %arg7[%add3A_59, %dma_start3A_61] : memref<40000x32xbf16, #tpu.memory_space<vmem_shared>> -> memref<100x32xbf16, #tpu.memory_space<vmem_shared>>
      tpu.enqueue_dma source(%arg14 : memref<100x32xbf16, #tpu.memory_space<vmem>>) target(%dma_start3A_62 : memref<100x32xbf16, #tpu.memory_space<vmem_shared>>) target_semaphore(%arg16 : memref<!tpu.dma_semaphore, #tpu.memory_space<semaphore_mem>>)
    }
    %scan3A_40 = arith.constant 25 : i32
    %scan3A_41 = arith.constant 0 : i32
    %scan3A_42 = arith.constant 0 : i32
    %scan3A_43 = arith.constant 25 : i32
    %scan3A_44 = arith.addi %scan3A_42, %scan3A_43 : i32
    %scan3A_45 = arith.constant 1 : i32
    scf.for %scan3A_56 = %scan3A_42 to %scan3A_44 step %scan3A_45  : i32 {
      %mul3A_57 = arith.constant 100 : i32
      %mul3A_58 = arith.muli %scan3A_56, %mul3A_57 : i32
      %add3A_59 = arith.addi %mul3A_2, %mul3A_58 : i32
      %dma_wait3A = arith.constant 0 : i32
      %dma_wait3A_60 = tpu.memref_slice %arg7[%add3A_59, %dma_wait3A] : memref<40000x32xbf16, #tpu.memory_space<vmem_shared>> -> memref<100x32xbf16, #tpu.memory_space<vmem_shared>>
      %dma_wait3A_61 = arith.constant 0 : i32
      %dma_wait3A_62 = tpu.memref_slice %arg7[%add3A_59, %dma_wait3A_61] : memref<40000x32xbf16, #tpu.memory_space<vmem_shared>> -> memref<100x32xbf16, #tpu.memory_space<vmem_shared>>
      tpu.wait_dma2 semaphore(%arg16 : memref<!tpu.dma_semaphore, #tpu.memory_space<semaphore_mem>>) src(%arg14 : memref<100x32xbf16, #tpu.memory_space<vmem>>) dst(%dma_wait3A_62 : memref<100x32xbf16, #tpu.memory_space<vmem_shared>>)
    }
    %scan3A_46 = arith.constant 25 : i32
    %barrier3A_47 = arith.constant 0 : index
    tpu.barrier barrier_id(%barrier3A_47)
    %scan3A_48 = arith.constant 0 : i32
    %scan3A_49 = arith.constant 0 : i32
    %scan3A_50 = arith.constant 10 : i32
    %scan3A_51 = arith.addi %scan3A_49, %scan3A_50 : i32
    %scan3A_52 = arith.constant 1 : i32
    scf.for %scan3A_56 = %scan3A_49 to %scan3A_51 step %scan3A_52  : i32 {
      %mul3A_57 = arith.constant 2000 : i32
      %mul3A_58 = arith.muli %scan3A_56, %mul3A_57 : i32
      %add3A_59 = arith.addi %mul3A_0, %mul3A_58 : i32
      %dma_start3A = tpu.memref_slice %arg2[%add3A_59] : memref<320000xi32, #tpu.memory_space<hbm>> -> memref<2000xi32, #tpu.memory_space<hbm>>
      %dma_start3A_60 = tpu.memref_slice %arg2[%add3A_59] : memref<320000xi32, #tpu.memory_space<hbm>> -> memref<2000xi32, #tpu.memory_space<hbm>>
      tpu.enqueue_dma source(%dma_start3A_60 : memref<2000xi32, #tpu.memory_space<hbm>>) target(%arg8 : memref<2000xi32, #tpu.memory_space<vmem>>) target_semaphore(%arg15 : memref<!tpu.dma_semaphore, #tpu.memory_space<semaphore_mem>>)
      %dma_start3A_61 = tpu.memref_slice %arg3[%add3A_59] : memref<320000xi32, #tpu.memory_space<hbm>> -> memref<2000xi32, #tpu.memory_space<hbm>>
      %dma_start3A_62 = tpu.memref_slice %arg3[%add3A_59] : memref<320000xi32, #tpu.memory_space<hbm>> -> memref<2000xi32, #tpu.memory_space<hbm>>
      tpu.enqueue_dma source(%dma_start3A_62 : memref<2000xi32, #tpu.memory_space<hbm>>) target(%arg9 : memref<2000xi32, #tpu.memory_space<vmem>>) target_semaphore(%arg15 : memref<!tpu.dma_semaphore, #tpu.memory_space<semaphore_mem>>)
      %dma_start3A_63 = tpu.memref_slice %arg4[%add3A_59] : memref<320000xi32, #tpu.memory_space<hbm>> -> memref<2000xi32, #tpu.memory_space<hbm>>
      %dma_start3A_64 = tpu.memref_slice %arg4[%add3A_59] : memref<320000xi32, #tpu.memory_space<hbm>> -> memref<2000xi32, #tpu.memory_space<hbm>>
      tpu.enqueue_dma source(%dma_start3A_64 : memref<2000xi32, #tpu.memory_space<hbm>>) target(%arg10 : memref<2000xi32, #tpu.memory_space<vmem>>) target_semaphore(%arg15 : memref<!tpu.dma_semaphore, #tpu.memory_space<semaphore_mem>>)
      %dma_wait3A = tpu.memref_slice %arg2[%add3A_59] : memref<320000xi32, #tpu.memory_space<hbm>> -> memref<2000xi32, #tpu.memory_space<hbm>>
      %dma_wait3A_65 = tpu.memref_slice %arg2[%add3A_59] : memref<320000xi32, #tpu.memory_space<hbm>> -> memref<2000xi32, #tpu.memory_space<hbm>>
      tpu.wait_dma2 semaphore(%arg15 : memref<!tpu.dma_semaphore, #tpu.memory_space<semaphore_mem>>) src(%dma_wait3A_65 : memref<2000xi32, #tpu.memory_space<hbm>>) dst(%arg8 : memref<2000xi32, #tpu.memory_space<vmem>>)
      %dma_wait3A_66 = tpu.memref_slice %arg3[%add3A_59] : memref<320000xi32, #tpu.memory_space<hbm>> -> memref<2000xi32, #tpu.memory_space<hbm>>
      %dma_wait3A_67 = tpu.memref_slice %arg3[%add3A_59] : memref<320000xi32, #tpu.memory_space<hbm>> -> memref<2000xi32, #tpu.memory_space<hbm>>
      tpu.wait_dma2 semaphore(%arg15 : memref<!tpu.dma_semaphore, #tpu.memory_space<semaphore_mem>>) src(%dma_wait3A_67 : memref<2000xi32, #tpu.memory_space<hbm>>) dst(%arg9 : memref<2000xi32, #tpu.memory_space<vmem>>)
      %dma_wait3A_68 = tpu.memref_slice %arg4[%add3A_59] : memref<320000xi32, #tpu.memory_space<hbm>> -> memref<2000xi32, #tpu.memory_space<hbm>>
      %dma_wait3A_69 = tpu.memref_slice %arg4[%add3A_59] : memref<320000xi32, #tpu.memory_space<hbm>> -> memref<2000xi32, #tpu.memory_space<hbm>>
      tpu.wait_dma2 semaphore(%arg15 : memref<!tpu.dma_semaphore, #tpu.memory_space<semaphore_mem>>) src(%dma_wait3A_69 : memref<2000xi32, #tpu.memory_space<hbm>>) dst(%arg10 : memref<2000xi32, #tpu.memory_space<vmem>>)
      %scan3A_70 = arith.constant 0 : i32
      %scan3A_71 = arith.constant 0 : i32
      %scan3A_72 = arith.constant 25 : i32
      %scan3A_73 = arith.addi %scan3A_71, %scan3A_72 : i32
      %scan3A_74 = arith.constant 1 : i32
      scf.for %scan3A_94 = %scan3A_71 to %scan3A_73 step %scan3A_74  : i32 {
        %mul3A_95 = arith.constant 80 : i32
        %mul3A_96 = arith.muli %scan3A_94, %mul3A_95 : i32
        %add3A_97 = arith.constant 0 : i32
        %add3A_98 = arith.addi %mul3A_96, %add3A_97 : i32
        %get3A = arith.index_cast %add3A_98 : i32 to index
        %get3A_99 = tpu.vector_load %arg8[%get3A] {strides = array<i32>} : memref<2000xi32, #tpu.memory_space<vmem>>, vector<16xi32>,
        %get3A_100 = vector.shape_cast %get3A_99 : vector<16xi32> to vector<16xi32>
        %add3A_101 = arith.constant 0 : i32
        %add3A_102 = arith.addi %mul3A_96, %add3A_101 : i32
        %get3A_103 = arith.index_cast %add3A_102 : i32 to index
        %get3A_104 = tpu.vector_load %arg9[%get3A_103] {strides = array<i32>} : memref<2000xi32, #tpu.memory_space<vmem>>, vector<16xi32>,
        %get3A_105 = vector.shape_cast %get3A_104 : vector<16xi32> to vector<16xi32>
        %add3A_106 = arith.constant 0 : i32
        %add3A_107 = arith.addi %mul3A_96, %add3A_106 : i32
        %get3A_108 = arith.index_cast %add3A_107 : i32 to index
        %get3A_109 = tpu.vector_load %arg10[%get3A_108] {strides = array<i32>} : memref<2000xi32, #tpu.memory_space<vmem>>, vector<16xi32>,
        %get3A_110 = vector.shape_cast %get3A_109 : vector<16xi32> to vector<16xi32>
        %mul3A_111 = arith.constant 4 : i32
        %mul3A_112 = vector.broadcast %mul3A_111 : i32 to vector<16xi32>
        %mul3A_113 = arith.muli %get3A_100, %mul3A_112 : vector<16xi32>
        %add3A_114 = vector.broadcast %add3A_34 : i32 to vector<16xi32>
        %add3A_115 = arith.addi %mul3A_113, %add3A_114 : vector<16xi32>
        %swap3A = arith.index_cast %scan3A_94 : i32 to index
        %swap3A_116 = arith.constant 0 : index
        %swap3A_117 = tpu.vector_load %arg11[%swap3A, %swap3A_116] {strides = array<i32>} : memref<25x80xi32, #tpu.memory_space<vmem>>, vector<1x16xi32>,
        %swap3A_118 = vector.shape_cast %swap3A_117 : vector<1x16xi32> to vector<16xi32>
        %swap3A_119 = vector.shape_cast %add3A_115 : vector<16xi32> to vector<1x16xi32>
        tpu.vector_store %arg11[%swap3A, %swap3A_116], %swap3A_119 {strides = array<i32>} : memref<25x80xi32, #tpu.memory_space<vmem>>, vector<1x16xi32>,
        %mul3A_120 = arith.constant 4 : i32
        %mul3A_121 = vector.broadcast %mul3A_120 : i32 to vector<16xi32>
        %mul3A_122 = arith.muli %get3A_105, %mul3A_121 : vector<16xi32>
        %add3A_123 = arith.addi %mul3A_122, %get3A_110 : vector<16xi32>
        %swap3A_124 = arith.index_cast %scan3A_94 : i32 to index
        %swap3A_125 = arith.constant 0 : index
        %swap3A_126 = tpu.vector_load %arg12[%swap3A_124, %swap3A_125] {strides = array<i32>} : memref<25x80xi32, #tpu.memory_space<vmem>>, vector<1x16xi32>,
        %swap3A_127 = vector.shape_cast %swap3A_126 : vector<1x16xi32> to vector<16xi32>
        %swap3A_128 = vector.shape_cast %add3A_123 : vector<16xi32> to vector<1x16xi32>
        tpu.vector_store %arg12[%swap3A_124, %swap3A_125], %swap3A_128 {strides = array<i32>} : memref<25x80xi32, #tpu.memory_space<vmem>>, vector<1x16xi32>,
        %add3A_129 = arith.constant 16 : i32
        %add3A_130 = arith.addi %mul3A_96, %add3A_129 : i32
        %get3A_131 = arith.index_cast %add3A_130 : i32 to index
        %get3A_132 = tpu.vector_load %arg8[%get3A_131] {strides = array<i32>} : memref<2000xi32, #tpu.memory_space<vmem>>, vector<16xi32>,
        %get3A_133 = vector.shape_cast %get3A_132 : vector<16xi32> to vector<16xi32>
        %add3A_134 = arith.constant 16 : i32
        %add3A_135 = arith.addi %mul3A_96, %add3A_134 : i32
        %get3A_136 = arith.index_cast %add3A_135 : i32 to index
        %get3A_137 = tpu.vector_load %arg9[%get3A_136] {strides = array<i32>} : memref<2000xi32, #tpu.memory_space<vmem>>, vector<16xi32>,
        %get3A_138 = vector.shape_cast %get3A_137 : vector<16xi32> to vector<16xi32>
        %add3A_139 = arith.constant 16 : i32
        %add3A_140 = arith.addi %mul3A_96, %add3A_139 : i32
        %get3A_141 = arith.index_cast %add3A_140 : i32 to index
        %get3A_142 = tpu.vector_load %arg10[%get3A_141] {strides = array<i32>} : memref<2000xi32, #tpu.memory_space<vmem>>, vector<16xi32>,
        %get3A_143 = vector.shape_cast %get3A_142 : vector<16xi32> to vector<16xi32>
        %mul3A_144 = arith.constant 4 : i32
        %mul3A_145 = vector.broadcast %mul3A_144 : i32 to vector<16xi32>
        %mul3A_146 = arith.muli %get3A_133, %mul3A_145 : vector<16xi32>
        %add3A_147 = vector.broadcast %add3A_34 : i32 to vector<16xi32>
        %add3A_148 = arith.addi %mul3A_146, %add3A_147 : vector<16xi32>
        %swap3A_149 = arith.index_cast %scan3A_94 : i32 to index
        %swap3A_150 = arith.constant 16 : index
        %swap3A_151 = tpu.vector_load %arg11[%swap3A_149, %swap3A_150] {strides = array<i32>} : memref<25x80xi32, #tpu.memory_space<vmem>>, vector<1x16xi32>,
        %swap3A_152 = vector.shape_cast %swap3A_151 : vector<1x16xi32> to vector<16xi32>
        %swap3A_153 = vector.shape_cast %add3A_148 : vector<16xi32> to vector<1x16xi32>
        tpu.vector_store %arg11[%swap3A_149, %swap3A_150], %swap3A_153 {strides = array<i32>} : memref<25x80xi32, #tpu.memory_space<vmem>>, vector<1x16xi32>,
        %mul3A_154 = arith.constant 4 : i32
        %mul3A_155 = vector.broadcast %mul3A_154 : i32 to vector<16xi32>
        %mul3A_156 = arith.muli %get3A_138, %mul3A_155 : vector<16xi32>
        %add3A_157 = arith.addi %mul3A_156, %get3A_143 : vector<16xi32>
        %swap3A_158 = arith.index_cast %scan3A_94 : i32 to index
        %swap3A_159 = arith.constant 16 : index
        %swap3A_160 = tpu.vector_load %arg12[%swap3A_158, %swap3A_159] {strides = array<i32>} : memref<25x80xi32, #tpu.memory_space<vmem>>, vector<1x16xi32>,
        %swap3A_161 = vector.shape_cast %swap3A_160 : vector<1x16xi32> to vector<16xi32>
        %swap3A_162 = vector.shape_cast %add3A_157 : vector<16xi32> to vector<1x16xi32>
        tpu.vector_store %arg12[%swap3A_158, %swap3A_159], %swap3A_162 {strides = array<i32>} : memref<25x80xi32, #tpu.memory_space<vmem>>, vector<1x16xi32>,
        %add3A_163 = arith.constant 32 : i32
        %add3A_164 = arith.addi %mul3A_96, %add3A_163 : i32
        %get3A_165 = arith.index_cast %add3A_164 : i32 to index
        %get3A_166 = tpu.vector_load %arg8[%get3A_165] {strides = array<i32>} : memref<2000xi32, #tpu.memory_space<vmem>>, vector<16xi32>,
        %get3A_167 = vector.shape_cast %get3A_166 : vector<16xi32> to vector<16xi32>
        %add3A_168 = arith.constant 32 : i32
        %add3A_169 = arith.addi %mul3A_96, %add3A_168 : i32
        %get3A_170 = arith.index_cast %add3A_169 : i32 to index
        %get3A_171 = tpu.vector_load %arg9[%get3A_170] {strides = array<i32>} : memref<2000xi32, #tpu.memory_space<vmem>>, vector<16xi32>,
        %get3A_172 = vector.shape_cast %get3A_171 : vector<16xi32> to vector<16xi32>
        %add3A_173 = arith.constant 32 : i32
        %add3A_174 = arith.addi %mul3A_96, %add3A_173 : i32
        %get3A_175 = arith.index_cast %add3A_174 : i32 to index
        %get3A_176 = tpu.vector_load %arg10[%get3A_175] {strides = array<i32>} : memref<2000xi32, #tpu.memory_space<vmem>>, vector<16xi32>,
        %get3A_177 = vector.shape_cast %get3A_176 : vector<16xi32> to vector<16xi32>
        %mul3A_178 = arith.constant 4 : i32
        %mul3A_179 = vector.broadcast %mul3A_178 : i32 to vector<16xi32>
        %mul3A_180 = arith.muli %get3A_167, %mul3A_179 : vector<16xi32>
        %add3A_181 = vector.broadcast %add3A_34 : i32 to vector<16xi32>
        %add3A_182 = arith.addi %mul3A_180, %add3A_181 : vector<16xi32>
        %swap3A_183 = arith.index_cast %scan3A_94 : i32 to index
        %swap3A_184 = arith.constant 32 : index
        %swap3A_185 = tpu.vector_load %arg11[%swap3A_183, %swap3A_184] {strides = array<i32>} : memref<25x80xi32, #tpu.memory_space<vmem>>, vector<1x16xi32>,
        %swap3A_186 = vector.shape_cast %swap3A_185 : vector<1x16xi32> to vector<16xi32>
        %swap3A_187 = vector.shape_cast %add3A_182 : vector<16xi32> to vector<1x16xi32>
        tpu.vector_store %arg11[%swap3A_183, %swap3A_184], %swap3A_187 {strides = array<i32>} : memref<25x80xi32, #tpu.memory_space<vmem>>, vector<1x16xi32>,
        %mul3A_188 = arith.constant 4 : i32
        %mul3A_189 = vector.broadcast %mul3A_188 : i32 to vector<16xi32>
        %mul3A_190 = arith.muli %get3A_172, %mul3A_189 : vector<16xi32>
        %add3A_191 = arith.addi %mul3A_190, %get3A_177 : vector<16xi32>
        %swap3A_192 = arith.index_cast %scan3A_94 : i32 to index
        %swap3A_193 = arith.constant 32 : index
        %swap3A_194 = tpu.vector_load %arg12[%swap3A_192, %swap3A_193] {strides = array<i32>} : memref<25x80xi32, #tpu.memory_space<vmem>>, vector<1x16xi32>,
        %swap3A_195 = vector.shape_cast %swap3A_194 : vector<1x16xi32> to vector<16xi32>
        %swap3A_196 = vector.shape_cast %add3A_191 : vector<16xi32> to vector<1x16xi32>
        tpu.vector_store %arg12[%swap3A_192, %swap3A_193], %swap3A_196 {strides = array<i32>} : memref<25x80xi32, #tpu.memory_space<vmem>>, vector<1x16xi32>,
        %add3A_197 = arith.constant 48 : i32
        %add3A_198 = arith.addi %mul3A_96, %add3A_197 : i32
        %get3A_199 = arith.index_cast %add3A_198 : i32 to index
        %get3A_200 = tpu.vector_load %arg8[%get3A_199] {strides = array<i32>} : memref<2000xi32, #tpu.memory_space<vmem>>, vector<16xi32>,
        %get3A_201 = vector.shape_cast %get3A_200 : vector<16xi32> to vector<16xi32>
        %add3A_202 = arith.constant 48 : i32
        %add3A_203 = arith.addi %mul3A_96, %add3A_202 : i32
        %get3A_204 = arith.index_cast %add3A_203 : i32 to index
        %get3A_205 = tpu.vector_load %arg9[%get3A_204] {strides = array<i32>} : memref<2000xi32, #tpu.memory_space<vmem>>, vector<16xi32>,
        %get3A_206 = vector.shape_cast %get3A_205 : vector<16xi32> to vector<16xi32>
        %add3A_207 = arith.constant 48 : i32
        %add3A_208 = arith.addi %mul3A_96, %add3A_207 : i32
        %get3A_209 = arith.index_cast %add3A_208 : i32 to index
        %get3A_210 = tpu.vector_load %arg10[%get3A_209] {strides = array<i32>} : memref<2000xi32, #tpu.memory_space<vmem>>, vector<16xi32>,
        %get3A_211 = vector.shape_cast %get3A_210 : vector<16xi32> to vector<16xi32>
        %mul3A_212 = arith.constant 4 : i32
        %mul3A_213 = vector.broadcast %mul3A_212 : i32 to vector<16xi32>
        %mul3A_214 = arith.muli %get3A_201, %mul3A_213 : vector<16xi32>
        %add3A_215 = vector.broadcast %add3A_34 : i32 to vector<16xi32>
        %add3A_216 = arith.addi %mul3A_214, %add3A_215 : vector<16xi32>
        %swap3A_217 = arith.index_cast %scan3A_94 : i32 to index
        %swap3A_218 = arith.constant 48 : index
        %swap3A_219 = tpu.vector_load %arg11[%swap3A_217, %swap3A_218] {strides = array<i32>} : memref<25x80xi32, #tpu.memory_space<vmem>>, vector<1x16xi32>,
        %swap3A_220 = vector.shape_cast %swap3A_219 : vector<1x16xi32> to vector<16xi32>
        %swap3A_221 = vector.shape_cast %add3A_216 : vector<16xi32> to vector<1x16xi32>
        tpu.vector_store %arg11[%swap3A_217, %swap3A_218], %swap3A_221 {strides = array<i32>} : memref<25x80xi32, #tpu.memory_space<vmem>>, vector<1x16xi32>,
        %mul3A_222 = arith.constant 4 : i32
        %mul3A_223 = vector.broadcast %mul3A_222 : i32 to vector<16xi32>
        %mul3A_224 = arith.muli %get3A_206, %mul3A_223 : vector<16xi32>
        %add3A_225 = arith.addi %mul3A_224, %get3A_211 : vector<16xi32>
        %swap3A_226 = arith.index_cast %scan3A_94 : i32 to index
        %swap3A_227 = arith.constant 48 : index
        %swap3A_228 = tpu.vector_load %arg12[%swap3A_226, %swap3A_227] {strides = array<i32>} : memref<25x80xi32, #tpu.memory_space<vmem>>, vector<1x16xi32>,
        %swap3A_229 = vector.shape_cast %swap3A_228 : vector<1x16xi32> to vector<16xi32>
        %swap3A_230 = vector.shape_cast %add3A_225 : vector<16xi32> to vector<1x16xi32>
        tpu.vector_store %arg12[%swap3A_226, %swap3A_227], %swap3A_230 {strides = array<i32>} : memref<25x80xi32, #tpu.memory_space<vmem>>, vector<1x16xi32>,
        %add3A_231 = arith.constant 64 : i32
        %add3A_232 = arith.addi %mul3A_96, %add3A_231 : i32
        %get3A_233 = arith.index_cast %add3A_232 : i32 to index
        %get3A_234 = tpu.vector_load %arg8[%get3A_233] {strides = array<i32>} : memref<2000xi32, #tpu.memory_space<vmem>>, vector<16xi32>,
        %get3A_235 = vector.shape_cast %get3A_234 : vector<16xi32> to vector<16xi32>
        %add3A_236 = arith.constant 64 : i32
        %add3A_237 = arith.addi %mul3A_96, %add3A_236 : i32
        %get3A_238 = arith.index_cast %add3A_237 : i32 to index
        %get3A_239 = tpu.vector_load %arg9[%get3A_238] {strides = array<i32>} : memref<2000xi32, #tpu.memory_space<vmem>>, vector<16xi32>,
        %get3A_240 = vector.shape_cast %get3A_239 : vector<16xi32> to vector<16xi32>
        %add3A_241 = arith.constant 64 : i32
        %add3A_242 = arith.addi %mul3A_96, %add3A_241 : i32
        %get3A_243 = arith.index_cast %add3A_242 : i32 to index
        %get3A_244 = tpu.vector_load %arg10[%get3A_243] {strides = array<i32>} : memref<2000xi32, #tpu.memory_space<vmem>>, vector<16xi32>,
        %get3A_245 = vector.shape_cast %get3A_244 : vector<16xi32> to vector<16xi32>
        %mul3A_246 = arith.constant 4 : i32
        %mul3A_247 = vector.broadcast %mul3A_246 : i32 to vector<16xi32>
        %mul3A_248 = arith.muli %get3A_235, %mul3A_247 : vector<16xi32>
        %add3A_249 = vector.broadcast %add3A_34 : i32 to vector<16xi32>
        %add3A_250 = arith.addi %mul3A_248, %add3A_249 : vector<16xi32>
        %swap3A_251 = arith.index_cast %scan3A_94 : i32 to index
        %swap3A_252 = arith.constant 64 : index
        %swap3A_253 = tpu.vector_load %arg11[%swap3A_251, %swap3A_252] {strides = array<i32>} : memref<25x80xi32, #tpu.memory_space<vmem>>, vector<1x16xi32>,
        %swap3A_254 = vector.shape_cast %swap3A_253 : vector<1x16xi32> to vector<16xi32>
        %swap3A_255 = vector.shape_cast %add3A_250 : vector<16xi32> to vector<1x16xi32>
        tpu.vector_store %arg11[%swap3A_251, %swap3A_252], %swap3A_255 {strides = array<i32>} : memref<25x80xi32, #tpu.memory_space<vmem>>, vector<1x16xi32>,
        %mul3A_256 = arith.constant 4 : i32
        %mul3A_257 = vector.broadcast %mul3A_256 : i32 to vector<16xi32>
        %mul3A_258 = arith.muli %get3A_240, %mul3A_257 : vector<16xi32>
        %add3A_259 = arith.addi %mul3A_258, %get3A_245 : vector<16xi32>
        %swap3A_260 = arith.index_cast %scan3A_94 : i32 to index
        %swap3A_261 = arith.constant 64 : index
        %swap3A_262 = tpu.vector_load %arg12[%swap3A_260, %swap3A_261] {strides = array<i32>} : memref<25x80xi32, #tpu.memory_space<vmem>>, vector<1x16xi32>,
        %swap3A_263 = vector.shape_cast %swap3A_262 : vector<1x16xi32> to vector<16xi32>
        %swap3A_264 = vector.shape_cast %add3A_259 : vector<16xi32> to vector<1x16xi32>
        tpu.vector_store %arg12[%swap3A_260, %swap3A_261], %swap3A_264 {strides = array<i32>} : memref<25x80xi32, #tpu.memory_space<vmem>>, vector<1x16xi32>,
      }
      %scan3A_75 = arith.constant 25 : i32
      %scan3A_76 = arith.constant 0 : i32
      %scan3A_77 = arith.constant 0 : i32
      %scan3A_78 = arith.constant 14 : i32
      %scan3A_79 = arith.addi %scan3A_77, %scan3A_78 : i32
      %scan3A_80 = arith.constant 1 : i32
      scf.for %scan3A_94 = %scan3A_77 to %scan3A_79 step %scan3A_80  : i32 {
        %dma_start3A_95 = arith.constant 0 : i32
        %dma_start3A_96 = arith.constant 0 : i32
        %dma_start3A_97 = tpu.memref_slice %arg13[%scan3A_94, %dma_start3A_95, %dma_start3A_96] : memref<14x80x32xbf16, #tpu.memory_space<vmem>> -> memref<1x80x32xbf16, #tpu.memory_space<vmem>>
        %dma_start3A_98 = tpu.memref_squeeze %dma_start3A_97 : memref<1x80x32xbf16, #tpu.memory_space<vmem>> -> memref<80x32xbf16, #tpu.memory_space<vmem>>
        %dma_start3A_99 = arith.constant 0 : i32
        %dma_start3A_100 = tpu.memref_slice %arg11[%scan3A_94, %dma_start3A_99] : memref<25x80xi32, #tpu.memory_space<vmem>> -> memref<1x80xi32, #tpu.memory_space<vmem>>
        %dma_start3A_101 = tpu.memref_squeeze %dma_start3A_100 : memref<1x80xi32, #tpu.memory_space<vmem>> -> memref<80xi32, #tpu.memory_space<vmem>>
        %dma_start3A_102 = arith.constant 0 : i32
        %dma_start3A_103 = arith.constant 0 : i32
        %dma_start3A_104 = tpu.memref_slice %arg5[%dma_start3A_102, %dma_start3A_103] : memref<40000x32xbf16, #tpu.memory_space<hbm>> -> memref<40000x32xbf16, #tpu.memory_space<hbm>>
        tpu.enqueue_indirect_dma source(%dma_start3A_104 : memref<40000x32xbf16, #tpu.memory_space<hbm>>) target(%dma_start3A_98 : memref<80x32xbf16, #tpu.memory_space<vmem>>) offsets(%dma_start3A_101 : memref<80xi32, #tpu.memory_space<vmem>>) semaphore(%arg15 : memref<!tpu.dma_semaphore, #tpu.memory_space<semaphore_mem>>)
      }
      %scan3A_81 = arith.constant 14 : i32
      %scan3A_82 = arith.constant 0 : i32
      %scan3A_83 = arith.constant 0 : i32
      %scan3A_84 = arith.constant 25 : i32
      %scan3A_85 = arith.addi %scan3A_83, %scan3A_84 : i32
      %scan3A_86 = arith.constant 1 : i32
      scf.for %scan3A_94 = %scan3A_83 to %scan3A_85 step %scan3A_86  : i32 {
        %rem3A = arith.constant 14 : i32
        %rem3A_95 = arith.remsi %scan3A_94, %rem3A : i32
        %dma_wait3A_96 = arith.constant 0 : i32
        %dma_wait3A_97 = arith.constant 0 : i32
        %dma_wait3A_98 = tpu.memref_slice %arg13[%rem3A_95, %dma_wait3A_96, %dma_wait3A_97] : memref<14x80x32xbf16, #tpu.memory_space<vmem>> -> memref<1x80x32xbf16, #tpu.memory_space<vmem>>
        %dma_wait3A_99 = tpu.memref_squeeze %dma_wait3A_98 : memref<1x80x32xbf16, #tpu.memory_space<vmem>> -> memref<80x32xbf16, #tpu.memory_space<vmem>>
        %dma_wait3A_100 = arith.constant 0 : i32
        %dma_wait3A_101 = tpu.memref_slice %arg11[%scan3A_94, %dma_wait3A_100] : memref<25x80xi32, #tpu.memory_space<vmem>> -> memref<1x80xi32, #tpu.memory_space<vmem>>
        %dma_wait3A_102 = tpu.memref_squeeze %dma_wait3A_101 : memref<1x80xi32, #tpu.memory_space<vmem>> -> memref<80xi32, #tpu.memory_space<vmem>>
        %dma_wait3A_103 = arith.constant 0 : i32
        %dma_wait3A_104 = arith.constant 0 : i32
        %dma_wait3A_105 = tpu.memref_slice %arg5[%dma_wait3A_103, %dma_wait3A_104] : memref<40000x32xbf16, #tpu.memory_space<hbm>> -> memref<40000x32xbf16, #tpu.memory_space<hbm>>
        tpu.wait_indirect_dma semaphore(%arg15 : memref<!tpu.dma_semaphore, #tpu.memory_space<semaphore_mem>>) src(%dma_wait3A_105 : memref<40000x32xbf16, #tpu.memory_space<hbm>>) dst(%dma_wait3A_99 : memref<80x32xbf16, #tpu.memory_space<vmem>>)
        %dma_start3A_106 = arith.constant 0 : i32
        %dma_start3A_107 = arith.constant 0 : i32
        %dma_start3A_108 = tpu.memref_slice %arg13[%rem3A_95, %dma_start3A_106, %dma_start3A_107] : memref<14x80x32xbf16, #tpu.memory_space<vmem>> -> memref<1x80x32xbf16, #tpu.memory_space<vmem>>
        %dma_start3A_109 = tpu.memref_squeeze %dma_start3A_108 : memref<1x80x32xbf16, #tpu.memory_space<vmem>> -> memref<80x32xbf16, #tpu.memory_space<vmem>>
        %dma_start3A_110 = arith.constant 0 : i32
        %dma_start3A_111 = tpu.memref_slice %arg12[%scan3A_94, %dma_start3A_110] : memref<25x80xi32, #tpu.memory_space<vmem>> -> memref<1x80xi32, #tpu.memory_space<vmem>>
        %dma_start3A_112 = tpu.memref_squeeze %dma_start3A_111 : memref<1x80xi32, #tpu.memory_space<vmem>> -> memref<80xi32, #tpu.memory_space<vmem>>
        %dma_start3A_113 = arith.constant 0 : i32
        %dma_start3A_114 = arith.constant 0 : i32
        %dma_start3A_115 = tpu.memref_slice %arg7[%dma_start3A_113, %dma_start3A_114] : memref<40000x32xbf16, #tpu.memory_space<vmem_shared>> -> memref<40000x32xbf16, #tpu.memory_space<vmem_shared>>
        tpu.enqueue_indirect_dma source(%dma_start3A_109 : memref<80x32xbf16, #tpu.memory_space<vmem>>) target(%dma_start3A_115 : memref<40000x32xbf16, #tpu.memory_space<vmem_shared>>) offsets(%dma_start3A_112 : memref<80xi32, #tpu.memory_space<vmem>>) semaphore(%arg16 : memref<!tpu.dma_semaphore, #tpu.memory_space<semaphore_mem>>) {add = true}
        %ge3A = arith.constant 6 : i32
        %ge3A_116 = arith.cmpi sge, %scan3A_94, %ge3A : i32
        %convert_element_type3A = arith.extui %ge3A_116 : i1 to i32
        %cond3A = arith.constant 0 : i32
        %cond3A_117 = arith.cmpi ne, %convert_element_type3A, %cond3A : i32
        scf.if %cond3A_117 {
          %sub3A = arith.constant 6 : i32
          %sub3A_118 = arith.subi %scan3A_94, %sub3A : i32
          %rem3A_119 = arith.constant 14 : i32
          %rem3A_120 = arith.remsi %sub3A_118, %rem3A_119 : i32
          %dma_wait3A_121 = arith.constant 0 : i32
          %dma_wait3A_122 = arith.constant 0 : i32
          %dma_wait3A_123 = tpu.memref_slice %arg13[%rem3A_120, %dma_wait3A_121, %dma_wait3A_122] : memref<14x80x32xbf16, #tpu.memory_space<vmem>> -> memref<1x80x32xbf16, #tpu.memory_space<vmem>>
          %dma_wait3A_124 = tpu.memref_squeeze %dma_wait3A_123 : memref<1x80x32xbf16, #tpu.memory_space<vmem>> -> memref<80x32xbf16, #tpu.memory_space<vmem>>
          %dma_wait3A_125 = arith.constant 0 : i32
          %dma_wait3A_126 = tpu.memref_slice %arg12[%sub3A_118, %dma_wait3A_125] : memref<25x80xi32, #tpu.memory_space<vmem>> -> memref<1x80xi32, #tpu.memory_space<vmem>>
          %dma_wait3A_127 = tpu.memref_squeeze %dma_wait3A_126 : memref<1x80xi32, #tpu.memory_space<vmem>> -> memref<80xi32, #tpu.memory_space<vmem>>
          %dma_wait3A_128 = arith.constant 0 : i32
          %dma_wait3A_129 = arith.constant 0 : i32
          %dma_wait3A_130 = tpu.memref_slice %arg7[%dma_wait3A_128, %dma_wait3A_129] : memref<40000x32xbf16, #tpu.memory_space<vmem_shared>> -> memref<40000x32xbf16, #tpu.memory_space<vmem_shared>>
          tpu.wait_indirect_dma semaphore(%arg16 : memref<!tpu.dma_semaphore, #tpu.memory_space<semaphore_mem>>) src(%dma_wait3A_124 : memref<80x32xbf16, #tpu.memory_space<vmem>>) dst(%dma_wait3A_130 : memref<40000x32xbf16, #tpu.memory_space<vmem_shared>>)
          %add3A_131 = arith.constant 14 : i32
          %add3A_132 = arith.addi %sub3A_118, %add3A_131 : i32
          %lt3A = arith.constant 25 : i32
          %lt3A_133 = arith.cmpi slt, %add3A_132, %lt3A : i32
          %convert_element_type3A_134 = arith.extui %lt3A_133 : i1 to i32
          %cond3A_135 = arith.constant 0 : i32
          %cond3A_136 = arith.cmpi ne, %convert_element_type3A_134, %cond3A_135 : i32
          scf.if %cond3A_136 {
            %add3A_137 = arith.constant 14 : i32
            %add3A_138 = arith.addi %sub3A_118, %add3A_137 : i32
            %rem3A_139 = arith.constant 14 : i32
            %rem3A_140 = arith.remsi %add3A_138, %rem3A_139 : i32
            %dma_start3A_141 = arith.constant 0 : i32
            %dma_start3A_142 = arith.constant 0 : i32
            %dma_start3A_143 = tpu.memref_slice %arg13[%rem3A_140, %dma_start3A_141, %dma_start3A_142] : memref<14x80x32xbf16, #tpu.memory_space<vmem>> -> memref<1x80x32xbf16, #tpu.memory_space<vmem>>
            %dma_start3A_144 = tpu.memref_squeeze %dma_start3A_143 : memref<1x80x32xbf16, #tpu.memory_space<vmem>> -> memref<80x32xbf16, #tpu.memory_space<vmem>>
            %dma_start3A_145 = arith.constant 0 : i32
            %dma_start3A_146 = tpu.memref_slice %arg11[%add3A_138, %dma_start3A_145] : memref<25x80xi32, #tpu.memory_space<vmem>> -> memref<1x80xi32, #tpu.memory_space<vmem>>
            %dma_start3A_147 = tpu.memref_squeeze %dma_start3A_146 : memref<1x80xi32, #tpu.memory_space<vmem>> -> memref<80xi32, #tpu.memory_space<vmem>>
            %dma_start3A_148 = arith.constant 0 : i32
            %dma_start3A_149 = arith.constant 0 : i32
            %dma_start3A_150 = tpu.memref_slice %arg5[%dma_start3A_148, %dma_start3A_149] : memref<40000x32xbf16, #tpu.memory_space<hbm>> -> memref<40000x32xbf16, #tpu.memory_space<hbm>>
            tpu.enqueue_indirect_dma source(%dma_start3A_150 : memref<40000x32xbf16, #tpu.memory_space<hbm>>) target(%dma_start3A_144 : memref<80x32xbf16, #tpu.memory_space<vmem>>) offsets(%dma_start3A_147 : memref<80xi32, #tpu.memory_space<vmem>>) semaphore(%arg15 : memref<!tpu.dma_semaphore, #tpu.memory_space<semaphore_mem>>)
          } else {
          }
        } else {
        }
      }
      %scan3A_87 = arith.constant 25 : i32
      %scan3A_88 = arith.constant 0 : i32
      %scan3A_89 = arith.constant 0 : i32
      %scan3A_90 = arith.constant 6 : i32
      %scan3A_91 = arith.addi %scan3A_89, %scan3A_90 : i32
      %scan3A_92 = arith.constant 1 : i32
      scf.for %scan3A_94 = %scan3A_89 to %scan3A_91 step %scan3A_92  : i32 {
        %add3A_95 = arith.constant 19 : i32
        %add3A_96 = arith.addi %add3A_95, %scan3A_94 : i32
        %rem3A = arith.constant 14 : i32
        %rem3A_97 = arith.remsi %add3A_96, %rem3A : i32
        %dma_wait3A_98 = arith.constant 0 : i32
        %dma_wait3A_99 = arith.constant 0 : i32
        %dma_wait3A_100 = tpu.memref_slice %arg13[%rem3A_97, %dma_wait3A_98, %dma_wait3A_99] : memref<14x80x32xbf16, #tpu.memory_space<vmem>> -> memref<1x80x32xbf16, #tpu.memory_space<vmem>>
        %dma_wait3A_101 = tpu.memref_squeeze %dma_wait3A_100 : memref<1x80x32xbf16, #tpu.memory_space<vmem>> -> memref<80x32xbf16, #tpu.memory_space<vmem>>
        %dma_wait3A_102 = arith.constant 0 : i32
        %dma_wait3A_103 = tpu.memref_slice %arg12[%add3A_96, %dma_wait3A_102] : memref<25x80xi32, #tpu.memory_space<vmem>> -> memref<1x80xi32, #tpu.memory_space<vmem>>
        %dma_wait3A_104 = tpu.memref_squeeze %dma_wait3A_103 : memref<1x80xi32, #tpu.memory_space<vmem>> -> memref<80xi32, #tpu.memory_space<vmem>>
        %dma_wait3A_105 = arith.constant 0 : i32
        %dma_wait3A_106 = arith.constant 0 : i32
        %dma_wait3A_107 = tpu.memref_slice %arg7[%dma_wait3A_105, %dma_wait3A_106] : memref<40000x32xbf16, #tpu.memory_space<vmem_shared>> -> memref<40000x32xbf16, #tpu.memory_space<vmem_shared>>
        tpu.wait_indirect_dma semaphore(%arg16 : memref<!tpu.dma_semaphore, #tpu.memory_space<semaphore_mem>>) src(%dma_wait3A_101 : memref<80x32xbf16, #tpu.memory_space<vmem>>) dst(%dma_wait3A_107 : memref<40000x32xbf16, #tpu.memory_space<vmem_shared>>)
      }
      %scan3A_93 = arith.constant 6 : i32
    }
    %scan3A_53 = arith.constant 10 : i32
    %barrier3A_54 = arith.constant 0 : index
    tpu.barrier barrier_id(%barrier3A_54)
    "tpu.region"() ({
      %run_scoped3A = tpu.sem_alloc : memref<!tpu.dma_semaphore, #tpu.memory_space<semaphore_mem>>
      %dma_start3A = arith.constant 0 : i32
      %dma_start3A_56 = tpu.memref_slice %arg6[%add3A_34, %mul3A_2, %dma_start3A] : memref<4x40000x32xbf16, #tpu.memory_space<hbm>> -> memref<1x2500x32xbf16, #tpu.memory_space<hbm>>
      %dma_start3A_57 = tpu.memref_squeeze %dma_start3A_56 : memref<1x2500x32xbf16, #tpu.memory_space<hbm>> -> memref<2500x32xbf16, #tpu.memory_space<hbm>>
      %dma_start3A_58 = arith.constant 0 : i32
      %dma_start3A_59 = tpu.memref_slice %arg7[%mul3A_2, %dma_start3A_58] : memref<40000x32xbf16, #tpu.memory_space<vmem_shared>> -> memref<2500x32xbf16, #tpu.memory_space<vmem_shared>>
      tpu.enqueue_dma source(%dma_start3A_59 : memref<2500x32xbf16, #tpu.memory_space<vmem_shared>>) target(%dma_start3A_57 : memref<2500x32xbf16, #tpu.memory_space<hbm>>) target_semaphore(%run_scoped3A : memref<!tpu.dma_semaphore, #tpu.memory_space<semaphore_mem>>)
      %dma_wait3A = arith.constant 0 : i32
      %dma_wait3A_60 = tpu.memref_slice %arg6[%add3A_34, %mul3A_2, %dma_wait3A] : memref<4x40000x32xbf16, #tpu.memory_space<hbm>> -> memref<1x2500x32xbf16, #tpu.memory_space<hbm>>
      %dma_wait3A_61 = tpu.memref_squeeze %dma_wait3A_60 : memref<1x2500x32xbf16, #tpu.memory_space<hbm>> -> memref<2500x32xbf16, #tpu.memory_space<hbm>>
      %dma_wait3A_62 = arith.constant 0 : i32
      %dma_wait3A_63 = tpu.memref_slice %arg7[%mul3A_2, %dma_wait3A_62] : memref<40000x32xbf16, #tpu.memory_space<vmem_shared>> -> memref<2500x32xbf16, #tpu.memory_space<vmem_shared>>
      tpu.wait_dma2 semaphore(%run_scoped3A : memref<!tpu.dma_semaphore, #tpu.memory_space<semaphore_mem>>) src(%dma_wait3A_63 : memref<2500x32xbf16, #tpu.memory_space<vmem_shared>>) dst(%dma_wait3A_61 : memref<2500x32xbf16, #tpu.memory_space<hbm>>)
      tpu.yield
    }) : () -> ()
    %barrier3A_55 = arith.constant 0 : index
    tpu.barrier barrier_id(%barrier3A_55)
    return
  }
}

module attributes {stable_mosaic.version = 14 : i64} {
  func.func @_dense_body(%arg0: i32, %arg1: memref<2000x128xf32, #tpu.memory_space<vmem>>, %arg2: memref<4x2000x128xbf16, #tpu.memory_space<vmem>>, %arg3: memref<2000x128xf32, #tpu.memory_space<vmem>>, %arg4: memref<128x128xf32, #tpu.memory_space<vmem>>, %arg5: memref<512x128xf32, #tpu.memory_space<vmem>>, %arg6: memref<1x128xf32, #tpu.memory_space<vmem>>, %arg7: memref<2000x128xf32, #tpu.memory_space<vmem>>, %arg8: memref<2000x128xf32, #tpu.memory_space<vmem>>) attributes {dimension_semantics = [#tpu.dimension_semantics<arbitrary>], iteration_bounds = array<i64: 5>, scalar_prefetch = 0 : i64, scratch_operands = 0 : i64, tpu.core_type = #tpu.core_type<tc>, window_params = [{transform_indices = @transform_0, window_bounds = array<i64: 2000, 128>}, {transform_indices = @transform_1, window_bounds = array<i64: 4, 2000, 128>}, {transform_indices = @transform_2, window_bounds = array<i64: 2000, 128>}, {pipeline_mode = #tpu.pipeline_mode<synchronous>, transform_indices = @transform_3, window_bounds = array<i64: 128, 128>}, {pipeline_mode = #tpu.pipeline_mode<synchronous>, transform_indices = @transform_4, window_bounds = array<i64: 512, 128>}, {pipeline_mode = #tpu.pipeline_mode<synchronous>, transform_indices = @transform_5, window_bounds = array<i64: 1, 128>}, {transform_indices = @transform_6, window_bounds = array<i64: 2000, 128>}, {transform_indices = @transform_7, window_bounds = array<i64: 2000, 128>}]} {
    %get3A = arith.constant 0 : index
    %get3A_0 = arith.constant 0 : index
    %get3A_1 = vector.load %arg1[%get3A, %get3A_0] : memref<2000x128xf32, #tpu.memory_space<vmem>>, vector<2000x128xf32>
    %get3A_2 = arith.constant 0 : index
    %get3A_3 = arith.constant 0 : index
    %get3A_4 = vector.load %arg4[%get3A_2, %get3A_3] : memref<128x128xf32, #tpu.memory_space<vmem>>, vector<128x128xf32>
    %dot_general3A = arith.constant dense<0.000000e+00> : vector<2000x128xf32>
    %dot_general3A_5 = tpu.matmul %get3A_1, %get3A_4, %dot_general3A {dimension_numbers = #tpu.dot_dimension_numbers<[1], [0], [0], [1], [0, 0, 1, 1], [], []>, transpose_lhs_hint = false} : vector<2000x128xf32>, vector<128x128xf32>, vector<2000x128xf32> -> vector<2000x128xf32>
    %get3A_6 = arith.constant 0 : index
    %get3A_7 = arith.constant 0 : index
    %get3A_8 = vector.load %arg6[%get3A_6, %get3A_7] : memref<1x128xf32, #tpu.memory_space<vmem>>, vector<1x128xf32>
    %add3A = vector.broadcast %get3A_8 : vector<1x128xf32> to vector<2000x128xf32>
    %add3A_9 = arith.addf %dot_general3A_5, %add3A : vector<2000x128xf32>
    %get3A_10 = arith.constant 0 : index
    %get3A_11 = arith.constant 0 : index
    %get3A_12 = vector.load %arg3[%get3A_10, %get3A_11] : memref<2000x128xf32, #tpu.memory_space<vmem>>, vector<2000x128xf32>
    %get3A_13 = arith.constant 0 : index
    %get3A_14 = arith.constant 0 : index
    %get3A_15 = arith.constant 0 : index
    %get3A_16 = vector.load %arg2[%get3A_13, %get3A_14, %get3A_15] : memref<4x2000x128xbf16, #tpu.memory_space<vmem>>, vector<1x2000x128xbf16>
    %get3A_17 = vector.shape_cast %get3A_16 : vector<1x2000x128xbf16> to vector<2000x128xbf16>
    %convert_element_type3A = arith.extf %get3A_17 : vector<2000x128xbf16> to vector<2000x128xf32>
    %mul3A = arith.mulf %convert_element_type3A, %get3A_12 : vector<2000x128xf32>
    %get3A_18 = arith.constant 1 : index
    %get3A_19 = arith.constant 0 : index
    %get3A_20 = arith.constant 0 : index
    %get3A_21 = vector.load %arg2[%get3A_18, %get3A_19, %get3A_20] : memref<4x2000x128xbf16, #tpu.memory_space<vmem>>, vector<1x2000x128xbf16>
    %get3A_22 = vector.shape_cast %get3A_21 : vector<1x2000x128xbf16> to vector<2000x128xbf16>
    %convert_element_type3A_23 = arith.extf %get3A_22 : vector<2000x128xbf16> to vector<2000x128xf32>
    %mul3A_24 = arith.mulf %convert_element_type3A_23, %get3A_12 : vector<2000x128xf32>
    %get3A_25 = arith.constant 2 : index
    %get3A_26 = arith.constant 0 : index
    %get3A_27 = arith.constant 0 : index
    %get3A_28 = vector.load %arg2[%get3A_25, %get3A_26, %get3A_27] : memref<4x2000x128xbf16, #tpu.memory_space<vmem>>, vector<1x2000x128xbf16>
    %get3A_29 = vector.shape_cast %get3A_28 : vector<1x2000x128xbf16> to vector<2000x128xbf16>
    %convert_element_type3A_30 = arith.extf %get3A_29 : vector<2000x128xbf16> to vector<2000x128xf32>
    %mul3A_31 = arith.mulf %convert_element_type3A_30, %get3A_12 : vector<2000x128xf32>
    %get3A_32 = arith.constant 3 : index
    %get3A_33 = arith.constant 0 : index
    %get3A_34 = arith.constant 0 : index
    %get3A_35 = vector.load %arg2[%get3A_32, %get3A_33, %get3A_34] : memref<4x2000x128xbf16, #tpu.memory_space<vmem>>, vector<1x2000x128xbf16>
    %get3A_36 = vector.shape_cast %get3A_35 : vector<1x2000x128xbf16> to vector<2000x128xbf16>
    %convert_element_type3A_37 = arith.extf %get3A_36 : vector<2000x128xbf16> to vector<2000x128xf32>
    %mul3A_38 = arith.mulf %convert_element_type3A_37, %get3A_12 : vector<2000x128xf32>
    %slice3A = vector.extract_strided_slice %mul3A {offsets = [0, 0], sizes = [2000, 32], strides = [1, 1]} : vector<2000x128xf32> to vector<2000x32xf32>
    %slice3A_39 = vector.extract_strided_slice %mul3A_24 {offsets = [0, 0], sizes = [2000, 32], strides = [1, 1]} : vector<2000x128xf32> to vector<2000x32xf32>
    %slice3A_40 = vector.extract_strided_slice %mul3A_31 {offsets = [0, 0], sizes = [2000, 32], strides = [1, 1]} : vector<2000x128xf32> to vector<2000x32xf32>
    %slice3A_41 = vector.extract_strided_slice %mul3A_38 {offsets = [0, 0], sizes = [2000, 32], strides = [1, 1]} : vector<2000x128xf32> to vector<2000x32xf32>
    %slice3A_42 = vector.extract_strided_slice %mul3A {offsets = [0, 32], sizes = [2000, 32], strides = [1, 1]} : vector<2000x128xf32> to vector<2000x32xf32>
    %slice3A_43 = vector.extract_strided_slice %mul3A_24 {offsets = [0, 32], sizes = [2000, 32], strides = [1, 1]} : vector<2000x128xf32> to vector<2000x32xf32>
    %slice3A_44 = vector.extract_strided_slice %mul3A_31 {offsets = [0, 32], sizes = [2000, 32], strides = [1, 1]} : vector<2000x128xf32> to vector<2000x32xf32>
    %slice3A_45 = vector.extract_strided_slice %mul3A_38 {offsets = [0, 32], sizes = [2000, 32], strides = [1, 1]} : vector<2000x128xf32> to vector<2000x32xf32>
    %slice3A_46 = vector.extract_strided_slice %mul3A {offsets = [0, 64], sizes = [2000, 32], strides = [1, 1]} : vector<2000x128xf32> to vector<2000x32xf32>
    %slice3A_47 = vector.extract_strided_slice %mul3A_24 {offsets = [0, 64], sizes = [2000, 32], strides = [1, 1]} : vector<2000x128xf32> to vector<2000x32xf32>
    %slice3A_48 = vector.extract_strided_slice %mul3A_31 {offsets = [0, 64], sizes = [2000, 32], strides = [1, 1]} : vector<2000x128xf32> to vector<2000x32xf32>
    %slice3A_49 = vector.extract_strided_slice %mul3A_38 {offsets = [0, 64], sizes = [2000, 32], strides = [1, 1]} : vector<2000x128xf32> to vector<2000x32xf32>
    %slice3A_50 = vector.extract_strided_slice %mul3A {offsets = [0, 96], sizes = [2000, 32], strides = [1, 1]} : vector<2000x128xf32> to vector<2000x32xf32>
    %slice3A_51 = vector.extract_strided_slice %mul3A_24 {offsets = [0, 96], sizes = [2000, 32], strides = [1, 1]} : vector<2000x128xf32> to vector<2000x32xf32>
    %slice3A_52 = vector.extract_strided_slice %mul3A_31 {offsets = [0, 96], sizes = [2000, 32], strides = [1, 1]} : vector<2000x128xf32> to vector<2000x32xf32>
    %slice3A_53 = vector.extract_strided_slice %mul3A_38 {offsets = [0, 96], sizes = [2000, 32], strides = [1, 1]} : vector<2000x128xf32> to vector<2000x32xf32>
    %concatenate3A = tpu.concatenate %slice3A, %slice3A_39, %slice3A_40, %slice3A_41, %slice3A_42, %slice3A_43, %slice3A_44, %slice3A_45, %slice3A_46, %slice3A_47, %slice3A_48, %slice3A_49, %slice3A_50, %slice3A_51, %slice3A_52, %slice3A_53 in 1 : vector<2000x32xf32>, vector<2000x32xf32>, vector<2000x32xf32>, vector<2000x32xf32>, vector<2000x32xf32>, vector<2000x32xf32>, vector<2000x32xf32>, vector<2000x32xf32>, vector<2000x32xf32>, vector<2000x32xf32>, vector<2000x32xf32>, vector<2000x32xf32>, vector<2000x32xf32>, vector<2000x32xf32>, vector<2000x32xf32>, vector<2000x32xf32> -> vector<2000x512xf32>
    %get3A_54 = arith.constant 0 : index
    %get3A_55 = arith.constant 0 : index
    %get3A_56 = vector.load %arg5[%get3A_54, %get3A_55] : memref<512x128xf32, #tpu.memory_space<vmem>>, vector<512x128xf32>
    %dot_general3A_57 = arith.constant dense<0.000000e+00> : vector<2000x128xf32>
    %dot_general3A_58 = tpu.matmul %concatenate3A, %get3A_56, %dot_general3A_57 {dimension_numbers = #tpu.dot_dimension_numbers<[1], [0], [0], [1], [0, 0, 1, 1], [], []>, transpose_lhs_hint = false} : vector<2000x512xf32>, vector<512x128xf32>, vector<2000x128xf32> -> vector<2000x128xf32>
    %add3A_59 = arith.addf %add3A_9, %dot_general3A_58 : vector<2000x128xf32>
    %swap3A = arith.constant 0 : index
    %swap3A_60 = arith.constant 0 : index
    %swap3A_61 = vector.load %arg8[%swap3A, %swap3A_60] : memref<2000x128xf32, #tpu.memory_space<vmem>>, vector<2000x128xf32>
    tpu.vector_store %arg8[%swap3A, %swap3A_60], %add3A_59 {strides = array<i32>} : memref<2000x128xf32, #tpu.memory_space<vmem>>, vector<2000x128xf32>,
    return
  }
  func.func @transform_0(%arg0: i32) -> (i32, i32) {
    %c0_i32 = arith.constant 0 : i32
    %c0_i32_0 = arith.constant 0 : i32
    return %arg0, %c0_i32 : i32, i32
  }
  func.func @transform_1(%arg0: i32) -> (i32, i32, i32) {
    %c0_i32 = arith.constant 0 : i32
    %c0_i32_0 = arith.constant 0 : i32
    %c0_i32_1 = arith.constant 0 : i32
    return %c0_i32, %arg0, %c0_i32_0 : i32, i32, i32
  }
  func.func @transform_2(%arg0: i32) -> (i32, i32) {
    %c0_i32 = arith.constant 0 : i32
    %c0_i32_0 = arith.constant 0 : i32
    return %arg0, %c0_i32 : i32, i32
  }
  func.func @transform_3(%arg0: i32) -> (i32, i32) {
    %c0_i32 = arith.constant 0 : i32
    %c0_i32_0 = arith.constant 0 : i32
    %c0_i32_1 = arith.constant 0 : i32
    return %c0_i32, %c0_i32_0 : i32, i32
  }
  func.func @transform_4(%arg0: i32) -> (i32, i32) {
    %c0_i32 = arith.constant 0 : i32
    %c0_i32_0 = arith.constant 0 : i32
    %c0_i32_1 = arith.constant 0 : i32
    return %c0_i32, %c0_i32_0 : i32, i32
  }
  func.func @transform_5(%arg0: i32) -> (i32, i32) {
    %c0_i32 = arith.constant 0 : i32
    %c0_i32_0 = arith.constant 0 : i32
    %c0_i32_1 = arith.constant 0 : i32
    return %c0_i32, %c0_i32_0 : i32, i32
  }
  func.func @transform_6(%arg0: i32) -> (i32, i32) {
    %c0_i32 = arith.constant 0 : i32
    %c0_i32_0 = arith.constant 0 : i32
    return %arg0, %c0_i32 : i32, i32
  }
  func.func @transform_7(%arg0: i32) -> (i32, i32) {
    %c0_i32 = arith.constant 0 : i32
    %c0_i32_0 = arith.constant 0 : i32
    return %arg0, %c0_i32 : i32, i32
  }
}

module attributes {stable_mosaic.version = 14 : i64} {
  func.func @_dense_body(%arg0: i32, %arg1: memref<2000x128xf32, #tpu.memory_space<vmem>>, %arg2: memref<4x2000x128xbf16, #tpu.memory_space<vmem>>, %arg3: memref<2000x128xf32, #tpu.memory_space<vmem>>, %arg4: memref<128x128xf32, #tpu.memory_space<vmem>>, %arg5: memref<512x128xf32, #tpu.memory_space<vmem>>, %arg6: memref<1x128xf32, #tpu.memory_space<vmem>>, %arg7: memref<2000x128xf32, #tpu.memory_space<vmem>>, %arg8: memref<2000x128xf32, #tpu.memory_space<vmem>>) attributes {dimension_semantics = [#tpu.dimension_semantics<arbitrary>], iteration_bounds = array<i64: 5>, scalar_prefetch = 0 : i64, scratch_operands = 0 : i64, tpu.core_type = #tpu.core_type<tc>, window_params = [{transform_indices = @transform_0, window_bounds = array<i64: 2000, 128>}, {transform_indices = @transform_1, window_bounds = array<i64: 4, 2000, 128>}, {transform_indices = @transform_2, window_bounds = array<i64: 2000, 128>}, {pipeline_mode = #tpu.pipeline_mode<synchronous>, transform_indices = @transform_3, window_bounds = array<i64: 128, 128>}, {pipeline_mode = #tpu.pipeline_mode<synchronous>, transform_indices = @transform_4, window_bounds = array<i64: 512, 128>}, {pipeline_mode = #tpu.pipeline_mode<synchronous>, transform_indices = @transform_5, window_bounds = array<i64: 1, 128>}, {transform_indices = @transform_6, window_bounds = array<i64: 2000, 128>}, {transform_indices = @transform_7, window_bounds = array<i64: 2000, 128>}]} {
    %get3A = arith.constant 0 : index
    %get3A_0 = arith.constant 0 : index
    %get3A_1 = vector.load %arg1[%get3A, %get3A_0] : memref<2000x128xf32, #tpu.memory_space<vmem>>, vector<2000x128xf32>
    %get3A_2 = arith.constant 0 : index
    %get3A_3 = arith.constant 0 : index
    %get3A_4 = vector.load %arg4[%get3A_2, %get3A_3] : memref<128x128xf32, #tpu.memory_space<vmem>>, vector<128x128xf32>
    %dot_general3A = arith.constant dense<0.000000e+00> : vector<2000x128xf32>
    %dot_general3A_5 = tpu.matmul %get3A_1, %get3A_4, %dot_general3A {dimension_numbers = #tpu.dot_dimension_numbers<[1], [0], [0], [1], [0, 0, 1, 1], [], []>, transpose_lhs_hint = false} : vector<2000x128xf32>, vector<128x128xf32>, vector<2000x128xf32> -> vector<2000x128xf32>
    %get3A_6 = arith.constant 0 : index
    %get3A_7 = arith.constant 0 : index
    %get3A_8 = vector.load %arg6[%get3A_6, %get3A_7] : memref<1x128xf32, #tpu.memory_space<vmem>>, vector<1x128xf32>
    %add3A = vector.broadcast %get3A_8 : vector<1x128xf32> to vector<2000x128xf32>
    %add3A_9 = arith.addf %dot_general3A_5, %add3A : vector<2000x128xf32>
    %get3A_10 = arith.constant 0 : index
    %get3A_11 = arith.constant 0 : index
    %get3A_12 = vector.load %arg3[%get3A_10, %get3A_11] : memref<2000x128xf32, #tpu.memory_space<vmem>>, vector<2000x128xf32>
    %get3A_13 = arith.constant 0 : index
    %get3A_14 = arith.constant 0 : index
    %get3A_15 = arith.constant 0 : index
    %get3A_16 = vector.load %arg2[%get3A_13, %get3A_14, %get3A_15] : memref<4x2000x128xbf16, #tpu.memory_space<vmem>>, vector<1x2000x128xbf16>
    %get3A_17 = vector.shape_cast %get3A_16 : vector<1x2000x128xbf16> to vector<2000x128xbf16>
    %convert_element_type3A = arith.extf %get3A_17 : vector<2000x128xbf16> to vector<2000x128xf32>
    %mul3A = arith.mulf %convert_element_type3A, %get3A_12 : vector<2000x128xf32>
    %get3A_18 = arith.constant 1 : index
    %get3A_19 = arith.constant 0 : index
    %get3A_20 = arith.constant 0 : index
    %get3A_21 = vector.load %arg2[%get3A_18, %get3A_19, %get3A_20] : memref<4x2000x128xbf16, #tpu.memory_space<vmem>>, vector<1x2000x128xbf16>
    %get3A_22 = vector.shape_cast %get3A_21 : vector<1x2000x128xbf16> to vector<2000x128xbf16>
    %convert_element_type3A_23 = arith.extf %get3A_22 : vector<2000x128xbf16> to vector<2000x128xf32>
    %mul3A_24 = arith.mulf %convert_element_type3A_23, %get3A_12 : vector<2000x128xf32>
    %get3A_25 = arith.constant 2 : index
    %get3A_26 = arith.constant 0 : index
    %get3A_27 = arith.constant 0 : index
    %get3A_28 = vector.load %arg2[%get3A_25, %get3A_26, %get3A_27] : memref<4x2000x128xbf16, #tpu.memory_space<vmem>>, vector<1x2000x128xbf16>
    %get3A_29 = vector.shape_cast %get3A_28 : vector<1x2000x128xbf16> to vector<2000x128xbf16>
    %convert_element_type3A_30 = arith.extf %get3A_29 : vector<2000x128xbf16> to vector<2000x128xf32>
    %mul3A_31 = arith.mulf %convert_element_type3A_30, %get3A_12 : vector<2000x128xf32>
    %get3A_32 = arith.constant 3 : index
    %get3A_33 = arith.constant 0 : index
    %get3A_34 = arith.constant 0 : index
    %get3A_35 = vector.load %arg2[%get3A_32, %get3A_33, %get3A_34] : memref<4x2000x128xbf16, #tpu.memory_space<vmem>>, vector<1x2000x128xbf16>
    %get3A_36 = vector.shape_cast %get3A_35 : vector<1x2000x128xbf16> to vector<2000x128xbf16>
    %convert_element_type3A_37 = arith.extf %get3A_36 : vector<2000x128xbf16> to vector<2000x128xf32>
    %mul3A_38 = arith.mulf %convert_element_type3A_37, %get3A_12 : vector<2000x128xf32>
    %slice3A = vector.extract_strided_slice %mul3A {offsets = [0, 0], sizes = [2000, 32], strides = [1, 1]} : vector<2000x128xf32> to vector<2000x32xf32>
    %slice3A_39 = vector.extract_strided_slice %mul3A_24 {offsets = [0, 0], sizes = [2000, 32], strides = [1, 1]} : vector<2000x128xf32> to vector<2000x32xf32>
    %slice3A_40 = vector.extract_strided_slice %mul3A_31 {offsets = [0, 0], sizes = [2000, 32], strides = [1, 1]} : vector<2000x128xf32> to vector<2000x32xf32>
    %slice3A_41 = vector.extract_strided_slice %mul3A_38 {offsets = [0, 0], sizes = [2000, 32], strides = [1, 1]} : vector<2000x128xf32> to vector<2000x32xf32>
    %slice3A_42 = vector.extract_strided_slice %mul3A {offsets = [0, 32], sizes = [2000, 32], strides = [1, 1]} : vector<2000x128xf32> to vector<2000x32xf32>
    %slice3A_43 = vector.extract_strided_slice %mul3A_24 {offsets = [0, 32], sizes = [2000, 32], strides = [1, 1]} : vector<2000x128xf32> to vector<2000x32xf32>
    %slice3A_44 = vector.extract_strided_slice %mul3A_31 {offsets = [0, 32], sizes = [2000, 32], strides = [1, 1]} : vector<2000x128xf32> to vector<2000x32xf32>
    %slice3A_45 = vector.extract_strided_slice %mul3A_38 {offsets = [0, 32], sizes = [2000, 32], strides = [1, 1]} : vector<2000x128xf32> to vector<2000x32xf32>
    %slice3A_46 = vector.extract_strided_slice %mul3A {offsets = [0, 64], sizes = [2000, 32], strides = [1, 1]} : vector<2000x128xf32> to vector<2000x32xf32>
    %slice3A_47 = vector.extract_strided_slice %mul3A_24 {offsets = [0, 64], sizes = [2000, 32], strides = [1, 1]} : vector<2000x128xf32> to vector<2000x32xf32>
    %slice3A_48 = vector.extract_strided_slice %mul3A_31 {offsets = [0, 64], sizes = [2000, 32], strides = [1, 1]} : vector<2000x128xf32> to vector<2000x32xf32>
    %slice3A_49 = vector.extract_strided_slice %mul3A_38 {offsets = [0, 64], sizes = [2000, 32], strides = [1, 1]} : vector<2000x128xf32> to vector<2000x32xf32>
    %slice3A_50 = vector.extract_strided_slice %mul3A {offsets = [0, 96], sizes = [2000, 32], strides = [1, 1]} : vector<2000x128xf32> to vector<2000x32xf32>
    %slice3A_51 = vector.extract_strided_slice %mul3A_24 {offsets = [0, 96], sizes = [2000, 32], strides = [1, 1]} : vector<2000x128xf32> to vector<2000x32xf32>
    %slice3A_52 = vector.extract_strided_slice %mul3A_31 {offsets = [0, 96], sizes = [2000, 32], strides = [1, 1]} : vector<2000x128xf32> to vector<2000x32xf32>
    %slice3A_53 = vector.extract_strided_slice %mul3A_38 {offsets = [0, 96], sizes = [2000, 32], strides = [1, 1]} : vector<2000x128xf32> to vector<2000x32xf32>
    %concatenate3A = tpu.concatenate %slice3A, %slice3A_39, %slice3A_40, %slice3A_41, %slice3A_42, %slice3A_43, %slice3A_44, %slice3A_45, %slice3A_46, %slice3A_47, %slice3A_48, %slice3A_49, %slice3A_50, %slice3A_51, %slice3A_52, %slice3A_53 in 1 : vector<2000x32xf32>, vector<2000x32xf32>, vector<2000x32xf32>, vector<2000x32xf32>, vector<2000x32xf32>, vector<2000x32xf32>, vector<2000x32xf32>, vector<2000x32xf32>, vector<2000x32xf32>, vector<2000x32xf32>, vector<2000x32xf32>, vector<2000x32xf32>, vector<2000x32xf32>, vector<2000x32xf32>, vector<2000x32xf32>, vector<2000x32xf32> -> vector<2000x512xf32>
    %get3A_54 = arith.constant 0 : index
    %get3A_55 = arith.constant 0 : index
    %get3A_56 = vector.load %arg5[%get3A_54, %get3A_55] : memref<512x128xf32, #tpu.memory_space<vmem>>, vector<512x128xf32>
    %dot_general3A_57 = arith.constant dense<0.000000e+00> : vector<2000x128xf32>
    %dot_general3A_58 = tpu.matmul %concatenate3A, %get3A_56, %dot_general3A_57 {dimension_numbers = #tpu.dot_dimension_numbers<[1], [0], [0], [1], [0, 0, 1, 1], [], []>, transpose_lhs_hint = false} : vector<2000x512xf32>, vector<512x128xf32>, vector<2000x128xf32> -> vector<2000x128xf32>
    %add3A_59 = arith.addf %add3A_9, %dot_general3A_58 : vector<2000x128xf32>
    %get3A_60 = arith.constant 0 : index
    %get3A_61 = arith.constant 0 : index
    %get3A_62 = vector.load %arg7[%get3A_60, %get3A_61] : memref<2000x128xf32, #tpu.memory_space<vmem>>, vector<2000x128xf32>
    %add3A_63 = arith.addf %get3A_62, %get3A_1 : vector<2000x128xf32>
    %add3A_64 = arith.addf %add3A_63, %add3A_59 : vector<2000x128xf32>
    %mul3A_65 = arith.constant 0.333333343 : f32
    %mul3A_66 = vector.broadcast %mul3A_65 : f32 to vector<2000x128xf32>
    %mul3A_67 = arith.mulf %add3A_64, %mul3A_66 : vector<2000x128xf32>
    %swap3A = arith.constant 0 : index
    %swap3A_68 = arith.constant 0 : index
    %swap3A_69 = vector.load %arg8[%swap3A, %swap3A_68] : memref<2000x128xf32, #tpu.memory_space<vmem>>, vector<2000x128xf32>
    tpu.vector_store %arg8[%swap3A, %swap3A_68], %mul3A_67 {strides = array<i32>} : memref<2000x128xf32, #tpu.memory_space<vmem>>, vector<2000x128xf32>,
    return
  }
  func.func @transform_0(%arg0: i32) -> (i32, i32) {
    %c0_i32 = arith.constant 0 : i32
    %c0_i32_0 = arith.constant 0 : i32
    return %arg0, %c0_i32 : i32, i32
  }
  func.func @transform_1(%arg0: i32) -> (i32, i32, i32) {
    %c0_i32 = arith.constant 0 : i32
    %c0_i32_0 = arith.constant 0 : i32
    %c0_i32_1 = arith.constant 0 : i32
    return %c0_i32, %arg0, %c0_i32_0 : i32, i32, i32
  }
  func.func @transform_2(%arg0: i32) -> (i32, i32) {
    %c0_i32 = arith.constant 0 : i32
    %c0_i32_0 = arith.constant 0 : i32
    return %arg0, %c0_i32 : i32, i32
  }
  func.func @transform_3(%arg0: i32) -> (i32, i32) {
    %c0_i32 = arith.constant 0 : i32
    %c0_i32_0 = arith.constant 0 : i32
    %c0_i32_1 = arith.constant 0 : i32
    return %c0_i32, %c0_i32_0 : i32, i32
  }
  func.func @transform_4(%arg0: i32) -> (i32, i32) {
    %c0_i32 = arith.constant 0 : i32
    %c0_i32_0 = arith.constant 0 : i32
    %c0_i32_1 = arith.constant 0 : i32
    return %c0_i32, %c0_i32_0 : i32, i32
  }
  func.func @transform_5(%arg0: i32) -> (i32, i32) {
    %c0_i32 = arith.constant 0 : i32
    %c0_i32_0 = arith.constant 0 : i32
    %c0_i32_1 = arith.constant 0 : i32
    return %c0_i32, %c0_i32_0 : i32, i32
  }
  func.func @transform_6(%arg0: i32) -> (i32, i32) {
    %c0_i32 = arith.constant 0 : i32
    %c0_i32_0 = arith.constant 0 : i32
    return %arg0, %c0_i32 : i32, i32
  }
  func.func @transform_7(%arg0: i32) -> (i32, i32) {
    %c0_i32 = arith.constant 0 : i32
    %c0_i32_0 = arith.constant 0 : i32
    return %arg0, %c0_i32 : i32, i32
  }
}

</mosaic_0001>

<sc_bundles>
// kernel: kernel.10.cloned.1.call-start
scs
__scs_entry_jumppad:
0x0: {  	(pc) =	sbr.rel $0x88, $3  }
0x1: {  	(tag) =	ssettag $0x0;
	lr =	simm.s32 $0x1  }
0x2: {  	[smem:$0x3F98] =	sst lr;
	_ =	strace $0xD0000000  }
0x3: {  	_ = 	snop  }
0x4: {  	_ = 	snop  }
0x5: {  	_ = 	snop  }
0x6: {  	_ = 	snop  }
0x7: {  	_ = 	snop  }
__scs_overlays_trampoline_lowered:
0x8: {  	[smem:$0x3FA7] =	sst s0  }
0x9: {  	[smem:$0x3FA8] =	sst s1  }
0xa: {  	[smem:$0x3FA9] =	sst s2  }
0xb: {  	[smem:$0x3FAA] =	sst s3  }
0xc: {  	[smem:$0x3FAB] =	sst s4  }
0xd: {  	[smem:$0x3FAC] =	sst s5  }
0xe: {  	[smem:$0x3FAD] =	sst s6  }
0xf: {  	[smem:$0x3FAE] =	sst s7  }
0x10: {  	[smem:$0x3FAF] =	sst s8  }
0x11: {  	[smem:$0x3FB0] =	sst s9;
	s0 =	simm.s32 @!p0 $0x0  }
0x12: {  	s1 =	sld [smem:$0x3F96];
	s0 =	simm.s32 @p0 $0x1  }
0x13: {  	[smem:$0x3FB1] =	sst s0;
	s0 =	simm.s32 @!p1 $0x0  }
0x14: {  	s2 =	sld [smem:$0x3F95];
	s0 =	simm.s32 @p1 $0x1  }
0x15: {  	[smem:$0x3FB2] =	sst s0;
	s0 =	simm.s32 @!p2 $0x0  }
0x16: {  	s3 =	sld [smem:$0x3FDB];
	s0 =	simm.s32 @p2 $0x1  }
0x17: {  	s4 =	simm.s32 $0x1BF5;
	[smem:$0x3FB4] =	sst s0  }
0x18: {  	s0 =	sld [smem:$0x3F97];
	_ =	swait.ge [sflag:s4], $0x0  }
0x19: {  	s7 =	sld [smem:$0x3F98]  }
0x1a: {  	s8 =	sadd.s32 $0xFFFFE003, lr  }
0x1b: {  	s9 =	sadd.s32 $0xFFFFFEF7, lr;
	s5 =	simm.s32 $0xFFFFFFFF;
	p2 =	slt.u32 s8, $0xFFFFF086  }
0x1c: {  	p1 =	slt.u32 s9, $0xF7A;
	s5 =	simm.s32 @!p2 $0x0  }
0x1d: {  	s5 =	simm.s32 @p1 $0x1;
	p0 =	seq.s32 s7, s2  }
0x1e: {  	s7 =	smul.u32 @!p0 $0xF7A, s2;
	p2 =	seq.s32 @!p0 s5, $0x0  }
0x1f: {  	s9 =	smul.u32 $0xF7A, s1;
	s8 =	simm.s32 @!p0 $0x1BF5;
	p2 =	por !p2, p0  }
0x20: {  	[sflag:s8] =	ssyncset.s32 @!p0 $0xFFFFF086;
	s6 =	sadd.s32 @!p0 s3, s7;
	s7 =	simm.s32 @!p0 $0x108  }
0x21: {  	s3 =	sadd.s32 s3, s9;
	s6 =	sadd.s32 @!p0 $0x88, s6;
	s7 =	simm.s32 @p2 $0x1082  }
0x22: {  	[simem:s7], [sflag:s8] =	dma.local @!p0 [hbm:s6], $0xF7A  }
0x23: {  	s9 =	sor.u32 $0xD0000000, s2;
	s6 =	simm.s32 $0x108;
	_ =	swait.ge @!p0 [sflag:s8], $0x0  }
0x24: {  	s3 =	sadd.s32 $0x88, s3;
	s6 =	simm.s32 @!p1 $0x1082;
	[sflag:s4] =	ssyncset.s32 $0xFFFFF086  }
0x25: {  	[simem:s6], [sflag:s4] =	dma.local [hbm:s3], $0xF7A  }
0x26: {  	[smem:$0x3F98] =	sst s1;
	(tag) =	ssettag s2;
	_ =	strace s9  }
0x27: {  	s1 =	sld [smem:$0x3FA8]  }
0x28: {  	s2 =	sld [smem:$0x3FA9]  }
0x29: {  	s4 =	sld [smem:$0x3FAB]  }
0x2a: {  	p0 =	seq.s32 s5, $0x0;
	s5 =	sld [smem:$0x3FAC]  }
0x2b: {  	s6 =	sld [smem:$0x3FAD]  }
0x2c: {  	s7 =	sld [smem:$0x3FAE]  }
0x2d: {  	s3 =	simm.s32 $0x108;
	s8 =	sld [smem:$0x3FAF]  }
0x2e: {  	s3 =	simm.s32 @!p0 $0x1082;
	s9 =	sld [smem:$0x3FB0]  }
0x2f: {  	lr =	sadd.s32 s0, s3;
	s0 =	sld [smem:$0x3FA7]  }
0x30: {  	s3 =	sld [smem:$0x3FAA]  }
0x31: {  	[smem:$0x3FB3] =	sst s10  }
0x32: {  	s10 =	sld [smem:$0x3FB1];
	_ =	sdelay $0x3  }
0x33: {  	p0 =	seq.s32 s10, $0x1;
	s10 =	sld [smem:$0x3FB3];
	_ =	sdelay $0x3  }
0x34: {  	[smem:$0x3FB3] =	sst s10  }
0x35: {  	s10 =	sld [smem:$0x3FB2];
	_ =	sdelay $0x3  }
0x36: {  	p1 =	seq.s32 s10, $0x1;
	s10 =	sld [smem:$0x3FB3];
	_ =	sdelay $0x3  }
0x37: {  	[smem:$0x3FB3] =	sst s10  }
0x38: {  	s10 =	sld [smem:$0x3FB4]  }
0x39: {  	_ = 	snop;
	(pc) =	sbr.ind lr, $3  }
0x3a: {  	_ = 	snop  }
0x3b: {  	_ = 	snop  }
0x3c: {  	p2 =	seq.s32 s10, $0x1;
	s10 =	sld [smem:$0x3FB3]  }
0x3d: {  	_ =	shalt  }
0x3e: {  	_ =	shalt  }
0x3f: {  	_ =	shalt  }
0x40: {  	_ =	shalt  }
0x41: {  	_ =	shalt  }
0x42: {  	_ =	shalt  }
0x43: {  	_ =	shalt  }
0x44: {  	_ =	shalt  }
0x45: {  	_ =	shalt  }
0x46: {  	_ =	shalt  }
0x47: {  	_ =	shalt  }
0x48: {  	_ =	shalt  }
0x49: {  	_ =	shalt  }
0x4a: {  	_ =	shalt  }
0x4b: {  	_ =	shalt  }
0x4c: {  	_ =	shalt  }
0x4d: {  	_ =	shalt  }
0x4e: {  	_ =	shalt  }
0x4f: {  	_ =	shalt  }
0x50: {  	_ =	shalt  }
0x51: {  	_ =	shalt  }
0x52: {  	_ =	shalt  }
0x53: {  	_ =	shalt  }
0x54: {  	_ =	shalt  }
0x55: {  	_ =	shalt  }
0x56: {  	_ =	shalt  }
0x57: {  	_ =	shalt  }
0x58: {  	_ =	shalt  }
0x59: {  	_ =	shalt  }
0x5a: {  	_ =	shalt  }
0x5b: {  	_ =	shalt  }
0x5c: {  	_ =	shalt  }
0x5d: {  	_ =	shalt  }
0x5e: {  	_ =	shalt  }
0x5f: {  	_ =	shalt  }
0x60: {  	_ =	shalt  }
0x61: {  	_ =	shalt  }
0x62: {  	_ =	shalt  }
0x63: {  	_ =	shalt  }
0x64: {  	_ =	shalt  }
0x65: {  	_ =	shalt  }
0x66: {  	_ =	shalt  }
0x67: {  	_ =	shalt  }
0x68: {  	_ =	shalt  }
0x69: {  	_ =	shalt  }
0x6a: {  	_ =	shalt  }
0x6b: {  	_ =	shalt  }
0x6c: {  	_ =	shalt  }
0x6d: {  	_ =	shalt  }
0x6e: {  	_ =	shalt  }
0x6f: {  	_ =	shalt  }
0x70: {  	_ =	shalt  }
0x71: {  	_ =	shalt  }
0x72: {  	_ =	shalt  }
0x73: {  	_ =	shalt  }
0x74: {  	_ =	shalt  }
0x75: {  	_ =	shalt  }
0x76: {  	_ =	shalt  }
0x77: {  	_ =	shalt  }
0x78: {  	_ =	shalt  }
0x79: {  	_ =	shalt  }
0x7a: {  	_ =	shalt  }
0x7b: {  	_ =	shalt  }
0x7c: {  	_ =	shalt  }
0x7d: {  	_ =	shalt  }
0x7e: {  	_ =	shalt  }
0x7f: {  	_ =	shalt  }
0x80: {  	_ =	shalt  }
0x81: {  	_ =	shalt  }
0x82: {  	_ =	shalt  }
0x83: {  	_ =	shalt  }
0x84: {  	_ =	shalt  }
0x85: {  	_ =	shalt  }
0x86: {  	_ =	shalt  }
0x87: {  	_ =	shalt  }
.Lfunc_end0:
.L_simem_size_0:
called_computation.1_lowered:
.L_overlay_start_0:
0x88: {  	s2 =	sld [smem:$0x3FD9]  }
0x89: {  	s3 =	sld [smem:$0x3FFE];
	_ =	sdelay $0x1  }
0x8a: {  	s1 =	srdreg.scid  }
0x8b: {  	s0 =	sand.u32 $0x1, s1  }
0x8c: {  	s17 =	sshll.u32 s0, $0xA;
	s2 =	sadd.s32 s3, s2  }
0x8d: {  	s2 =	sadd.s32 s2, s17  }
0x8e: {  	[smem:$0x3FBF] =	sst s2  }
0x8f: {  	_ = 	snop  }
0x90: {  	s2 =	sld [smem:$0x3FC8];
	(tm) =	ssettm $0x1  }
0x91: {  	s18 =	sld [smem:$0x3FFB];
	_ =	sdelay $0x3  }
0x92: {  	_ =	strace s18  }
0x93: {  	s3 =	sld [smem:$0x3FFC];
	_ =	sdelay $0x3  }
0x94: {  	_ =	strace s3  }
0x95: {  	s3 =	sld [smem:$0x3FFD];
	_ =	sdelay $0x3  }
0x96: {  	_ =	strace s3  }
0x97: {  	_ =	strace $0x8FFFFFFF  }
0x98: {  	s19 =	sld [smem:$0x3FDB];
	_ =	sdelay $0x1  }
0x99: {  	s4 =	simm.s32 $_scs_section_size  }
0x9a: {  	s5 =	simm.s32 $_size__tile_overlayer_lowered;
	s6 =	simm.s32 $_tile_overlayer_lowered  }
0x9b: {  	s22 =	simm.s32 $0x1BFF;
	s21 =	sshll.u32 s6, $0x1;
	s3 =	sadd.s32 s4, s19  }
0x9c: {  	s7 =	simm.s32 $0x0;
	s20 =	sshll.u32 s5, $0x1;
	s5 =	sadd.s32 s21, s3  }
0x9d: {  	[timem:s7], [sflag:s22] =	dma.local [hbm:s5], s20  }
0x9e: {  	_ =	swait.ge [sflag:s22], s20  }
0x9f: {  	s4 =	ssub.s32 $0x0, s20;
	[sflag:s22] =	ssyncset.done $0x0  }
0xa0: {  	[sflag:s22] =	ssyncadd.s32 s4;
	_ =	sdelay $0x1  }
0xa1: {  	s23 =	simm.s32 $0x1B8B  }
0xa2: {  	_ =	swait.ge [sflag:s23], $0x1  }
0xa3: {  	[sflag:s23] =	ssyncset.done $0x0  }
0xa4: {  	s25 =	simm.s32 $0x1B8E;
	s24 =	sld [smem:$0x3FFE];
	[sflag:s23] =	ssyncadd.s32 $0xFFFFFFFF  }
0xa5: {  	s26 =	simm.s32 $execute0_lowered;
	[smem:$0x3FD2] =	sst s25  }
0xa6: {  	s5 =	sshll.u32 s26, $0x1;
	_ =	strace $0x80000046;
	[dreg:$0x1] =	wrdreg $0xFFFFFFFF  }
0xa7: {  	s28 =	simm.s32 $_size_execute0_lowered;
	s3 =	sadd.s32 s3, s5;
	[dreg:$0x0] =	wrdreg $0x0  }
0xa8: {  	s5 =	sshll.u32 s28, $0x1;
	[dreg:$0x2] =	wrdreg s3  }
0xa9: {  	[dreg:$0x3] =	wrdreg s5  }
0xaa: {  	[dreg:$0x4] =	wrdreg $0xC0  }
0xab: {  	_ =	task [dreg:s7], $0x5FFFF  }
0xac: {  	[dreg:$0x1] =	wrdreg $0xFFFFFFFF  }
0xad: {  	[dreg:$0x0] =	wrdreg $0x60  }
0xae: {  	[dreg:$0x2] =	wrdreg s24  }
0xaf: {  	[dreg:$0x3] =	wrdreg s2  }
0xb0: {  	[dreg:$0x4] =	wrdreg $0x0  }
0xb1: {  	[dreg:$0x5] =	wrdreg $0xA  }
0xb2: {  	_ =	task.clear_ibuf [dreg:s7], $0x6FFFF;
	_ =	strace $0x90000046  }
0xb3: {  	s29 =	simm.s32 $0xA;
	_ =	strace $0x80000048  }
0xb4: {  	_ =	swait.ge [sflag:s29], $0x1  }
0xb5: {  	[sflag:s29] =	ssyncadd.s32 $0xFFFFFFFF  }
0xb6: {  	_ =	strace $0x90000048  }
0xb7: {  	_ =	sfence  }
0xb8: {  	s30 =	sld [smem:$0x0];
	_ =	sdelay $0x2  }
0xb9: {  	s31 =	sshll.u32 s1, $0xD;
	s1 =	sshrl.u32 s1, $0x2  }
0xba: {  	s3 =	sand.u32 $0x4000, s31;
	s1 =	sadd.s32 s1, s30  }
0xbb: {  	s0 =	sor.u32 s3, s0;
	s1 =	sshll.u32 s1, $0x11  }
0xbc: {  	s0 =	sor.u32 s1, s0  }
0xbd: {  	s0 =	sadd.s32 $0x8F2B, s0  }
0xbe: {  	[sflag:s0] =	ssyncadd.remote.s32 $0x1  }
0xbf: {  	_ =	sfence.sel $0xFFFF  }
0xc0: {  	[dreg:$0x0] =	wrdreg $0xFFFFFFFF;
	(pc) =	sbr.abs _section_cstart, $3  }
0xc1: {  	[dreg:$0x1] =	wrdreg $0xFFFFFFFF  }
0xc2: {  	_ =	task.clear_ibuf [dreg:s7], $0x2FFFF;
	_ =	strace $0x9FFFFFFF  }
0xc3: {  	(tm) =	ssettm $0x7FFFFFFF  }
tec
execute0_lowered:
.L_overlay_start_1:
0x0: {  	(tag) =	ssettag $0x1  }
0x1: {  	s0 =	rddreg [dreg:$0x0]  }
0x2: {  	s2 =	rddreg [dreg:$0x2];
	s13 =	simm.s32 $0x0;
	s1 =	srdreg.scid  }
0x3: {  	s12 =	stileid.u32;
	[smem:$0x7FF] =	sst s13;
	s5 =	sadd.s32 $0x1EC00, s0  }
0x4: {  	s6 =	sadd.s32 $0x14E00, s0;
	s1 =	sand.u32 $0x1, s1;
	s3 =	smul.u32 $0x13880, s12  }
0x5: {  	s7 =	sadd.s32 $0x1400, s0;
	s0 =	sadd.s32 $0x28A00, s0;
	s22 =	smul.u32 $0x27100, s12  }
0x6: {  	s4 =	smul.u32 $0x271000, s1;
	s9 =	ssub.s32 $0x2, s1;
	s24 =	sshllo.u32 s1, $0x1  }
0x7: {  	_ =	strace $0x80000047;
	s10 =	sshrl.u32 s9, $0x1;
	s11 =	smul.u32 $0x138800, s24  }
0x8: {  	s25 =	sshll.u32 s1, $0x1;
	s4 =	sadd.s32 s3, s4;
	s9 =	ssub.s32 s9, s10  }
0x9: {  	s4 =	sshrl.u32 s4, $0x4;
	s26 =	sadd.s32 s3, s11;
	s29 =	smax.u32 s9, $0x1  }
0xa: {  	s3 =	sshrl.u32 s3, $0x1;
	s23 =	sadd.s32 s0, s4;
	[dreg:$0x9] =	wrdreg s29  }
0xb: {  	s1 =	sshrl.u32 s26, $0x4;
	s3 =	sadd.s32 s3, s2;
	[dreg:$0x5] =	wrdreg s23  }
0xc: {  	s28 =	sshrl.u32 s22, $0x2;
	[dreg:$0x6] =	wrdreg s3;
	s0 =	sadd.s32 s0, s1  }
0xd: {  	[dreg:$0x7] =	wrdreg s0;
	s0 =	sadd.s32 s28, s2  }
0xe: {  	s30 =	sadd.s32 $0x640, s0;
	[dreg:$0x8] =	wrdreg s0  }
0xf: {  	s31 =	sadd.s32 $0xC80, s0;
	[dreg:$0xa] =	wrdreg s30  }
0x10: {  	s3 =	sadd.s32 $0x12C0, s0;
	[dreg:$0xb] =	wrdreg s31  }
0x11: {  	s4 =	sadd.s32 $0x1900, s0;
	[dreg:$0xc] =	wrdreg s3  }
0x12: {  	s9 =	sadd.s32 $0x1F40, s0;
	[dreg:$0xd] =	wrdreg s4  }
0x13: {  	s10 =	sadd.s32 $0x2580, s0;
	[dreg:$0xe] =	wrdreg s9  }
0x14: {  	s11 =	sadd.s32 $0x2BC0, s0;
	[dreg:$0xf] =	wrdreg s10  }
0x15: {  	s8 =	smul.u32 $0x4E20, s12;
	s12 =	sadd.s32 $0x3200, s0;
	[dreg:$0x10] =	wrdreg s11  }
0x16: {  	s14 =	sadd.s32 $0x3840, s0;
	[dreg:$0x11] =	wrdreg s12  }
0x17: {  	s15 =	sadd.s32 $0x3E80, s0;
	[dreg:$0x12] =	wrdreg s14  }
0x18: {  	s16 =	sadd.s32 $0x44C0, s0;
	[dreg:$0x13] =	wrdreg s15  }
0x19: {  	s17 =	sadd.s32 $0x4B00, s0;
	[dreg:$0x14] =	wrdreg s16  }
0x1a: {  	s18 =	sadd.s32 $0x5140, s0;
	[dreg:$0x15] =	wrdreg s17  }
0x1b: {  	s19 =	sadd.s32 $0x5780, s0;
	[dreg:$0x16] =	wrdreg s18  }
0x1c: {  	s20 =	sadd.s32 $0x5DC0, s0;
	[dreg:$0x17] =	wrdreg s19  }
0x1d: {  	s21 =	sadd.s32 $0x6400, s0;
	[dreg:$0x18] =	wrdreg s20  }
0x1e: {  	s22 =	sadd.s32 $0x6A40, s0;
	[dreg:$0x19] =	wrdreg s21  }
0x1f: {  	s23 =	sadd.s32 $0x7080, s0;
	[dreg:$0x1a] =	wrdreg s22  }
0x20: {  	v1 =	vmov s24;
	s24 =	simm.s32 $0xB7C0;
	s26 =	sadd.s32 $0x76C0, s0;
	[dreg:$0x1b] =	wrdreg s23  }
0x21: {  	v0 =	vmov s25;
	s25 =	simm.s32 $0x10450;
	s28 =	sadd.s32 $0x7D00, s0;
	[dreg:$0x1c] =	wrdreg s26  }
0x22: {  	s1 =	simm.s32 $0xB6D0;
	s29 =	sadd.s32 $0x8340, s0;
	[dreg:$0x1d] =	wrdreg s28  }
0x23: {  	[dreg:$0x1e] =	wrdreg s29;
	s30 =	sadd.s32 $0x8980, s0;
	s31 =	sadd.s32 $0x8FC0, s0  }
0x24: {  	s0 =	sadd.s32 $0x9600, s0;
	s16 =	simm.s32 $0x2;
	s20 =	simm.s32 $0x1  }
0x25: {  	s21 =	simm.s32 $0x50;
	s12 =	simm.s32 $0xEB50;
	s3 =	simm.s32 $0xB680  }
0x26: {  	s15 =	simm.s32 $0xF050;
	s17 =	simm.s32 $0xF550;
	[dreg:$0x1f] =	wrdreg s30  }
0x27: {  	s18 =	simm.s32 $0xB720;
	s19 =	simm.s32 $0xFA50;
	[smem:$0x7FC] =	sst s31  }
0x28: {  	v2 =	vimm.bf16 $0.0e+00;
	s22 =	simm.s32 $0xB770;
	s23 =	simm.s32 $0xFF50;
	[smem:$0x7FD] =	sst s0  }
.LBB2_1:
0x29: {  	[dreg:$0x4] =	wrdreg s13;
	s0 =	simm.s32 $0x40;
	s4 =	simm.s32 $0x0  }
.LBB2_2:
0x2a: {  	p0 =	sne.s32 s0, $0x18C0;
	[tilespmem:s4+$0x10950] =	vst v2;
	s4 =	smov.u32 s0;
	s0 =	sadd.s32 $0x40, s0  }
.Ltmp0:
0x2b: {  	(pc) =	sbr.rel @p0 .LBB2_2-.Ltmp0, $2  }
0x2c: {  	_ =	sdelay $0x2  }
0x2d: {  	s4 =	sshra.s32 s4, $0x2  }
0x2e: {  	s0 =	rddreg [dreg:$0x8]  }
0x2f: {  	[tilespmem:s4+$0x10950] =	vst v2;
	s4 =	simm.s32 $0x10950;
	s13 =	rddreg [dreg:$0xa]  }
0x30: {  	[spmem:s0] =	stream.linear.scatter [tilespmem:s4], [sflag:$0x2], $0x640, $0x38;
	[tilespmem:$0x10F90] =	vst v63  }
0x31: {  	s14 =	rddreg [dreg:$0xb]  }
0x32: {  	[spmem:s13] =	stream.linear.scatter [tilespmem:s4], [sflag:$0x2], $0x640, $0x38;
	[tilespmem:$0x10F90] =	vst v63  }
0x33: {  	s26 =	rddreg [dreg:$0xc]  }
0x34: {  	[spmem:s14] =	stream.linear.scatter [tilespmem:s4], [sflag:$0x2], $0x640, $0x38;
	[tilespmem:$0x10F90] =	vst v63  }
0x35: {  	s29 =	rddreg [dreg:$0xd]  }
0x36: {  	[spmem:s26] =	stream.linear.scatter [tilespmem:s4], [sflag:$0x2], $0x640, $0x38;
	[tilespmem:$0x10F90] =	vst v63  }
0x37: {  	s30 =	rddreg [dreg:$0xe]  }
0x38: {  	[spmem:s29] =	stream.linear.scatter [tilespmem:s4], [sflag:$0x2], $0x640, $0x38;
	[tilespmem:$0x10F90] =	vst v63  }
0x39: {  	s31 =	rddreg [dreg:$0xf]  }
0x3a: {  	[spmem:s30] =	stream.linear.scatter [tilespmem:s4], [sflag:$0x2], $0x640, $0x38;
	[tilespmem:$0x10F90] =	vst v63  }
0x3b: {  	s9 =	rddreg [dreg:$0x10]  }
0x3c: {  	[spmem:s31] =	stream.linear.scatter [tilespmem:s4], [sflag:$0x2], $0x640, $0x38;
	[tilespmem:$0x10F90] =	vst v63  }
0x3d: {  	s10 =	rddreg [dreg:$0x11]  }
0x3e: {  	[spmem:s9] =	stream.linear.scatter [tilespmem:s4], [sflag:$0x2], $0x640, $0x38;
	[tilespmem:$0x10F90] =	vst v63  }
0x3f: {  	s11 =	rddreg [dreg:$0x12]  }
0x40: {  	[spmem:s10] =	stream.linear.scatter [tilespmem:s4], [sflag:$0x2], $0x640, $0x38;
	[tilespmem:$0x10F90] =	vst v63  }
0x41: {  	s13 =	rddreg [dreg:$0x13]  }
0x42: {  	[spmem:s11] =	stream.linear.scatter [tilespmem:s4], [sflag:$0x2], $0x640, $0x38;
	[tilespmem:$0x10F90] =	vst v63  }
0x43: {  	s14 =	rddreg [dreg:$0x14]  }
0x44: {  	[spmem:s13] =	stream.linear.scatter [tilespmem:s4], [sflag:$0x2], $0x640, $0x38;
	[tilespmem:$0x10F90] =	vst v63  }
0x45: {  	s26 =	rddreg [dreg:$0x15]  }
0x46: {  	[spmem:s14] =	stream.linear.scatter [tilespmem:s4], [sflag:$0x2], $0x640, $0x38;
	[tilespmem:$0x10F90] =	vst v63  }
0x47: {  	s29 =	rddreg [dreg:$0x16]  }
0x48: {  	[spmem:s26] =	stream.linear.scatter [tilespmem:s4], [sflag:$0x2], $0x640, $0x38;
	[tilespmem:$0x10F90] =	vst v63  }
0x49: {  	s30 =	rddreg [dreg:$0x17]  }
0x4a: {  	[spmem:s29] =	stream.linear.scatter [tilespmem:s4], [sflag:$0x2], $0x640, $0x38;
	[tilespmem:$0x10F90] =	vst v63  }
0x4b: {  	s31 =	rddreg [dreg:$0x18]  }
0x4c: {  	[spmem:s30] =	stream.linear.scatter [tilespmem:s4], [sflag:$0x2], $0x640, $0x38;
	[tilespmem:$0x10F90] =	vst v63  }
0x4d: {  	s9 =	rddreg [dreg:$0x19]  }
0x4e: {  	[spmem:s31] =	stream.linear.scatter [tilespmem:s4], [sflag:$0x2], $0x640, $0x38;
	[tilespmem:$0x10F90] =	vst v63  }
0x4f: {  	s10 =	rddreg [dreg:$0x1a]  }
0x50: {  	[spmem:s9] =	stream.linear.scatter [tilespmem:s4], [sflag:$0x2], $0x640, $0x38;
	[tilespmem:$0x10F90] =	vst v63  }
0x51: {  	s11 =	rddreg [dreg:$0x1b]  }
0x52: {  	[spmem:s10] =	stream.linear.scatter [tilespmem:s4], [sflag:$0x2], $0x640, $0x38;
	[tilespmem:$0x10F90] =	vst v63  }
0x53: {  	s13 =	rddreg [dreg:$0x1c]  }
0x54: {  	[spmem:s11] =	stream.linear.scatter [tilespmem:s4], [sflag:$0x2], $0x640, $0x38;
	[tilespmem:$0x10F90] =	vst v63  }
0x55: {  	s14 =	rddreg [dreg:$0x1d]  }
0x56: {  	[spmem:s13] =	stream.linear.scatter [tilespmem:s4], [sflag:$0x2], $0x640, $0x38;
	[tilespmem:$0x10F90] =	vst v63  }
0x57: {  	s26 =	rddreg [dreg:$0x1e]  }
0x58: {  	[spmem:s14] =	stream.linear.scatter [tilespmem:s4], [sflag:$0x2], $0x640, $0x38;
	[tilespmem:$0x10F90] =	vst v63  }
0x59: {  	s29 =	rddreg [dreg:$0x1f]  }
0x5a: {  	[spmem:s26] =	stream.linear.scatter [tilespmem:s4], [sflag:$0x2], $0x640, $0x38;
	[tilespmem:$0x10F90] =	vst v63  }
0x5b: {  	s30 =	sld [smem:$0x7FC]  }
0x5c: {  	[spmem:s29] =	stream.linear.scatter [tilespmem:s4], [sflag:$0x2], $0x640, $0x38;
	[tilespmem:$0x10F90] =	vst v63  }
0x5d: {  	s31 =	sld [smem:$0x7FD]  }
0x5e: {  	[spmem:s30] =	stream.linear.scatter [tilespmem:s4], [sflag:$0x2], $0x640, $0x38;
	[tilespmem:$0x10F90] =	vst v63  }
0x5f: {  	_ = 	snop  }
0x60: {  	[spmem:s31] =	stream.linear.scatter [tilespmem:s4], [sflag:$0x2], $0x640, $0x38;
	[tilespmem:$0x10F90] =	vst v63  }
0x61: {  	_ =	swait.ge [sflag:s16], $0x640  }
0x62: {  	[sflag:s16] =	ssyncset.done $0x0  }
0x63: {  	[sflag:s16] =	ssyncadd.s32 $0xFFFFF9C0  }
0x64: {  	_ =	swait.ge [sflag:s16], $0x640  }
0x65: {  	[sflag:s16] =	ssyncset.done $0x0  }
0x66: {  	[sflag:s16] =	ssyncadd.s32 $0xFFFFF9C0  }
0x67: {  	_ =	swait.ge [sflag:s16], $0x640  }
0x68: {  	[sflag:s16] =	ssyncset.done $0x0  }
0x69: {  	[sflag:s16] =	ssyncadd.s32 $0xFFFFF9C0  }
0x6a: {  	_ =	swait.ge [sflag:s16], $0x640  }
0x6b: {  	[sflag:s16] =	ssyncset.done $0x0  }
0x6c: {  	[sflag:s16] =	ssyncadd.s32 $0xFFFFF9C0  }
0x6d: {  	_ =	swait.ge [sflag:s16], $0x640  }
0x6e: {  	[sflag:s16] =	ssyncset.done $0x0  }
0x6f: {  	[sflag:s16] =	ssyncadd.s32 $0xFFFFF9C0  }
0x70: {  	_ =	swait.ge [sflag:s16], $0x640  }
0x71: {  	[sflag:s16] =	ssyncset.done $0x0  }
0x72: {  	[sflag:s16] =	ssyncadd.s32 $0xFFFFF9C0  }
0x73: {  	_ =	swait.ge [sflag:s16], $0x640  }
0x74: {  	[sflag:s16] =	ssyncset.done $0x0  }
0x75: {  	[sflag:s16] =	ssyncadd.s32 $0xFFFFF9C0  }
0x76: {  	_ =	swait.ge [sflag:s16], $0x640  }
0x77: {  	[sflag:s16] =	ssyncset.done $0x0  }
0x78: {  	[sflag:s16] =	ssyncadd.s32 $0xFFFFF9C0  }
0x79: {  	_ =	swait.ge [sflag:s16], $0x640  }
0x7a: {  	[sflag:s16] =	ssyncset.done $0x0  }
0x7b: {  	[sflag:s16] =	ssyncadd.s32 $0xFFFFF9C0  }
0x7c: {  	_ =	swait.ge [sflag:s16], $0x640  }
0x7d: {  	[sflag:s16] =	ssyncset.done $0x0  }
0x7e: {  	[sflag:s16] =	ssyncadd.s32 $0xFFFFF9C0  }
0x7f: {  	_ =	swait.ge [sflag:s16], $0x640  }
0x80: {  	[sflag:s16] =	ssyncset.done $0x0  }
0x81: {  	[sflag:s16] =	ssyncadd.s32 $0xFFFFF9C0  }
0x82: {  	_ =	swait.ge [sflag:s16], $0x640  }
0x83: {  	[sflag:s16] =	ssyncset.done $0x0  }
0x84: {  	[sflag:s16] =	ssyncadd.s32 $0xFFFFF9C0  }
0x85: {  	_ =	swait.ge [sflag:s16], $0x640  }
0x86: {  	[sflag:s16] =	ssyncset.done $0x0  }
0x87: {  	[sflag:s16] =	ssyncadd.s32 $0xFFFFF9C0  }
0x88: {  	_ =	swait.ge [sflag:s16], $0x640  }
0x89: {  	[sflag:s16] =	ssyncset.done $0x0  }
0x8a: {  	[sflag:s16] =	ssyncadd.s32 $0xFFFFF9C0  }
0x8b: {  	_ =	swait.ge [sflag:s16], $0x640  }
0x8c: {  	[sflag:s16] =	ssyncset.done $0x0  }
0x8d: {  	[sflag:s16] =	ssyncadd.s32 $0xFFFFF9C0  }
0x8e: {  	_ =	swait.ge [sflag:s16], $0x640  }
0x8f: {  	[sflag:s16] =	ssyncset.done $0x0  }
0x90: {  	[sflag:s16] =	ssyncadd.s32 $0xFFFFF9C0  }
0x91: {  	_ =	swait.ge [sflag:s16], $0x640  }
0x92: {  	[sflag:s16] =	ssyncset.done $0x0  }
0x93: {  	[sflag:s16] =	ssyncadd.s32 $0xFFFFF9C0  }
0x94: {  	_ =	swait.ge [sflag:s16], $0x640  }
0x95: {  	[sflag:s16] =	ssyncset.done $0x0  }
0x96: {  	[sflag:s16] =	ssyncadd.s32 $0xFFFFF9C0  }
0x97: {  	_ =	swait.ge [sflag:s16], $0x640  }
0x98: {  	[sflag:s16] =	ssyncset.done $0x0  }
0x99: {  	[sflag:s16] =	ssyncadd.s32 $0xFFFFF9C0  }
0x9a: {  	_ =	swait.ge [sflag:s16], $0x640  }
0x9b: {  	[sflag:s16] =	ssyncset.done $0x0  }
0x9c: {  	[sflag:s16] =	ssyncadd.s32 $0xFFFFF9C0  }
0x9d: {  	_ =	swait.ge [sflag:s16], $0x640  }
0x9e: {  	[sflag:s16] =	ssyncset.done $0x0  }
0x9f: {  	[sflag:s16] =	ssyncadd.s32 $0xFFFFF9C0  }
0xa0: {  	_ =	swait.ge [sflag:s16], $0x640  }
0xa1: {  	[sflag:s16] =	ssyncset.done $0x0  }
0xa2: {  	[sflag:s16] =	ssyncadd.s32 $0xFFFFF9C0  }
0xa3: {  	_ =	swait.ge [sflag:s16], $0x640  }
0xa4: {  	[sflag:s16] =	ssyncset.done $0x0  }
0xa5: {  	[sflag:s16] =	ssyncadd.s32 $0xFFFFF9C0  }
0xa6: {  	_ =	swait.ge [sflag:s16], $0x640  }
0xa7: {  	[sflag:s16] =	ssyncset.done $0x0  }
0xa8: {  	[sflag:s16] =	ssyncadd.s32 $0xFFFFF9C0  }
0xa9: {  	_ =	swait.ge [sflag:s16], $0x640  }
0xaa: {  	[sflag:s16] =	ssyncset.done $0x0  }
0xab: {  	[sflag:s16] =	ssyncadd.s32 $0xFFFFF9C0  }
0xac: {  	s28 =	simm.s32 $0x0;
	s26 =	simm.s32 $0x0;
	[bflag:$0x0] =	sbarrier.arrive $0xFFFF  }
.LBB2_4:
0xad: {  	s0 =	smul.u32 $0x7D0, s28;
	_ =	sdelay $0x1  }
0xae: {  	s0 =	sadd.s32 s8, s0  }
0xaf: {  	s0 =	sshrl.u32 s0, $0x3  }
0xb0: {  	s9 =	simm.s32 $0x9C40;
	s4 =	sadd.s32 s5, s0  }
0xb1: {  	[tilespmem:s9], [sflag:$0x1] =	stream.linear.gather [hbm4b:s4+s26], $0x7D0, $0x38;
	[tilespmem:$0x10F90] =	vst v63  }
0xb2: {  	s11 =	simm.s32 $0xA410;
	s13 =	rddreg [dreg:$0x1];
	s10 =	sadd.s32 s6, s0  }
0xb3: {  	[tilespmem:s11], [sflag:$0x1] =	stream.linear.gather [hbm4b:s10+s26], $0x7D0, $0x38;
	[tilespmem:$0x10F90] =	vst v63  }
0xb4: {  	s14 =	simm.s32 $0xABE0;
	s0 =	sadd.s32 s13, s0  }
0xb5: {  	[tilespmem:s14], [sflag:$0x1] =	stream.linear.gather [hbm4b:s0+s26], $0x7D0, $0x38;
	[tilespmem:$0x10F90] =	vst v63  }
0xb6: {  	_ =	swait.ge [sflag:s20], $0x7D0  }
0xb7: {  	[sflag:s20] =	ssyncset.done $0x0  }
0xb8: {  	[sflag:s20] =	ssyncadd.s32 $0xFFFFF830  }
0xb9: {  	_ =	swait.ge [sflag:s20], $0x7D0  }
0xba: {  	[sflag:s20] =	ssyncset.done $0x0  }
0xbb: {  	[sflag:s20] =	ssyncadd.s32 $0xFFFFF830  }
0xbc: {  	_ =	swait.ge [sflag:s20], $0x7D0  }
0xbd: {  	[sflag:s20] =	ssyncset.done $0x0  }
0xbe: {  	s29 =	simm.s32 $0x0;
	[sflag:s20] =	ssyncadd.s32 $0xFFFFF830  }
0xbf: {  	v3 =	vld [tilespmem:s29+$0xA450]  }
0xc0: {  	v4 =	vld [tilespmem:s29+$0xAC20]  }
0xc1: {  	v5 =	vld [tilespmem:s29+$0x9C40]  }
0xc2: {  	v9 =	vld [tilespmem:s29+$0xA410]  }
0xc3: {  	v6 =	vld [tilespmem:s29+$0x9C50]  }
0xc4: {  	v10 =	vld [tilespmem:s29+$0xA420]  }
0xc5: {  	v7 =	vld [tilespmem:s29+$0x9C60]  }
0xc6: {  	v12 =	vld [tilespmem:s29+$0x9C70];
	v3 =	vshll.u32 v3, $0x2  }
0xc7: {  	v11 =	vld [tilespmem:s29+$0xA430];
	v3 =	vadd.s32 v4, v3;
	v4 =	vshll.u32 v5, $0x2  }
0xc8: {  	v13 =	vld [tilespmem:s29+$0xA440];
	[tilespmem:s29+$0xBBC0] =	vst v3;
	v3 =	vor.u32 v0, v4  }
0xc9: {  	v4 =	vshll.u32 v6, $0x2;
	[tilespmem:s29+$0xB3B0] =	vst v3;
	v3 =	vld [tilespmem:s29+$0x9C80]  }
0xca: {  	v8 =	vld [tilespmem:s29+$0xABE0];
	v4 =	vor.u32 v0, v4  }
0xcb: {  	v12 =	vshll.u32 v12, $0x2;
	[tilespmem:s29+$0xB3C0] =	vst v4;
	v4 =	vshll.u32 v7, $0x2;
	v7 =	vld [tilespmem:s29+$0xABF0]  }
0xcc: {  	v5 =	vshll.u32 v10, $0x2;
	v12 =	vor.u32 v0, v12;
	v6 =	vld [tilespmem:s29+$0xAC00];
	v14 =	vor.u32 v0, v4  }
0xcd: {  	s30 =	simm.s32 $0x50;
	s31 =	simm.s32 $0x280;
	v10 =	vld [tilespmem:s29+$0xAC10];
	v4 =	vshll.u32 v9, $0x2;
	v9 =	vshll.u32 v11, $0x2;
	v11 =	vshll.u32 v13, $0x2;
	[tilespmem:s29+$0xB3D0] =	vst v14  }
.LBB2_5:
0xce: {  	p0 =	sne.s32 s31, $0x1E00;
	v13 =	vld [tilespmem:s30+$0xA450];
	[tilespmem:s29+$0xB3E0] =	vst v12;
	v3 =	vshll.u32 v3, $0x2  }
0xcf: {  	v12 =	vld [tilespmem:s30+$0xAC20];
	v4 =	vadd.s32 v8, v4;
	v3 =	vor.u32 v0, v3  }
0xd0: {  	v8 =	vld [tilespmem:s30+$0x9C40];
	[tilespmem:s29+$0xBB80] =	vst v4;
	v4 =	vadd.s32 v7, v5  }
0xd1: {  	v5 =	vld [tilespmem:s30+$0xA410];
	[tilespmem:s29+$0xBB90] =	vst v4;
	v4 =	vadd.s32 v6, v9  }
0xd2: {  	v6 =	vld [tilespmem:s30+$0x9C50];
	[tilespmem:s29+$0xBBA0] =	vst v4;
	v4 =	vadd.s32 v10, v11  }
0xd3: {  	v7 =	vld [tilespmem:s30+$0xA420];
	v9 =	vshll.u32 v13, $0x2;
	[tilespmem:s29+$0xBBB0] =	vst v4  }
0xd4: {  	v10 =	vld [tilespmem:s30+$0x9C60];
	v4 =	vadd.s32 v12, v9;
	[tilespmem:s29+$0xB3F0] =	vst v3;
	s29 =	smov.u32 s30  }
0xd5: {  	v3 =	vshll.u32 v8, $0x2;
	v9 =	vld [tilespmem:s29+$0xA430];
	[tilespmem:s29+$0xBBC0] =	vst v4  }
0xd6: {  	v3 =	vor.u32 v0, v3;
	v4 =	vshll.u32 v5, $0x2;
	v11 =	vld [tilespmem:s29+$0x9C70]  }
0xd7: {  	[tilespmem:s29+$0xB3B0] =	vst v3;
	v3 =	vshll.u32 v6, $0x2;
	v13 =	vld [tilespmem:s29+$0xA440]  }
.Ltmp1:
0xd8: {  	v6 =	vor.u32 v0, v3;
	v5 =	vshll.u32 v7, $0x2;
	v3 =	vld [tilespmem:s29+$0x9C80];
	(pc) =	sbr.rel @p0 .LBB2_5-.Ltmp1, $4  }
0xd9: {  	v8 =	vld [tilespmem:s29+$0xABE0];
	[tilespmem:s29+$0xB3C0] =	vst v6;
	v6 =	vshll.u32 v10, $0x2  }
0xda: {  	v7 =	vld [tilespmem:s29+$0xABF0];
	v10 =	vor.u32 v0, v6;
	v9 =	vshll.u32 v9, $0x2  }
0xdb: {  	v6 =	vld [tilespmem:s29+$0xAC00];
	[tilespmem:s29+$0xB3D0] =	vst v10;
	v11 =	vshll.u32 v11, $0x2  }
0xdc: {  	s30 =	sshra.s32 s31, $0x2;
	s31 =	sadd.s32 $0x140, s31;
	v10 =	vld [tilespmem:s29+$0xAC10];
	v12 =	vor.u32 v0, v11;
	v11 =	vshll.u32 v13, $0x2  }
0xdd: {  	v13 =	vld [tilespmem:s30+$0xA450];
	[tilespmem:s29+$0xB3E0] =	vst v12  }
0xde: {  	v12 =	vld [tilespmem:s30+$0xAC20];
	v4 =	vadd.s32 v8, v4  }
0xdf: {  	v42 =	vld [tilespmem:s30+$0x9C40];
	[tilespmem:s29+$0xBB80] =	vst v4;
	v43 =	vadd.s32 v7, v5  }
0xe0: {  	v44 =	vld [tilespmem:s30+$0xA410];
	[tilespmem:s29+$0xBB90] =	vst v43;
	v45 =	vadd.s32 v6, v9  }
0xe1: {  	v3 =	vshll.u32 v3, $0x2;
	v46 =	vld [tilespmem:s30+$0x9C50];
	[tilespmem:s29+$0xBBA0] =	vst v45;
	v47 =	vadd.s32 v10, v11  }
0xe2: {  	v3 =	vor.u32 v0, v3;
	v48 =	vld [tilespmem:s30+$0xA420];
	[tilespmem:s29+$0xBBB0] =	vst v47  }
0xe3: {  	v4 =	vld [tilespmem:s30+$0x9C60];
	[tilespmem:s29+$0xB3F0] =	vst v3  }
0xe4: {  	v50 =	vld [tilespmem:s30+$0xA430]  }
0xe5: {  	v51 =	vld [tilespmem:s30+$0x9C70]  }
0xe6: {  	v49 =	vshll.u32 v13, $0x2;
	v53 =	vld [tilespmem:s30+$0xABE0]  }
0xe7: {  	v3 =	vadd.s32 v12, v49;
	v8 =	vshll.u32 v42, $0x2;
	v54 =	vld [tilespmem:s30+$0xABF0]  }
0xe8: {  	[tilespmem:s30+$0xBBC0] =	vst v3;
	v3 =	vor.u32 v0, v8;
	v52 =	vld [tilespmem:s30+$0x9C80];
	v6 =	vshll.u32 v46, $0x2  }
0xe9: {  	v55 =	vld [tilespmem:s30+$0xAC00];
	[tilespmem:s30+$0xB3B0] =	vst v3;
	v6 =	vor.u32 v0, v6;
	v4 =	vshll.u32 v4, $0x2  }
0xea: {  	v3 =	vld [tilespmem:s30+$0xA440];
	v5 =	vshll.u32 v44, $0x2;
	[tilespmem:s30+$0xB3C0] =	vst v6;
	v4 =	vor.u32 v0, v4  }
0xeb: {  	v57 =	vld [tilespmem:s30+$0xAC10];
	v7 =	vshll.u32 v48, $0x2;
	v58 =	vadd.s32 v53, v5;
	[tilespmem:s30+$0xB3D0] =	vst v4  }
0xec: {  	v56 =	vshll.u32 v51, $0x2;
	v60 =	vadd.s32 v54, v7;
	[tilespmem:s30+$0xBB80] =	vst v58  }
0xed: {  	v59 =	vshll.u32 v50, $0x2;
	v4 =	vor.u32 v0, v56;
	[tilespmem:s30+$0xBB90] =	vst v60  }
0xee: {  	v62 =	vshll.u32 v52, $0x2;
	v61 =	vadd.s32 v55, v59;
	[tilespmem:s30+$0xB3E0] =	vst v4  }
0xef: {  	v3 =	vshll.u32 v3, $0x2;
	v63 =	vor.u32 v0, v62;
	[tilespmem:s30+$0xBBA0] =	vst v61  }
0xf0: {  	v3 =	vadd.s32 v57, v3;
	[tilespmem:s30+$0xB3F0] =	vst v63  }
0xf1: {  	s0 =	simm.s32 $0xB3B0;
	s4 =	simm.s32 $0xC350;
	[tilespmem:s30+$0xBBB0] =	vst v3  }
0xf2: {  	[tilespmem:s4], [sflag:$0x1] =	stream.indirect.gather [hbm4b:s7+s21], $0x10, s0, s21, $0xb8;
	[tilespmem:$0x10F90] =	vst v63  }
0xf3: {  	s9 =	simm.s32 $0xC850;
	s4 =	simm.s32 $0xB400  }
0xf4: {  	[tilespmem:s9], [sflag:$0x1] =	stream.indirect.gather [hbm4b:s7+s21], $0x10, s4, s21, $0xb8;
	[tilespmem:$0x10F90] =	vst v63  }
0xf5: {  	s10 =	simm.s32 $0xB450;
	s11 =	simm.s32 $0xCD50  }
0xf6: {  	[tilespmem:s11], [sflag:$0x1] =	stream.indirect.gather [hbm4b:s7+s21], $0x10, s10, s21, $0xb8;
	[tilespmem:$0x10F90] =	vst v63  }
0xf7: {  	s13 =	simm.s32 $0xB4A0;
	s14 =	simm.s32 $0xD250  }
0xf8: {  	[tilespmem:s14], [sflag:$0x1] =	stream.indirect.gather [hbm4b:s7+s21], $0x10, s13, s21, $0xb8;
	[tilespmem:$0x10F90] =	vst v63  }
0xf9: {  	s4 =	simm.s32 $0xB4F0;
	s9 =	simm.s32 $0xD750  }
0xfa: {  	[tilespmem:s9], [sflag:$0x1] =	stream.indirect.gather [hbm4b:s7+s21], $0x10, s4, s21, $0xb8;
	[tilespmem:$0x10F90] =	vst v63  }
0xfb: {  	s10 =	simm.s32 $0xB540;
	s11 =	simm.s32 $0xDC50  }
0xfc: {  	[tilespmem:s11], [sflag:$0x1] =	stream.indirect.gather [hbm4b:s7+s21], $0x10, s10, s21, $0xb8;
	[tilespmem:$0x10F90] =	vst v63  }
0xfd: {  	s13 =	simm.s32 $0xB590;
	s14 =	simm.s32 $0xE150  }
0xfe: {  	[tilespmem:s14], [sflag:$0x1] =	stream.indirect.gather [hbm4b:s7+s21], $0x10, s13, s21, $0xb8;
	[tilespmem:$0x10F90] =	vst v63  }
0xff: {  	s9 =	simm.s32 $0xB5E0;
	s10 =	simm.s32 $0xE650  }
0x100: {  	[tilespmem:s10], [sflag:$0x1] =	stream.indirect.gather [hbm4b:s7+s21], $0x10, s9, s21, $0xb8;
	[tilespmem:$0x10F90] =	vst v63  }
0x101: {  	s29 =	simm.s32 $0xB630  }
0x102: {  	[tilespmem:s12], [sflag:$0x1] =	stream.indirect.gather [hbm4b:s7+s21], $0x10, s29, s21, $0xb8;
	[tilespmem:$0x10F90] =	vst v63  }
0x103: {  	_ = 	snop  }
0x104: {  	[tilespmem:s15], [sflag:$0x1] =	stream.indirect.gather [hbm4b:s7+s21], $0x10, s3, s21, $0xb8;
	[tilespmem:$0x10F90] =	vst v63  }
0x105: {  	_ = 	snop  }
0x106: {  	[tilespmem:s17], [sflag:$0x1] =	stream.indirect.gather [hbm4b:s7+s21], $0x10, s1, s21, $0xb8;
	[tilespmem:$0x10F90] =	vst v63  }
0x107: {  	s11 =	simm.s32 $0x0;
	s13 =	simm.s32 $0xFFFFFFF2  }
0x108: {  	[tilespmem:s19], [sflag:$0x1] =	stream.indirect.gather [hbm4b:s7+s21], $0x10, s18, s21, $0xb8;
	[tilespmem:$0x10F90] =	vst v63  }
0x109: {  	p0 =	por $0x1, $0x1;
	s0 =	smin.u32 s11, s13  }
0x10a: {  	[tilespmem:s23], [sflag:$0x1] =	stream.indirect.gather [hbm4b:s7+s21], $0x10, s22, s21, $0xb8;
	[tilespmem:$0x10F90] =	vst v63  }
0x10b: {  	s31 =	simm.s32 $0xA550;
	p1 =	por @!p0 $0x0, $0x0;
	s0 =	smul.u32 $0x1400, s0  }
0x10c: {  	[tilespmem:s25], [sflag:$0x1] =	stream.indirect.gather [hbm4b:s7+s21], $0x10, s24, s21, $0xb8;
	[tilespmem:$0x10F90] =	vst v63  }
0x10d: {  	p2 =	por p1, p0;
	s30 =	simm.s32 $0x1;
	_ =	swait.ge [sflag:s20], $0x500  }
0x10e: {  	s14 =	simm.s32 $0xBB80;
	s0 =	sshra.s32 s0, $0x2;
	[sflag:s20] =	ssyncset.done $0x0  }
0x10f: {  	s10 =	simm.s32 @!p0 $0x2;
	s0 =	sadd.s32 $0xC350, s0;
	[sflag:s20] =	ssyncadd.s32 $0xFFFFFB00  }
0x110: {  	[spmem:s2] =	stream.indirect.scatter.add.bf16 [tilespmem:s0], [sflag:$0x2], $0x10, s14, s21, $0xb8;
	[tilespmem:$0x10F90] =	vst v63  }
0x111: {  	s4 =	simm.s32 $0xB680;
	s11 =	simm.s32 @!p2 $0x50;
	_ =	swait.ge @!p0 [sflag:s10], $0x500  }
0x112: {  	s9 =	simm.s32 $0xAA50;
	s0 =	simm.s32 $0xBBD0;
	[sflag:s10] =	ssyncset.done @!p0 $0x0  }
.LBB2_7:
0x113: {  	s13 =	sadd.s32 $0xFFFFFFF2, s30  }
0x114: {  	[sflag:s10] =	ssyncadd.s32 @!p0 $0xFFFFFB00;
	s14 =	smov.u32 s30;
	s30 =	sadd.s32 $0x1, s30  }
0x115: {  	[tilespmem:s31], [sflag:$0x1] =	stream.indirect.gather @!p2 [hbm4b:s7+s11], $0x10, s29, s11, $0xb8;
	[tilespmem:$0x10F90] =	vst v63  }
0x116: {  	s10 =	smin.u32 s14, s13;
	p1 =	sne.s32 s30, $0x19;
	s29 =	smov.u32 s4  }
0x117: {  	s31 =	smov.u32 s9;
	s10 =	smul.u32 $0x1400, s10  }
0x118: {  	_ =	swait.ge [sflag:s20], $0x500  }
0x119: {  	p0 =	slt.u32 s14, $0x6;
	s10 =	sshra.s32 s10, $0x2;
	[sflag:s20] =	ssyncset.done $0x0  }
.Ltmp2:
0x11a: {  	s10 =	sadd.s32 $0xC350, s10;
	[sflag:s20] =	ssyncadd.s32 $0xFFFFFB00;
	(pc) =	sbr.rel @p1 .LBB2_7-.Ltmp2, $4  }
0x11b: {  	[spmem:s2] =	stream.indirect.scatter.add.bf16 [tilespmem:s10], [sflag:$0x2], $0x10, s0, s21, $0xb8;
	[tilespmem:$0x10F90] =	vst v63  }
0x11c: {  	p2 =	sgt.u32 @!p0 s14, $0x10;
	s10 =	simm.s32 @!p0 $0x2;
	s0 =	sadd.s32 $0x50, s0  }
0x11d: {  	s4 =	sadd.s32 $0x50, s4;
	p2 =	por p2, p0;
	_ =	swait.ge @!p0 [sflag:s10], $0x500  }
0x11e: {  	s9 =	sadd.s32 $0x500, s9;
	s11 =	simm.s32 @!p2 $0x50;
	[sflag:s10] =	ssyncset.done @!p0 $0x0  }
0x11f: {  	[sflag:s10] =	ssyncadd.s32 @!p0 $0xFFFFFB00  }
0x120: {  	[tilespmem:s31], [sflag:$0x1] =	stream.indirect.gather @!p2 [hbm4b:s7+s11], $0x10, s29, s11, $0xb8;
	[tilespmem:$0x10F90] =	vst v63  }
0x121: {  	_ =	swait.ge [sflag:s16], $0x500  }
0x122: {  	[sflag:s16] =	ssyncset.done $0x0  }
0x123: {  	[sflag:s16] =	ssyncadd.s32 $0xFFFFFB00  }
0x124: {  	_ =	swait.ge [sflag:s16], $0x500  }
0x125: {  	[sflag:s16] =	ssyncset.done $0x0  }
0x126: {  	[sflag:s16] =	ssyncadd.s32 $0xFFFFFB00  }
0x127: {  	_ =	swait.ge [sflag:s16], $0x500  }
0x128: {  	[sflag:s16] =	ssyncset.done $0x0  }
0x129: {  	[sflag:s16] =	ssyncadd.s32 $0xFFFFFB00  }
0x12a: {  	_ =	swait.ge [sflag:s16], $0x500  }
0x12b: {  	[sflag:s16] =	ssyncset.done $0x0  }
0x12c: {  	s28 =	sadd.s32 $0x1, s28;
	[sflag:s16] =	ssyncadd.s32 $0xFFFFFB00  }
0x12d: {  	p0 =	sne.s32 s28, $0xA;
	_ =	swait.ge [sflag:s16], $0x500  }
.Ltmp3:
0x12e: {  	[sflag:s16] =	ssyncset.done $0x0;
	(pc) =	sbr.rel @p0 .LBB2_4-.Ltmp3, $4  }
0x12f: {  	[sflag:s16] =	ssyncadd.s32 $0xFFFFFB00  }
0x130: {  	_ =	swait.ge [sflag:s16], $0x500  }
0x131: {  	[sflag:s16] =	ssyncset.done $0x0  }
0x132: {  	[sflag:s16] =	ssyncadd.s32 $0xFFFFFB00  }
0x133: {  	s0 =	stileid.u32;
	[bflag:$0x0] =	sbarrier.arrive $0xFFFF  }
0x134: {  	s0 =	sshll.u32 s0, $0x6;
	s30 =	rddreg [dreg:$0x6]  }
0x135: {  	s31 =	rddreg [dreg:$0x5];
	s4 =	sor.u32 $0x1C03, s0  }
0x136: {  	s9 =	sshrl.u32 s30, $0x3;
	[smem:$0x7FA] =	sst s4  }
0x137: {  	s10 =	simm.s32 $0x3;
	[smem:$0x7FB] =	sst s9  }
0x138: {  	[hbm:s31], [sflag:s4] =	dma.local [spmem:s9], $0x1388  }
0x139: {  	_ =	swait.ge [sflag:s10], $0x1388  }
0x13a: {  	[sflag:s10] =	ssyncset.done $0x0  }
0x13b: {  	[sflag:s10] =	ssyncadd.s32 $0xFFFFEC78  }
0x13c: {  	[bflag:$0x0] =	sbarrier.arrive $0xFFFF  }
0x13d: {  	s11 =	rddreg [dreg:$0x8]  }
0x13e: {  	s4 =	simm.s32 $0x10950;
	s13 =	rddreg [dreg:$0xa]  }
0x13f: {  	[spmem:s11] =	stream.linear.scatter [tilespmem:s4], [sflag:$0x2], $0x640, $0x38;
	[tilespmem:$0x10F90] =	vst v63  }
0x140: {  	s14 =	rddreg [dreg:$0xb]  }
0x141: {  	[spmem:s13] =	stream.linear.scatter [tilespmem:s4], [sflag:$0x2], $0x640, $0x38;
	[tilespmem:$0x10F90] =	vst v63  }
0x142: {  	s26 =	rddreg [dreg:$0xc]  }
0x143: {  	[spmem:s14] =	stream.linear.scatter [tilespmem:s4], [sflag:$0x2], $0x640, $0x38;
	[tilespmem:$0x10F90] =	vst v63  }
0x144: {  	s29 =	rddreg [dreg:$0xd]  }
0x145: {  	[spmem:s26] =	stream.linear.scatter [tilespmem:s4], [sflag:$0x2], $0x640, $0x38;
	[tilespmem:$0x10F90] =	vst v63  }
0x146: {  	s30 =	rddreg [dreg:$0xe]  }
0x147: {  	[spmem:s29] =	stream.linear.scatter [tilespmem:s4], [sflag:$0x2], $0x640, $0x38;
	[tilespmem:$0x10F90] =	vst v63  }
0x148: {  	s31 =	rddreg [dreg:$0xf]  }
0x149: {  	[spmem:s30] =	stream.linear.scatter [tilespmem:s4], [sflag:$0x2], $0x640, $0x38;
	[tilespmem:$0x10F90] =	vst v63  }
0x14a: {  	s9 =	rddreg [dreg:$0x10]  }
0x14b: {  	[spmem:s31] =	stream.linear.scatter [tilespmem:s4], [sflag:$0x2], $0x640, $0x38;
	[tilespmem:$0x10F90] =	vst v63  }
0x14c: {  	s10 =	rddreg [dreg:$0x11]  }
0x14d: {  	[spmem:s9] =	stream.linear.scatter [tilespmem:s4], [sflag:$0x2], $0x640, $0x38;
	[tilespmem:$0x10F90] =	vst v63  }
0x14e: {  	s11 =	rddreg [dreg:$0x12]  }
0x14f: {  	[spmem:s10] =	stream.linear.scatter [tilespmem:s4], [sflag:$0x2], $0x640, $0x38;
	[tilespmem:$0x10F90] =	vst v63  }
0x150: {  	s13 =	rddreg [dreg:$0x13]  }
0x151: {  	[spmem:s11] =	stream.linear.scatter [tilespmem:s4], [sflag:$0x2], $0x640, $0x38;
	[tilespmem:$0x10F90] =	vst v63  }
0x152: {  	s14 =	rddreg [dreg:$0x14]  }
0x153: {  	[spmem:s13] =	stream.linear.scatter [tilespmem:s4], [sflag:$0x2], $0x640, $0x38;
	[tilespmem:$0x10F90] =	vst v63  }
0x154: {  	s26 =	rddreg [dreg:$0x15]  }
0x155: {  	[spmem:s14] =	stream.linear.scatter [tilespmem:s4], [sflag:$0x2], $0x640, $0x38;
	[tilespmem:$0x10F90] =	vst v63  }
0x156: {  	s29 =	rddreg [dreg:$0x16]  }
0x157: {  	[spmem:s26] =	stream.linear.scatter [tilespmem:s4], [sflag:$0x2], $0x640, $0x38;
	[tilespmem:$0x10F90] =	vst v63  }
0x158: {  	s30 =	rddreg [dreg:$0x17]  }
0x159: {  	[spmem:s29] =	stream.linear.scatter [tilespmem:s4], [sflag:$0x2], $0x640, $0x38;
	[tilespmem:$0x10F90] =	vst v63  }
0x15a: {  	s31 =	rddreg [dreg:$0x18]  }
0x15b: {  	[spmem:s30] =	stream.linear.scatter [tilespmem:s4], [sflag:$0x2], $0x640, $0x38;
	[tilespmem:$0x10F90] =	vst v63  }
0x15c: {  	s9 =	rddreg [dreg:$0x19]  }
0x15d: {  	[spmem:s31] =	stream.linear.scatter [tilespmem:s4], [sflag:$0x2], $0x640, $0x38;
	[tilespmem:$0x10F90] =	vst v63  }
0x15e: {  	s10 =	rddreg [dreg:$0x1a]  }
0x15f: {  	[spmem:s9] =	stream.linear.scatter [tilespmem:s4], [sflag:$0x2], $0x640, $0x38;
	[tilespmem:$0x10F90] =	vst v63  }
0x160: {  	s11 =	rddreg [dreg:$0x1b]  }
0x161: {  	[spmem:s10] =	stream.linear.scatter [tilespmem:s4], [sflag:$0x2], $0x640, $0x38;
	[tilespmem:$0x10F90] =	vst v63  }
0x162: {  	s13 =	rddreg [dreg:$0x1c]  }
0x163: {  	[spmem:s11] =	stream.linear.scatter [tilespmem:s4], [sflag:$0x2], $0x640, $0x38;
	[tilespmem:$0x10F90] =	vst v63  }
0x164: {  	s14 =	rddreg [dreg:$0x1d]  }
0x165: {  	[spmem:s13] =	stream.linear.scatter [tilespmem:s4], [sflag:$0x2], $0x640, $0x38;
	[tilespmem:$0x10F90] =	vst v63  }
0x166: {  	s26 =	rddreg [dreg:$0x1e]  }
0x167: {  	[spmem:s14] =	stream.linear.scatter [tilespmem:s4], [sflag:$0x2], $0x640, $0x38;
	[tilespmem:$0x10F90] =	vst v63  }
0x168: {  	s29 =	rddreg [dreg:$0x1f]  }
0x169: {  	[spmem:s26] =	stream.linear.scatter [tilespmem:s4], [sflag:$0x2], $0x640, $0x38;
	[tilespmem:$0x10F90] =	vst v63  }
0x16a: {  	s30 =	sld [smem:$0x7FC]  }
0x16b: {  	[spmem:s29] =	stream.linear.scatter [tilespmem:s4], [sflag:$0x2], $0x640, $0x38;
	[tilespmem:$0x10F90] =	vst v63  }
0x16c: {  	s31 =	sld [smem:$0x7FD]  }
0x16d: {  	[spmem:s30] =	stream.linear.scatter [tilespmem:s4], [sflag:$0x2], $0x640, $0x38;
	[tilespmem:$0x10F90] =	vst v63  }
0x16e: {  	_ = 	snop  }
0x16f: {  	[spmem:s31] =	stream.linear.scatter [tilespmem:s4], [sflag:$0x2], $0x640, $0x38;
	[tilespmem:$0x10F90] =	vst v63  }
0x170: {  	_ =	swait.ge [sflag:s16], $0x640  }
0x171: {  	[sflag:s16] =	ssyncset.done $0x0  }
0x172: {  	[sflag:s16] =	ssyncadd.s32 $0xFFFFF9C0  }
0x173: {  	_ =	swait.ge [sflag:s16], $0x640  }
0x174: {  	[sflag:s16] =	ssyncset.done $0x0  }
0x175: {  	[sflag:s16] =	ssyncadd.s32 $0xFFFFF9C0  }
0x176: {  	_ =	swait.ge [sflag:s16], $0x640  }
0x177: {  	[sflag:s16] =	ssyncset.done $0x0  }
0x178: {  	[sflag:s16] =	ssyncadd.s32 $0xFFFFF9C0  }
0x179: {  	_ =	swait.ge [sflag:s16], $0x640  }
0x17a: {  	[sflag:s16] =	ssyncset.done $0x0  }
0x17b: {  	[sflag:s16] =	ssyncadd.s32 $0xFFFFF9C0  }
0x17c: {  	_ =	swait.ge [sflag:s16], $0x640  }
0x17d: {  	[sflag:s16] =	ssyncset.done $0x0  }
0x17e: {  	[sflag:s16] =	ssyncadd.s32 $0xFFFFF9C0  }
0x17f: {  	_ =	swait.ge [sflag:s16], $0x640  }
0x180: {  	[sflag:s16] =	ssyncset.done $0x0  }
0x181: {  	[sflag:s16] =	ssyncadd.s32 $0xFFFFF9C0  }
0x182: {  	_ =	swait.ge [sflag:s16], $0x640  }
0x183: {  	[sflag:s16] =	ssyncset.done $0x0  }
0x184: {  	[sflag:s16] =	ssyncadd.s32 $0xFFFFF9C0  }
0x185: {  	_ =	swait.ge [sflag:s16], $0x640  }
0x186: {  	[sflag:s16] =	ssyncset.done $0x0  }
0x187: {  	[sflag:s16] =	ssyncadd.s32 $0xFFFFF9C0  }
0x188: {  	_ =	swait.ge [sflag:s16], $0x640  }
0x189: {  	[sflag:s16] =	ssyncset.done $0x0  }
0x18a: {  	[sflag:s16] =	ssyncadd.s32 $0xFFFFF9C0  }
0x18b: {  	_ =	swait.ge [sflag:s16], $0x640  }
0x18c: {  	[sflag:s16] =	ssyncset.done $0x0  }
0x18d: {  	[sflag:s16] =	ssyncadd.s32 $0xFFFFF9C0  }
0x18e: {  	_ =	swait.ge [sflag:s16], $0x640  }
0x18f: {  	[sflag:s16] =	ssyncset.done $0x0  }
0x190: {  	[sflag:s16] =	ssyncadd.s32 $0xFFFFF9C0  }
0x191: {  	_ =	swait.ge [sflag:s16], $0x640  }
0x192: {  	[sflag:s16] =	ssyncset.done $0x0  }
0x193: {  	[sflag:s16] =	ssyncadd.s32 $0xFFFFF9C0  }
0x194: {  	_ =	swait.ge [sflag:s16], $0x640  }
0x195: {  	[sflag:s16] =	ssyncset.done $0x0  }
0x196: {  	[sflag:s16] =	ssyncadd.s32 $0xFFFFF9C0  }
0x197: {  	_ =	swait.ge [sflag:s16], $0x640  }
0x198: {  	[sflag:s16] =	ssyncset.done $0x0  }
0x199: {  	[sflag:s16] =	ssyncadd.s32 $0xFFFFF9C0  }
0x19a: {  	_ =	swait.ge [sflag:s16], $0x640  }
0x19b: {  	[sflag:s16] =	ssyncset.done $0x0  }
0x19c: {  	[sflag:s16] =	ssyncadd.s32 $0xFFFFF9C0  }
0x19d: {  	_ =	swait.ge [sflag:s16], $0x640  }
0x19e: {  	[sflag:s16] =	ssyncset.done $0x0  }
0x19f: {  	[sflag:s16] =	ssyncadd.s32 $0xFFFFF9C0  }
0x1a0: {  	_ =	swait.ge [sflag:s16], $0x640  }
0x1a1: {  	[sflag:s16] =	ssyncset.done $0x0  }
0x1a2: {  	[sflag:s16] =	ssyncadd.s32 $0xFFFFF9C0  }
0x1a3: {  	_ =	swait.ge [sflag:s16], $0x640  }
0x1a4: {  	[sflag:s16] =	ssyncset.done $0x0  }
0x1a5: {  	[sflag:s16] =	ssyncadd.s32 $0xFFFFF9C0  }
0x1a6: {  	_ =	swait.ge [sflag:s16], $0x640  }
0x1a7: {  	[sflag:s16] =	ssyncset.done $0x0  }
0x1a8: {  	[sflag:s16] =	ssyncadd.s32 $0xFFFFF9C0  }
0x1a9: {  	_ =	swait.ge [sflag:s16], $0x640  }
0x1aa: {  	[sflag:s16] =	ssyncset.done $0x0  }
0x1ab: {  	[sflag:s16] =	ssyncadd.s32 $0xFFFFF9C0  }
0x1ac: {  	_ =	swait.ge [sflag:s16], $0x640  }
0x1ad: {  	[sflag:s16] =	ssyncset.done $0x0  }
0x1ae: {  	[sflag:s16] =	ssyncadd.s32 $0xFFFFF9C0  }
0x1af: {  	_ =	swait.ge [sflag:s16], $0x640  }
0x1b0: {  	[sflag:s16] =	ssyncset.done $0x0  }
0x1b1: {  	[sflag:s16] =	ssyncadd.s32 $0xFFFFF9C0  }
0x1b2: {  	_ =	swait.ge [sflag:s16], $0x640  }
0x1b3: {  	[sflag:s16] =	ssyncset.done $0x0  }
0x1b4: {  	[sflag:s16] =	ssyncadd.s32 $0xFFFFF9C0  }
0x1b5: {  	_ =	swait.ge [sflag:s16], $0x640  }
0x1b6: {  	[sflag:s16] =	ssyncset.done $0x0  }
0x1b7: {  	[sflag:s16] =	ssyncadd.s32 $0xFFFFF9C0  }
0x1b8: {  	_ =	swait.ge [sflag:s16], $0x640  }
0x1b9: {  	[sflag:s16] =	ssyncset.done $0x0  }
0x1ba: {  	[sflag:s16] =	ssyncadd.s32 $0xFFFFF9C0  }
0x1bb: {  	s28 =	simm.s32 $0x0;
	s26 =	simm.s32 $0x0;
	[bflag:$0x0] =	sbarrier.arrive $0xFFFF  }
.LBB2_10:
0x1bc: {  	s0 =	smul.u32 $0x7D0, s28;
	_ =	sdelay $0x1  }
0x1bd: {  	s0 =	sadd.s32 s8, s0  }
0x1be: {  	s0 =	sshrl.u32 s0, $0x3  }
0x1bf: {  	s9 =	simm.s32 $0x9C40;
	s4 =	sadd.s32 s5, s0  }
0x1c0: {  	[tilespmem:s9], [sflag:$0x1] =	stream.linear.gather [hbm4b:s4+s26], $0x7D0, $0x38;
	[tilespmem:$0x10F90] =	vst v63  }
0x1c1: {  	s11 =	simm.s32 $0xA410;
	s13 =	rddreg [dreg:$0x1];
	s10 =	sadd.s32 s6, s0  }
0x1c2: {  	[tilespmem:s11], [sflag:$0x1] =	stream.linear.gather [hbm4b:s10+s26], $0x7D0, $0x38;
	[tilespmem:$0x10F90] =	vst v63  }
0x1c3: {  	s14 =	simm.s32 $0xABE0;
	s0 =	sadd.s32 s13, s0  }
0x1c4: {  	[tilespmem:s14], [sflag:$0x1] =	stream.linear.gather [hbm4b:s0+s26], $0x7D0, $0x38;
	[tilespmem:$0x10F90] =	vst v63  }
0x1c5: {  	_ =	swait.ge [sflag:s20], $0x7D0  }
0x1c6: {  	[sflag:s20] =	ssyncset.done $0x0  }
0x1c7: {  	[sflag:s20] =	ssyncadd.s32 $0xFFFFF830  }
0x1c8: {  	_ =	swait.ge [sflag:s20], $0x7D0  }
0x1c9: {  	[sflag:s20] =	ssyncset.done $0x0  }
0x1ca: {  	[sflag:s20] =	ssyncadd.s32 $0xFFFFF830  }
0x1cb: {  	_ =	swait.ge [sflag:s20], $0x7D0  }
0x1cc: {  	[sflag:s20] =	ssyncset.done $0x0  }
0x1cd: {  	s29 =	simm.s32 $0x0;
	[sflag:s20] =	ssyncadd.s32 $0xFFFFF830  }
0x1ce: {  	v3 =	vld [tilespmem:s29+$0xA450]  }
0x1cf: {  	v4 =	vld [tilespmem:s29+$0xAC20]  }
0x1d0: {  	v5 =	vld [tilespmem:s29+$0x9C40]  }
0x1d1: {  	v9 =	vld [tilespmem:s29+$0xA410]  }
0x1d2: {  	v6 =	vld [tilespmem:s29+$0x9C50]  }
0x1d3: {  	v10 =	vld [tilespmem:s29+$0xA420]  }
0x1d4: {  	v7 =	vld [tilespmem:s29+$0x9C60]  }
0x1d5: {  	v12 =	vld [tilespmem:s29+$0x9C70];
	v3 =	vshll.u32 v3, $0x2  }
0x1d6: {  	v11 =	vld [tilespmem:s29+$0xA430];
	v3 =	vadd.s32 v4, v3;
	v4 =	vshll.u32 v5, $0x2  }
0x1d7: {  	v13 =	vld [tilespmem:s29+$0xA440];
	[tilespmem:s29+$0xBBC0] =	vst v3;
	v3 =	vor.u32 v1, v4  }
0x1d8: {  	v4 =	vshll.u32 v6, $0x2;
	[tilespmem:s29+$0xB3B0] =	vst v3;
	v3 =	vld [tilespmem:s29+$0x9C80]  }
0x1d9: {  	v8 =	vld [tilespmem:s29+$0xABE0];
	v4 =	vor.u32 v1, v4  }
0x1da: {  	v12 =	vshll.u32 v12, $0x2;
	[tilespmem:s29+$0xB3C0] =	vst v4;
	v4 =	vshll.u32 v7, $0x2;
	v7 =	vld [tilespmem:s29+$0xABF0]  }
0x1db: {  	v5 =	vshll.u32 v10, $0x2;
	v12 =	vor.u32 v1, v12;
	v6 =	vld [tilespmem:s29+$0xAC00];
	v14 =	vor.u32 v1, v4  }
0x1dc: {  	s30 =	simm.s32 $0x50;
	s31 =	simm.s32 $0x280;
	v10 =	vld [tilespmem:s29+$0xAC10];
	v4 =	vshll.u32 v9, $0x2;
	v9 =	vshll.u32 v11, $0x2;
	v11 =	vshll.u32 v13, $0x2;
	[tilespmem:s29+$0xB3D0] =	vst v14  }
.LBB2_11:
0x1dd: {  	p0 =	sne.s32 s31, $0x1E00;
	v13 =	vld [tilespmem:s30+$0xA450];
	[tilespmem:s29+$0xB3E0] =	vst v12;
	v3 =	vshll.u32 v3, $0x2  }
0x1de: {  	v12 =	vld [tilespmem:s30+$0xAC20];
	v4 =	vadd.s32 v8, v4;
	v3 =	vor.u32 v1, v3  }
0x1df: {  	v8 =	vld [tilespmem:s30+$0x9C40];
	[tilespmem:s29+$0xBB80] =	vst v4;
	v4 =	vadd.s32 v7, v5  }
0x1e0: {  	v5 =	vld [tilespmem:s30+$0xA410];
	[tilespmem:s29+$0xBB90] =	vst v4;
	v4 =	vadd.s32 v6, v9  }
0x1e1: {  	v6 =	vld [tilespmem:s30+$0x9C50];
	[tilespmem:s29+$0xBBA0] =	vst v4;
	v4 =	vadd.s32 v10, v11  }
0x1e2: {  	v7 =	vld [tilespmem:s30+$0xA420];
	v9 =	vshll.u32 v13, $0x2;
	[tilespmem:s29+$0xBBB0] =	vst v4  }
0x1e3: {  	v10 =	vld [tilespmem:s30+$0x9C60];
	v4 =	vadd.s32 v12, v9;
	[tilespmem:s29+$0xB3F0] =	vst v3;
	s29 =	smov.u32 s30  }
0x1e4: {  	v3 =	vshll.u32 v8, $0x2;
	v9 =	vld [tilespmem:s29+$0xA430];
	[tilespmem:s29+$0xBBC0] =	vst v4  }
0x1e5: {  	v3 =	vor.u32 v1, v3;
	v4 =	vshll.u32 v5, $0x2;
	v11 =	vld [tilespmem:s29+$0x9C70]  }
0x1e6: {  	[tilespmem:s29+$0xB3B0] =	vst v3;
	v3 =	vshll.u32 v6, $0x2;
	v13 =	vld [tilespmem:s29+$0xA440]  }
.Ltmp4:
0x1e7: {  	v6 =	vor.u32 v1, v3;
	v5 =	vshll.u32 v7, $0x2;
	v3 =	vld [tilespmem:s29+$0x9C80];
	(pc) =	sbr.rel @p0 .LBB2_11-.Ltmp4, $4  }
0x1e8: {  	v8 =	vld [tilespmem:s29+$0xABE0];
	[tilespmem:s29+$0xB3C0] =	vst v6;
	v6 =	vshll.u32 v10, $0x2  }
0x1e9: {  	v7 =	vld [tilespmem:s29+$0xABF0];
	v10 =	vor.u32 v1, v6;
	v9 =	vshll.u32 v9, $0x2  }
0x1ea: {  	v6 =	vld [tilespmem:s29+$0xAC00];
	[tilespmem:s29+$0xB3D0] =	vst v10;
	v11 =	vshll.u32 v11, $0x2  }
0x1eb: {  	s30 =	sshra.s32 s31, $0x2;
	s31 =	sadd.s32 $0x140, s31;
	v10 =	vld [tilespmem:s29+$0xAC10];
	v12 =	vor.u32 v1, v11;
	v11 =	vshll.u32 v13, $0x2  }
0x1ec: {  	v13 =	vld [tilespmem:s30+$0xA450];
	[tilespmem:s29+$0xB3E0] =	vst v12  }
0x1ed: {  	v12 =	vld [tilespmem:s30+$0xAC20];
	v4 =	vadd.s32 v8, v4  }
0x1ee: {  	v42 =	vld [tilespmem:s30+$0x9C40];
	[tilespmem:s29+$0xBB80] =	vst v4;
	v43 =	vadd.s32 v7, v5  }
0x1ef: {  	v44 =	vld [tilespmem:s30+$0xA410];
	[tilespmem:s29+$0xBB90] =	vst v43;
	v45 =	vadd.s32 v6, v9  }
0x1f0: {  	v3 =	vshll.u32 v3, $0x2;
	v46 =	vld [tilespmem:s30+$0x9C50];
	[tilespmem:s29+$0xBBA0] =	vst v45;
	v47 =	vadd.s32 v10, v11  }
0x1f1: {  	v3 =	vor.u32 v1, v3;
	v48 =	vld [tilespmem:s30+$0xA420];
	[tilespmem:s29+$0xBBB0] =	vst v47  }
0x1f2: {  	v4 =	vld [tilespmem:s30+$0x9C60];
	[tilespmem:s29+$0xB3F0] =	vst v3  }
0x1f3: {  	v50 =	vld [tilespmem:s30+$0xA430]  }
0x1f4: {  	v51 =	vld [tilespmem:s30+$0x9C70]  }
0x1f5: {  	v49 =	vshll.u32 v13, $0x2;
	v53 =	vld [tilespmem:s30+$0xABE0]  }
0x1f6: {  	v3 =	vadd.s32 v12, v49;
	v8 =	vshll.u32 v42, $0x2;
	v54 =	vld [tilespmem:s30+$0xABF0]  }
0x1f7: {  	[tilespmem:s30+$0xBBC0] =	vst v3;
	v3 =	vor.u32 v1, v8;
	v52 =	vld [tilespmem:s30+$0x9C80];
	v6 =	vshll.u32 v46, $0x2  }
0x1f8: {  	v55 =	vld [tilespmem:s30+$0xAC00];
	[tilespmem:s30+$0xB3B0] =	vst v3;
	v6 =	vor.u32 v1, v6;
	v4 =	vshll.u32 v4, $0x2  }
0x1f9: {  	v3 =	vld [tilespmem:s30+$0xA440];
	v5 =	vshll.u32 v44, $0x2;
	[tilespmem:s30+$0xB3C0] =	vst v6;
	v4 =	vor.u32 v1, v4  }
0x1fa: {  	v57 =	vld [tilespmem:s30+$0xAC10];
	v7 =	vshll.u32 v48, $0x2;
	v58 =	vadd.s32 v53, v5;
	[tilespmem:s30+$0xB3D0] =	vst v4  }
0x1fb: {  	v56 =	vshll.u32 v51, $0x2;
	v60 =	vadd.s32 v54, v7;
	[tilespmem:s30+$0xBB80] =	vst v58  }
0x1fc: {  	v59 =	vshll.u32 v50, $0x2;
	v4 =	vor.u32 v1, v56;
	[tilespmem:s30+$0xBB90] =	vst v60  }
0x1fd: {  	v62 =	vshll.u32 v52, $0x2;
	v61 =	vadd.s32 v55, v59;
	[tilespmem:s30+$0xB3E0] =	vst v4  }
0x1fe: {  	v3 =	vshll.u32 v3, $0x2;
	v63 =	vor.u32 v1, v62;
	[tilespmem:s30+$0xBBA0] =	vst v61  }
0x1ff: {  	v3 =	vadd.s32 v57, v3;
	[tilespmem:s30+$0xB3F0] =	vst v63  }
0x200: {  	s0 =	simm.s32 $0xB3B0;
	s4 =	simm.s32 $0xC350;
	[tilespmem:s30+$0xBBB0] =	vst v3  }
0x201: {  	[tilespmem:s4], [sflag:$0x1] =	stream.indirect.gather [hbm4b:s7+s21], $0x10, s0, s21, $0xb8;
	[tilespmem:$0x10F90] =	vst v63  }
0x202: {  	s9 =	simm.s32 $0xC850;
	s4 =	simm.s32 $0xB400  }
0x203: {  	[tilespmem:s9], [sflag:$0x1] =	stream.indirect.gather [hbm4b:s7+s21], $0x10, s4, s21, $0xb8;
	[tilespmem:$0x10F90] =	vst v63  }
0x204: {  	s10 =	simm.s32 $0xB450;
	s11 =	simm.s32 $0xCD50  }
0x205: {  	[tilespmem:s11], [sflag:$0x1] =	stream.indirect.gather [hbm4b:s7+s21], $0x10, s10, s21, $0xb8;
	[tilespmem:$0x10F90] =	vst v63  }
0x206: {  	s13 =	simm.s32 $0xB4A0;
	s14 =	simm.s32 $0xD250  }
0x207: {  	[tilespmem:s14], [sflag:$0x1] =	stream.indirect.gather [hbm4b:s7+s21], $0x10, s13, s21, $0xb8;
	[tilespmem:$0x10F90] =	vst v63  }
0x208: {  	s4 =	simm.s32 $0xB4F0;
	s9 =	simm.s32 $0xD750  }
0x209: {  	[tilespmem:s9], [sflag:$0x1] =	stream.indirect.gather [hbm4b:s7+s21], $0x10, s4, s21, $0xb8;
	[tilespmem:$0x10F90] =	vst v63  }
0x20a: {  	s10 =	simm.s32 $0xB540;
	s11 =	simm.s32 $0xDC50  }
0x20b: {  	[tilespmem:s11], [sflag:$0x1] =	stream.indirect.gather [hbm4b:s7+s21], $0x10, s10, s21, $0xb8;
	[tilespmem:$0x10F90] =	vst v63  }
0x20c: {  	s13 =	simm.s32 $0xB590;
	s14 =	simm.s32 $0xE150  }
0x20d: {  	[tilespmem:s14], [sflag:$0x1] =	stream.indirect.gather [hbm4b:s7+s21], $0x10, s13, s21, $0xb8;
	[tilespmem:$0x10F90] =	vst v63  }
0x20e: {  	s9 =	simm.s32 $0xB5E0;
	s10 =	simm.s32 $0xE650  }
0x20f: {  	[tilespmem:s10], [sflag:$0x1] =	stream.indirect.gather [hbm4b:s7+s21], $0x10, s9, s21, $0xb8;
	[tilespmem:$0x10F90] =	vst v63  }
0x210: {  	s29 =	simm.s32 $0xB630  }
0x211: {  	[tilespmem:s12], [sflag:$0x1] =	stream.indirect.gather [hbm4b:s7+s21], $0x10, s29, s21, $0xb8;
	[tilespmem:$0x10F90] =	vst v63  }
0x212: {  	_ = 	snop  }
0x213: {  	[tilespmem:s15], [sflag:$0x1] =	stream.indirect.gather [hbm4b:s7+s21], $0x10, s3, s21, $0xb8;
	[tilespmem:$0x10F90] =	vst v63  }
0x214: {  	_ = 	snop  }
0x215: {  	[tilespmem:s17], [sflag:$0x1] =	stream.indirect.gather [hbm4b:s7+s21], $0x10, s1, s21, $0xb8;
	[tilespmem:$0x10F90] =	vst v63  }
0x216: {  	s11 =	simm.s32 $0x0;
	s13 =	simm.s32 $0xFFFFFFF2  }
0x217: {  	[tilespmem:s19], [sflag:$0x1] =	stream.indirect.gather [hbm4b:s7+s21], $0x10, s18, s21, $0xb8;
	[tilespmem:$0x10F90] =	vst v63  }
0x218: {  	p0 =	por $0x1, $0x1;
	s0 =	smin.u32 s11, s13  }
0x219: {  	[tilespmem:s23], [sflag:$0x1] =	stream.indirect.gather [hbm4b:s7+s21], $0x10, s22, s21, $0xb8;
	[tilespmem:$0x10F90] =	vst v63  }
0x21a: {  	s31 =	simm.s32 $0xA550;
	p1 =	por @!p0 $0x0, $0x0;
	s0 =	smul.u32 $0x1400, s0  }
0x21b: {  	[tilespmem:s25], [sflag:$0x1] =	stream.indirect.gather [hbm4b:s7+s21], $0x10, s24, s21, $0xb8;
	[tilespmem:$0x10F90] =	vst v63  }
0x21c: {  	p2 =	por p1, p0;
	s30 =	simm.s32 $0x1;
	_ =	swait.ge [sflag:s20], $0x500  }
0x21d: {  	s14 =	simm.s32 $0xBB80;
	s0 =	sshra.s32 s0, $0x2;
	[sflag:s20] =	ssyncset.done $0x0  }
0x21e: {  	s10 =	simm.s32 @!p0 $0x2;
	s0 =	sadd.s32 $0xC350, s0;
	[sflag:s20] =	ssyncadd.s32 $0xFFFFFB00  }
0x21f: {  	[spmem:s2] =	stream.indirect.scatter.add.bf16 [tilespmem:s0], [sflag:$0x2], $0x10, s14, s21, $0xb8;
	[tilespmem:$0x10F90] =	vst v63  }
0x220: {  	s4 =	simm.s32 $0xB680;
	s11 =	simm.s32 @!p2 $0x50;
	_ =	swait.ge @!p0 [sflag:s10], $0x500  }
0x221: {  	s9 =	simm.s32 $0xAA50;
	s0 =	simm.s32 $0xBBD0;
	[sflag:s10] =	ssyncset.done @!p0 $0x0  }
.LBB2_13:
0x222: {  	s13 =	sadd.s32 $0xFFFFFFF2, s30  }
0x223: {  	[sflag:s10] =	ssyncadd.s32 @!p0 $0xFFFFFB00;
	s14 =	smov.u32 s30;
	s30 =	sadd.s32 $0x1, s30  }
0x224: {  	[tilespmem:s31], [sflag:$0x1] =	stream.indirect.gather @!p2 [hbm4b:s7+s11], $0x10, s29, s11, $0xb8;
	[tilespmem:$0x10F90] =	vst v63  }
0x225: {  	s10 =	smin.u32 s14, s13;
	p1 =	sne.s32 s30, $0x19;
	s29 =	smov.u32 s4  }
0x226: {  	s31 =	smov.u32 s9;
	s10 =	smul.u32 $0x1400, s10  }
0x227: {  	_ =	swait.ge [sflag:s20], $0x500  }
0x228: {  	p0 =	slt.u32 s14, $0x6;
	s10 =	sshra.s32 s10, $0x2;
	[sflag:s20] =	ssyncset.done $0x0  }
.Ltmp5:
0x229: {  	s10 =	sadd.s32 $0xC350, s10;
	[sflag:s20] =	ssyncadd.s32 $0xFFFFFB00;
	(pc) =	sbr.rel @p1 .LBB2_13-.Ltmp5, $4  }
0x22a: {  	[spmem:s2] =	stream.indirect.scatter.add.bf16 [tilespmem:s10], [sflag:$0x2], $0x10, s0, s21, $0xb8;
	[tilespmem:$0x10F90] =	vst v63  }
0x22b: {  	p2 =	sgt.u32 @!p0 s14, $0x10;
	s10 =	simm.s32 @!p0 $0x2;
	s0 =	sadd.s32 $0x50, s0  }
0x22c: {  	s4 =	sadd.s32 $0x50, s4;
	p2 =	por p2, p0;
	_ =	swait.ge @!p0 [sflag:s10], $0x500  }
0x22d: {  	s9 =	sadd.s32 $0x500, s9;
	s11 =	simm.s32 @!p2 $0x50;
	[sflag:s10] =	ssyncset.done @!p0 $0x0  }
0x22e: {  	[sflag:s10] =	ssyncadd.s32 @!p0 $0xFFFFFB00  }
0x22f: {  	[tilespmem:s31], [sflag:$0x1] =	stream.indirect.gather @!p2 [hbm4b:s7+s11], $0x10, s29, s11, $0xb8;
	[tilespmem:$0x10F90] =	vst v63  }
0x230: {  	_ =	swait.ge [sflag:s16], $0x500  }
0x231: {  	[sflag:s16] =	ssyncset.done $0x0  }
0x232: {  	[sflag:s16] =	ssyncadd.s32 $0xFFFFFB00  }
0x233: {  	_ =	swait.ge [sflag:s16], $0x500  }
0x234: {  	[sflag:s16] =	ssyncset.done $0x0  }
0x235: {  	[sflag:s16] =	ssyncadd.s32 $0xFFFFFB00  }
0x236: {  	_ =	swait.ge [sflag:s16], $0x500  }
0x237: {  	[sflag:s16] =	ssyncset.done $0x0  }
0x238: {  	[sflag:s16] =	ssyncadd.s32 $0xFFFFFB00  }
0x239: {  	_ =	swait.ge [sflag:s16], $0x500  }
0x23a: {  	[sflag:s16] =	ssyncset.done $0x0  }
0x23b: {  	s28 =	sadd.s32 $0x1, s28;
	[sflag:s16] =	ssyncadd.s32 $0xFFFFFB00  }
0x23c: {  	p0 =	sne.s32 s28, $0xA;
	_ =	swait.ge [sflag:s16], $0x500  }
.Ltmp6:
0x23d: {  	[sflag:s16] =	ssyncset.done $0x0;
	(pc) =	sbr.rel @p0 .LBB2_10-.Ltmp6, $4  }
0x23e: {  	[sflag:s16] =	ssyncadd.s32 $0xFFFFFB00  }
0x23f: {  	_ =	swait.ge [sflag:s16], $0x500  }
0x240: {  	[sflag:s16] =	ssyncset.done $0x0  }
0x241: {  	[sflag:s16] =	ssyncadd.s32 $0xFFFFFB00  }
0x242: {  	[bflag:$0x0] =	sbarrier.arrive $0xFFFF  }
0x243: {  	s4 =	sld [smem:$0x7FA]  }
0x244: {  	s9 =	sld [smem:$0x7FB];
	_ =	sdelay $0x1  }
0x245: {  	s30 =	simm.s32 $0x3;
	s0 =	rddreg [dreg:$0x7]  }
0x246: {  	[hbm:s0], [sflag:s4] =	dma.local [spmem:s9], $0x1388  }
0x247: {  	_ =	swait.ge [sflag:s30], $0x1388  }
0x248: {  	s13 =	rddreg [dreg:$0x4]  }
0x249: {  	s31 =	rddreg [dreg:$0x9];
	s13 =	sadd.s32 $0x1, s13  }
0x24a: {  	p0 =	sne.s32 s13, s31  }
.Ltmp7:
0x24b: {  	_ = 	snop;
	(pc) =	sbr.rel @p0 .LBB2_1-.Ltmp7, $3  }
0x24c: {  	[sflag:s30] =	ssyncset.done $0x0  }
0x24d: {  	[sflag:s30] =	ssyncadd.s32 $0xFFFFEC78  }
0x24e: {  	[bflag:$0x0] =	sbarrier.arrive $0xFFFF;
	_ =	sdelay $0x1  }
0x24f: {  	_ =	sfence.sel $0x180000  }
0x250: {  	[bflag:$0x0] =	sbarrier.arrive $0xFFFF  }
0x251: {  	_ =	strace $0x90000047  }
0x252: {  	s0 =	stileid.u32;
	[bflag:$0x2] =	sbarrier.arrive $0xFFFF  }
0x253: {  	p0 =	sne.s32 s0, $0x0;
	s0 =	rddreg [dreg:$0x3]  }
0x254: {  	s0 =	sadd.s32 @!p0 $0x100000, s0  }
0x255: {  	[sflag:s0] =	ssyncadd.tile.s32 @!p0 $0x1;
	_ =	shalt  }
.Lfunc_end2:
_tile_overlayer_lowered:
.L_overlay_start_2:
0x256: {  	(tag) =	ssettag $0x2  }
0x257: {  	s0 =	rddreg [dreg:$0x0];
	s2 =	stileid.u32  }
0x258: {  	s1 =	rddreg [dreg:$0x1];
	p0 =	sne.s32 s2, $0x0  }
0x259: {  	s3 =	rddreg [dreg:$0x2];
	[bflag:$0x3] =	sbarrier.arrive $0xFFFF;
	s2 =	simm.s32 @!p0 $0x1C03  }
0x25a: {  	[timem:s3], [sflag:s2] =	dma.local @!p0 [hbm:s0], s1  }
0x25b: {  	s0 =	simm.s32 @!p0 $0x3  }
0x25c: {  	_ =	swait.ge @!p0 [sflag:s0], s1  }
0x25d: {  	s1 =	ssub.s32 @!p0 $0x0, s1;
	[sflag:s0] =	ssyncset.done @!p0 $0x0  }
0x25e: {  	[sflag:s0] =	ssyncadd.s32 @!p0 s1  }
0x25f: {  	[bflag:$0x3] =	sbarrier.arrive $0xFFFF  }
0x260: {  	_ =	shalt  }

// kernel: kernel.13.cloned.1.call-start
scs
__scs_entry_jumppad:
0x0: {  	(pc) =	sbr.rel $0x88, $3  }
0x1: {  	(tag) =	ssettag $0x0;
	lr =	simm.s32 $0x1  }
0x2: {  	[smem:$0x3F98] =	sst lr;
	_ =	strace $0xD0000000  }
0x3: {  	_ = 	snop  }
0x4: {  	_ = 	snop  }
0x5: {  	_ = 	snop  }
0x6: {  	_ = 	snop  }
0x7: {  	_ = 	snop  }
__scs_overlays_trampoline_lowered:
0x8: {  	[smem:$0x3FA7] =	sst s0  }
0x9: {  	[smem:$0x3FA8] =	sst s1  }
0xa: {  	[smem:$0x3FA9] =	sst s2  }
0xb: {  	[smem:$0x3FAA] =	sst s3  }
0xc: {  	[smem:$0x3FAB] =	sst s4  }
0xd: {  	[smem:$0x3FAC] =	sst s5  }
0xe: {  	[smem:$0x3FAD] =	sst s6  }
0xf: {  	[smem:$0x3FAE] =	sst s7  }
0x10: {  	[smem:$0x3FAF] =	sst s8  }
0x11: {  	[smem:$0x3FB0] =	sst s9;
	s0 =	simm.s32 @!p0 $0x0  }
0x12: {  	s1 =	sld [smem:$0x3F96];
	s0 =	simm.s32 @p0 $0x1  }
0x13: {  	[smem:$0x3FB1] =	sst s0;
	s0 =	simm.s32 @!p1 $0x0  }
0x14: {  	s2 =	sld [smem:$0x3F95];
	s0 =	simm.s32 @p1 $0x1  }
0x15: {  	[smem:$0x3FB2] =	sst s0;
	s0 =	simm.s32 @!p2 $0x0  }
0x16: {  	s3 =	sld [smem:$0x3FDB];
	s0 =	simm.s32 @p2 $0x1  }
0x17: {  	s4 =	simm.s32 $0x1BF5;
	[smem:$0x3FB4] =	sst s0  }
0x18: {  	s0 =	sld [smem:$0x3F97];
	_ =	swait.ge [sflag:s4], $0x0  }
0x19: {  	s7 =	sld [smem:$0x3F98]  }
0x1a: {  	s8 =	sadd.s32 $0xFFFFE003, lr  }
0x1b: {  	s9 =	sadd.s32 $0xFFFFFEF7, lr;
	s5 =	simm.s32 $0xFFFFFFFF;
	p2 =	slt.u32 s8, $0xFFFFF086  }
0x1c: {  	p1 =	slt.u32 s9, $0xF7A;
	s5 =	simm.s32 @!p2 $0x0  }
0x1d: {  	s5 =	simm.s32 @p1 $0x1;
	p0 =	seq.s32 s7, s2  }
0x1e: {  	s7 =	smul.u32 @!p0 $0xF7A, s2;
	p2 =	seq.s32 @!p0 s5, $0x0  }
0x1f: {  	s9 =	smul.u32 $0xF7A, s1;
	s8 =	simm.s32 @!p0 $0x1BF5;
	p2 =	por !p2, p0  }
0x20: {  	[sflag:s8] =	ssyncset.s32 @!p0 $0xFFFFF086;
	s6 =	sadd.s32 @!p0 s3, s7;
	s7 =	simm.s32 @!p0 $0x108  }
0x21: {  	s3 =	sadd.s32 s3, s9;
	s6 =	sadd.s32 @!p0 $0x88, s6;
	s7 =	simm.s32 @p2 $0x1082  }
0x22: {  	[simem:s7], [sflag:s8] =	dma.local @!p0 [hbm:s6], $0xF7A  }
0x23: {  	s9 =	sor.u32 $0xD0000000, s2;
	s6 =	simm.s32 $0x108;
	_ =	swait.ge @!p0 [sflag:s8], $0x0  }
0x24: {  	s3 =	sadd.s32 $0x88, s3;
	s6 =	simm.s32 @!p1 $0x1082;
	[sflag:s4] =	ssyncset.s32 $0xFFFFF086  }
0x25: {  	[simem:s6], [sflag:s4] =	dma.local [hbm:s3], $0xF7A  }
0x26: {  	[smem:$0x3F98] =	sst s1;
	(tag) =	ssettag s2;
	_ =	strace s9  }
0x27: {  	s1 =	sld [smem:$0x3FA8]  }
0x28: {  	s2 =	sld [smem:$0x3FA9]  }
0x29: {  	s4 =	sld [smem:$0x3FAB]  }
0x2a: {  	p0 =	seq.s32 s5, $0x0;
	s5 =	sld [smem:$0x3FAC]  }
0x2b: {  	s6 =	sld [smem:$0x3FAD]  }
0x2c: {  	s7 =	sld [smem:$0x3FAE]  }
0x2d: {  	s3 =	simm.s32 $0x108;
	s8 =	sld [smem:$0x3FAF]  }
0x2e: {  	s3 =	simm.s32 @!p0 $0x1082;
	s9 =	sld [smem:$0x3FB0]  }
0x2f: {  	lr =	sadd.s32 s0, s3;
	s0 =	sld [smem:$0x3FA7]  }
0x30: {  	s3 =	sld [smem:$0x3FAA]  }
0x31: {  	[smem:$0x3FB3] =	sst s10  }
0x32: {  	s10 =	sld [smem:$0x3FB1];
	_ =	sdelay $0x3  }
0x33: {  	p0 =	seq.s32 s10, $0x1;
	s10 =	sld [smem:$0x3FB3];
	_ =	sdelay $0x3  }
0x34: {  	[smem:$0x3FB3] =	sst s10  }
0x35: {  	s10 =	sld [smem:$0x3FB2];
	_ =	sdelay $0x3  }
0x36: {  	p1 =	seq.s32 s10, $0x1;
	s10 =	sld [smem:$0x3FB3];
	_ =	sdelay $0x3  }
0x37: {  	[smem:$0x3FB3] =	sst s10  }
0x38: {  	s10 =	sld [smem:$0x3FB4]  }
0x39: {  	_ = 	snop;
	(pc) =	sbr.ind lr, $3  }
0x3a: {  	_ = 	snop  }
0x3b: {  	_ = 	snop  }
0x3c: {  	p2 =	seq.s32 s10, $0x1;
	s10 =	sld [smem:$0x3FB3]  }
0x3d: {  	_ =	shalt  }
0x3e: {  	_ =	shalt  }
0x3f: {  	_ =	shalt  }
0x40: {  	_ =	shalt  }
0x41: {  	_ =	shalt  }
0x42: {  	_ =	shalt  }
0x43: {  	_ =	shalt  }
0x44: {  	_ =	shalt  }
0x45: {  	_ =	shalt  }
0x46: {  	_ =	shalt  }
0x47: {  	_ =	shalt  }
0x48: {  	_ =	shalt  }
0x49: {  	_ =	shalt  }
0x4a: {  	_ =	shalt  }
0x4b: {  	_ =	shalt  }
0x4c: {  	_ =	shalt  }
0x4d: {  	_ =	shalt  }
0x4e: {  	_ =	shalt  }
0x4f: {  	_ =	shalt  }
0x50: {  	_ =	shalt  }
0x51: {  	_ =	shalt  }
0x52: {  	_ =	shalt  }
0x53: {  	_ =	shalt  }
0x54: {  	_ =	shalt  }
0x55: {  	_ =	shalt  }
0x56: {  	_ =	shalt  }
0x57: {  	_ =	shalt  }
0x58: {  	_ =	shalt  }
0x59: {  	_ =	shalt  }
0x5a: {  	_ =	shalt  }
0x5b: {  	_ =	shalt  }
0x5c: {  	_ =	shalt  }
0x5d: {  	_ =	shalt  }
0x5e: {  	_ =	shalt  }
0x5f: {  	_ =	shalt  }
0x60: {  	_ =	shalt  }
0x61: {  	_ =	shalt  }
0x62: {  	_ =	shalt  }
0x63: {  	_ =	shalt  }
0x64: {  	_ =	shalt  }
0x65: {  	_ =	shalt  }
0x66: {  	_ =	shalt  }
0x67: {  	_ =	shalt  }
0x68: {  	_ =	shalt  }
0x69: {  	_ =	shalt  }
0x6a: {  	_ =	shalt  }
0x6b: {  	_ =	shalt  }
0x6c: {  	_ =	shalt  }
0x6d: {  	_ =	shalt  }
0x6e: {  	_ =	shalt  }
0x6f: {  	_ =	shalt  }
0x70: {  	_ =	shalt  }
0x71: {  	_ =	shalt  }
0x72: {  	_ =	shalt  }
0x73: {  	_ =	shalt  }
0x74: {  	_ =	shalt  }
0x75: {  	_ =	shalt  }
0x76: {  	_ =	shalt  }
0x77: {  	_ =	shalt  }
0x78: {  	_ =	shalt  }
0x79: {  	_ =	shalt  }
0x7a: {  	_ =	shalt  }
0x7b: {  	_ =	shalt  }
0x7c: {  	_ =	shalt  }
0x7d: {  	_ =	shalt  }
0x7e: {  	_ =	shalt  }
0x7f: {  	_ =	shalt  }
0x80: {  	_ =	shalt  }
0x81: {  	_ =	shalt  }
0x82: {  	_ =	shalt  }
0x83: {  	_ =	shalt  }
0x84: {  	_ =	shalt  }
0x85: {  	_ =	shalt  }
0x86: {  	_ =	shalt  }
0x87: {  	_ =	shalt  }
.Lfunc_end0:
.L_simem_size_0:
called_computation.2_lowered:
.L_overlay_start_0:
0x88: {  	s2 =	sld [smem:$0x3FD9]  }
0x89: {  	s3 =	sld [smem:$0x3FFE];
	_ =	sdelay $0x1  }
0x8a: {  	s1 =	srdreg.scid  }
0x8b: {  	s0 =	sand.u32 $0x1, s1  }
0x8c: {  	s17 =	sshll.u32 s0, $0xA;
	s2 =	sadd.s32 s3, s2  }
0x8d: {  	s2 =	sadd.s32 s2, s17  }
0x8e: {  	[smem:$0x3FBF] =	sst s2  }
0x8f: {  	_ = 	snop  }
0x90: {  	s2 =	sld [smem:$0x3FC8]  }
0x91: {  	s18 =	sld [smem:$0x3FD0];
	(tm) =	ssettm $0x1  }
0x92: {  	s4 =	sld [smem:$0x3FFB];
	_ =	sdelay $0x3  }
0x93: {  	_ =	strace s4  }
0x94: {  	s4 =	sld [smem:$0x3FFC];
	_ =	sdelay $0x3  }
0x95: {  	_ =	strace s4  }
0x96: {  	s4 =	sld [smem:$0x3FFD];
	_ =	sdelay $0x3  }
0x97: {  	_ =	strace s4  }
0x98: {  	_ =	strace $0x8FFFFFFF  }
0x99: {  	s19 =	sld [smem:$0x3FDB];
	_ =	sdelay $0x1  }
0x9a: {  	s5 =	simm.s32 $_scs_section_size  }
0x9b: {  	s6 =	simm.s32 $_size__tile_overlayer_lowered;
	s7 =	simm.s32 $_tile_overlayer_lowered  }
0x9c: {  	s22 =	simm.s32 $0x1BFF;
	s21 =	sshll.u32 s7, $0x1;
	s4 =	sadd.s32 s5, s19  }
0x9d: {  	s8 =	simm.s32 $0x0;
	s20 =	sshll.u32 s6, $0x1;
	s6 =	sadd.s32 s21, s4  }
0x9e: {  	[timem:s8], [sflag:s22] =	dma.local [hbm:s6], s20  }
0x9f: {  	_ =	swait.ge [sflag:s22], s20  }
0xa0: {  	s5 =	ssub.s32 $0x0, s20;
	[sflag:s22] =	ssyncset.done $0x0  }
0xa1: {  	[sflag:s22] =	ssyncadd.s32 s5;
	_ =	sdelay $0x1  }
0xa2: {  	s23 =	simm.s32 $0x1B8B  }
0xa3: {  	_ =	swait.ge [sflag:s23], $0x1  }
0xa4: {  	[sflag:s23] =	ssyncset.done $0x0  }
0xa5: {  	s25 =	simm.s32 $0x1B8E;
	s24 =	sld [smem:$0x3FFE];
	[sflag:s23] =	ssyncadd.s32 $0xFFFFFFFF  }
0xa6: {  	s26 =	simm.s32 $execute0_lowered;
	[smem:$0x3FD2] =	sst s25  }
0xa7: {  	s6 =	sshll.u32 s26, $0x1;
	_ =	strace $0x8000004C;
	[dreg:$0x1] =	wrdreg $0xFFFFFFFF  }
0xa8: {  	s28 =	simm.s32 $_size_execute0_lowered;
	s4 =	sadd.s32 s4, s6;
	[dreg:$0x0] =	wrdreg $0x0  }
0xa9: {  	s6 =	sshll.u32 s28, $0x1;
	[dreg:$0x2] =	wrdreg s4  }
0xaa: {  	[dreg:$0x3] =	wrdreg s6  }
0xab: {  	[dreg:$0x4] =	wrdreg $0xC0  }
0xac: {  	_ =	task [dreg:s8], $0x5FFFF  }
0xad: {  	[dreg:$0x1] =	wrdreg $0xFFFFFFFF  }
0xae: {  	[dreg:$0x0] =	wrdreg $0x60  }
0xaf: {  	[dreg:$0x2] =	wrdreg s24  }
0xb0: {  	[dreg:$0x3] =	wrdreg s2  }
0xb1: {  	[dreg:$0x4] =	wrdreg s18  }
0xb2: {  	[dreg:$0x5] =	wrdreg $0x0  }
0xb3: {  	[dreg:$0x6] =	wrdreg $0x9  }
0xb4: {  	_ =	task.clear_ibuf [dreg:s8], $0x7FFFF;
	_ =	strace $0x9000004C  }
0xb5: {  	s29 =	simm.s32 $0x9;
	_ =	strace $0x8000004E  }
0xb6: {  	_ =	swait.ge [sflag:s29], $0x1  }
0xb7: {  	[sflag:s29] =	ssyncadd.s32 $0xFFFFFFFF  }
0xb8: {  	_ =	strace $0x9000004E  }
0xb9: {  	_ =	sfence  }
0xba: {  	s30 =	sld [smem:$0x0];
	_ =	sdelay $0x2  }
0xbb: {  	s31 =	sshll.u32 s1, $0xD;
	s1 =	sshrl.u32 s1, $0x2  }
0xbc: {  	s3 =	sand.u32 $0x4000, s31;
	s1 =	sadd.s32 s1, s30  }
0xbd: {  	s0 =	sor.u32 s3, s0;
	s1 =	sshll.u32 s1, $0x11  }
0xbe: {  	s0 =	sor.u32 s1, s0  }
0xbf: {  	s0 =	sadd.s32 $0x8F2B, s0  }
0xc0: {  	[sflag:s0] =	ssyncadd.remote.s32 $0x1  }
0xc1: {  	_ =	sfence.sel $0xFFFF  }
0xc2: {  	[dreg:$0x0] =	wrdreg $0xFFFFFFFF;
	(pc) =	sbr.abs _section_cstart, $3  }
0xc3: {  	[dreg:$0x1] =	wrdreg $0xFFFFFFFF  }
0xc4: {  	_ =	task.clear_ibuf [dreg:s8], $0x2FFFF;
	_ =	strace $0x9FFFFFFF  }
0xc5: {  	(tm) =	ssettm $0x7FFFFFFF  }
tec
execute0_lowered:
.L_overlay_start_1:
0x0: {  	(tag) =	ssettag $0x1  }
0x1: {  	s0 =	rddreg [dreg:$0x0]  }
0x2: {  	s2 =	rddreg [dreg:$0x2]  }
0x3: {  	s3 =	rddreg [dreg:$0x3];
	s13 =	simm.s32 $0x0;
	s1 =	srdreg.scid  }
0x4: {  	s12 =	stileid.u32;
	[smem:$0x7FF] =	sst s13  }
0x5: {  	s6 =	sadd.s32 $0x1EC00, s0;
	s1 =	sand.u32 $0x1, s1;
	s4 =	smul.u32 $0x13880, s12  }
0x6: {  	s7 =	sadd.s32 $0x14E00, s0;
	s0 =	sadd.s32 $0x28A00, s0;
	s22 =	smul.u32 $0x27100, s12  }
0x7: {  	s5 =	smul.u32 $0x271000, s1;
	s9 =	ssub.s32 $0x2, s1;
	s24 =	sshllo.u32 s1, $0x1  }
0x8: {  	_ =	strace $0x8000004D;
	s10 =	sshrl.u32 s9, $0x1;
	s11 =	smul.u32 $0x138800, s24  }
0x9: {  	s25 =	sshll.u32 s1, $0x1;
	s5 =	sadd.s32 s4, s5;
	s9 =	ssub.s32 s9, s10  }
0xa: {  	s5 =	sshrl.u32 s5, $0x4;
	s26 =	sadd.s32 s4, s11;
	s29 =	smax.u32 s9, $0x1  }
0xb: {  	s4 =	sshrl.u32 s4, $0x1;
	s23 =	sadd.s32 s0, s5;
	[dreg:$0xa] =	wrdreg s29  }
0xc: {  	s1 =	sshrl.u32 s26, $0x4;
	s4 =	sadd.s32 s4, s3;
	[dreg:$0x6] =	wrdreg s23  }
0xd: {  	s28 =	sshrl.u32 s22, $0x2;
	[dreg:$0x7] =	wrdreg s4;
	s0 =	sadd.s32 s0, s1  }
0xe: {  	[dreg:$0x8] =	wrdreg s0;
	s0 =	sadd.s32 s28, s3  }
0xf: {  	s30 =	sadd.s32 $0x640, s0;
	[dreg:$0x9] =	wrdreg s0  }
0x10: {  	s31 =	sadd.s32 $0xC80, s0;
	[dreg:$0xb] =	wrdreg s30  }
0x11: {  	s4 =	sadd.s32 $0x12C0, s0;
	[dreg:$0xc] =	wrdreg s31  }
0x12: {  	s5 =	sadd.s32 $0x1900, s0;
	[dreg:$0xd] =	wrdreg s4  }
0x13: {  	s9 =	sadd.s32 $0x1F40, s0;
	[dreg:$0xe] =	wrdreg s5  }
0x14: {  	s10 =	sadd.s32 $0x2580, s0;
	[dreg:$0xf] =	wrdreg s9  }
0x15: {  	s11 =	sadd.s32 $0x2BC0, s0;
	[dreg:$0x10] =	wrdreg s10  }
0x16: {  	s8 =	smul.u32 $0x4E20, s12;
	s12 =	sadd.s32 $0x3200, s0;
	[dreg:$0x11] =	wrdreg s11  }
0x17: {  	s14 =	sadd.s32 $0x3840, s0;
	[dreg:$0x12] =	wrdreg s12  }
0x18: {  	s15 =	sadd.s32 $0x3E80, s0;
	[dreg:$0x13] =	wrdreg s14  }
0x19: {  	s16 =	sadd.s32 $0x44C0, s0;
	[dreg:$0x14] =	wrdreg s15  }
0x1a: {  	s17 =	sadd.s32 $0x4B00, s0;
	[dreg:$0x15] =	wrdreg s16  }
0x1b: {  	s18 =	sadd.s32 $0x5140, s0;
	[dreg:$0x16] =	wrdreg s17  }
0x1c: {  	s19 =	sadd.s32 $0x5780, s0;
	[dreg:$0x17] =	wrdreg s18  }
0x1d: {  	s20 =	sadd.s32 $0x5DC0, s0;
	[dreg:$0x18] =	wrdreg s19  }
0x1e: {  	s21 =	sadd.s32 $0x6400, s0;
	[dreg:$0x19] =	wrdreg s20  }
0x1f: {  	s22 =	sadd.s32 $0x6A40, s0;
	[dreg:$0x1a] =	wrdreg s21  }
0x20: {  	s23 =	sadd.s32 $0x7080, s0;
	[dreg:$0x1b] =	wrdreg s22  }
0x21: {  	v1 =	vmov s24;
	s24 =	simm.s32 $0xB7C0;
	s26 =	sadd.s32 $0x76C0, s0;
	[dreg:$0x1c] =	wrdreg s23  }
0x22: {  	v0 =	vmov s25;
	s25 =	simm.s32 $0x10450;
	s28 =	sadd.s32 $0x7D00, s0;
	[dreg:$0x1d] =	wrdreg s26  }
0x23: {  	s1 =	simm.s32 $0xB6D0;
	s29 =	sadd.s32 $0x8340, s0;
	[dreg:$0x1e] =	wrdreg s28  }
0x24: {  	[dreg:$0x1f] =	wrdreg s29;
	s30 =	sadd.s32 $0x8980, s0;
	s31 =	sadd.s32 $0x8FC0, s0  }
0x25: {  	s0 =	sadd.s32 $0x9600, s0;
	s16 =	simm.s32 $0x2;
	s20 =	simm.s32 $0x1  }
0x26: {  	s21 =	simm.s32 $0x50;
	s12 =	simm.s32 $0xEB50;
	s5 =	simm.s32 $0xB680  }
0x27: {  	s15 =	simm.s32 $0xF050;
	s17 =	simm.s32 $0xF550;
	[smem:$0x7FB] =	sst s30  }
0x28: {  	s18 =	simm.s32 $0xB720;
	s19 =	simm.s32 $0xFA50;
	[smem:$0x7FC] =	sst s31  }
0x29: {  	v2 =	vimm.bf16 $0.0e+00;
	s22 =	simm.s32 $0xB770;
	s23 =	simm.s32 $0xFF50;
	[smem:$0x7FD] =	sst s0  }
.LBB2_1:
0x2a: {  	[dreg:$0x5] =	wrdreg s13;
	s0 =	simm.s32 $0x40;
	s4 =	simm.s32 $0x0  }
.LBB2_2:
0x2b: {  	p0 =	sne.s32 s0, $0x18C0;
	[tilespmem:s4+$0x10950] =	vst v2;
	s4 =	smov.u32 s0;
	s0 =	sadd.s32 $0x40, s0  }
.Ltmp0:
0x2c: {  	(pc) =	sbr.rel @p0 .LBB2_2-.Ltmp0, $2  }
0x2d: {  	_ =	sdelay $0x2  }
0x2e: {  	s4 =	sshra.s32 s4, $0x2  }
0x2f: {  	s0 =	rddreg [dreg:$0x9]  }
0x30: {  	[tilespmem:s4+$0x10950] =	vst v2;
	s4 =	simm.s32 $0x10950;
	s13 =	rddreg [dreg:$0xb]  }
0x31: {  	[spmem:s0] =	stream.linear.scatter [tilespmem:s4], [sflag:$0x2], $0x640, $0x38;
	[tilespmem:$0x10F90] =	vst v63  }
0x32: {  	s14 =	rddreg [dreg:$0xc]  }
0x33: {  	[spmem:s13] =	stream.linear.scatter [tilespmem:s4], [sflag:$0x2], $0x640, $0x38;
	[tilespmem:$0x10F90] =	vst v63  }
0x34: {  	s26 =	rddreg [dreg:$0xd]  }
0x35: {  	[spmem:s14] =	stream.linear.scatter [tilespmem:s4], [sflag:$0x2], $0x640, $0x38;
	[tilespmem:$0x10F90] =	vst v63  }
0x36: {  	s29 =	rddreg [dreg:$0xe]  }
0x37: {  	[spmem:s26] =	stream.linear.scatter [tilespmem:s4], [sflag:$0x2], $0x640, $0x38;
	[tilespmem:$0x10F90] =	vst v63  }
0x38: {  	s30 =	rddreg [dreg:$0xf]  }
0x39: {  	[spmem:s29] =	stream.linear.scatter [tilespmem:s4], [sflag:$0x2], $0x640, $0x38;
	[tilespmem:$0x10F90] =	vst v63  }
0x3a: {  	s31 =	rddreg [dreg:$0x10]  }
0x3b: {  	[spmem:s30] =	stream.linear.scatter [tilespmem:s4], [sflag:$0x2], $0x640, $0x38;
	[tilespmem:$0x10F90] =	vst v63  }
0x3c: {  	s9 =	rddreg [dreg:$0x11]  }
0x3d: {  	[spmem:s31] =	stream.linear.scatter [tilespmem:s4], [sflag:$0x2], $0x640, $0x38;
	[tilespmem:$0x10F90] =	vst v63  }
0x3e: {  	s10 =	rddreg [dreg:$0x12]  }
0x3f: {  	[spmem:s9] =	stream.linear.scatter [tilespmem:s4], [sflag:$0x2], $0x640, $0x38;
	[tilespmem:$0x10F90] =	vst v63  }
0x40: {  	s11 =	rddreg [dreg:$0x13]  }
0x41: {  	[spmem:s10] =	stream.linear.scatter [tilespmem:s4], [sflag:$0x2], $0x640, $0x38;
	[tilespmem:$0x10F90] =	vst v63  }
0x42: {  	s13 =	rddreg [dreg:$0x14]  }
0x43: {  	[spmem:s11] =	stream.linear.scatter [tilespmem:s4], [sflag:$0x2], $0x640, $0x38;
	[tilespmem:$0x10F90] =	vst v63  }
0x44: {  	s14 =	rddreg [dreg:$0x15]  }
0x45: {  	[spmem:s13] =	stream.linear.scatter [tilespmem:s4], [sflag:$0x2], $0x640, $0x38;
	[tilespmem:$0x10F90] =	vst v63  }
0x46: {  	s26 =	rddreg [dreg:$0x16]  }
0x47: {  	[spmem:s14] =	stream.linear.scatter [tilespmem:s4], [sflag:$0x2], $0x640, $0x38;
	[tilespmem:$0x10F90] =	vst v63  }
0x48: {  	s29 =	rddreg [dreg:$0x17]  }
0x49: {  	[spmem:s26] =	stream.linear.scatter [tilespmem:s4], [sflag:$0x2], $0x640, $0x38;
	[tilespmem:$0x10F90] =	vst v63  }
0x4a: {  	s30 =	rddreg [dreg:$0x18]  }
0x4b: {  	[spmem:s29] =	stream.linear.scatter [tilespmem:s4], [sflag:$0x2], $0x640, $0x38;
	[tilespmem:$0x10F90] =	vst v63  }
0x4c: {  	s31 =	rddreg [dreg:$0x19]  }
0x4d: {  	[spmem:s30] =	stream.linear.scatter [tilespmem:s4], [sflag:$0x2], $0x640, $0x38;
	[tilespmem:$0x10F90] =	vst v63  }
0x4e: {  	s9 =	rddreg [dreg:$0x1a]  }
0x4f: {  	[spmem:s31] =	stream.linear.scatter [tilespmem:s4], [sflag:$0x2], $0x640, $0x38;
	[tilespmem:$0x10F90] =	vst v63  }
0x50: {  	s10 =	rddreg [dreg:$0x1b]  }
0x51: {  	[spmem:s9] =	stream.linear.scatter [tilespmem:s4], [sflag:$0x2], $0x640, $0x38;
	[tilespmem:$0x10F90] =	vst v63  }
0x52: {  	s11 =	rddreg [dreg:$0x1c]  }
0x53: {  	[spmem:s10] =	stream.linear.scatter [tilespmem:s4], [sflag:$0x2], $0x640, $0x38;
	[tilespmem:$0x10F90] =	vst v63  }
0x54: {  	s13 =	rddreg [dreg:$0x1d]  }
0x55: {  	[spmem:s11] =	stream.linear.scatter [tilespmem:s4], [sflag:$0x2], $0x640, $0x38;
	[tilespmem:$0x10F90] =	vst v63  }
0x56: {  	s14 =	rddreg [dreg:$0x1e]  }
0x57: {  	[spmem:s13] =	stream.linear.scatter [tilespmem:s4], [sflag:$0x2], $0x640, $0x38;
	[tilespmem:$0x10F90] =	vst v63  }
0x58: {  	s26 =	rddreg [dreg:$0x1f]  }
0x59: {  	[spmem:s14] =	stream.linear.scatter [tilespmem:s4], [sflag:$0x2], $0x640, $0x38;
	[tilespmem:$0x10F90] =	vst v63  }
0x5a: {  	s29 =	sld [smem:$0x7FB]  }
0x5b: {  	[spmem:s26] =	stream.linear.scatter [tilespmem:s4], [sflag:$0x2], $0x640, $0x38;
	[tilespmem:$0x10F90] =	vst v63  }
0x5c: {  	s30 =	sld [smem:$0x7FC]  }
0x5d: {  	[spmem:s29] =	stream.linear.scatter [tilespmem:s4], [sflag:$0x2], $0x640, $0x38;
	[tilespmem:$0x10F90] =	vst v63  }
0x5e: {  	s31 =	sld [smem:$0x7FD]  }
0x5f: {  	[spmem:s30] =	stream.linear.scatter [tilespmem:s4], [sflag:$0x2], $0x640, $0x38;
	[tilespmem:$0x10F90] =	vst v63  }
0x60: {  	_ = 	snop  }
0x61: {  	[spmem:s31] =	stream.linear.scatter [tilespmem:s4], [sflag:$0x2], $0x640, $0x38;
	[tilespmem:$0x10F90] =	vst v63  }
0x62: {  	_ =	swait.ge [sflag:s16], $0x640  }
0x63: {  	[sflag:s16] =	ssyncset.done $0x0  }
0x64: {  	[sflag:s16] =	ssyncadd.s32 $0xFFFFF9C0  }
0x65: {  	_ =	swait.ge [sflag:s16], $0x640  }
0x66: {  	[sflag:s16] =	ssyncset.done $0x0  }
0x67: {  	[sflag:s16] =	ssyncadd.s32 $0xFFFFF9C0  }
0x68: {  	_ =	swait.ge [sflag:s16], $0x640  }
0x69: {  	[sflag:s16] =	ssyncset.done $0x0  }
0x6a: {  	[sflag:s16] =	ssyncadd.s32 $0xFFFFF9C0  }
0x6b: {  	_ =	swait.ge [sflag:s16], $0x640  }
0x6c: {  	[sflag:s16] =	ssyncset.done $0x0  }
0x6d: {  	[sflag:s16] =	ssyncadd.s32 $0xFFFFF9C0  }
0x6e: {  	_ =	swait.ge [sflag:s16], $0x640  }
0x6f: {  	[sflag:s16] =	ssyncset.done $0x0  }
0x70: {  	[sflag:s16] =	ssyncadd.s32 $0xFFFFF9C0  }
0x71: {  	_ =	swait.ge [sflag:s16], $0x640  }
0x72: {  	[sflag:s16] =	ssyncset.done $0x0  }
0x73: {  	[sflag:s16] =	ssyncadd.s32 $0xFFFFF9C0  }
0x74: {  	_ =	swait.ge [sflag:s16], $0x640  }
0x75: {  	[sflag:s16] =	ssyncset.done $0x0  }
0x76: {  	[sflag:s16] =	ssyncadd.s32 $0xFFFFF9C0  }
0x77: {  	_ =	swait.ge [sflag:s16], $0x640  }
0x78: {  	[sflag:s16] =	ssyncset.done $0x0  }
0x79: {  	[sflag:s16] =	ssyncadd.s32 $0xFFFFF9C0  }
0x7a: {  	_ =	swait.ge [sflag:s16], $0x640  }
0x7b: {  	[sflag:s16] =	ssyncset.done $0x0  }
0x7c: {  	[sflag:s16] =	ssyncadd.s32 $0xFFFFF9C0  }
0x7d: {  	_ =	swait.ge [sflag:s16], $0x640  }
0x7e: {  	[sflag:s16] =	ssyncset.done $0x0  }
0x7f: {  	[sflag:s16] =	ssyncadd.s32 $0xFFFFF9C0  }
0x80: {  	_ =	swait.ge [sflag:s16], $0x640  }
0x81: {  	[sflag:s16] =	ssyncset.done $0x0  }
0x82: {  	[sflag:s16] =	ssyncadd.s32 $0xFFFFF9C0  }
0x83: {  	_ =	swait.ge [sflag:s16], $0x640  }
0x84: {  	[sflag:s16] =	ssyncset.done $0x0  }
0x85: {  	[sflag:s16] =	ssyncadd.s32 $0xFFFFF9C0  }
0x86: {  	_ =	swait.ge [sflag:s16], $0x640  }
0x87: {  	[sflag:s16] =	ssyncset.done $0x0  }
0x88: {  	[sflag:s16] =	ssyncadd.s32 $0xFFFFF9C0  }
0x89: {  	_ =	swait.ge [sflag:s16], $0x640  }
0x8a: {  	[sflag:s16] =	ssyncset.done $0x0  }
0x8b: {  	[sflag:s16] =	ssyncadd.s32 $0xFFFFF9C0  }
0x8c: {  	_ =	swait.ge [sflag:s16], $0x640  }
0x8d: {  	[sflag:s16] =	ssyncset.done $0x0  }
0x8e: {  	[sflag:s16] =	ssyncadd.s32 $0xFFFFF9C0  }
0x8f: {  	_ =	swait.ge [sflag:s16], $0x640  }
0x90: {  	[sflag:s16] =	ssyncset.done $0x0  }
0x91: {  	[sflag:s16] =	ssyncadd.s32 $0xFFFFF9C0  }
0x92: {  	_ =	swait.ge [sflag:s16], $0x640  }
0x93: {  	[sflag:s16] =	ssyncset.done $0x0  }
0x94: {  	[sflag:s16] =	ssyncadd.s32 $0xFFFFF9C0  }
0x95: {  	_ =	swait.ge [sflag:s16], $0x640  }
0x96: {  	[sflag:s16] =	ssyncset.done $0x0  }
0x97: {  	[sflag:s16] =	ssyncadd.s32 $0xFFFFF9C0  }
0x98: {  	_ =	swait.ge [sflag:s16], $0x640  }
0x99: {  	[sflag:s16] =	ssyncset.done $0x0  }
0x9a: {  	[sflag:s16] =	ssyncadd.s32 $0xFFFFF9C0  }
0x9b: {  	_ =	swait.ge [sflag:s16], $0x640  }
0x9c: {  	[sflag:s16] =	ssyncset.done $0x0  }
0x9d: {  	[sflag:s16] =	ssyncadd.s32 $0xFFFFF9C0  }
0x9e: {  	_ =	swait.ge [sflag:s16], $0x640  }
0x9f: {  	[sflag:s16] =	ssyncset.done $0x0  }
0xa0: {  	[sflag:s16] =	ssyncadd.s32 $0xFFFFF9C0  }
0xa1: {  	_ =	swait.ge [sflag:s16], $0x640  }
0xa2: {  	[sflag:s16] =	ssyncset.done $0x0  }
0xa3: {  	[sflag:s16] =	ssyncadd.s32 $0xFFFFF9C0  }
0xa4: {  	_ =	swait.ge [sflag:s16], $0x640  }
0xa5: {  	[sflag:s16] =	ssyncset.done $0x0  }
0xa6: {  	[sflag:s16] =	ssyncadd.s32 $0xFFFFF9C0  }
0xa7: {  	_ =	swait.ge [sflag:s16], $0x640  }
0xa8: {  	[sflag:s16] =	ssyncset.done $0x0  }
0xa9: {  	[sflag:s16] =	ssyncadd.s32 $0xFFFFF9C0  }
0xaa: {  	_ =	swait.ge [sflag:s16], $0x640  }
0xab: {  	[sflag:s16] =	ssyncset.done $0x0  }
0xac: {  	[sflag:s16] =	ssyncadd.s32 $0xFFFFF9C0  }
0xad: {  	s28 =	simm.s32 $0x0;
	s26 =	simm.s32 $0x0;
	[bflag:$0x0] =	sbarrier.arrive $0xFFFF  }
.LBB2_4:
0xae: {  	s0 =	smul.u32 $0x7D0, s28;
	_ =	sdelay $0x1  }
0xaf: {  	s0 =	sadd.s32 s8, s0  }
0xb0: {  	s0 =	sshrl.u32 s0, $0x3  }
0xb1: {  	s9 =	simm.s32 $0x9C40;
	s4 =	sadd.s32 s6, s0  }
0xb2: {  	[tilespmem:s9], [sflag:$0x1] =	stream.linear.gather [hbm4b:s4+s26], $0x7D0, $0x38;
	[tilespmem:$0x10F90] =	vst v63  }
0xb3: {  	s11 =	simm.s32 $0xA410;
	s13 =	rddreg [dreg:$0x1];
	s10 =	sadd.s32 s7, s0  }
0xb4: {  	[tilespmem:s11], [sflag:$0x1] =	stream.linear.gather [hbm4b:s10+s26], $0x7D0, $0x38;
	[tilespmem:$0x10F90] =	vst v63  }
0xb5: {  	s14 =	simm.s32 $0xABE0;
	s0 =	sadd.s32 s13, s0  }
0xb6: {  	[tilespmem:s14], [sflag:$0x1] =	stream.linear.gather [hbm4b:s0+s26], $0x7D0, $0x38;
	[tilespmem:$0x10F90] =	vst v63  }
0xb7: {  	_ =	swait.ge [sflag:s20], $0x7D0  }
0xb8: {  	[sflag:s20] =	ssyncset.done $0x0  }
0xb9: {  	[sflag:s20] =	ssyncadd.s32 $0xFFFFF830  }
0xba: {  	_ =	swait.ge [sflag:s20], $0x7D0  }
0xbb: {  	[sflag:s20] =	ssyncset.done $0x0  }
0xbc: {  	[sflag:s20] =	ssyncadd.s32 $0xFFFFF830  }
0xbd: {  	_ =	swait.ge [sflag:s20], $0x7D0  }
0xbe: {  	[sflag:s20] =	ssyncset.done $0x0  }
0xbf: {  	s29 =	simm.s32 $0x0;
	[sflag:s20] =	ssyncadd.s32 $0xFFFFF830  }
0xc0: {  	v3 =	vld [tilespmem:s29+$0xA450]  }
0xc1: {  	v4 =	vld [tilespmem:s29+$0xAC20]  }
0xc2: {  	v5 =	vld [tilespmem:s29+$0x9C40]  }
0xc3: {  	v9 =	vld [tilespmem:s29+$0xA410]  }
0xc4: {  	v6 =	vld [tilespmem:s29+$0x9C50]  }
0xc5: {  	v10 =	vld [tilespmem:s29+$0xA420]  }
0xc6: {  	v7 =	vld [tilespmem:s29+$0x9C60]  }
0xc7: {  	v12 =	vld [tilespmem:s29+$0x9C70];
	v3 =	vshll.u32 v3, $0x2  }
0xc8: {  	v11 =	vld [tilespmem:s29+$0xA430];
	v3 =	vadd.s32 v4, v3;
	v4 =	vshll.u32 v5, $0x2  }
0xc9: {  	v13 =	vld [tilespmem:s29+$0xA440];
	[tilespmem:s29+$0xBBC0] =	vst v3;
	v3 =	vor.u32 v0, v4  }
0xca: {  	v4 =	vshll.u32 v6, $0x2;
	[tilespmem:s29+$0xB3B0] =	vst v3;
	v3 =	vld [tilespmem:s29+$0x9C80]  }
0xcb: {  	v8 =	vld [tilespmem:s29+$0xABE0];
	v4 =	vor.u32 v0, v4  }
0xcc: {  	v12 =	vshll.u32 v12, $0x2;
	[tilespmem:s29+$0xB3C0] =	vst v4;
	v4 =	vshll.u32 v7, $0x2;
	v7 =	vld [tilespmem:s29+$0xABF0]  }
0xcd: {  	v5 =	vshll.u32 v10, $0x2;
	v12 =	vor.u32 v0, v12;
	v6 =	vld [tilespmem:s29+$0xAC00];
	v14 =	vor.u32 v0, v4  }
0xce: {  	s30 =	simm.s32 $0x50;
	s31 =	simm.s32 $0x280;
	v10 =	vld [tilespmem:s29+$0xAC10];
	v4 =	vshll.u32 v9, $0x2;
	v9 =	vshll.u32 v11, $0x2;
	v11 =	vshll.u32 v13, $0x2;
	[tilespmem:s29+$0xB3D0] =	vst v14  }
.LBB2_5:
0xcf: {  	p0 =	sne.s32 s31, $0x1E00;
	v13 =	vld [tilespmem:s30+$0xA450];
	[tilespmem:s29+$0xB3E0] =	vst v12;
	v3 =	vshll.u32 v3, $0x2  }
0xd0: {  	v12 =	vld [tilespmem:s30+$0xAC20];
	v4 =	vadd.s32 v8, v4;
	v3 =	vor.u32 v0, v3  }
0xd1: {  	v8 =	vld [tilespmem:s30+$0x9C40];
	[tilespmem:s29+$0xBB80] =	vst v4;
	v4 =	vadd.s32 v7, v5  }
0xd2: {  	v5 =	vld [tilespmem:s30+$0xA410];
	[tilespmem:s29+$0xBB90] =	vst v4;
	v4 =	vadd.s32 v6, v9  }
0xd3: {  	v6 =	vld [tilespmem:s30+$0x9C50];
	[tilespmem:s29+$0xBBA0] =	vst v4;
	v4 =	vadd.s32 v10, v11  }
0xd4: {  	v7 =	vld [tilespmem:s30+$0xA420];
	v9 =	vshll.u32 v13, $0x2;
	[tilespmem:s29+$0xBBB0] =	vst v4  }
0xd5: {  	v10 =	vld [tilespmem:s30+$0x9C60];
	v4 =	vadd.s32 v12, v9;
	[tilespmem:s29+$0xB3F0] =	vst v3;
	s29 =	smov.u32 s30  }
0xd6: {  	v3 =	vshll.u32 v8, $0x2;
	v9 =	vld [tilespmem:s29+$0xA430];
	[tilespmem:s29+$0xBBC0] =	vst v4  }
0xd7: {  	v3 =	vor.u32 v0, v3;
	v4 =	vshll.u32 v5, $0x2;
	v11 =	vld [tilespmem:s29+$0x9C70]  }
0xd8: {  	[tilespmem:s29+$0xB3B0] =	vst v3;
	v3 =	vshll.u32 v6, $0x2;
	v13 =	vld [tilespmem:s29+$0xA440]  }
.Ltmp1:
0xd9: {  	v6 =	vor.u32 v0, v3;
	v5 =	vshll.u32 v7, $0x2;
	v3 =	vld [tilespmem:s29+$0x9C80];
	(pc) =	sbr.rel @p0 .LBB2_5-.Ltmp1, $4  }
0xda: {  	v8 =	vld [tilespmem:s29+$0xABE0];
	[tilespmem:s29+$0xB3C0] =	vst v6;
	v6 =	vshll.u32 v10, $0x2  }
0xdb: {  	v7 =	vld [tilespmem:s29+$0xABF0];
	v10 =	vor.u32 v0, v6;
	v9 =	vshll.u32 v9, $0x2  }
0xdc: {  	v6 =	vld [tilespmem:s29+$0xAC00];
	[tilespmem:s29+$0xB3D0] =	vst v10;
	v11 =	vshll.u32 v11, $0x2  }
0xdd: {  	s30 =	sshra.s32 s31, $0x2;
	s31 =	sadd.s32 $0x140, s31;
	v10 =	vld [tilespmem:s29+$0xAC10];
	v12 =	vor.u32 v0, v11;
	v11 =	vshll.u32 v13, $0x2  }
0xde: {  	v13 =	vld [tilespmem:s30+$0xA450];
	[tilespmem:s29+$0xB3E0] =	vst v12  }
0xdf: {  	v12 =	vld [tilespmem:s30+$0xAC20];
	v4 =	vadd.s32 v8, v4  }
0xe0: {  	v42 =	vld [tilespmem:s30+$0x9C40];
	[tilespmem:s29+$0xBB80] =	vst v4;
	v43 =	vadd.s32 v7, v5  }
0xe1: {  	v44 =	vld [tilespmem:s30+$0xA410];
	[tilespmem:s29+$0xBB90] =	vst v43;
	v45 =	vadd.s32 v6, v9  }
0xe2: {  	v3 =	vshll.u32 v3, $0x2;
	v46 =	vld [tilespmem:s30+$0x9C50];
	[tilespmem:s29+$0xBBA0] =	vst v45;
	v47 =	vadd.s32 v10, v11  }
0xe3: {  	v3 =	vor.u32 v0, v3;
	v48 =	vld [tilespmem:s30+$0xA420];
	[tilespmem:s29+$0xBBB0] =	vst v47  }
0xe4: {  	v4 =	vld [tilespmem:s30+$0x9C60];
	[tilespmem:s29+$0xB3F0] =	vst v3  }
0xe5: {  	v50 =	vld [tilespmem:s30+$0xA430]  }
0xe6: {  	v51 =	vld [tilespmem:s30+$0x9C70]  }
0xe7: {  	v49 =	vshll.u32 v13, $0x2;
	v53 =	vld [tilespmem:s30+$0xABE0]  }
0xe8: {  	v3 =	vadd.s32 v12, v49;
	v8 =	vshll.u32 v42, $0x2;
	v54 =	vld [tilespmem:s30+$0xABF0]  }
0xe9: {  	[tilespmem:s30+$0xBBC0] =	vst v3;
	v3 =	vor.u32 v0, v8;
	v52 =	vld [tilespmem:s30+$0x9C80];
	v6 =	vshll.u32 v46, $0x2  }
0xea: {  	v55 =	vld [tilespmem:s30+$0xAC00];
	[tilespmem:s30+$0xB3B0] =	vst v3;
	v6 =	vor.u32 v0, v6;
	v4 =	vshll.u32 v4, $0x2  }
0xeb: {  	v3 =	vld [tilespmem:s30+$0xA440];
	v5 =	vshll.u32 v44, $0x2;
	[tilespmem:s30+$0xB3C0] =	vst v6;
	v4 =	vor.u32 v0, v4  }
0xec: {  	v57 =	vld [tilespmem:s30+$0xAC10];
	v7 =	vshll.u32 v48, $0x2;
	v58 =	vadd.s32 v53, v5;
	[tilespmem:s30+$0xB3D0] =	vst v4  }
0xed: {  	v56 =	vshll.u32 v51, $0x2;
	v60 =	vadd.s32 v54, v7;
	[tilespmem:s30+$0xBB80] =	vst v58  }
0xee: {  	v59 =	vshll.u32 v50, $0x2;
	v4 =	vor.u32 v0, v56;
	[tilespmem:s30+$0xBB90] =	vst v60  }
0xef: {  	v62 =	vshll.u32 v52, $0x2;
	v61 =	vadd.s32 v55, v59;
	[tilespmem:s30+$0xB3E0] =	vst v4  }
0xf0: {  	v3 =	vshll.u32 v3, $0x2;
	v63 =	vor.u32 v0, v62;
	[tilespmem:s30+$0xBBA0] =	vst v61  }
0xf1: {  	v3 =	vadd.s32 v57, v3;
	[tilespmem:s30+$0xB3F0] =	vst v63  }
0xf2: {  	s0 =	simm.s32 $0xB3B0;
	s4 =	simm.s32 $0xC350;
	[tilespmem:s30+$0xBBB0] =	vst v3  }
0xf3: {  	[tilespmem:s4], [sflag:$0x1] =	stream.indirect.gather [hbm4b:s2+s21], $0x10, s0, s21, $0xb8;
	[tilespmem:$0x10F90] =	vst v63  }
0xf4: {  	s9 =	simm.s32 $0xC850;
	s4 =	simm.s32 $0xB400  }
0xf5: {  	[tilespmem:s9], [sflag:$0x1] =	stream.indirect.gather [hbm4b:s2+s21], $0x10, s4, s21, $0xb8;
	[tilespmem:$0x10F90] =	vst v63  }
0xf6: {  	s10 =	simm.s32 $0xB450;
	s11 =	simm.s32 $0xCD50  }
0xf7: {  	[tilespmem:s11], [sflag:$0x1] =	stream.indirect.gather [hbm4b:s2+s21], $0x10, s10, s21, $0xb8;
	[tilespmem:$0x10F90] =	vst v63  }
0xf8: {  	s13 =	simm.s32 $0xB4A0;
	s14 =	simm.s32 $0xD250  }
0xf9: {  	[tilespmem:s14], [sflag:$0x1] =	stream.indirect.gather [hbm4b:s2+s21], $0x10, s13, s21, $0xb8;
	[tilespmem:$0x10F90] =	vst v63  }
0xfa: {  	s4 =	simm.s32 $0xB4F0;
	s9 =	simm.s32 $0xD750  }
0xfb: {  	[tilespmem:s9], [sflag:$0x1] =	stream.indirect.gather [hbm4b:s2+s21], $0x10, s4, s21, $0xb8;
	[tilespmem:$0x10F90] =	vst v63  }
0xfc: {  	s10 =	simm.s32 $0xB540;
	s11 =	simm.s32 $0xDC50  }
0xfd: {  	[tilespmem:s11], [sflag:$0x1] =	stream.indirect.gather [hbm4b:s2+s21], $0x10, s10, s21, $0xb8;
	[tilespmem:$0x10F90] =	vst v63  }
0xfe: {  	s13 =	simm.s32 $0xB590;
	s14 =	simm.s32 $0xE150  }
0xff: {  	[tilespmem:s14], [sflag:$0x1] =	stream.indirect.gather [hbm4b:s2+s21], $0x10, s13, s21, $0xb8;
	[tilespmem:$0x10F90] =	vst v63  }
0x100: {  	s9 =	simm.s32 $0xB5E0;
	s10 =	simm.s32 $0xE650  }
0x101: {  	[tilespmem:s10], [sflag:$0x1] =	stream.indirect.gather [hbm4b:s2+s21], $0x10, s9, s21, $0xb8;
	[tilespmem:$0x10F90] =	vst v63  }
0x102: {  	s29 =	simm.s32 $0xB630  }
0x103: {  	[tilespmem:s12], [sflag:$0x1] =	stream.indirect.gather [hbm4b:s2+s21], $0x10, s29, s21, $0xb8;
	[tilespmem:$0x10F90] =	vst v63  }
0x104: {  	_ = 	snop  }
0x105: {  	[tilespmem:s15], [sflag:$0x1] =	stream.indirect.gather [hbm4b:s2+s21], $0x10, s5, s21, $0xb8;
	[tilespmem:$0x10F90] =	vst v63  }
0x106: {  	_ = 	snop  }
0x107: {  	[tilespmem:s17], [sflag:$0x1] =	stream.indirect.gather [hbm4b:s2+s21], $0x10, s1, s21, $0xb8;
	[tilespmem:$0x10F90] =	vst v63  }
0x108: {  	s11 =	simm.s32 $0x0;
	s13 =	simm.s32 $0xFFFFFFF2  }
0x109: {  	[tilespmem:s19], [sflag:$0x1] =	stream.indirect.gather [hbm4b:s2+s21], $0x10, s18, s21, $0xb8;
	[tilespmem:$0x10F90] =	vst v63  }
0x10a: {  	p0 =	por $0x1, $0x1;
	s0 =	smin.u32 s11, s13  }
0x10b: {  	[tilespmem:s23], [sflag:$0x1] =	stream.indirect.gather [hbm4b:s2+s21], $0x10, s22, s21, $0xb8;
	[tilespmem:$0x10F90] =	vst v63  }
0x10c: {  	s31 =	simm.s32 $0xA550;
	p1 =	por @!p0 $0x0, $0x0;
	s0 =	smul.u32 $0x1400, s0  }
0x10d: {  	[tilespmem:s25], [sflag:$0x1] =	stream.indirect.gather [hbm4b:s2+s21], $0x10, s24, s21, $0xb8;
	[tilespmem:$0x10F90] =	vst v63  }
0x10e: {  	p2 =	por p1, p0;
	s30 =	simm.s32 $0x1;
	_ =	swait.ge [sflag:s20], $0x500  }
0x10f: {  	s14 =	simm.s32 $0xBB80;
	s0 =	sshra.s32 s0, $0x2;
	[sflag:s20] =	ssyncset.done $0x0  }
0x110: {  	s10 =	simm.s32 @!p0 $0x2;
	s0 =	sadd.s32 $0xC350, s0;
	[sflag:s20] =	ssyncadd.s32 $0xFFFFFB00  }
0x111: {  	[spmem:s3] =	stream.indirect.scatter.add.bf16 [tilespmem:s0], [sflag:$0x2], $0x10, s14, s21, $0xb8;
	[tilespmem:$0x10F90] =	vst v63  }
0x112: {  	s4 =	simm.s32 $0xB680;
	s11 =	simm.s32 @!p2 $0x50;
	_ =	swait.ge @!p0 [sflag:s10], $0x500  }
0x113: {  	s9 =	simm.s32 $0xAA50;
	s0 =	simm.s32 $0xBBD0;
	[sflag:s10] =	ssyncset.done @!p0 $0x0  }
.LBB2_7:
0x114: {  	s13 =	sadd.s32 $0xFFFFFFF2, s30  }
0x115: {  	[sflag:s10] =	ssyncadd.s32 @!p0 $0xFFFFFB00;
	s14 =	smov.u32 s30;
	s30 =	sadd.s32 $0x1, s30  }
0x116: {  	[tilespmem:s31], [sflag:$0x1] =	stream.indirect.gather @!p2 [hbm4b:s2+s11], $0x10, s29, s11, $0xb8;
	[tilespmem:$0x10F90] =	vst v63  }
0x117: {  	s10 =	smin.u32 s14, s13;
	p1 =	sne.s32 s30, $0x19;
	s29 =	smov.u32 s4  }
0x118: {  	s31 =	smov.u32 s9;
	s10 =	smul.u32 $0x1400, s10  }
0x119: {  	_ =	swait.ge [sflag:s20], $0x500  }
0x11a: {  	p0 =	slt.u32 s14, $0x6;
	s10 =	sshra.s32 s10, $0x2;
	[sflag:s20] =	ssyncset.done $0x0  }
.Ltmp2:
0x11b: {  	s10 =	sadd.s32 $0xC350, s10;
	[sflag:s20] =	ssyncadd.s32 $0xFFFFFB00;
	(pc) =	sbr.rel @p1 .LBB2_7-.Ltmp2, $4  }
0x11c: {  	[spmem:s3] =	stream.indirect.scatter.add.bf16 [tilespmem:s10], [sflag:$0x2], $0x10, s0, s21, $0xb8;
	[tilespmem:$0x10F90] =	vst v63  }
0x11d: {  	p2 =	sgt.u32 @!p0 s14, $0x10;
	s10 =	simm.s32 @!p0 $0x2;
	s0 =	sadd.s32 $0x50, s0  }
0x11e: {  	s4 =	sadd.s32 $0x50, s4;
	p2 =	por p2, p0;
	_ =	swait.ge @!p0 [sflag:s10], $0x500  }
0x11f: {  	s9 =	sadd.s32 $0x500, s9;
	s11 =	simm.s32 @!p2 $0x50;
	[sflag:s10] =	ssyncset.done @!p0 $0x0  }
0x120: {  	[sflag:s10] =	ssyncadd.s32 @!p0 $0xFFFFFB00  }
0x121: {  	[tilespmem:s31], [sflag:$0x1] =	stream.indirect.gather @!p2 [hbm4b:s2+s11], $0x10, s29, s11, $0xb8;
	[tilespmem:$0x10F90] =	vst v63  }
0x122: {  	_ =	swait.ge [sflag:s16], $0x500  }
0x123: {  	[sflag:s16] =	ssyncset.done $0x0  }
0x124: {  	[sflag:s16] =	ssyncadd.s32 $0xFFFFFB00  }
0x125: {  	_ =	swait.ge [sflag:s16], $0x500  }
0x126: {  	[sflag:s16] =	ssyncset.done $0x0  }
0x127: {  	[sflag:s16] =	ssyncadd.s32 $0xFFFFFB00  }
0x128: {  	_ =	swait.ge [sflag:s16], $0x500  }
0x129: {  	[sflag:s16] =	ssyncset.done $0x0  }
0x12a: {  	[sflag:s16] =	ssyncadd.s32 $0xFFFFFB00  }
0x12b: {  	_ =	swait.ge [sflag:s16], $0x500  }
0x12c: {  	[sflag:s16] =	ssyncset.done $0x0  }
0x12d: {  	s28 =	sadd.s32 $0x1, s28;
	[sflag:s16] =	ssyncadd.s32 $0xFFFFFB00  }
0x12e: {  	p0 =	sne.s32 s28, $0xA;
	_ =	swait.ge [sflag:s16], $0x500  }
.Ltmp3:
0x12f: {  	[sflag:s16] =	ssyncset.done $0x0;
	(pc) =	sbr.rel @p0 .LBB2_4-.Ltmp3, $4  }
0x130: {  	[sflag:s16] =	ssyncadd.s32 $0xFFFFFB00  }
0x131: {  	_ =	swait.ge [sflag:s16], $0x500  }
0x132: {  	[sflag:s16] =	ssyncset.done $0x0  }
0x133: {  	[sflag:s16] =	ssyncadd.s32 $0xFFFFFB00  }
0x134: {  	s0 =	stileid.u32;
	[bflag:$0x0] =	sbarrier.arrive $0xFFFF  }
0x135: {  	s0 =	sshll.u32 s0, $0x6;
	s30 =	rddreg [dreg:$0x7]  }
0x136: {  	s31 =	rddreg [dreg:$0x6];
	s4 =	sor.u32 $0x1C03, s0  }
0x137: {  	s9 =	sshrl.u32 s30, $0x3;
	[smem:$0x7F9] =	sst s4  }
0x138: {  	s10 =	simm.s32 $0x3;
	[smem:$0x7FA] =	sst s9  }
0x139: {  	[hbm:s31], [sflag:s4] =	dma.local [spmem:s9], $0x1388  }
0x13a: {  	_ =	swait.ge [sflag:s10], $0x1388  }
0x13b: {  	[sflag:s10] =	ssyncset.done $0x0  }
0x13c: {  	[sflag:s10] =	ssyncadd.s32 $0xFFFFEC78  }
0x13d: {  	[bflag:$0x0] =	sbarrier.arrive $0xFFFF  }
0x13e: {  	s11 =	rddreg [dreg:$0x9]  }
0x13f: {  	s4 =	simm.s32 $0x10950;
	s13 =	rddreg [dreg:$0xb]  }
0x140: {  	[spmem:s11] =	stream.linear.scatter [tilespmem:s4], [sflag:$0x2], $0x640, $0x38;
	[tilespmem:$0x10F90] =	vst v63  }
0x141: {  	s14 =	rddreg [dreg:$0xc]  }
0x142: {  	[spmem:s13] =	stream.linear.scatter [tilespmem:s4], [sflag:$0x2], $0x640, $0x38;
	[tilespmem:$0x10F90] =	vst v63  }
0x143: {  	s26 =	rddreg [dreg:$0xd]  }
0x144: {  	[spmem:s14] =	stream.linear.scatter [tilespmem:s4], [sflag:$0x2], $0x640, $0x38;
	[tilespmem:$0x10F90] =	vst v63  }
0x145: {  	s29 =	rddreg [dreg:$0xe]  }
0x146: {  	[spmem:s26] =	stream.linear.scatter [tilespmem:s4], [sflag:$0x2], $0x640, $0x38;
	[tilespmem:$0x10F90] =	vst v63  }
0x147: {  	s30 =	rddreg [dreg:$0xf]  }
0x148: {  	[spmem:s29] =	stream.linear.scatter [tilespmem:s4], [sflag:$0x2], $0x640, $0x38;
	[tilespmem:$0x10F90] =	vst v63  }
0x149: {  	s31 =	rddreg [dreg:$0x10]  }
0x14a: {  	[spmem:s30] =	stream.linear.scatter [tilespmem:s4], [sflag:$0x2], $0x640, $0x38;
	[tilespmem:$0x10F90] =	vst v63  }
0x14b: {  	s9 =	rddreg [dreg:$0x11]  }
0x14c: {  	[spmem:s31] =	stream.linear.scatter [tilespmem:s4], [sflag:$0x2], $0x640, $0x38;
	[tilespmem:$0x10F90] =	vst v63  }
0x14d: {  	s10 =	rddreg [dreg:$0x12]  }
0x14e: {  	[spmem:s9] =	stream.linear.scatter [tilespmem:s4], [sflag:$0x2], $0x640, $0x38;
	[tilespmem:$0x10F90] =	vst v63  }
0x14f: {  	s11 =	rddreg [dreg:$0x13]  }
0x150: {  	[spmem:s10] =	stream.linear.scatter [tilespmem:s4], [sflag:$0x2], $0x640, $0x38;
	[tilespmem:$0x10F90] =	vst v63  }
0x151: {  	s13 =	rddreg [dreg:$0x14]  }
0x152: {  	[spmem:s11] =	stream.linear.scatter [tilespmem:s4], [sflag:$0x2], $0x640, $0x38;
	[tilespmem:$0x10F90] =	vst v63  }
0x153: {  	s14 =	rddreg [dreg:$0x15]  }
0x154: {  	[spmem:s13] =	stream.linear.scatter [tilespmem:s4], [sflag:$0x2], $0x640, $0x38;
	[tilespmem:$0x10F90] =	vst v63  }
0x155: {  	s26 =	rddreg [dreg:$0x16]  }
0x156: {  	[spmem:s14] =	stream.linear.scatter [tilespmem:s4], [sflag:$0x2], $0x640, $0x38;
	[tilespmem:$0x10F90] =	vst v63  }
0x157: {  	s29 =	rddreg [dreg:$0x17]  }
0x158: {  	[spmem:s26] =	stream.linear.scatter [tilespmem:s4], [sflag:$0x2], $0x640, $0x38;
	[tilespmem:$0x10F90] =	vst v63  }
0x159: {  	s30 =	rddreg [dreg:$0x18]  }
0x15a: {  	[spmem:s29] =	stream.linear.scatter [tilespmem:s4], [sflag:$0x2], $0x640, $0x38;
	[tilespmem:$0x10F90] =	vst v63  }
0x15b: {  	s31 =	rddreg [dreg:$0x19]  }
0x15c: {  	[spmem:s30] =	stream.linear.scatter [tilespmem:s4], [sflag:$0x2], $0x640, $0x38;
	[tilespmem:$0x10F90] =	vst v63  }
0x15d: {  	s9 =	rddreg [dreg:$0x1a]  }
0x15e: {  	[spmem:s31] =	stream.linear.scatter [tilespmem:s4], [sflag:$0x2], $0x640, $0x38;
	[tilespmem:$0x10F90] =	vst v63  }
0x15f: {  	s10 =	rddreg [dreg:$0x1b]  }
0x160: {  	[spmem:s9] =	stream.linear.scatter [tilespmem:s4], [sflag:$0x2], $0x640, $0x38;
	[tilespmem:$0x10F90] =	vst v63  }
0x161: {  	s11 =	rddreg [dreg:$0x1c]  }
0x162: {  	[spmem:s10] =	stream.linear.scatter [tilespmem:s4], [sflag:$0x2], $0x640, $0x38;
	[tilespmem:$0x10F90] =	vst v63  }
0x163: {  	s13 =	rddreg [dreg:$0x1d]  }
0x164: {  	[spmem:s11] =	stream.linear.scatter [tilespmem:s4], [sflag:$0x2], $0x640, $0x38;
	[tilespmem:$0x10F90] =	vst v63  }
0x165: {  	s14 =	rddreg [dreg:$0x1e]  }
0x166: {  	[spmem:s13] =	stream.linear.scatter [tilespmem:s4], [sflag:$0x2], $0x640, $0x38;
	[tilespmem:$0x10F90] =	vst v63  }
0x167: {  	s26 =	rddreg [dreg:$0x1f]  }
0x168: {  	[spmem:s14] =	stream.linear.scatter [tilespmem:s4], [sflag:$0x2], $0x640, $0x38;
	[tilespmem:$0x10F90] =	vst v63  }
0x169: {  	s29 =	sld [smem:$0x7FB]  }
0x16a: {  	[spmem:s26] =	stream.linear.scatter [tilespmem:s4], [sflag:$0x2], $0x640, $0x38;
	[tilespmem:$0x10F90] =	vst v63  }
0x16b: {  	s30 =	sld [smem:$0x7FC]  }
0x16c: {  	[spmem:s29] =	stream.linear.scatter [tilespmem:s4], [sflag:$0x2], $0x640, $0x38;
	[tilespmem:$0x10F90] =	vst v63  }
0x16d: {  	s31 =	sld [smem:$0x7FD]  }
0x16e: {  	[spmem:s30] =	stream.linear.scatter [tilespmem:s4], [sflag:$0x2], $0x640, $0x38;
	[tilespmem:$0x10F90] =	vst v63  }
0x16f: {  	_ = 	snop  }
0x170: {  	[spmem:s31] =	stream.linear.scatter [tilespmem:s4], [sflag:$0x2], $0x640, $0x38;
	[tilespmem:$0x10F90] =	vst v63  }
0x171: {  	_ =	swait.ge [sflag:s16], $0x640  }
0x172: {  	[sflag:s16] =	ssyncset.done $0x0  }
0x173: {  	[sflag:s16] =	ssyncadd.s32 $0xFFFFF9C0  }
0x174: {  	_ =	swait.ge [sflag:s16], $0x640  }
0x175: {  	[sflag:s16] =	ssyncset.done $0x0  }
0x176: {  	[sflag:s16] =	ssyncadd.s32 $0xFFFFF9C0  }
0x177: {  	_ =	swait.ge [sflag:s16], $0x640  }
0x178: {  	[sflag:s16] =	ssyncset.done $0x0  }
0x179: {  	[sflag:s16] =	ssyncadd.s32 $0xFFFFF9C0  }
0x17a: {  	_ =	swait.ge [sflag:s16], $0x640  }
0x17b: {  	[sflag:s16] =	ssyncset.done $0x0  }
0x17c: {  	[sflag:s16] =	ssyncadd.s32 $0xFFFFF9C0  }
0x17d: {  	_ =	swait.ge [sflag:s16], $0x640  }
0x17e: {  	[sflag:s16] =	ssyncset.done $0x0  }
0x17f: {  	[sflag:s16] =	ssyncadd.s32 $0xFFFFF9C0  }
0x180: {  	_ =	swait.ge [sflag:s16], $0x640  }
0x181: {  	[sflag:s16] =	ssyncset.done $0x0  }
0x182: {  	[sflag:s16] =	ssyncadd.s32 $0xFFFFF9C0  }
0x183: {  	_ =	swait.ge [sflag:s16], $0x640  }
0x184: {  	[sflag:s16] =	ssyncset.done $0x0  }
0x185: {  	[sflag:s16] =	ssyncadd.s32 $0xFFFFF9C0  }
0x186: {  	_ =	swait.ge [sflag:s16], $0x640  }
0x187: {  	[sflag:s16] =	ssyncset.done $0x0  }
0x188: {  	[sflag:s16] =	ssyncadd.s32 $0xFFFFF9C0  }
0x189: {  	_ =	swait.ge [sflag:s16], $0x640  }
0x18a: {  	[sflag:s16] =	ssyncset.done $0x0  }
0x18b: {  	[sflag:s16] =	ssyncadd.s32 $0xFFFFF9C0  }
0x18c: {  	_ =	swait.ge [sflag:s16], $0x640  }
0x18d: {  	[sflag:s16] =	ssyncset.done $0x0  }
0x18e: {  	[sflag:s16] =	ssyncadd.s32 $0xFFFFF9C0  }
0x18f: {  	_ =	swait.ge [sflag:s16], $0x640  }
0x190: {  	[sflag:s16] =	ssyncset.done $0x0  }
0x191: {  	[sflag:s16] =	ssyncadd.s32 $0xFFFFF9C0  }
0x192: {  	_ =	swait.ge [sflag:s16], $0x640  }
0x193: {  	[sflag:s16] =	ssyncset.done $0x0  }
0x194: {  	[sflag:s16] =	ssyncadd.s32 $0xFFFFF9C0  }
0x195: {  	_ =	swait.ge [sflag:s16], $0x640  }
0x196: {  	[sflag:s16] =	ssyncset.done $0x0  }
0x197: {  	[sflag:s16] =	ssyncadd.s32 $0xFFFFF9C0  }
0x198: {  	_ =	swait.ge [sflag:s16], $0x640  }
0x199: {  	[sflag:s16] =	ssyncset.done $0x0  }
0x19a: {  	[sflag:s16] =	ssyncadd.s32 $0xFFFFF9C0  }
0x19b: {  	_ =	swait.ge [sflag:s16], $0x640  }
0x19c: {  	[sflag:s16] =	ssyncset.done $0x0  }
0x19d: {  	[sflag:s16] =	ssyncadd.s32 $0xFFFFF9C0  }
0x19e: {  	_ =	swait.ge [sflag:s16], $0x640  }
0x19f: {  	[sflag:s16] =	ssyncset.done $0x0  }
0x1a0: {  	[sflag:s16] =	ssyncadd.s32 $0xFFFFF9C0  }
0x1a1: {  	_ =	swait.ge [sflag:s16], $0x640  }
0x1a2: {  	[sflag:s16] =	ssyncset.done $0x0  }
0x1a3: {  	[sflag:s16] =	ssyncadd.s32 $0xFFFFF9C0  }
0x1a4: {  	_ =	swait.ge [sflag:s16], $0x640  }
0x1a5: {  	[sflag:s16] =	ssyncset.done $0x0  }
0x1a6: {  	[sflag:s16] =	ssyncadd.s32 $0xFFFFF9C0  }
0x1a7: {  	_ =	swait.ge [sflag:s16], $0x640  }
0x1a8: {  	[sflag:s16] =	ssyncset.done $0x0  }
0x1a9: {  	[sflag:s16] =	ssyncadd.s32 $0xFFFFF9C0  }
0x1aa: {  	_ =	swait.ge [sflag:s16], $0x640  }
0x1ab: {  	[sflag:s16] =	ssyncset.done $0x0  }
0x1ac: {  	[sflag:s16] =	ssyncadd.s32 $0xFFFFF9C0  }
0x1ad: {  	_ =	swait.ge [sflag:s16], $0x640  }
0x1ae: {  	[sflag:s16] =	ssyncset.done $0x0  }
0x1af: {  	[sflag:s16] =	ssyncadd.s32 $0xFFFFF9C0  }
0x1b0: {  	_ =	swait.ge [sflag:s16], $0x640  }
0x1b1: {  	[sflag:s16] =	ssyncset.done $0x0  }
0x1b2: {  	[sflag:s16] =	ssyncadd.s32 $0xFFFFF9C0  }
0x1b3: {  	_ =	swait.ge [sflag:s16], $0x640  }
0x1b4: {  	[sflag:s16] =	ssyncset.done $0x0  }
0x1b5: {  	[sflag:s16] =	ssyncadd.s32 $0xFFFFF9C0  }
0x1b6: {  	_ =	swait.ge [sflag:s16], $0x640  }
0x1b7: {  	[sflag:s16] =	ssyncset.done $0x0  }
0x1b8: {  	[sflag:s16] =	ssyncadd.s32 $0xFFFFF9C0  }
0x1b9: {  	_ =	swait.ge [sflag:s16], $0x640  }
0x1ba: {  	[sflag:s16] =	ssyncset.done $0x0  }
0x1bb: {  	[sflag:s16] =	ssyncadd.s32 $0xFFFFF9C0  }
0x1bc: {  	s28 =	simm.s32 $0x0;
	s26 =	simm.s32 $0x0;
	[bflag:$0x0] =	sbarrier.arrive $0xFFFF  }
.LBB2_10:
0x1bd: {  	s0 =	smul.u32 $0x7D0, s28;
	_ =	sdelay $0x1  }
0x1be: {  	s0 =	sadd.s32 s8, s0  }
0x1bf: {  	s0 =	sshrl.u32 s0, $0x3  }
0x1c0: {  	s9 =	simm.s32 $0x9C40;
	s4 =	sadd.s32 s6, s0  }
0x1c1: {  	[tilespmem:s9], [sflag:$0x1] =	stream.linear.gather [hbm4b:s4+s26], $0x7D0, $0x38;
	[tilespmem:$0x10F90] =	vst v63  }
0x1c2: {  	s11 =	simm.s32 $0xA410;
	s13 =	rddreg [dreg:$0x1];
	s10 =	sadd.s32 s7, s0  }
0x1c3: {  	[tilespmem:s11], [sflag:$0x1] =	stream.linear.gather [hbm4b:s10+s26], $0x7D0, $0x38;
	[tilespmem:$0x10F90] =	vst v63  }
0x1c4: {  	s14 =	simm.s32 $0xABE0;
	s0 =	sadd.s32 s13, s0  }
0x1c5: {  	[tilespmem:s14], [sflag:$0x1] =	stream.linear.gather [hbm4b:s0+s26], $0x7D0, $0x38;
	[tilespmem:$0x10F90] =	vst v63  }
0x1c6: {  	_ =	swait.ge [sflag:s20], $0x7D0  }
0x1c7: {  	[sflag:s20] =	ssyncset.done $0x0  }
0x1c8: {  	[sflag:s20] =	ssyncadd.s32 $0xFFFFF830  }
0x1c9: {  	_ =	swait.ge [sflag:s20], $0x7D0  }
0x1ca: {  	[sflag:s20] =	ssyncset.done $0x0  }
0x1cb: {  	[sflag:s20] =	ssyncadd.s32 $0xFFFFF830  }
0x1cc: {  	_ =	swait.ge [sflag:s20], $0x7D0  }
0x1cd: {  	[sflag:s20] =	ssyncset.done $0x0  }
0x1ce: {  	s29 =	simm.s32 $0x0;
	[sflag:s20] =	ssyncadd.s32 $0xFFFFF830  }
0x1cf: {  	v3 =	vld [tilespmem:s29+$0xA450]  }
0x1d0: {  	v4 =	vld [tilespmem:s29+$0xAC20]  }
0x1d1: {  	v5 =	vld [tilespmem:s29+$0x9C40]  }
0x1d2: {  	v9 =	vld [tilespmem:s29+$0xA410]  }
0x1d3: {  	v6 =	vld [tilespmem:s29+$0x9C50]  }
0x1d4: {  	v10 =	vld [tilespmem:s29+$0xA420]  }
0x1d5: {  	v7 =	vld [tilespmem:s29+$0x9C60]  }
0x1d6: {  	v12 =	vld [tilespmem:s29+$0x9C70];
	v3 =	vshll.u32 v3, $0x2  }
0x1d7: {  	v11 =	vld [tilespmem:s29+$0xA430];
	v3 =	vadd.s32 v4, v3;
	v4 =	vshll.u32 v5, $0x2  }
0x1d8: {  	v13 =	vld [tilespmem:s29+$0xA440];
	[tilespmem:s29+$0xBBC0] =	vst v3;
	v3 =	vor.u32 v1, v4  }
0x1d9: {  	v4 =	vshll.u32 v6, $0x2;
	[tilespmem:s29+$0xB3B0] =	vst v3;
	v3 =	vld [tilespmem:s29+$0x9C80]  }
0x1da: {  	v8 =	vld [tilespmem:s29+$0xABE0];
	v4 =	vor.u32 v1, v4  }
0x1db: {  	v12 =	vshll.u32 v12, $0x2;
	[tilespmem:s29+$0xB3C0] =	vst v4;
	v4 =	vshll.u32 v7, $0x2;
	v7 =	vld [tilespmem:s29+$0xABF0]  }
0x1dc: {  	v5 =	vshll.u32 v10, $0x2;
	v12 =	vor.u32 v1, v12;
	v6 =	vld [tilespmem:s29+$0xAC00];
	v14 =	vor.u32 v1, v4  }
0x1dd: {  	s30 =	simm.s32 $0x50;
	s31 =	simm.s32 $0x280;
	v10 =	vld [tilespmem:s29+$0xAC10];
	v4 =	vshll.u32 v9, $0x2;
	v9 =	vshll.u32 v11, $0x2;
	v11 =	vshll.u32 v13, $0x2;
	[tilespmem:s29+$0xB3D0] =	vst v14  }
.LBB2_11:
0x1de: {  	p0 =	sne.s32 s31, $0x1E00;
	v13 =	vld [tilespmem:s30+$0xA450];
	[tilespmem:s29+$0xB3E0] =	vst v12;
	v3 =	vshll.u32 v3, $0x2  }
0x1df: {  	v12 =	vld [tilespmem:s30+$0xAC20];
	v4 =	vadd.s32 v8, v4;
	v3 =	vor.u32 v1, v3  }
0x1e0: {  	v8 =	vld [tilespmem:s30+$0x9C40];
	[tilespmem:s29+$0xBB80] =	vst v4;
	v4 =	vadd.s32 v7, v5  }
0x1e1: {  	v5 =	vld [tilespmem:s30+$0xA410];
	[tilespmem:s29+$0xBB90] =	vst v4;
	v4 =	vadd.s32 v6, v9  }
0x1e2: {  	v6 =	vld [tilespmem:s30+$0x9C50];
	[tilespmem:s29+$0xBBA0] =	vst v4;
	v4 =	vadd.s32 v10, v11  }
0x1e3: {  	v7 =	vld [tilespmem:s30+$0xA420];
	v9 =	vshll.u32 v13, $0x2;
	[tilespmem:s29+$0xBBB0] =	vst v4  }
0x1e4: {  	v10 =	vld [tilespmem:s30+$0x9C60];
	v4 =	vadd.s32 v12, v9;
	[tilespmem:s29+$0xB3F0] =	vst v3;
	s29 =	smov.u32 s30  }
0x1e5: {  	v3 =	vshll.u32 v8, $0x2;
	v9 =	vld [tilespmem:s29+$0xA430];
	[tilespmem:s29+$0xBBC0] =	vst v4  }
0x1e6: {  	v3 =	vor.u32 v1, v3;
	v4 =	vshll.u32 v5, $0x2;
	v11 =	vld [tilespmem:s29+$0x9C70]  }
0x1e7: {  	[tilespmem:s29+$0xB3B0] =	vst v3;
	v3 =	vshll.u32 v6, $0x2;
	v13 =	vld [tilespmem:s29+$0xA440]  }
.Ltmp4:
0x1e8: {  	v6 =	vor.u32 v1, v3;
	v5 =	vshll.u32 v7, $0x2;
	v3 =	vld [tilespmem:s29+$0x9C80];
	(pc) =	sbr.rel @p0 .LBB2_11-.Ltmp4, $4  }
0x1e9: {  	v8 =	vld [tilespmem:s29+$0xABE0];
	[tilespmem:s29+$0xB3C0] =	vst v6;
	v6 =	vshll.u32 v10, $0x2  }
0x1ea: {  	v7 =	vld [tilespmem:s29+$0xABF0];
	v10 =	vor.u32 v1, v6;
	v9 =	vshll.u32 v9, $0x2  }
0x1eb: {  	v6 =	vld [tilespmem:s29+$0xAC00];
	[tilespmem:s29+$0xB3D0] =	vst v10;
	v11 =	vshll.u32 v11, $0x2  }
0x1ec: {  	s30 =	sshra.s32 s31, $0x2;
	s31 =	sadd.s32 $0x140, s31;
	v10 =	vld [tilespmem:s29+$0xAC10];
	v12 =	vor.u32 v1, v11;
	v11 =	vshll.u32 v13, $0x2  }
0x1ed: {  	v13 =	vld [tilespmem:s30+$0xA450];
	[tilespmem:s29+$0xB3E0] =	vst v12  }
0x1ee: {  	v12 =	vld [tilespmem:s30+$0xAC20];
	v4 =	vadd.s32 v8, v4  }
0x1ef: {  	v42 =	vld [tilespmem:s30+$0x9C40];
	[tilespmem:s29+$0xBB80] =	vst v4;
	v43 =	vadd.s32 v7, v5  }
0x1f0: {  	v44 =	vld [tilespmem:s30+$0xA410];
	[tilespmem:s29+$0xBB90] =	vst v43;
	v45 =	vadd.s32 v6, v9  }
0x1f1: {  	v3 =	vshll.u32 v3, $0x2;
	v46 =	vld [tilespmem:s30+$0x9C50];
	[tilespmem:s29+$0xBBA0] =	vst v45;
	v47 =	vadd.s32 v10, v11  }
0x1f2: {  	v3 =	vor.u32 v1, v3;
	v48 =	vld [tilespmem:s30+$0xA420];
	[tilespmem:s29+$0xBBB0] =	vst v47  }
0x1f3: {  	v4 =	vld [tilespmem:s30+$0x9C60];
	[tilespmem:s29+$0xB3F0] =	vst v3  }
0x1f4: {  	v50 =	vld [tilespmem:s30+$0xA430]  }
0x1f5: {  	v51 =	vld [tilespmem:s30+$0x9C70]  }
0x1f6: {  	v49 =	vshll.u32 v13, $0x2;
	v53 =	vld [tilespmem:s30+$0xABE0]  }
0x1f7: {  	v3 =	vadd.s32 v12, v49;
	v8 =	vshll.u32 v42, $0x2;
	v54 =	vld [tilespmem:s30+$0xABF0]  }
0x1f8: {  	[tilespmem:s30+$0xBBC0] =	vst v3;
	v3 =	vor.u32 v1, v8;
	v52 =	vld [tilespmem:s30+$0x9C80];
	v6 =	vshll.u32 v46, $0x2  }
0x1f9: {  	v55 =	vld [tilespmem:s30+$0xAC00];
	[tilespmem:s30+$0xB3B0] =	vst v3;
	v6 =	vor.u32 v1, v6;
	v4 =	vshll.u32 v4, $0x2  }
0x1fa: {  	v3 =	vld [tilespmem:s30+$0xA440];
	v5 =	vshll.u32 v44, $0x2;
	[tilespmem:s30+$0xB3C0] =	vst v6;
	v4 =	vor.u32 v1, v4  }
0x1fb: {  	v57 =	vld [tilespmem:s30+$0xAC10];
	v7 =	vshll.u32 v48, $0x2;
	v58 =	vadd.s32 v53, v5;
	[tilespmem:s30+$0xB3D0] =	vst v4  }
0x1fc: {  	v56 =	vshll.u32 v51, $0x2;
	v60 =	vadd.s32 v54, v7;
	[tilespmem:s30+$0xBB80] =	vst v58  }
0x1fd: {  	v59 =	vshll.u32 v50, $0x2;
	v4 =	vor.u32 v1, v56;
	[tilespmem:s30+$0xBB90] =	vst v60  }
0x1fe: {  	v62 =	vshll.u32 v52, $0x2;
	v61 =	vadd.s32 v55, v59;
	[tilespmem:s30+$0xB3E0] =	vst v4  }
0x1ff: {  	v3 =	vshll.u32 v3, $0x2;
	v63 =	vor.u32 v1, v62;
	[tilespmem:s30+$0xBBA0] =	vst v61  }
0x200: {  	v3 =	vadd.s32 v57, v3;
	[tilespmem:s30+$0xB3F0] =	vst v63  }
0x201: {  	s0 =	simm.s32 $0xB3B0;
	s4 =	simm.s32 $0xC350;
	[tilespmem:s30+$0xBBB0] =	vst v3  }
0x202: {  	[tilespmem:s4], [sflag:$0x1] =	stream.indirect.gather [hbm4b:s2+s21], $0x10, s0, s21, $0xb8;
	[tilespmem:$0x10F90] =	vst v63  }
0x203: {  	s9 =	simm.s32 $0xC850;
	s4 =	simm.s32 $0xB400  }
0x204: {  	[tilespmem:s9], [sflag:$0x1] =	stream.indirect.gather [hbm4b:s2+s21], $0x10, s4, s21, $0xb8;
	[tilespmem:$0x10F90] =	vst v63  }
0x205: {  	s10 =	simm.s32 $0xB450;
	s11 =	simm.s32 $0xCD50  }
0x206: {  	[tilespmem:s11], [sflag:$0x1] =	stream.indirect.gather [hbm4b:s2+s21], $0x10, s10, s21, $0xb8;
	[tilespmem:$0x10F90] =	vst v63  }
0x207: {  	s13 =	simm.s32 $0xB4A0;
	s14 =	simm.s32 $0xD250  }
0x208: {  	[tilespmem:s14], [sflag:$0x1] =	stream.indirect.gather [hbm4b:s2+s21], $0x10, s13, s21, $0xb8;
	[tilespmem:$0x10F90] =	vst v63  }
0x209: {  	s4 =	simm.s32 $0xB4F0;
	s9 =	simm.s32 $0xD750  }
0x20a: {  	[tilespmem:s9], [sflag:$0x1] =	stream.indirect.gather [hbm4b:s2+s21], $0x10, s4, s21, $0xb8;
	[tilespmem:$0x10F90] =	vst v63  }
0x20b: {  	s10 =	simm.s32 $0xB540;
	s11 =	simm.s32 $0xDC50  }
0x20c: {  	[tilespmem:s11], [sflag:$0x1] =	stream.indirect.gather [hbm4b:s2+s21], $0x10, s10, s21, $0xb8;
	[tilespmem:$0x10F90] =	vst v63  }
0x20d: {  	s13 =	simm.s32 $0xB590;
	s14 =	simm.s32 $0xE150  }
0x20e: {  	[tilespmem:s14], [sflag:$0x1] =	stream.indirect.gather [hbm4b:s2+s21], $0x10, s13, s21, $0xb8;
	[tilespmem:$0x10F90] =	vst v63  }
0x20f: {  	s9 =	simm.s32 $0xB5E0;
	s10 =	simm.s32 $0xE650  }
0x210: {  	[tilespmem:s10], [sflag:$0x1] =	stream.indirect.gather [hbm4b:s2+s21], $0x10, s9, s21, $0xb8;
	[tilespmem:$0x10F90] =	vst v63  }
0x211: {  	s29 =	simm.s32 $0xB630  }
0x212: {  	[tilespmem:s12], [sflag:$0x1] =	stream.indirect.gather [hbm4b:s2+s21], $0x10, s29, s21, $0xb8;
	[tilespmem:$0x10F90] =	vst v63  }
0x213: {  	_ = 	snop  }
0x214: {  	[tilespmem:s15], [sflag:$0x1] =	stream.indirect.gather [hbm4b:s2+s21], $0x10, s5, s21, $0xb8;
	[tilespmem:$0x10F90] =	vst v63  }
0x215: {  	_ = 	snop  }
0x216: {  	[tilespmem:s17], [sflag:$0x1] =	stream.indirect.gather [hbm4b:s2+s21], $0x10, s1, s21, $0xb8;
	[tilespmem:$0x10F90] =	vst v63  }
0x217: {  	s11 =	simm.s32 $0x0;
	s13 =	simm.s32 $0xFFFFFFF2  }
0x218: {  	[tilespmem:s19], [sflag:$0x1] =	stream.indirect.gather [hbm4b:s2+s21], $0x10, s18, s21, $0xb8;
	[tilespmem:$0x10F90] =	vst v63  }
0x219: {  	p0 =	por $0x1, $0x1;
	s0 =	smin.u32 s11, s13  }
0x21a: {  	[tilespmem:s23], [sflag:$0x1] =	stream.indirect.gather [hbm4b:s2+s21], $0x10, s22, s21, $0xb8;
	[tilespmem:$0x10F90] =	vst v63  }
0x21b: {  	s31 =	simm.s32 $0xA550;
	p1 =	por @!p0 $0x0, $0x0;
	s0 =	smul.u32 $0x1400, s0  }
0x21c: {  	[tilespmem:s25], [sflag:$0x1] =	stream.indirect.gather [hbm4b:s2+s21], $0x10, s24, s21, $0xb8;
	[tilespmem:$0x10F90] =	vst v63  }
0x21d: {  	p2 =	por p1, p0;
	s30 =	simm.s32 $0x1;
	_ =	swait.ge [sflag:s20], $0x500  }
0x21e: {  	s14 =	simm.s32 $0xBB80;
	s0 =	sshra.s32 s0, $0x2;
	[sflag:s20] =	ssyncset.done $0x0  }
0x21f: {  	s10 =	simm.s32 @!p0 $0x2;
	s0 =	sadd.s32 $0xC350, s0;
	[sflag:s20] =	ssyncadd.s32 $0xFFFFFB00  }
0x220: {  	[spmem:s3] =	stream.indirect.scatter.add.bf16 [tilespmem:s0], [sflag:$0x2], $0x10, s14, s21, $0xb8;
	[tilespmem:$0x10F90] =	vst v63  }
0x221: {  	s4 =	simm.s32 $0xB680;
	s11 =	simm.s32 @!p2 $0x50;
	_ =	swait.ge @!p0 [sflag:s10], $0x500  }
0x222: {  	s9 =	simm.s32 $0xAA50;
	s0 =	simm.s32 $0xBBD0;
	[sflag:s10] =	ssyncset.done @!p0 $0x0  }
.LBB2_13:
0x223: {  	s13 =	sadd.s32 $0xFFFFFFF2, s30  }
0x224: {  	[sflag:s10] =	ssyncadd.s32 @!p0 $0xFFFFFB00;
	s14 =	smov.u32 s30;
	s30 =	sadd.s32 $0x1, s30  }
0x225: {  	[tilespmem:s31], [sflag:$0x1] =	stream.indirect.gather @!p2 [hbm4b:s2+s11], $0x10, s29, s11, $0xb8;
	[tilespmem:$0x10F90] =	vst v63  }
0x226: {  	s10 =	smin.u32 s14, s13;
	p1 =	sne.s32 s30, $0x19;
	s29 =	smov.u32 s4  }
0x227: {  	s31 =	smov.u32 s9;
	s10 =	smul.u32 $0x1400, s10  }
0x228: {  	_ =	swait.ge [sflag:s20], $0x500  }
0x229: {  	p0 =	slt.u32 s14, $0x6;
	s10 =	sshra.s32 s10, $0x2;
	[sflag:s20] =	ssyncset.done $0x0  }
.Ltmp5:
0x22a: {  	s10 =	sadd.s32 $0xC350, s10;
	[sflag:s20] =	ssyncadd.s32 $0xFFFFFB00;
	(pc) =	sbr.rel @p1 .LBB2_13-.Ltmp5, $4  }
0x22b: {  	[spmem:s3] =	stream.indirect.scatter.add.bf16 [tilespmem:s10], [sflag:$0x2], $0x10, s0, s21, $0xb8;
	[tilespmem:$0x10F90] =	vst v63  }
0x22c: {  	p2 =	sgt.u32 @!p0 s14, $0x10;
	s10 =	simm.s32 @!p0 $0x2;
	s0 =	sadd.s32 $0x50, s0  }
0x22d: {  	s4 =	sadd.s32 $0x50, s4;
	p2 =	por p2, p0;
	_ =	swait.ge @!p0 [sflag:s10], $0x500  }
0x22e: {  	s9 =	sadd.s32 $0x500, s9;
	s11 =	simm.s32 @!p2 $0x50;
	[sflag:s10] =	ssyncset.done @!p0 $0x0  }
0x22f: {  	[sflag:s10] =	ssyncadd.s32 @!p0 $0xFFFFFB00  }
0x230: {  	[tilespmem:s31], [sflag:$0x1] =	stream.indirect.gather @!p2 [hbm4b:s2+s11], $0x10, s29, s11, $0xb8;
	[tilespmem:$0x10F90] =	vst v63  }
0x231: {  	_ =	swait.ge [sflag:s16], $0x500  }
0x232: {  	[sflag:s16] =	ssyncset.done $0x0  }
0x233: {  	[sflag:s16] =	ssyncadd.s32 $0xFFFFFB00  }
0x234: {  	_ =	swait.ge [sflag:s16], $0x500  }
0x235: {  	[sflag:s16] =	ssyncset.done $0x0  }
0x236: {  	[sflag:s16] =	ssyncadd.s32 $0xFFFFFB00  }
0x237: {  	_ =	swait.ge [sflag:s16], $0x500  }
0x238: {  	[sflag:s16] =	ssyncset.done $0x0  }
0x239: {  	[sflag:s16] =	ssyncadd.s32 $0xFFFFFB00  }
0x23a: {  	_ =	swait.ge [sflag:s16], $0x500  }
0x23b: {  	[sflag:s16] =	ssyncset.done $0x0  }
0x23c: {  	s28 =	sadd.s32 $0x1, s28;
	[sflag:s16] =	ssyncadd.s32 $0xFFFFFB00  }
0x23d: {  	p0 =	sne.s32 s28, $0xA;
	_ =	swait.ge [sflag:s16], $0x500  }
.Ltmp6:
0x23e: {  	[sflag:s16] =	ssyncset.done $0x0;
	(pc) =	sbr.rel @p0 .LBB2_10-.Ltmp6, $4  }
0x23f: {  	[sflag:s16] =	ssyncadd.s32 $0xFFFFFB00  }
0x240: {  	_ =	swait.ge [sflag:s16], $0x500  }
0x241: {  	[sflag:s16] =	ssyncset.done $0x0  }
0x242: {  	[sflag:s16] =	ssyncadd.s32 $0xFFFFFB00  }
0x243: {  	[bflag:$0x0] =	sbarrier.arrive $0xFFFF  }
0x244: {  	s4 =	sld [smem:$0x7F9]  }
0x245: {  	s9 =	sld [smem:$0x7FA];
	_ =	sdelay $0x1  }
0x246: {  	s30 =	simm.s32 $0x3;
	s0 =	rddreg [dreg:$0x8]  }
0x247: {  	[hbm:s0], [sflag:s4] =	dma.local [spmem:s9], $0x1388  }
0x248: {  	_ =	swait.ge [sflag:s30], $0x1388  }
0x249: {  	s13 =	rddreg [dreg:$0x5]  }
0x24a: {  	s31 =	rddreg [dreg:$0xa];
	s13 =	sadd.s32 $0x1, s13  }
0x24b: {  	p0 =	sne.s32 s13, s31  }
.Ltmp7:
0x24c: {  	_ = 	snop;
	(pc) =	sbr.rel @p0 .LBB2_1-.Ltmp7, $3  }
0x24d: {  	[sflag:s30] =	ssyncset.done $0x0  }
0x24e: {  	[sflag:s30] =	ssyncadd.s32 $0xFFFFEC78  }
0x24f: {  	[bflag:$0x0] =	sbarrier.arrive $0xFFFF;
	_ =	sdelay $0x1  }
0x250: {  	_ =	sfence.sel $0x180000  }
0x251: {  	[bflag:$0x0] =	sbarrier.arrive $0xFFFF  }
0x252: {  	_ =	strace $0x9000004D  }
0x253: {  	s0 =	stileid.u32;
	[bflag:$0x2] =	sbarrier.arrive $0xFFFF  }
0x254: {  	p0 =	sne.s32 s0, $0x0;
	s0 =	rddreg [dreg:$0x4]  }
0x255: {  	s0 =	sadd.s32 @!p0 $0x100000, s0  }
0x256: {  	[sflag:s0] =	ssyncadd.tile.s32 @!p0 $0x1;
	_ =	shalt  }
.Lfunc_end2:
_tile_overlayer_lowered:
.L_overlay_start_2:
0x257: {  	(tag) =	ssettag $0x2  }
0x258: {  	s0 =	rddreg [dreg:$0x0];
	s2 =	stileid.u32  }
0x259: {  	s1 =	rddreg [dreg:$0x1];
	p0 =	sne.s32 s2, $0x0  }
0x25a: {  	s3 =	rddreg [dreg:$0x2];
	[bflag:$0x3] =	sbarrier.arrive $0xFFFF;
	s2 =	simm.s32 @!p0 $0x1C03  }
0x25b: {  	[timem:s3], [sflag:s2] =	dma.local @!p0 [hbm:s0], s1  }
0x25c: {  	s0 =	simm.s32 @!p0 $0x3  }
0x25d: {  	_ =	swait.ge @!p0 [sflag:s0], s1  }
0x25e: {  	s1 =	ssub.s32 @!p0 $0x0, s1;
	[sflag:s0] =	ssyncset.done @!p0 $0x0  }
0x25f: {  	[sflag:s0] =	ssyncadd.s32 @!p0 s1  }
0x260: {  	[bflag:$0x3] =	sbarrier.arrive $0xFFFF  }
0x261: {  	_ =	shalt  }

// kernel: kernel.7.cloned.1.call-start
scs
__scs_entry_jumppad:
0x0: {  	(pc) =	sbr.rel $0x88, $3  }
0x1: {  	(tag) =	ssettag $0x0;
	lr =	simm.s32 $0x1  }
0x2: {  	[smem:$0x3F98] =	sst lr;
	_ =	strace $0xD0000000  }
0x3: {  	_ = 	snop  }
0x4: {  	_ = 	snop  }
0x5: {  	_ = 	snop  }
0x6: {  	_ = 	snop  }
0x7: {  	_ = 	snop  }
__scs_overlays_trampoline_lowered:
0x8: {  	[smem:$0x3FA7] =	sst s0  }
0x9: {  	[smem:$0x3FA8] =	sst s1  }
0xa: {  	[smem:$0x3FA9] =	sst s2  }
0xb: {  	[smem:$0x3FAA] =	sst s3  }
0xc: {  	[smem:$0x3FAB] =	sst s4  }
0xd: {  	[smem:$0x3FAC] =	sst s5  }
0xe: {  	[smem:$0x3FAD] =	sst s6  }
0xf: {  	[smem:$0x3FAE] =	sst s7  }
0x10: {  	[smem:$0x3FAF] =	sst s8  }
0x11: {  	[smem:$0x3FB0] =	sst s9;
	s0 =	simm.s32 @!p0 $0x0  }
0x12: {  	s1 =	sld [smem:$0x3F96];
	s0 =	simm.s32 @p0 $0x1  }
0x13: {  	[smem:$0x3FB1] =	sst s0;
	s0 =	simm.s32 @!p1 $0x0  }
0x14: {  	s2 =	sld [smem:$0x3F95];
	s0 =	simm.s32 @p1 $0x1  }
0x15: {  	[smem:$0x3FB2] =	sst s0;
	s0 =	simm.s32 @!p2 $0x0  }
0x16: {  	s3 =	sld [smem:$0x3FDB];
	s0 =	simm.s32 @p2 $0x1  }
0x17: {  	s4 =	simm.s32 $0x1BF5;
	[smem:$0x3FB4] =	sst s0  }
0x18: {  	s0 =	sld [smem:$0x3F97];
	_ =	swait.ge [sflag:s4], $0x0  }
0x19: {  	s7 =	sld [smem:$0x3F98]  }
0x1a: {  	s8 =	sadd.s32 $0xFFFFE003, lr  }
0x1b: {  	s9 =	sadd.s32 $0xFFFFFEF7, lr;
	s5 =	simm.s32 $0xFFFFFFFF;
	p2 =	slt.u32 s8, $0xFFFFF086  }
0x1c: {  	p1 =	slt.u32 s9, $0xF7A;
	s5 =	simm.s32 @!p2 $0x0  }
0x1d: {  	s5 =	simm.s32 @p1 $0x1;
	p0 =	seq.s32 s7, s2  }
0x1e: {  	s7 =	smul.u32 @!p0 $0xF7A, s2;
	p2 =	seq.s32 @!p0 s5, $0x0  }
0x1f: {  	s9 =	smul.u32 $0xF7A, s1;
	s8 =	simm.s32 @!p0 $0x1BF5;
	p2 =	por !p2, p0  }
0x20: {  	[sflag:s8] =	ssyncset.s32 @!p0 $0xFFFFF086;
	s6 =	sadd.s32 @!p0 s3, s7;
	s7 =	simm.s32 @!p0 $0x108  }
0x21: {  	s3 =	sadd.s32 s3, s9;
	s6 =	sadd.s32 @!p0 $0x88, s6;
	s7 =	simm.s32 @p2 $0x1082  }
0x22: {  	[simem:s7], [sflag:s8] =	dma.local @!p0 [hbm:s6], $0xF7A  }
0x23: {  	s9 =	sor.u32 $0xD0000000, s2;
	s6 =	simm.s32 $0x108;
	_ =	swait.ge @!p0 [sflag:s8], $0x0  }
0x24: {  	s3 =	sadd.s32 $0x88, s3;
	s6 =	simm.s32 @!p1 $0x1082;
	[sflag:s4] =	ssyncset.s32 $0xFFFFF086  }
0x25: {  	[simem:s6], [sflag:s4] =	dma.local [hbm:s3], $0xF7A  }
0x26: {  	[smem:$0x3F98] =	sst s1;
	(tag) =	ssettag s2;
	_ =	strace s9  }
0x27: {  	s1 =	sld [smem:$0x3FA8]  }
0x28: {  	s2 =	sld [smem:$0x3FA9]  }
0x29: {  	s4 =	sld [smem:$0x3FAB]  }
0x2a: {  	p0 =	seq.s32 s5, $0x0;
	s5 =	sld [smem:$0x3FAC]  }
0x2b: {  	s6 =	sld [smem:$0x3FAD]  }
0x2c: {  	s7 =	sld [smem:$0x3FAE]  }
0x2d: {  	s3 =	simm.s32 $0x108;
	s8 =	sld [smem:$0x3FAF]  }
0x2e: {  	s3 =	simm.s32 @!p0 $0x1082;
	s9 =	sld [smem:$0x3FB0]  }
0x2f: {  	lr =	sadd.s32 s0, s3;
	s0 =	sld [smem:$0x3FA7]  }
0x30: {  	s3 =	sld [smem:$0x3FAA]  }
0x31: {  	[smem:$0x3FB3] =	sst s10  }
0x32: {  	s10 =	sld [smem:$0x3FB1];
	_ =	sdelay $0x3  }
0x33: {  	p0 =	seq.s32 s10, $0x1;
	s10 =	sld [smem:$0x3FB3];
	_ =	sdelay $0x3  }
0x34: {  	[smem:$0x3FB3] =	sst s10  }
0x35: {  	s10 =	sld [smem:$0x3FB2];
	_ =	sdelay $0x3  }
0x36: {  	p1 =	seq.s32 s10, $0x1;
	s10 =	sld [smem:$0x3FB3];
	_ =	sdelay $0x3  }
0x37: {  	[smem:$0x3FB3] =	sst s10  }
0x38: {  	s10 =	sld [smem:$0x3FB4]  }
0x39: {  	_ = 	snop;
	(pc) =	sbr.ind lr, $3  }
0x3a: {  	_ = 	snop  }
0x3b: {  	_ = 	snop  }
0x3c: {  	p2 =	seq.s32 s10, $0x1;
	s10 =	sld [smem:$0x3FB3]  }
0x3d: {  	_ =	shalt  }
0x3e: {  	_ =	shalt  }
0x3f: {  	_ =	shalt  }
0x40: {  	_ =	shalt  }
0x41: {  	_ =	shalt  }
0x42: {  	_ =	shalt  }
0x43: {  	_ =	shalt  }
0x44: {  	_ =	shalt  }
0x45: {  	_ =	shalt  }
0x46: {  	_ =	shalt  }
0x47: {  	_ =	shalt  }
0x48: {  	_ =	shalt  }
0x49: {  	_ =	shalt  }
0x4a: {  	_ =	shalt  }
0x4b: {  	_ =	shalt  }
0x4c: {  	_ =	shalt  }
0x4d: {  	_ =	shalt  }
0x4e: {  	_ =	shalt  }
0x4f: {  	_ =	shalt  }
0x50: {  	_ =	shalt  }
0x51: {  	_ =	shalt  }
0x52: {  	_ =	shalt  }
0x53: {  	_ =	shalt  }
0x54: {  	_ =	shalt  }
0x55: {  	_ =	shalt  }
0x56: {  	_ =	shalt  }
0x57: {  	_ =	shalt  }
0x58: {  	_ =	shalt  }
0x59: {  	_ =	shalt  }
0x5a: {  	_ =	shalt  }
0x5b: {  	_ =	shalt  }
0x5c: {  	_ =	shalt  }
0x5d: {  	_ =	shalt  }
0x5e: {  	_ =	shalt  }
0x5f: {  	_ =	shalt  }
0x60: {  	_ =	shalt  }
0x61: {  	_ =	shalt  }
0x62: {  	_ =	shalt  }
0x63: {  	_ =	shalt  }
0x64: {  	_ =	shalt  }
0x65: {  	_ =	shalt  }
0x66: {  	_ =	shalt  }
0x67: {  	_ =	shalt  }
0x68: {  	_ =	shalt  }
0x69: {  	_ =	shalt  }
0x6a: {  	_ =	shalt  }
0x6b: {  	_ =	shalt  }
0x6c: {  	_ =	shalt  }
0x6d: {  	_ =	shalt  }
0x6e: {  	_ =	shalt  }
0x6f: {  	_ =	shalt  }
0x70: {  	_ =	shalt  }
0x71: {  	_ =	shalt  }
0x72: {  	_ =	shalt  }
0x73: {  	_ =	shalt  }
0x74: {  	_ =	shalt  }
0x75: {  	_ =	shalt  }
0x76: {  	_ =	shalt  }
0x77: {  	_ =	shalt  }
0x78: {  	_ =	shalt  }
0x79: {  	_ =	shalt  }
0x7a: {  	_ =	shalt  }
0x7b: {  	_ =	shalt  }
0x7c: {  	_ =	shalt  }
0x7d: {  	_ =	shalt  }
0x7e: {  	_ =	shalt  }
0x7f: {  	_ =	shalt  }
0x80: {  	_ =	shalt  }
0x81: {  	_ =	shalt  }
0x82: {  	_ =	shalt  }
0x83: {  	_ =	shalt  }
0x84: {  	_ =	shalt  }
0x85: {  	_ =	shalt  }
0x86: {  	_ =	shalt  }
0x87: {  	_ =	shalt  }
.Lfunc_end0:
.L_simem_size_0:
called_computation_lowered:
.L_overlay_start_0:
0x88: {  	s2 =	sld [smem:$0x3FD9]  }
0x89: {  	s3 =	sld [smem:$0x3FFE];
	_ =	sdelay $0x1  }
0x8a: {  	s1 =	srdreg.scid  }
0x8b: {  	s0 =	sand.u32 $0x1, s1  }
0x8c: {  	s17 =	sshll.u32 s0, $0xA;
	s2 =	sadd.s32 s3, s2  }
0x8d: {  	s2 =	sadd.s32 s2, s17  }
0x8e: {  	[smem:$0x3FBF] =	sst s2  }
0x8f: {  	_ = 	snop  }
0x90: {  	s18 =	sld [smem:$0x3FC8]  }
0x91: {  	s4 =	sld [smem:$0x3FD0];
	(tm) =	ssettm $0x1  }
0x92: {  	s19 =	sld [smem:$0x3FFB];
	_ =	sdelay $0x3  }
0x93: {  	_ =	strace s19  }
0x94: {  	s2 =	sld [smem:$0x3FFC];
	_ =	sdelay $0x3  }
0x95: {  	_ =	strace s2  }
0x96: {  	s2 =	sld [smem:$0x3FFD];
	_ =	sdelay $0x3  }
0x97: {  	_ =	strace s2  }
0x98: {  	_ =	strace $0x8FFFFFFF  }
0x99: {  	s20 =	sld [smem:$0x3FDB];
	_ =	sdelay $0x1  }
0x9a: {  	s5 =	simm.s32 $_scs_section_size  }
0x9b: {  	s6 =	simm.s32 $_size__tile_overlayer_lowered;
	s7 =	simm.s32 $_tile_overlayer_lowered  }
0x9c: {  	s8 =	simm.s32 $0x1BFF;
	s21 =	sshll.u32 s7, $0x1;
	s5 =	sadd.s32 s5, s20  }
0x9d: {  	s22 =	simm.s32 $0x0;
	s6 =	sshll.u32 s6, $0x1;
	s7 =	sadd.s32 s21, s5  }
0x9e: {  	[timem:s22], [sflag:s8] =	dma.local [hbm:s7], s6  }
0x9f: {  	_ =	swait.ge [sflag:s8], s6  }
0xa0: {  	s6 =	ssub.s32 $0x0, s6;
	[sflag:s8] =	ssyncset.done $0x0  }
0xa1: {  	[sflag:s8] =	ssyncadd.s32 s6;
	_ =	sdelay $0x1  }
0xa2: {  	s23 =	simm.s32 $0x1B8B  }
0xa3: {  	_ =	swait.ge [sflag:s23], $0x1  }
0xa4: {  	[sflag:s23] =	ssyncset.done $0x0  }
0xa5: {  	[sflag:s23] =	ssyncadd.s32 $0xFFFFFFFF  }
0xa6: {  	s6 =	sld [smem:$0x0]  }
0xa7: {  	s7 =	sand.u32 $0xFFFFFFFE, s1  }
0xa8: {  	p0 =	sne.s32 s1, s7  }
0xa9: {  	s7 =	sshll.u32 @p0 s7, $0xE  }
0xaa: {  	s7 =	sadd.s32 @p0 $0x11B8D, s7;
	s8 =	sshll.u32 @p0 s6, $0x11  }
0xab: {  	s7 =	sor.u32 @p0 s8, s7  }
0xac: {  	[sflag:s7] =	ssyncadd.remote.s32 @p0 $0x1;
	_ =	sdelay $0x1  }
0xad: {  	s7 =	simm.s32 @p0 $0x1B8D  }
0xae: {  	_ =	swait.eq @p0 [sflag:s7], $0x1  }
0xaf: {  	[sflag:s7] =	ssyncadd.s32 @p0 $0xFFFFFFFF  }
0xb0: {  	s8 =	sshll.u32 @!p0 s1, $0xE  }
0xb1: {  	s8 =	sor.u32 @!p0 $0x4000, s8;
	s7 =	simm.s32 @!p0 $0x1B8D  }
0xb2: {  	s6 =	sshll.u32 @!p0 s6, $0x11;
	s8 =	sadd.s32 @!p0 $0x11B8D, s8;
	_ =	swait.eq @!p0 [sflag:s7], $0x1  }
0xb3: {  	s6 =	sor.u32 @!p0 s6, s8;
	[sflag:s7] =	ssyncadd.s32 @!p0 $0xFFFFFFFF  }
0xb4: {  	s25 =	simm.s32 $0x1B8E;
	s24 =	sld [smem:$0x3FFE];
	[sflag:s6] =	ssyncadd.remote.s32 @!p0 $0x1  }
0xb5: {  	s26 =	simm.s32 $execute0_lowered;
	[smem:$0x3FD2] =	sst s25  }
0xb6: {  	s7 =	sshll.u32 s26, $0x1;
	_ =	strace $0x80000049;
	[dreg:$0x1] =	wrdreg $0xFFFFFFFF  }
0xb7: {  	s28 =	simm.s32 $_size_execute0_lowered;
	s5 =	sadd.s32 s5, s7;
	[dreg:$0x0] =	wrdreg $0x0  }
0xb8: {  	s7 =	sshll.u32 s28, $0x1;
	[dreg:$0x2] =	wrdreg s5  }
0xb9: {  	[dreg:$0x3] =	wrdreg s7  }
0xba: {  	[dreg:$0x4] =	wrdreg $0xC0  }
0xbb: {  	_ =	task [dreg:s22], $0x5FFFF  }
0xbc: {  	[dreg:$0x1] =	wrdreg $0xFFFFFFFF  }
0xbd: {  	[dreg:$0x0] =	wrdreg $0x60  }
0xbe: {  	[dreg:$0x2] =	wrdreg s24  }
0xbf: {  	[dreg:$0x3] =	wrdreg s18  }
0xc0: {  	[dreg:$0x4] =	wrdreg s4  }
0xc1: {  	[dreg:$0x5] =	wrdreg $0x0  }
0xc2: {  	[dreg:$0x6] =	wrdreg $0x9  }
0xc3: {  	_ =	task.clear_ibuf [dreg:s22], $0x7FFFF;
	_ =	strace $0x90000049  }
0xc4: {  	s29 =	simm.s32 $0x9;
	_ =	strace $0x8000004B  }
0xc5: {  	_ =	swait.ge [sflag:s29], $0x1  }
0xc6: {  	[sflag:s29] =	ssyncadd.s32 $0xFFFFFFFF  }
0xc7: {  	_ =	strace $0x9000004B  }
0xc8: {  	_ =	sfence  }
0xc9: {  	s30 =	sld [smem:$0x0];
	_ =	sdelay $0x2  }
0xca: {  	s31 =	sshll.u32 s1, $0xD;
	s1 =	sshrl.u32 s1, $0x2  }
0xcb: {  	s4 =	sand.u32 $0x4000, s31;
	s1 =	sadd.s32 s1, s30  }
0xcc: {  	s0 =	sor.u32 s4, s0;
	s1 =	sshll.u32 s1, $0x11  }
0xcd: {  	s0 =	sor.u32 s1, s0  }
0xce: {  	s0 =	sadd.s32 $0x8F2B, s0  }
0xcf: {  	[sflag:s0] =	ssyncadd.remote.s32 $0x1  }
0xd0: {  	_ =	sfence.sel $0xFFFF  }
0xd1: {  	[dreg:$0x0] =	wrdreg $0xFFFFFFFF;
	(pc) =	sbr.abs _section_cstart, $3  }
0xd2: {  	[dreg:$0x1] =	wrdreg $0xFFFFFFFF  }
0xd3: {  	_ =	task.clear_ibuf [dreg:s22], $0x2FFFF;
	_ =	strace $0x9FFFFFFF  }
0xd4: {  	(tm) =	ssettm $0x7FFFFFFF  }
0xd5: {  	_ =	shalt  }
tec
execute0_lowered:
.L_overlay_start_1:
0x0: {  	(tag) =	ssettag $0x1  }
0x1: {  	s5 =	rddreg [dreg:$0x0]  }
0x2: {  	s1 =	rddreg [dreg:$0x1]  }
0x3: {  	s7 =	rddreg [dreg:$0x2]  }
0x4: {  	s2 =	rddreg [dreg:$0x3]  }
0x5: {  	s0 =	rddreg [dreg:$0x4]  }
0x6: {  	s4 =	simm.s32 $0x0;
	s3 =	srdreg.scid;
	s13 =	simm.s32 $0xA410  }
0x7: {  	s14 =	simm.s32 $0x50;
	[smem:$0x7FF] =	sst s4;
	s6 =	sand.u32 $0x1, s3  }
0x8: {  	s15 =	simm.s32 $0xB3B0;
	s3 =	stileid.u32;
	s8 =	smul.u32 $0x9C400, s6  }
0x9: {  	s5 =	sadd.s32 $0x14E00, s5;
	_ =	strace $0x8000004A;
	s10 =	smul.u32 $0x9C40, s3  }
0xa: {  	s9 =	ssub.s32 $0x2, s6;
	s6 =	sshll.u32 s6, $0x4;
	s12 =	smul.u32 $0x27100, s3  }
0xb: {  	s11 =	sshrl.u32 s9, $0x1;
	s6 =	sor.u32 s3, s6;
	s8 =	sadd.s32 s10, s8  }
0xc: {  	s9 =	ssub.s32 s9, s11;
	s6 =	smul.u32 $0x2710, s6;
	s16 =	sadd.s32 s10, s2  }
0xd: {  	s31 =	sshrl.u32 s12, $0x2;
	s10 =	simm.s32 $0xB8B0;
	s11 =	simm.s32 $0x1  }
0xe: {  	s12 =	simm.s32 $0x9C40;
	s8 =	sshrl.u32 s8, $0x3;
	s16 =	sshrl.u32 s16, $0x3  }
0xf: {  	v0 =	vimm.f32 $0.0e+00;
	v1 =	vimm.f32 $1.000000000e+00;
	s7 =	sadd.s32 s7, s8;
	s8 =	smax.u32 s9, $0x1;
	s9 =	sadd.s32 s31, s2  }
.LBB2_1:
0x10: {  	s17 =	simm.s32 $0x40;
	s18 =	simm.s32 $0x0  }
.LBB2_2:
0x11: {  	p0 =	sne.s32 s17, $0x18C0;
	[tilespmem:s18+$0xB8B0] =	vst v0;
	s18 =	smov.u32 s17;
	s17 =	sadd.s32 $0x40, s17  }
.Ltmp0:
0x12: {  	(pc) =	sbr.rel @p0 .LBB2_2-.Ltmp0, $2  }
0x13: {  	_ =	sdelay $0x2  }
0x14: {  	s18 =	sshra.s32 s18, $0x2  }
0x15: {  	[tilespmem:s18+$0xB8B0] =	vst v0;
	s17 =	simm.s32 $0x40;
	s18 =	simm.s32 $0x0  }
.LBB2_4:
0x16: {  	p0 =	sne.s32 s17, $0x13C0;
	[tilespmem:s18+$0xB3B0] =	vst v1;
	s18 =	smov.u32 s17;
	s17 =	sadd.s32 $0x40, s17  }
.Ltmp1:
0x17: {  	(pc) =	sbr.rel @p0 .LBB2_4-.Ltmp1, $2  }
0x18: {  	_ =	sdelay $0x2  }
0x19: {  	s18 =	sshra.s32 s18, $0x2  }
0x1a: {  	[tilespmem:s18+$0xB3B0] =	vst v1;
	s17 =	sadd.s32 $0x0, s9  }
0x1b: {  	[spmem:s17] =	stream.linear.scatter [tilespmem:s10], [sflag:$0x1], $0x640, $0x38;
	[tilespmem:$0xBEF0] =	vst v63  }
0x1c: {  	s17 =	simm.s32 $0x1900;
	_ =	swait.ge [sflag:s11], $0x640  }
.LBB2_6:
0x1d: {  	s18 =	sshra.s32 s17, $0x2;
	[sflag:s11] =	ssyncset.done $0x0;
	p0 =	sne.s32 s17, $0x25800  }
.Ltmp2:
0x1e: {  	s18 =	sadd.s32 s18, s9;
	[sflag:s11] =	ssyncadd.s32 $0xFFFFF9C0;
	(pc) =	sbr.rel @p0 .LBB2_6-.Ltmp2, $3  }
0x1f: {  	[spmem:s18] =	stream.linear.scatter [tilespmem:s10], [sflag:$0x1], $0x640, $0x38;
	[tilespmem:$0xBEF0] =	vst v63  }
0x20: {  	s17 =	sadd.s32 $0x1900, s17;
	_ =	sdelay $0x1  }
0x21: {  	_ =	swait.ge [sflag:s11], $0x640  }
0x22: {  	[sflag:s11] =	ssyncset.done $0x0  }
0x23: {  	[sflag:s11] =	ssyncadd.s32 $0xFFFFF9C0  }
0x24: {  	s17 =	simm.s32 $0x0;
	s18 =	simm.s32 $0x0;
	[bflag:$0x0] =	sbarrier.arrive $0xFFFF  }
.LBB2_8:
0x25: {  	s19 =	smul.u32 $0x7D0, s18;
	_ =	sdelay $0x1  }
0x26: {  	s19 =	sadd.s32 s6, s19  }
0x27: {  	s19 =	sshrl.u32 s19, $0x3  }
0x28: {  	s20 =	sadd.s32 s5, s19  }
0x29: {  	[tilespmem:s12], [sflag:$0x1] =	stream.linear.gather [hbm4b:s20+s17], $0x7D0, $0x38;
	[tilespmem:$0xBEF0] =	vst v63  }
0x2a: {  	_ =	swait.ge [sflag:s11], $0x7D0  }
0x2b: {  	[sflag:s11] =	ssyncset.done $0x0  }
0x2c: {  	s19 =	sadd.s32 s1, s19;
	[sflag:s11] =	ssyncadd.s32 $0xFFFFF830  }
0x2d: {  	[tilespmem:s13], [sflag:$0x1] =	stream.linear.gather [hbm4b:s19+s17], $0x7D0, $0x38;
	[tilespmem:$0xBEF0] =	vst v63  }
0x2e: {  	_ =	swait.ge [sflag:s11], $0x7D0  }
0x2f: {  	[sflag:s11] =	ssyncset.done $0x0  }
0x30: {  	s19 =	simm.s32 $0x0;
	[sflag:s11] =	ssyncadd.s32 $0xFFFFF830  }
0x31: {  	v3 =	vld [tilespmem:s19+$0x9C80]  }
0x32: {  	v4 =	vld [tilespmem:s19+$0xA450]  }
0x33: {  	v6 =	vld [tilespmem:s19+$0x9C40]  }
0x34: {  	v7 =	vld [tilespmem:s19+$0x9C50]  }
0x35: {  	v8 =	vld [tilespmem:s19+$0x9C60]  }
0x36: {  	v2 =	vld [tilespmem:s19+$0x9C70]  }
0x37: {  	v5 =	vld [tilespmem:s19+$0xA410];
	v3 =	vshll.u32 v3, $0x2  }
0x38: {  	v3 =	vadd.s32 v4, v3;
	v4 =	vld [tilespmem:s19+$0xA420]  }
0x39: {  	[tilespmem:s19+$0xAC20] =	vst v3;
	v3 =	vld [tilespmem:s19+$0xA430]  }
0x3a: {  	s21 =	simm.s32 $0x280;
	s20 =	simm.s32 $0x50;
	v9 =	vshll.u32 v6, $0x2;
	v7 =	vshll.u32 v7, $0x2;
	v8 =	vshll.u32 v8, $0x2;
	v6 =	vld [tilespmem:s19+$0xA440]  }
.LBB2_9:
0x3b: {  	p0 =	sne.s32 s21, $0x1E00;
	v10 =	vld [tilespmem:s20+$0x9C80];
	v2 =	vshll.u32 v2, $0x2  }
0x3c: {  	v11 =	vld [tilespmem:s20+$0xA450];
	v5 =	vadd.s32 v5, v9  }
0x3d: {  	v9 =	vld [tilespmem:s20+$0x9C40];
	[tilespmem:s19+$0xABE0] =	vst v5;
	v4 =	vadd.s32 v4, v7  }
0x3e: {  	v7 =	vld [tilespmem:s20+$0x9C50];
	[tilespmem:s19+$0xABF0] =	vst v4;
	v3 =	vadd.s32 v3, v8  }
0x3f: {  	v8 =	vld [tilespmem:s20+$0x9C60];
	[tilespmem:s19+$0xAC00] =	vst v3;
	v3 =	vadd.s32 v6, v2  }
.Ltmp3:
0x40: {  	v2 =	vld [tilespmem:s20+$0x9C70];
	v4 =	vshll.u32 v10, $0x2;
	[tilespmem:s19+$0xAC10] =	vst v3;
	s19 =	smov.u32 s20;
	(pc) =	sbr.rel @p0 .LBB2_9-.Ltmp3, $4  }
0x41: {  	v5 =	vld [tilespmem:s19+$0xA410];
	v3 =	vadd.s32 v11, v4  }
0x42: {  	v9 =	vshll.u32 v9, $0x2;
	v4 =	vld [tilespmem:s19+$0xA420];
	[tilespmem:s19+$0xAC20] =	vst v3  }
0x43: {  	v7 =	vshll.u32 v7, $0x2;
	v3 =	vld [tilespmem:s19+$0xA430]  }
0x44: {  	s20 =	sshra.s32 s21, $0x2;
	s21 =	sadd.s32 $0x140, s21;
	v8 =	vshll.u32 v8, $0x2;
	v6 =	vld [tilespmem:s19+$0xA440]  }
0x45: {  	v10 =	vld [tilespmem:s20+$0x9C80]  }
0x46: {  	v11 =	vld [tilespmem:s20+$0xA450];
	v5 =	vadd.s32 v5, v9  }
0x47: {  	v60 =	vld [tilespmem:s20+$0x9C40];
	[tilespmem:s19+$0xABE0] =	vst v5;
	v4 =	vadd.s32 v4, v7  }
0x48: {  	v2 =	vshll.u32 v2, $0x2;
	v5 =	vld [tilespmem:s20+$0x9C50];
	[tilespmem:s19+$0xABF0] =	vst v4;
	v3 =	vadd.s32 v3, v8  }
0x49: {  	v4 =	vld [tilespmem:s20+$0x9C60];
	[tilespmem:s19+$0xAC00] =	vst v3;
	v2 =	vadd.s32 v6, v2  }
0x4a: {  	v3 =	vld [tilespmem:s20+$0x9C70];
	[tilespmem:s19+$0xAC10] =	vst v2  }
0x4b: {  	v2 =	vshll.u32 v10, $0x2;
	v61 =	vld [tilespmem:s20+$0xA410]  }
0x4c: {  	v2 =	vadd.s32 v11, v2;
	v62 =	vld [tilespmem:s20+$0xA420]  }
0x4d: {  	[tilespmem:s20+$0xAC20] =	vst v2;
	v2 =	vld [tilespmem:s20+$0xA430]  }
0x4e: {  	v63 =	vld [tilespmem:s20+$0xA440]  }
0x4f: {  	v9 =	vshll.u32 v60, $0x2  }
0x50: {  	v5 =	vshll.u32 v5, $0x2;
	v6 =	vadd.s32 v61, v9  }
0x51: {  	v4 =	vshll.u32 v4, $0x2;
	v5 =	vadd.s32 v62, v5;
	[tilespmem:s20+$0xABE0] =	vst v6  }
0x52: {  	v3 =	vshll.u32 v3, $0x2;
	[tilespmem:s20+$0xABF0] =	vst v5;
	v2 =	vadd.s32 v2, v4  }
0x53: {  	[tilespmem:s20+$0xAC00] =	vst v2;
	v2 =	vadd.s32 v63, v3  }
0x54: {  	s31 =	simm.s32 $0xABE0;
	[tilespmem:s20+$0xAC10] =	vst v2  }
0x55: {  	[spmem:s2] =	stream.indirect.scatter.add.f32 [tilespmem:s15], [sflag:$0x1], $0x10, s31, s14, $0xb8;
	[tilespmem:$0xBEF0] =	vst v63  }
0x56: {  	s19 =	simm.s32 $0x140;
	_ =	swait.ge [sflag:s11], $0x500  }
.LBB2_11:
0x57: {  	s20 =	sshra.s32 s19, $0x2;
	[sflag:s11] =	ssyncset.done $0x0;
	p0 =	sne.s32 s19, $0x1E00  }
.Ltmp4:
0x58: {  	s20 =	sadd.s32 $0xABE0, s20;
	[sflag:s11] =	ssyncadd.s32 $0xFFFFFB00;
	(pc) =	sbr.rel @p0 .LBB2_11-.Ltmp4, $3  }
0x59: {  	[spmem:s2] =	stream.indirect.scatter.add.f32 [tilespmem:s15], [sflag:$0x1], $0x10, s20, s14, $0xb8;
	[tilespmem:$0xBEF0] =	vst v63  }
0x5a: {  	s19 =	sadd.s32 $0x140, s19;
	_ =	sdelay $0x1  }
0x5b: {  	_ =	swait.ge [sflag:s11], $0x500  }
0x5c: {  	s18 =	sadd.s32 $0x1, s18  }
0x5d: {  	p0 =	sne.s32 s18, $0x5  }
.Ltmp5:
0x5e: {  	_ = 	snop;
	(pc) =	sbr.rel @p0 .LBB2_8-.Ltmp5, $3  }
0x5f: {  	_ =	sdelay $0x1  }
0x60: {  	[sflag:s11] =	ssyncset.done $0x0  }
0x61: {  	[sflag:s11] =	ssyncadd.s32 $0xFFFFFB00  }
0x62: {  	s4 =	sadd.s32 $0x1, s4  }
0x63: {  	s17 =	sshll.u32 s3, $0x6;
	p0 =	sne.s32 s4, s8  }
.Ltmp6:
0x64: {  	[bflag:$0x0] =	sbarrier.arrive $0xFFFF;
	s17 =	sor.u32 $0x1C01, s17;
	(pc) =	sbr.rel @p0 .LBB2_1-.Ltmp6, $4  }
0x65: {  	[hbm:s7], [sflag:s17] =	dma.local [spmem:s16], $0x1388  }
0x66: {  	_ =	swait.ge [sflag:s11], $0x1388  }
0x67: {  	[sflag:s11] =	ssyncset.done $0x0  }
0x68: {  	[sflag:s11] =	ssyncadd.s32 $0xFFFFEC78  }
0x69: {  	_ =	sfence.sel $0x180000  }
0x6a: {  	[bflag:$0x0] =	sbarrier.arrive $0xFFFF  }
0x6b: {  	p0 =	sne.s32 s3, $0x0;
	_ =	strace $0x9000004A  }
0x6c: {  	s0 =	sadd.s32 @!p0 $0x100000, s0;
	[bflag:$0x2] =	sbarrier.arrive $0xFFFF  }
0x6d: {  	[sflag:s0] =	ssyncadd.tile.s32 @!p0 $0x1;
	_ =	shalt  }
.Lfunc_end2:
_tile_overlayer_lowered:
.L_overlay_start_2:
0x6e: {  	(tag) =	ssettag $0x2  }
0x6f: {  	s0 =	rddreg [dreg:$0x0];
	s2 =	stileid.u32  }
0x70: {  	s1 =	rddreg [dreg:$0x1];
	p0 =	sne.s32 s2, $0x0  }
0x71: {  	s3 =	rddreg [dreg:$0x2];
	[bflag:$0x3] =	sbarrier.arrive $0xFFFF;
	s2 =	simm.s32 @!p0 $0x1C01  }
0x72: {  	[timem:s3], [sflag:s2] =	dma.local @!p0 [hbm:s0], s1  }
0x73: {  	s0 =	simm.s32 @!p0 $0x1  }
0x74: {  	_ =	swait.ge @!p0 [sflag:s0], s1  }
0x75: {  	s1 =	ssub.s32 @!p0 $0x0, s1;
	[sflag:s0] =	ssyncset.done @!p0 $0x0  }
0x76: {  	[sflag:s0] =	ssyncadd.s32 @!p0 s1  }
0x77: {  	[bflag:$0x3] =	sbarrier.arrive $0xFFFF  }
0x78: {  	_ =	shalt  }

</sc_bundles>
